<compile_context>
chip_gen: v7x
topology: tpu7x:2x2x1
jax: 0.10.2.dev20260603
libtpu: 0.0.44.dev20260713+nightly
codegen_flags: <defaults>
</compile_context>

<pallas_src>
import functools

import jax
import jax.numpy as jnp
from jax import lax
from jax.experimental import pallas as pl
from jax.experimental.pallas import tpu as pltpu
from jax.experimental.pallas import tpu_sc as plsc

N = 10000
E = 320000
DF = 128
DE = 16
OUT = 128
DELTA = 3.0

NC = 2
NS = 16
NW = NC * NS
L = 16

NPT = 313
JUNK = NPT
ACC_ROWS = NPT + 1
CNT_W = 320
CHUNK = 1600
NEG_INF = -3.4028235e38



def _mm_bias_body(x_ref, w_ref, b_ref, o_ref):
    o_ref[...] = (
        jnp.dot(x_ref[...], w_ref[...], preferred_element_type=jnp.float32)
        + b_ref[...]
    )


def _tc_project_nodes(X, W, b):
    return pl.pallas_call(
        _mm_bias_body,
        out_shape=jax.ShapeDtypeStruct((N, DF), jnp.float32),
    )(X, W, b.reshape(1, DF))


def _mm_body(x_ref, w_ref, o_ref):
    o_ref[...] = jnp.dot(x_ref[...], w_ref[...],
                         preferred_element_type=jnp.float32)


def _tc_project_edges(X_edge, W_edge):
    blk = 8000
    return pl.pallas_call(
        _mm_body,
        grid=(E // blk,),
        in_specs=[
            pl.BlockSpec((blk, DE), lambda i: (i, 0)),
            pl.BlockSpec((DE, DF), lambda i: (0, 0)),
        ],
        out_specs=pl.BlockSpec((blk, DF), lambda i: (i, 0)),
        out_shape=jax.ShapeDtypeStruct((E, DF), jnp.float32),
    )(X_edge, W_edge)


def _finalize_body(s_a, m_a, q_a, c_a, s_e, m_e, q_e, amp_ref,
                   wid_ref, wamp_ref, b_ref, o_ref):
    cnt = c_a[...]
    cntc = jnp.maximum(cnt, 1.0)
    inv = 1.0 / cntc
    has = cnt > 0.0

    sa = s_a[...]
    mean_a = sa * inv
    mx_a = jnp.where(has, m_a[...], 0.0)
    var_a = jnp.maximum(q_a[...] * inv - mean_a * mean_a, 0.0)
    std_a = jnp.sqrt(var_a + 1e-20)

    se = s_e[...]
    mean_e = se * inv
    mx_e = jnp.where(has, m_e[...], 0.0)
    var_e = jnp.maximum(q_e[...] * inv - mean_e * mean_e, 0.0)
    std_e = jnp.sqrt(var_e + 1e-20)

    hcat = jnp.concatenate(
        [mean_a, mx_a, sa, std_a, mean_e, mx_e, se, std_e], axis=1)
    amp = amp_ref[...]
    o_ref[...] = (
        jnp.dot(hcat, wid_ref[...], preferred_element_type=jnp.float32)
        + amp * jnp.dot(hcat, wamp_ref[...],
                        preferred_element_type=jnp.float32)
        + b_ref[...]
    )


def _tc_finalize(s_a, m_a, q_a, cnt, s_e, m_e, q_e, amp, Wid, Wamp, b_U):
    blk = 1000
    g = N // blk
    node_spec = pl.BlockSpec((blk, DF), lambda i: (i, 0))
    col_spec = pl.BlockSpec((blk, 1), lambda i: (i, 0))
    return pl.pallas_call(
        _finalize_body,
        grid=(g,),
        in_specs=[
            node_spec, node_spec, node_spec, col_spec,
            node_spec, node_spec, node_spec, col_spec,
            pl.BlockSpec((4 * 2 * DF, OUT), lambda i: (0, 0)),
            pl.BlockSpec((4 * 2 * DF, OUT), lambda i: (0, 0)),
            pl.BlockSpec((1, OUT), lambda i: (0, 0)),
        ],
        out_specs=pl.BlockSpec((blk, OUT), lambda i: (i, 0)),
        out_shape=jax.ShapeDtypeStruct((N, OUT), jnp.float32),
    )(s_a, m_a, q_a, cnt, s_e, m_e, q_e, amp, Wid, Wamp, b_U.reshape(1, OUT))



def _acc_init(acc_s, acc_m, acc_q):
    def body(i, _):
        off = pl.ds(i * L, L)
        acc_s[off] = jnp.zeros((L,), jnp.float32)
        acc_m[off] = jnp.full((L,), NEG_INF, jnp.float32)
        acc_q[off] = jnp.zeros((L,), jnp.float32)
        return 0
    lax.fori_loop(0, ACC_ROWS * DF // L, body, 0)


BATCH = 16


def _process_batch(buf, b, loff, acc_s, acc_m, acc_q):
    for h in range(BATCH // L):
        offv = loff[pl.ds(b * BATCH + h * L, L)]
        for j in range(L):
            base = offv[j] * DF

            def fbody(fb, _):
                f = fb * L
                r = buf[h * L + j, pl.ds(f, L)]
                o = pl.ds(base + f, L)
                acc_s[o] = acc_s[o] + r
                acc_m[o] = jnp.maximum(acc_m[o], r)
                acc_q[o] = acc_q[o] + r * r
                return 0
            lax.fori_loop(0, DF // L, fbody, 0)


def _filter_chunk(dbuf, val_fn, lidx, loff, lo, acc_c, ones):
    def group(g, kv):
        dv = dbuf[pl.ds(g * L, L)]
        vv = val_fn(g)
        offv = dv - lo
        m = (offv >= 0) & (offv < NPT)
        pos = kv - 1 + plsc.cumsum(m.astype(jnp.int32))
        plsc.store_scatter(lidx, [pos], vv, mask=m)
        plsc.store_scatter(loff, [pos], offv, mask=m)
        if acc_c is not None:
            plsc.addupdate_scatter(acc_c, [offv], ones, mask=m)
        return pos[L - 1] + 1

    k = lax.fori_loop(0, CHUNK // L, group, jnp.int32(0))
    pad_i = jnp.full((L,), -1, jnp.int32)
    pad_o = jnp.full((L,), JUNK, jnp.int32)
    lidx[pl.ds(k, L)] = pad_i
    lidx[pl.ds(k + L, L)] = pad_i
    loff[pl.ds(k, L)] = pad_o
    loff[pl.ds(k + L, L)] = pad_o
    return k


def _accumulate_db(k, lidx, loff, rows0, sem0, table,
                   acc_s, acc_m, acc_q):
    nb = (k + BATCH - 1) // BATCH

    def batch(b, _):
        idx = plsc.Indices(lidx.at[pl.ds(b * BATCH, BATCH)],
                           ignored_value=-1)
        cp = pltpu.make_async_copy(table.at[idx], rows0, sem0)
        cp.start()
        cp.wait()
        _process_batch(rows0, b, loff, acc_s, acc_m, acc_q)
        return 0
    lax.fori_loop(0, nb, batch, 0)


def _write_out(wid, acc_s, acc_m, acc_q, out_s, out_m, out_q):
    span = NPT * DF
    pltpu.sync_copy(acc_s.at[pl.ds(0, span)], out_s.at[pl.ds(wid * span, span)])
    pltpu.sync_copy(acc_m.at[pl.ds(0, span)], out_m.at[pl.ds(wid * span, span)])
    pltpu.sync_copy(acc_q.at[pl.ds(0, span)], out_q.at[pl.ds(wid * span, span)])


NCH = E // CHUNK


def _sc_node_pass(Xs, src, dst):
    mesh = plsc.VectorSubcoreMesh(
        core_axis_name="c", subcore_axis_name="s",
        num_cores=NC, num_subcores=NS)

    flat = jax.ShapeDtypeStruct((NW * NPT * DF,), jnp.float32)

    @functools.partial(
        pl.kernel,
        out_type=[flat, flat, flat,
                  jax.ShapeDtypeStruct((NW * CNT_W,), jnp.float32)],
        mesh=mesh,
        compiler_params=pltpu.CompilerParams(needs_layout_passes=False),
        scratch_types=[
            pltpu.VMEM((ACC_ROWS * DF,), jnp.float32),
            pltpu.VMEM((ACC_ROWS * DF,), jnp.float32),
            pltpu.VMEM((ACC_ROWS * DF,), jnp.float32),
            pltpu.VMEM((CNT_W,), jnp.float32),
            pltpu.VMEM((CHUNK,), jnp.int32),
            pltpu.VMEM((CHUNK,), jnp.int32),
            pltpu.VMEM((CHUNK + 2 * L,), jnp.int32),
            pltpu.VMEM((CHUNK + 2 * L,), jnp.int32),
            pltpu.VMEM((BATCH, DF), jnp.float32),
            pltpu.SemaphoreType.DMA,
        ],
    )
    def kern(xs_hbm, src_hbm, dst_hbm, out_s, out_m, out_q, out_c,
             acc_s, acc_m, acc_q, acc_c, dbuf, sbuf,
             lidx, loff, rows0, sem0):
        cid = lax.axis_index("c")
        sid = lax.axis_index("s")
        wid = cid * NS + sid
        lo = wid * NPT

        _acc_init(acc_s, acc_m, acc_q)
        def cbody(i, _):
            acc_c[pl.ds(i * L, L)] = jnp.zeros((L,), jnp.float32)
            return 0
        lax.fori_loop(0, CNT_W // L, cbody, 0)

        ones = jnp.ones((L,), jnp.float32)

        def chunk(c, _):
            base_e = c * CHUNK
            pltpu.sync_copy(dst_hbm.at[pl.ds(base_e, CHUNK)], dbuf)
            pltpu.sync_copy(src_hbm.at[pl.ds(base_e, CHUNK)], sbuf)

            def val_fn(g):
                return sbuf[pl.ds(g * L, L)]
            k = _filter_chunk(dbuf, val_fn, lidx, loff, lo, acc_c, ones)
            _accumulate_db(k, lidx, loff, rows0, sem0, xs_hbm,
                           acc_s, acc_m, acc_q)
            return 0
        lax.fori_loop(0, NCH, chunk, 0)

        _write_out(wid, acc_s, acc_m, acc_q, out_s, out_m, out_q)
        pltpu.sync_copy(acc_c, out_c.at[pl.ds(wid * CNT_W, CNT_W)])

    return kern(Xs, src, dst)


def _sc_edge_pass(Xe, dst):
    mesh = plsc.VectorSubcoreMesh(
        core_axis_name="c", subcore_axis_name="s",
        num_cores=NC, num_subcores=NS)

    flat = jax.ShapeDtypeStruct((NW * NPT * DF,), jnp.float32)

    @functools.partial(
        pl.kernel,
        out_type=[flat, flat, flat],
        mesh=mesh,
        compiler_params=pltpu.CompilerParams(needs_layout_passes=False),
        scratch_types=[
            pltpu.VMEM((ACC_ROWS * DF,), jnp.float32),
            pltpu.VMEM((ACC_ROWS * DF,), jnp.float32),
            pltpu.VMEM((ACC_ROWS * DF,), jnp.float32),
            pltpu.VMEM((CHUNK,), jnp.int32),
            pltpu.VMEM((CHUNK + 2 * L,), jnp.int32),
            pltpu.VMEM((CHUNK + 2 * L,), jnp.int32),
            pltpu.VMEM((BATCH, DF), jnp.float32),
            pltpu.SemaphoreType.DMA,
        ],
    )
    def kern(xe_hbm, dst_hbm, out_s, out_m, out_q,
             acc_s, acc_m, acc_q, dbuf, lidx, loff, rows0, sem0):
        cid = lax.axis_index("c")
        sid = lax.axis_index("s")
        wid = cid * NS + sid
        lo = wid * NPT

        _acc_init(acc_s, acc_m, acc_q)
        iota = lax.iota(jnp.int32, L)

        def chunk(c, _):
            base_e = c * CHUNK
            pltpu.sync_copy(dst_hbm.at[pl.ds(base_e, CHUNK)], dbuf)

            def val_fn(g):
                return base_e + g * L + iota
            k = _filter_chunk(dbuf, val_fn, lidx, loff, lo, None, None)
            _accumulate_db(k, lidx, loff, rows0, sem0, xe_hbm,
                           acc_s, acc_m, acc_q)
            return 0
        lax.fori_loop(0, NCH, chunk, 0)

        _write_out(wid, acc_s, acc_m, acc_q, out_s, out_m, out_q)

    return kern(Xe, dst)



def kernel(X, edge_index, X_edge, D, W_self, b_self, W_edge, W_U, b_U):
    src = edge_index[0]
    dst = edge_index[1]

    Xs = _tc_project_nodes(X, W_self, b_self)
    Xe = _tc_project_edges(X_edge, W_edge)

    s_a, m_a, q_a, cnt = _sc_node_pass(Xs, src, dst)
    s_e, m_e, q_e = _sc_edge_pass(Xe, dst)

    def rows(v):
        return v.reshape(NW * NPT, DF)[:N]

    cnt_n = cnt.reshape(NW, CNT_W)[:, :NPT].reshape(NW * NPT)[:N, None]
    amp = jnp.log(D.astype(jnp.float32) + 1.0) / DELTA

    H = 4 * DF
    Wid = jnp.concatenate([W_U[0:H], W_U[2 * H:3 * H]], axis=0)
    Wamp = jnp.concatenate([W_U[H:2 * H], W_U[3 * H:4 * H]], axis=0)

    return _tc_finalize(rows(s_a), rows(m_a), rows(q_a), cnt_n,
                        rows(s_e), rows(m_e), rows(q_e), amp,
                        Wid, Wamp, b_U)

# --- scband reference (transcript-rebuilt; emitter-appended) ---
"""Pipeline reference for scband-pnaconv-tower-81372450390252 (READ-ONLY COPY).

The authoritative reference and input builder live on the scoring server;
editing this copy changes nothing except your own understanding.
"""

import jax, jax.numpy as jnp
import numpy as np

N = 10000
E = 320000
D_FEAT = 128
D_EDGE = 16
OUT = 128
DELTA = 3.0


def setup_inputs(seed: int = 0):
    key = jax.random.key(seed)
    ks = jax.random.split(key, 8)
    X = jax.random.normal(ks[0], (N, D_FEAT), dtype=jnp.float32)
    edge_index = jax.random.randint(ks[1], (2, E), 0, N)
    X_edge = jax.random.normal(ks[2], (E, D_EDGE), dtype=jnp.float32)
    D = jax.random.randint(ks[3], (N, 1), 0, 64)
    W_self = jax.random.normal(ks[4], (D_FEAT, D_FEAT), dtype=jnp.float32) * 0.05
    b_self = jnp.zeros((D_FEAT,), dtype=jnp.float32)
    W_edge = jax.random.normal(ks[5], (D_EDGE, D_FEAT), dtype=jnp.float32) * 0.05
    W_U = jax.random.normal(ks[6], (4 * 2 * D_FEAT * 2, OUT), dtype=jnp.float32) * 0.05
    b_U = jnp.zeros((OUT,), dtype=jnp.float32)
    return {"X": X, "edge_index": edge_index, "X_edge": X_edge, "D": D,
            "W_self": W_self, "b_self": b_self, "W_edge": W_edge,
            "W_U": W_U, "b_U": b_U}


def _aggregate(msg, dst, n_nodes):
    # aggregators in order: mean, max, sum, std
    ones = jnp.ones((msg.shape[0], 1), dtype=msg.dtype)
    cnt = jax.ops.segment_sum(ones, dst, num_segments=n_nodes)
    s = jax.ops.segment_sum(msg, dst, num_segments=n_nodes)
    mean = s / jnp.maximum(cnt, 1.0)
    mx = jax.ops.segment_max(msg, dst, num_segments=n_nodes)
    mx = jnp.where(cnt > 0, mx, 0.0)
    mean_sq = jax.ops.segment_sum(msg * msg, dst, num_segments=n_nodes) / jnp.maximum(cnt, 1.0)
    var = jax.nn.relu(mean_sq - mean * mean)
    std = jnp.sqrt(var + 1e-20)
    return jnp.concatenate([mean, mx, s, std], axis=1)


def reference(X, edge_index, X_edge, D, W_self, b_self, W_edge, W_U, b_U):
    src = edge_index[0]
    dst = edge_index[1]
    # fc_self
    Xs = X @ W_self + b_self
    # node-message aggregation: copy_u -> reduce at dst
    msg = Xs[src]
    h = _aggregate(msg, dst, N)  # [N, 4*D_FEAT]
    # scalers: identity, amplification
    amp = jnp.log(D.astype(jnp.float32) + 1.0) / DELTA  # [N,1]
    h_list = [h, h * amp]
    # edge features: fc_edge (no bias), copy_e -> reduce at dst
    Xe = X_edge @ W_edge
    he = _aggregate(Xe, dst, N)
    he_list = [he, he * amp]
    hh = jnp.concatenate(h_list + he_list, axis=1)  # [N, 4*2*D_FEAT*2]
    out = hh @ W_U + b_U
    # dropout p=0.0 -> identity
    return out

if __name__ == "__main__":
    import jax
    _d = setup_inputs()
    print(jax.jit(kernel)(*tuple(_d.values())))

</pallas_src>

<mosaic_0001>
#map = affine_map<(d0, d1) -> (0, 0)>
#map1 = affine_map<(d0, d1) -> (0)>
module attributes {stable_mosaic.version = 14 : i64} {
  func.func @kern(%arg0: i32, %arg1: i32, %arg2: memref<320000x128xf32, #tpu.memory_space<hbm>>, %arg3: memref<320000xi32, #tpu.memory_space<hbm>>, %arg4: memref<1282048xf32, #tpu.memory_space<hbm>>, %arg5: memref<1282048xf32, #tpu.memory_space<hbm>>, %arg6: memref<1282048xf32, #tpu.memory_space<hbm>>, %arg7: memref<40192xf32, #tpu.memory_space<vmem>>, %arg8: memref<40192xf32, #tpu.memory_space<vmem>>, %arg9: memref<40192xf32, #tpu.memory_space<vmem>>, %arg10: memref<1600xi32, #tpu.memory_space<vmem>>, %arg11: memref<1632xi32, #tpu.memory_space<vmem>>, %arg12: memref<1632xi32, #tpu.memory_space<vmem>>, %arg13: memref<16x128xf32, #tpu.memory_space<vmem>>, %arg14: memref<!tpu.dma_semaphore, #tpu.memory_space<semaphore_mem>>) attributes {dimension_semantics = [#tpu.dimension_semantics<core_parallel>, #tpu.dimension_semantics<subcore_parallel>], iteration_bounds = array<i64: 2, 16>, scalar_prefetch = 0 : i64, scratch_operands = 8 : i64, tpu.core_type = #tpu.core_type<sc_vector_subcore>, window_params = [{transform_indices = #map}, {transform_indices = #map1}, {transform_indices = #map1}, {transform_indices = #map1}, {transform_indices = #map1}]} {
    %mul3A = arith.constant 16 : i32
    %mul3A_0 = arith.muli %arg0, %mul3A : i32
    %add3A = arith.addi %mul3A_0, %arg1 : i32
    %mul3A_1 = arith.constant 313 : i32
    %mul3A_2 = arith.muli %add3A, %mul3A_1 : i32
    %scan3A = arith.constant 0 : i32
    %scan3A_3 = arith.constant 0 : i32
    %scan3A_4 = arith.constant 2512 : i32
    %scan3A_5 = arith.addi %scan3A_3, %scan3A_4 : i32
    %scan3A_6 = arith.constant 1 : i32
    %scan3A_7 = scf.for %scan3A_22 = %scan3A_3 to %scan3A_5 step %scan3A_6 iter_args(%scan3A_23 = %scan3A) -> (i32)  : i32 {
      %mul3A_24 = arith.constant 16 : i32
      %mul3A_25 = arith.muli %scan3A_22, %mul3A_24 : i32
      %broadcast_in_dim3A = arith.constant 0.000000e+00 : f32
      %broadcast_in_dim3A_26 = vector.broadcast %broadcast_in_dim3A : f32 to vector<16xf32>
      %swap3A = arith.index_cast %mul3A_25 : i32 to index
      %swap3A_27 = tpu.vector_load %arg7[%swap3A] {strides = array<i32>} : memref<40192xf32, #tpu.memory_space<vmem>>, vector<16xf32>,
      tpu.vector_store %arg7[%swap3A], %broadcast_in_dim3A_26 {strides = array<i32>} : memref<40192xf32, #tpu.memory_space<vmem>>, vector<16xf32>,
      %broadcast_in_dim3A_28 = arith.constant -3.40282347E+38 : f32
      %broadcast_in_dim3A_29 = vector.broadcast %broadcast_in_dim3A_28 : f32 to vector<16xf32>
      %swap3A_30 = arith.index_cast %mul3A_25 : i32 to index
      %swap3A_31 = tpu.vector_load %arg8[%swap3A_30] {strides = array<i32>} : memref<40192xf32, #tpu.memory_space<vmem>>, vector<16xf32>,
      tpu.vector_store %arg8[%swap3A_30], %broadcast_in_dim3A_29 {strides = array<i32>} : memref<40192xf32, #tpu.memory_space<vmem>>, vector<16xf32>,
      %broadcast_in_dim3A_32 = arith.constant 0.000000e+00 : f32
      %broadcast_in_dim3A_33 = vector.broadcast %broadcast_in_dim3A_32 : f32 to vector<16xf32>
      %swap3A_34 = arith.index_cast %mul3A_25 : i32 to index
      %swap3A_35 = tpu.vector_load %arg9[%swap3A_34] {strides = array<i32>} : memref<40192xf32, #tpu.memory_space<vmem>>, vector<16xf32>,
      tpu.vector_store %arg9[%swap3A_34], %broadcast_in_dim3A_33 {strides = array<i32>} : memref<40192xf32, #tpu.memory_space<vmem>>, vector<16xf32>,
      %scan3A_36 = arith.constant 0 : i32
      scf.yield %scan3A_36 : i32
    }
    %scan3A_8 = arith.constant 2512 : i32
    %iota3A = tpu.iota {dimensions = array<i32: 0>} : vector<16xi32>
    %scan3A_9 = arith.constant 0 : i32
    %scan3A_10 = arith.constant 0 : i32
    %scan3A_11 = arith.constant 200 : i32
    %scan3A_12 = arith.addi %scan3A_10, %scan3A_11 : i32
    %scan3A_13 = arith.constant 1 : i32
    %scan3A_14 = scf.for %scan3A_22 = %scan3A_10 to %scan3A_12 step %scan3A_13 iter_args(%scan3A_23 = %scan3A_9) -> (i32)  : i32 {
      %mul3A_24 = arith.constant 1600 : i32
      %mul3A_25 = arith.muli %scan3A_22, %mul3A_24 : i32
      "tpu.region"() ({
        %run_scoped3A = tpu.sem_alloc : memref<!tpu.dma_semaphore, #tpu.memory_space<semaphore_mem>>
        %dma_start3A = tpu.memref_slice %arg3[%mul3A_25] : memref<320000xi32, #tpu.memory_space<hbm>> -> memref<1600xi32, #tpu.memory_space<hbm>>
        %dma_start3A_79 = tpu.memref_slice %arg3[%mul3A_25] : memref<320000xi32, #tpu.memory_space<hbm>> -> memref<1600xi32, #tpu.memory_space<hbm>>
        tpu.enqueue_dma source(%dma_start3A_79 : memref<1600xi32, #tpu.memory_space<hbm>>) target(%arg10 : memref<1600xi32, #tpu.memory_space<vmem>>) target_semaphore(%run_scoped3A : memref<!tpu.dma_semaphore, #tpu.memory_space<semaphore_mem>>)
        %dma_wait3A = tpu.memref_slice %arg3[%mul3A_25] : memref<320000xi32, #tpu.memory_space<hbm>> -> memref<1600xi32, #tpu.memory_space<hbm>>
        %dma_wait3A_80 = tpu.memref_slice %arg3[%mul3A_25] : memref<320000xi32, #tpu.memory_space<hbm>> -> memref<1600xi32, #tpu.memory_space<hbm>>
        tpu.wait_dma2 semaphore(%run_scoped3A : memref<!tpu.dma_semaphore, #tpu.memory_space<semaphore_mem>>) src(%dma_wait3A_80 : memref<1600xi32, #tpu.memory_space<hbm>>) dst(%arg10 : memref<1600xi32, #tpu.memory_space<vmem>>)
        tpu.yield
      }) : () -> ()
      %scan3A_26 = arith.constant 0 : i32
      %scan3A_27 = arith.constant 0 : i32
      %scan3A_28 = arith.constant 100 : i32
      %scan3A_29 = arith.addi %scan3A_27, %scan3A_28 : i32
      %scan3A_30 = arith.constant 1 : i32
      %scan3A_31 = scf.for %scan3A_79 = %scan3A_27 to %scan3A_29 step %scan3A_30 iter_args(%scan3A_80 = %scan3A_26) -> (i32)  : i32 {
        %mul3A_81 = arith.constant 16 : i32
        %mul3A_82 = arith.muli %scan3A_79, %mul3A_81 : i32
        %get3A = arith.index_cast %mul3A_82 : i32 to index
        %get3A_83 = tpu.vector_load %arg10[%get3A] {strides = array<i32>} : memref<1600xi32, #tpu.memory_space<vmem>>, vector<16xi32>,
        %mul3A_84 = arith.constant 16 : i32
        %mul3A_85 = arith.muli %scan3A_79, %mul3A_84 : i32
        %add3A_86 = arith.addi %mul3A_25, %mul3A_85 : i32
        %add3A_87 = vector.broadcast %add3A_86 : i32 to vector<16xi32>
        %add3A_88 = arith.addi %add3A_87, %iota3A : vector<16xi32>
        %sub3A_89 = vector.broadcast %mul3A_2 : i32 to vector<16xi32>
        %sub3A_90 = arith.subi %get3A_83, %sub3A_89 : vector<16xi32>
        %ge3A = arith.constant 0 : i32
        %ge3A_91 = vector.broadcast %ge3A : i32 to vector<16xi32>
        %ge3A_92 = arith.cmpi sge, %sub3A_90, %ge3A_91 : vector<16xi32>
        %lt3A = arith.constant 313 : i32
        %lt3A_93 = vector.broadcast %lt3A : i32 to vector<16xi32>
        %lt3A_94 = arith.cmpi slt, %sub3A_90, %lt3A_93 : vector<16xi32>
        %and3A_95 = arith.andi %ge3A_92, %lt3A_94 : vector<16xi1>
        %sub3A_96 = arith.constant 1 : i32
        %sub3A_97 = arith.subi %scan3A_80, %sub3A_96 : i32
        %convert_element_type3A = arith.extui %and3A_95 : vector<16xi1> to vector<16xi32>
        %broadcast_in_dim3A_98 = arith.constant true
        %broadcast_in_dim3A_99 = vector.broadcast %broadcast_in_dim3A_98 : i1 to vector<16xi1>
        %masked_cumsum3A = tpu.scan <sum>, %convert_element_type3A masked %broadcast_in_dim3A_99 : vector<16xi32>, vector<16xi1> -> vector<16xi32>
        %add3A_100 = vector.broadcast %sub3A_97 : i32 to vector<16xi32>
        %add3A_101 = arith.addi %add3A_100, %masked_cumsum3A : vector<16xi32>
        tpu.vector_store_idx %arg11[%add3A_101], %add3A_88 masked %and3A_95 : memref<1632xi32, #tpu.memory_space<vmem>>[vector<16xi32>], vector<16xi32>, vector<16xi1>
        tpu.vector_store_idx %arg12[%add3A_101], %sub3A_90 masked %and3A_95 : memref<1632xi32, #tpu.memory_space<vmem>>[vector<16xi32>], vector<16xi32>, vector<16xi1>
        %slice3A = vector.extract_strided_slice %add3A_101 {offsets = [15], sizes = [1], strides = [1]} : vector<16xi32> to vector<1xi32>
        %squeeze3A = vector.extract %slice3A[0] : i32 from vector<1xi32>
        %add3A_102 = arith.constant 1 : i32
        %add3A_103 = arith.addi %squeeze3A, %add3A_102 : i32
        scf.yield %add3A_103 : i32
      }
      %scan3A_32 = arith.constant 100 : i32
      %broadcast_in_dim3A = arith.constant -1 : i32
      %broadcast_in_dim3A_33 = vector.broadcast %broadcast_in_dim3A : i32 to vector<16xi32>
      %broadcast_in_dim3A_34 = arith.constant 313 : i32
      %broadcast_in_dim3A_35 = vector.broadcast %broadcast_in_dim3A_34 : i32 to vector<16xi32>
      %swap3A = arith.index_cast %scan3A_31 : i32 to index
      %swap3A_36 = tpu.vector_load %arg11[%swap3A] {strides = array<i32>} : memref<1632xi32, #tpu.memory_space<vmem>>, vector<16xi32>,
      tpu.vector_store %arg11[%swap3A], %broadcast_in_dim3A_33 {strides = array<i32>} : memref<1632xi32, #tpu.memory_space<vmem>>, vector<16xi32>,
      %add3A_37 = arith.constant 16 : i32
      %add3A_38 = arith.addi %scan3A_31, %add3A_37 : i32
      %swap3A_39 = arith.index_cast %add3A_38 : i32 to index
      %swap3A_40 = tpu.vector_load %arg11[%swap3A_39] {strides = array<i32>} : memref<1632xi32, #tpu.memory_space<vmem>>, vector<16xi32>,
      tpu.vector_store %arg11[%swap3A_39], %broadcast_in_dim3A_33 {strides = array<i32>} : memref<1632xi32, #tpu.memory_space<vmem>>, vector<16xi32>,
      %swap3A_41 = arith.index_cast %scan3A_31 : i32 to index
      %swap3A_42 = tpu.vector_load %arg12[%swap3A_41] {strides = array<i32>} : memref<1632xi32, #tpu.memory_space<vmem>>, vector<16xi32>,
      tpu.vector_store %arg12[%swap3A_41], %broadcast_in_dim3A_35 {strides = array<i32>} : memref<1632xi32, #tpu.memory_space<vmem>>, vector<16xi32>,
      %add3A_43 = arith.constant 16 : i32
      %add3A_44 = arith.addi %scan3A_31, %add3A_43 : i32
      %swap3A_45 = arith.index_cast %add3A_44 : i32 to index
      %swap3A_46 = tpu.vector_load %arg12[%swap3A_45] {strides = array<i32>} : memref<1632xi32, #tpu.memory_space<vmem>>, vector<16xi32>,
      tpu.vector_store %arg12[%swap3A_45], %broadcast_in_dim3A_35 {strides = array<i32>} : memref<1632xi32, #tpu.memory_space<vmem>>, vector<16xi32>,
      %add3A_47 = arith.constant 16 : i32
      %add3A_48 = arith.addi %scan3A_31, %add3A_47 : i32
      %sub3A = arith.constant 1 : i32
      %sub3A_49 = arith.subi %add3A_48, %sub3A : i32
      %jit3A = arith.constant 16 : i32
      %div3A = arith.divsi %sub3A_49, %jit3A : i32
      %sign3A = arith.constant 0 : i32
      %sign3A_50 = arith.cmpi sgt, %sub3A_49, %sign3A : i32
      %sign3A_51 = arith.extui %sign3A_50 : i1 to i32
      %sign3A_52 = arith.constant 0 : i32
      %sign3A_53 = arith.cmpi slt, %sub3A_49, %sign3A_52 : i32
      %sign3A_54 = arith.extui %sign3A_53 : i1 to i32
      %sign3A_55 = arith.subi %sign3A_51, %sign3A_54 : i32
      %sign3A_56 = arith.constant 0 : i32
      %sign3A_57 = arith.cmpi sgt, %jit3A, %sign3A_56 : i32
      %sign3A_58 = arith.extui %sign3A_57 : i1 to i32
      %sign3A_59 = arith.constant 0 : i32
      %sign3A_60 = arith.cmpi slt, %jit3A, %sign3A_59 : i32
      %sign3A_61 = arith.extui %sign3A_60 : i1 to i32
      %sign3A_62 = arith.subi %sign3A_58, %sign3A_61 : i32
      %ne3A = arith.cmpi ne, %sign3A_55, %sign3A_62 : i32
      %rem3A = arith.remsi %sub3A_49, %jit3A : i32
      %ne3A_63 = arith.constant 0 : i32
      %ne3A_64 = arith.cmpi ne, %rem3A, %ne3A_63 : i32
      %and3A = arith.andi %ne3A, %ne3A_64 : i1
      %sub3A_65 = arith.constant 1 : i32
      %sub3A_66 = arith.subi %div3A, %sub3A_65 : i32
      %select_n3A = arith.select %and3A, %sub3A_66, %div3A : i32
      %while3A = arith.constant 0 : i32
      %while3A_67 = arith.constant 0 : i32
      %while3A_68 = arith.subi %select_n3A, %while3A : i32
      %while3A_69 = arith.addi %while3A, %while3A_68 : i32
      %while3A_70 = arith.constant 1 : i32
      %while3A_71 = arith.divsi %while3A_68, %while3A_70 : i32
      %while3A_72 = arith.muli %while3A_71, %while3A_70 : i32
      %while3A_73 = arith.addi %while3A, %while3A_72 : i32
      %while3A_74 = arith.constant 1 : i32
      %while3A_75 = scf.for %while3A_79 = %while3A to %while3A_73 step %while3A_74 iter_args(%while3A_80 = %while3A_67) -> (i32)  : i32 {
        %mul3A_81 = arith.constant 16 : i32
        %mul3A_82 = arith.muli %while3A_79, %mul3A_81 : i32
        %dma_start3A = tpu.memref_slice %arg11[%mul3A_82] : memref<1632xi32, #tpu.memory_space<vmem>> -> memref<16xi32, #tpu.memory_space<vmem>>
        %dma_start3A_83 = arith.constant 0 : i32
        %dma_start3A_84 = arith.constant 0 : i32
        %dma_start3A_85 = tpu.memref_slice %arg2[%dma_start3A_83, %dma_start3A_84] : memref<320000x128xf32, #tpu.memory_space<hbm>> -> memref<320000x128xf32, #tpu.memory_space<hbm>>
        %dma_start3A_86 = arith.constant -1 : i32
        tpu.enqueue_indirect_dma source(%dma_start3A_85 : memref<320000x128xf32, #tpu.memory_space<hbm>>) target(%arg13 : memref<16x128xf32, #tpu.memory_space<vmem>>) offsets(%dma_start3A : memref<16xi32, #tpu.memory_space<vmem>>) offset_filter(%dma_start3A_86) semaphore(%arg14 : memref<!tpu.dma_semaphore, #tpu.memory_space<semaphore_mem>>)
        %dma_wait3A = tpu.memref_slice %arg11[%mul3A_82] : memref<1632xi32, #tpu.memory_space<vmem>> -> memref<16xi32, #tpu.memory_space<vmem>>
        %dma_wait3A_87 = arith.constant 0 : i32
        %dma_wait3A_88 = arith.constant 0 : i32
        %dma_wait3A_89 = tpu.memref_slice %arg2[%dma_wait3A_87, %dma_wait3A_88] : memref<320000x128xf32, #tpu.memory_space<hbm>> -> memref<320000x128xf32, #tpu.memory_space<hbm>>
        tpu.wait_indirect_dma semaphore(%arg14 : memref<!tpu.dma_semaphore, #tpu.memory_space<semaphore_mem>>) src(%dma_wait3A_89 : memref<320000x128xf32, #tpu.memory_space<hbm>>) dst(%arg13 : memref<16x128xf32, #tpu.memory_space<vmem>>)
        %mul3A_90 = arith.constant 16 : i32
        %mul3A_91 = arith.muli %while3A_79, %mul3A_90 : i32
        %add3A_92 = arith.constant 0 : i32
        %add3A_93 = arith.addi %mul3A_91, %add3A_92 : i32
        %get3A = arith.index_cast %add3A_93 : i32 to index
        %get3A_94 = tpu.vector_load %arg12[%get3A] {strides = array<i32>} : memref<1632xi32, #tpu.memory_space<vmem>>, vector<16xi32>,
        %slice3A = vector.extract_strided_slice %get3A_94 {offsets = [0], sizes = [1], strides = [1]} : vector<16xi32> to vector<1xi32>
        %squeeze3A = vector.extract %slice3A[0] : i32 from vector<1xi32>
        %mul3A_95 = arith.constant 128 : i32
        %mul3A_96 = arith.muli %squeeze3A, %mul3A_95 : i32
        %scan3A_97 = arith.constant 0 : i32
        %scan3A_98 = arith.constant 0 : i32
        %scan3A_99 = arith.constant 8 : i32
        %scan3A_100 = arith.addi %scan3A_98, %scan3A_99 : i32
        %scan3A_101 = arith.constant 1 : i32
        %scan3A_102 = scf.for %scan3A_270 = %scan3A_98 to %scan3A_100 step %scan3A_101 iter_args(%scan3A_271 = %scan3A_97) -> (i32)  : i32 {
          %mul3A_272 = arith.constant 16 : i32
          %mul3A_273 = arith.muli %scan3A_270, %mul3A_272 : i32
          %get3A_274 = arith.constant 0 : i32
          %get3A_275 = arith.index_cast %get3A_274 : i32 to index
          %get3A_276 = arith.index_cast %mul3A_273 : i32 to index
          %get3A_277 = tpu.vector_load %arg13[%get3A_275, %get3A_276] {strides = array<i32>} : memref<16x128xf32, #tpu.memory_space<vmem>>, vector<16xf32>,
          %add3A_278 = arith.addi %mul3A_96, %mul3A_273 : i32
          %get3A_279 = arith.index_cast %add3A_278 : i32 to index
          %get3A_280 = tpu.vector_load %arg7[%get3A_279] {strides = array<i32>} : memref<40192xf32, #tpu.memory_space<vmem>>, vector<16xf32>,
          %add3A_281 = arith.addf %get3A_280, %get3A_277 : vector<16xf32>
          %swap3A_282 = arith.index_cast %add3A_278 : i32 to index
          %swap3A_283 = tpu.vector_load %arg7[%swap3A_282] {strides = array<i32>} : memref<40192xf32, #tpu.memory_space<vmem>>, vector<16xf32>,
          tpu.vector_store %arg7[%swap3A_282], %add3A_281 {strides = array<i32>} : memref<40192xf32, #tpu.memory_space<vmem>>, vector<16xf32>,
          %get3A_284 = arith.index_cast %add3A_278 : i32 to index
          %get3A_285 = tpu.vector_load %arg8[%get3A_284] {strides = array<i32>} : memref<40192xf32, #tpu.memory_space<vmem>>, vector<16xf32>,
          %max3A = arith.maximumf %get3A_285, %get3A_277 : vector<16xf32>
          %swap3A_286 = arith.index_cast %add3A_278 : i32 to index
          %swap3A_287 = tpu.vector_load %arg8[%swap3A_286] {strides = array<i32>} : memref<40192xf32, #tpu.memory_space<vmem>>, vector<16xf32>,
          tpu.vector_store %arg8[%swap3A_286], %max3A {strides = array<i32>} : memref<40192xf32, #tpu.memory_space<vmem>>, vector<16xf32>,
          %get3A_288 = arith.index_cast %add3A_278 : i32 to index
          %get3A_289 = tpu.vector_load %arg9[%get3A_288] {strides = array<i32>} : memref<40192xf32, #tpu.memory_space<vmem>>, vector<16xf32>,
          %mul3A_290 = arith.mulf %get3A_277, %get3A_277 : vector<16xf32>
          %add3A_291 = arith.addf %get3A_289, %mul3A_290 : vector<16xf32>
          %swap3A_292 = arith.index_cast %add3A_278 : i32 to index
          %swap3A_293 = tpu.vector_load %arg9[%swap3A_292] {strides = array<i32>} : memref<40192xf32, #tpu.memory_space<vmem>>, vector<16xf32>,
          tpu.vector_store %arg9[%swap3A_292], %add3A_291 {strides = array<i32>} : memref<40192xf32, #tpu.memory_space<vmem>>, vector<16xf32>,
          %scan3A_294 = arith.constant 0 : i32
          scf.yield %scan3A_294 : i32
        }
        %scan3A_103 = arith.constant 8 : i32
        %slice3A_104 = vector.extract_strided_slice %get3A_94 {offsets = [1], sizes = [1], strides = [1]} : vector<16xi32> to vector<1xi32>
        %squeeze3A_105 = vector.extract %slice3A_104[0] : i32 from vector<1xi32>
        %mul3A_106 = arith.constant 128 : i32
        %mul3A_107 = arith.muli %squeeze3A_105, %mul3A_106 : i32
        %scan3A_108 = arith.constant 0 : i32
        %scan3A_109 = arith.constant 0 : i32
        %scan3A_110 = arith.constant 8 : i32
        %scan3A_111 = arith.addi %scan3A_109, %scan3A_110 : i32
        %scan3A_112 = arith.constant 1 : i32
        %scan3A_113 = scf.for %scan3A_270 = %scan3A_109 to %scan3A_111 step %scan3A_112 iter_args(%scan3A_271 = %scan3A_108) -> (i32)  : i32 {
          %mul3A_272 = arith.constant 16 : i32
          %mul3A_273 = arith.muli %scan3A_270, %mul3A_272 : i32
          %get3A_274 = arith.constant 1 : i32
          %get3A_275 = arith.index_cast %get3A_274 : i32 to index
          %get3A_276 = arith.index_cast %mul3A_273 : i32 to index
          %get3A_277 = tpu.vector_load %arg13[%get3A_275, %get3A_276] {strides = array<i32>} : memref<16x128xf32, #tpu.memory_space<vmem>>, vector<16xf32>,
          %add3A_278 = arith.addi %mul3A_107, %mul3A_273 : i32
          %get3A_279 = arith.index_cast %add3A_278 : i32 to index
          %get3A_280 = tpu.vector_load %arg7[%get3A_279] {strides = array<i32>} : memref<40192xf32, #tpu.memory_space<vmem>>, vector<16xf32>,
          %add3A_281 = arith.addf %get3A_280, %get3A_277 : vector<16xf32>
          %swap3A_282 = arith.index_cast %add3A_278 : i32 to index
          %swap3A_283 = tpu.vector_load %arg7[%swap3A_282] {strides = array<i32>} : memref<40192xf32, #tpu.memory_space<vmem>>, vector<16xf32>,
          tpu.vector_store %arg7[%swap3A_282], %add3A_281 {strides = array<i32>} : memref<40192xf32, #tpu.memory_space<vmem>>, vector<16xf32>,
          %get3A_284 = arith.index_cast %add3A_278 : i32 to index
          %get3A_285 = tpu.vector_load %arg8[%get3A_284] {strides = array<i32>} : memref<40192xf32, #tpu.memory_space<vmem>>, vector<16xf32>,
          %max3A = arith.maximumf %get3A_285, %get3A_277 : vector<16xf32>
          %swap3A_286 = arith.index_cast %add3A_278 : i32 to index
          %swap3A_287 = tpu.vector_load %arg8[%swap3A_286] {strides = array<i32>} : memref<40192xf32, #tpu.memory_space<vmem>>, vector<16xf32>,
          tpu.vector_store %arg8[%swap3A_286], %max3A {strides = array<i32>} : memref<40192xf32, #tpu.memory_space<vmem>>, vector<16xf32>,
          %get3A_288 = arith.index_cast %add3A_278 : i32 to index
          %get3A_289 = tpu.vector_load %arg9[%get3A_288] {strides = array<i32>} : memref<40192xf32, #tpu.memory_space<vmem>>, vector<16xf32>,
          %mul3A_290 = arith.mulf %get3A_277, %get3A_277 : vector<16xf32>
          %add3A_291 = arith.addf %get3A_289, %mul3A_290 : vector<16xf32>
          %swap3A_292 = arith.index_cast %add3A_278 : i32 to index
          %swap3A_293 = tpu.vector_load %arg9[%swap3A_292] {strides = array<i32>} : memref<40192xf32, #tpu.memory_space<vmem>>, vector<16xf32>,
          tpu.vector_store %arg9[%swap3A_292], %add3A_291 {strides = array<i32>} : memref<40192xf32, #tpu.memory_space<vmem>>, vector<16xf32>,
          %scan3A_294 = arith.constant 0 : i32
          scf.yield %scan3A_294 : i32
        }
        %scan3A_114 = arith.constant 8 : i32
        %slice3A_115 = vector.extract_strided_slice %get3A_94 {offsets = [2], sizes = [1], strides = [1]} : vector<16xi32> to vector<1xi32>
        %squeeze3A_116 = vector.extract %slice3A_115[0] : i32 from vector<1xi32>
        %mul3A_117 = arith.constant 128 : i32
        %mul3A_118 = arith.muli %squeeze3A_116, %mul3A_117 : i32
        %scan3A_119 = arith.constant 0 : i32
        %scan3A_120 = arith.constant 0 : i32
        %scan3A_121 = arith.constant 8 : i32
        %scan3A_122 = arith.addi %scan3A_120, %scan3A_121 : i32
        %scan3A_123 = arith.constant 1 : i32
        %scan3A_124 = scf.for %scan3A_270 = %scan3A_120 to %scan3A_122 step %scan3A_123 iter_args(%scan3A_271 = %scan3A_119) -> (i32)  : i32 {
          %mul3A_272 = arith.constant 16 : i32
          %mul3A_273 = arith.muli %scan3A_270, %mul3A_272 : i32
          %get3A_274 = arith.constant 2 : i32
          %get3A_275 = arith.index_cast %get3A_274 : i32 to index
          %get3A_276 = arith.index_cast %mul3A_273 : i32 to index
          %get3A_277 = tpu.vector_load %arg13[%get3A_275, %get3A_276] {strides = array<i32>} : memref<16x128xf32, #tpu.memory_space<vmem>>, vector<16xf32>,
          %add3A_278 = arith.addi %mul3A_118, %mul3A_273 : i32
          %get3A_279 = arith.index_cast %add3A_278 : i32 to index
          %get3A_280 = tpu.vector_load %arg7[%get3A_279] {strides = array<i32>} : memref<40192xf32, #tpu.memory_space<vmem>>, vector<16xf32>,
          %add3A_281 = arith.addf %get3A_280, %get3A_277 : vector<16xf32>
          %swap3A_282 = arith.index_cast %add3A_278 : i32 to index
          %swap3A_283 = tpu.vector_load %arg7[%swap3A_282] {strides = array<i32>} : memref<40192xf32, #tpu.memory_space<vmem>>, vector<16xf32>,
          tpu.vector_store %arg7[%swap3A_282], %add3A_281 {strides = array<i32>} : memref<40192xf32, #tpu.memory_space<vmem>>, vector<16xf32>,
          %get3A_284 = arith.index_cast %add3A_278 : i32 to index
          %get3A_285 = tpu.vector_load %arg8[%get3A_284] {strides = array<i32>} : memref<40192xf32, #tpu.memory_space<vmem>>, vector<16xf32>,
          %max3A = arith.maximumf %get3A_285, %get3A_277 : vector<16xf32>
          %swap3A_286 = arith.index_cast %add3A_278 : i32 to index
          %swap3A_287 = tpu.vector_load %arg8[%swap3A_286] {strides = array<i32>} : memref<40192xf32, #tpu.memory_space<vmem>>, vector<16xf32>,
          tpu.vector_store %arg8[%swap3A_286], %max3A {strides = array<i32>} : memref<40192xf32, #tpu.memory_space<vmem>>, vector<16xf32>,
          %get3A_288 = arith.index_cast %add3A_278 : i32 to index
          %get3A_289 = tpu.vector_load %arg9[%get3A_288] {strides = array<i32>} : memref<40192xf32, #tpu.memory_space<vmem>>, vector<16xf32>,
          %mul3A_290 = arith.mulf %get3A_277, %get3A_277 : vector<16xf32>
          %add3A_291 = arith.addf %get3A_289, %mul3A_290 : vector<16xf32>
          %swap3A_292 = arith.index_cast %add3A_278 : i32 to index
          %swap3A_293 = tpu.vector_load %arg9[%swap3A_292] {strides = array<i32>} : memref<40192xf32, #tpu.memory_space<vmem>>, vector<16xf32>,
          tpu.vector_store %arg9[%swap3A_292], %add3A_291 {strides = array<i32>} : memref<40192xf32, #tpu.memory_space<vmem>>, vector<16xf32>,
          %scan3A_294 = arith.constant 0 : i32
          scf.yield %scan3A_294 : i32
        }
        %scan3A_125 = arith.constant 8 : i32
        %slice3A_126 = vector.extract_strided_slice %get3A_94 {offsets = [3], sizes = [1], strides = [1]} : vector<16xi32> to vector<1xi32>
        %squeeze3A_127 = vector.extract %slice3A_126[0] : i32 from vector<1xi32>
        %mul3A_128 = arith.constant 128 : i32
        %mul3A_129 = arith.muli %squeeze3A_127, %mul3A_128 : i32
        %scan3A_130 = arith.constant 0 : i32
        %scan3A_131 = arith.constant 0 : i32
        %scan3A_132 = arith.constant 8 : i32
        %scan3A_133 = arith.addi %scan3A_131, %scan3A_132 : i32
        %scan3A_134 = arith.constant 1 : i32
        %scan3A_135 = scf.for %scan3A_270 = %scan3A_131 to %scan3A_133 step %scan3A_134 iter_args(%scan3A_271 = %scan3A_130) -> (i32)  : i32 {
          %mul3A_272 = arith.constant 16 : i32
          %mul3A_273 = arith.muli %scan3A_270, %mul3A_272 : i32
          %get3A_274 = arith.constant 3 : i32
          %get3A_275 = arith.index_cast %get3A_274 : i32 to index
          %get3A_276 = arith.index_cast %mul3A_273 : i32 to index
          %get3A_277 = tpu.vector_load %arg13[%get3A_275, %get3A_276] {strides = array<i32>} : memref<16x128xf32, #tpu.memory_space<vmem>>, vector<16xf32>,
          %add3A_278 = arith.addi %mul3A_129, %mul3A_273 : i32
          %get3A_279 = arith.index_cast %add3A_278 : i32 to index
          %get3A_280 = tpu.vector_load %arg7[%get3A_279] {strides = array<i32>} : memref<40192xf32, #tpu.memory_space<vmem>>, vector<16xf32>,
          %add3A_281 = arith.addf %get3A_280, %get3A_277 : vector<16xf32>
          %swap3A_282 = arith.index_cast %add3A_278 : i32 to index
          %swap3A_283 = tpu.vector_load %arg7[%swap3A_282] {strides = array<i32>} : memref<40192xf32, #tpu.memory_space<vmem>>, vector<16xf32>,
          tpu.vector_store %arg7[%swap3A_282], %add3A_281 {strides = array<i32>} : memref<40192xf32, #tpu.memory_space<vmem>>, vector<16xf32>,
          %get3A_284 = arith.index_cast %add3A_278 : i32 to index
          %get3A_285 = tpu.vector_load %arg8[%get3A_284] {strides = array<i32>} : memref<40192xf32, #tpu.memory_space<vmem>>, vector<16xf32>,
          %max3A = arith.maximumf %get3A_285, %get3A_277 : vector<16xf32>
          %swap3A_286 = arith.index_cast %add3A_278 : i32 to index
          %swap3A_287 = tpu.vector_load %arg8[%swap3A_286] {strides = array<i32>} : memref<40192xf32, #tpu.memory_space<vmem>>, vector<16xf32>,
          tpu.vector_store %arg8[%swap3A_286], %max3A {strides = array<i32>} : memref<40192xf32, #tpu.memory_space<vmem>>, vector<16xf32>,
          %get3A_288 = arith.index_cast %add3A_278 : i32 to index
          %get3A_289 = tpu.vector_load %arg9[%get3A_288] {strides = array<i32>} : memref<40192xf32, #tpu.memory_space<vmem>>, vector<16xf32>,
          %mul3A_290 = arith.mulf %get3A_277, %get3A_277 : vector<16xf32>
          %add3A_291 = arith.addf %get3A_289, %mul3A_290 : vector<16xf32>
          %swap3A_292 = arith.index_cast %add3A_278 : i32 to index
          %swap3A_293 = tpu.vector_load %arg9[%swap3A_292] {strides = array<i32>} : memref<40192xf32, #tpu.memory_space<vmem>>, vector<16xf32>,
          tpu.vector_store %arg9[%swap3A_292], %add3A_291 {strides = array<i32>} : memref<40192xf32, #tpu.memory_space<vmem>>, vector<16xf32>,
          %scan3A_294 = arith.constant 0 : i32
          scf.yield %scan3A_294 : i32
        }
        %scan3A_136 = arith.constant 8 : i32
        %slice3A_137 = vector.extract_strided_slice %get3A_94 {offsets = [4], sizes = [1], strides = [1]} : vector<16xi32> to vector<1xi32>
        %squeeze3A_138 = vector.extract %slice3A_137[0] : i32 from vector<1xi32>
        %mul3A_139 = arith.constant 128 : i32
        %mul3A_140 = arith.muli %squeeze3A_138, %mul3A_139 : i32
        %scan3A_141 = arith.constant 0 : i32
        %scan3A_142 = arith.constant 0 : i32
        %scan3A_143 = arith.constant 8 : i32
        %scan3A_144 = arith.addi %scan3A_142, %scan3A_143 : i32
        %scan3A_145 = arith.constant 1 : i32
        %scan3A_146 = scf.for %scan3A_270 = %scan3A_142 to %scan3A_144 step %scan3A_145 iter_args(%scan3A_271 = %scan3A_141) -> (i32)  : i32 {
          %mul3A_272 = arith.constant 16 : i32
          %mul3A_273 = arith.muli %scan3A_270, %mul3A_272 : i32
          %get3A_274 = arith.constant 4 : i32
          %get3A_275 = arith.index_cast %get3A_274 : i32 to index
          %get3A_276 = arith.index_cast %mul3A_273 : i32 to index
          %get3A_277 = tpu.vector_load %arg13[%get3A_275, %get3A_276] {strides = array<i32>} : memref<16x128xf32, #tpu.memory_space<vmem>>, vector<16xf32>,
          %add3A_278 = arith.addi %mul3A_140, %mul3A_273 : i32
          %get3A_279 = arith.index_cast %add3A_278 : i32 to index
          %get3A_280 = tpu.vector_load %arg7[%get3A_279] {strides = array<i32>} : memref<40192xf32, #tpu.memory_space<vmem>>, vector<16xf32>,
          %add3A_281 = arith.addf %get3A_280, %get3A_277 : vector<16xf32>
          %swap3A_282 = arith.index_cast %add3A_278 : i32 to index
          %swap3A_283 = tpu.vector_load %arg7[%swap3A_282] {strides = array<i32>} : memref<40192xf32, #tpu.memory_space<vmem>>, vector<16xf32>,
          tpu.vector_store %arg7[%swap3A_282], %add3A_281 {strides = array<i32>} : memref<40192xf32, #tpu.memory_space<vmem>>, vector<16xf32>,
          %get3A_284 = arith.index_cast %add3A_278 : i32 to index
          %get3A_285 = tpu.vector_load %arg8[%get3A_284] {strides = array<i32>} : memref<40192xf32, #tpu.memory_space<vmem>>, vector<16xf32>,
          %max3A = arith.maximumf %get3A_285, %get3A_277 : vector<16xf32>
          %swap3A_286 = arith.index_cast %add3A_278 : i32 to index
          %swap3A_287 = tpu.vector_load %arg8[%swap3A_286] {strides = array<i32>} : memref<40192xf32, #tpu.memory_space<vmem>>, vector<16xf32>,
          tpu.vector_store %arg8[%swap3A_286], %max3A {strides = array<i32>} : memref<40192xf32, #tpu.memory_space<vmem>>, vector<16xf32>,
          %get3A_288 = arith.index_cast %add3A_278 : i32 to index
          %get3A_289 = tpu.vector_load %arg9[%get3A_288] {strides = array<i32>} : memref<40192xf32, #tpu.memory_space<vmem>>, vector<16xf32>,
          %mul3A_290 = arith.mulf %get3A_277, %get3A_277 : vector<16xf32>
          %add3A_291 = arith.addf %get3A_289, %mul3A_290 : vector<16xf32>
          %swap3A_292 = arith.index_cast %add3A_278 : i32 to index
          %swap3A_293 = tpu.vector_load %arg9[%swap3A_292] {strides = array<i32>} : memref<40192xf32, #tpu.memory_space<vmem>>, vector<16xf32>,
          tpu.vector_store %arg9[%swap3A_292], %add3A_291 {strides = array<i32>} : memref<40192xf32, #tpu.memory_space<vmem>>, vector<16xf32>,
          %scan3A_294 = arith.constant 0 : i32
          scf.yield %scan3A_294 : i32
        }
        %scan3A_147 = arith.constant 8 : i32
        %slice3A_148 = vector.extract_strided_slice %get3A_94 {offsets = [5], sizes = [1], strides = [1]} : vector<16xi32> to vector<1xi32>
        %squeeze3A_149 = vector.extract %slice3A_148[0] : i32 from vector<1xi32>
        %mul3A_150 = arith.constant 128 : i32
        %mul3A_151 = arith.muli %squeeze3A_149, %mul3A_150 : i32
        %scan3A_152 = arith.constant 0 : i32
        %scan3A_153 = arith.constant 0 : i32
        %scan3A_154 = arith.constant 8 : i32
        %scan3A_155 = arith.addi %scan3A_153, %scan3A_154 : i32
        %scan3A_156 = arith.constant 1 : i32
        %scan3A_157 = scf.for %scan3A_270 = %scan3A_153 to %scan3A_155 step %scan3A_156 iter_args(%scan3A_271 = %scan3A_152) -> (i32)  : i32 {
          %mul3A_272 = arith.constant 16 : i32
          %mul3A_273 = arith.muli %scan3A_270, %mul3A_272 : i32
          %get3A_274 = arith.constant 5 : i32
          %get3A_275 = arith.index_cast %get3A_274 : i32 to index
          %get3A_276 = arith.index_cast %mul3A_273 : i32 to index
          %get3A_277 = tpu.vector_load %arg13[%get3A_275, %get3A_276] {strides = array<i32>} : memref<16x128xf32, #tpu.memory_space<vmem>>, vector<16xf32>,
          %add3A_278 = arith.addi %mul3A_151, %mul3A_273 : i32
          %get3A_279 = arith.index_cast %add3A_278 : i32 to index
          %get3A_280 = tpu.vector_load %arg7[%get3A_279] {strides = array<i32>} : memref<40192xf32, #tpu.memory_space<vmem>>, vector<16xf32>,
          %add3A_281 = arith.addf %get3A_280, %get3A_277 : vector<16xf32>
          %swap3A_282 = arith.index_cast %add3A_278 : i32 to index
          %swap3A_283 = tpu.vector_load %arg7[%swap3A_282] {strides = array<i32>} : memref<40192xf32, #tpu.memory_space<vmem>>, vector<16xf32>,
          tpu.vector_store %arg7[%swap3A_282], %add3A_281 {strides = array<i32>} : memref<40192xf32, #tpu.memory_space<vmem>>, vector<16xf32>,
          %get3A_284 = arith.index_cast %add3A_278 : i32 to index
          %get3A_285 = tpu.vector_load %arg8[%get3A_284] {strides = array<i32>} : memref<40192xf32, #tpu.memory_space<vmem>>, vector<16xf32>,
          %max3A = arith.maximumf %get3A_285, %get3A_277 : vector<16xf32>
          %swap3A_286 = arith.index_cast %add3A_278 : i32 to index
          %swap3A_287 = tpu.vector_load %arg8[%swap3A_286] {strides = array<i32>} : memref<40192xf32, #tpu.memory_space<vmem>>, vector<16xf32>,
          tpu.vector_store %arg8[%swap3A_286], %max3A {strides = array<i32>} : memref<40192xf32, #tpu.memory_space<vmem>>, vector<16xf32>,
          %get3A_288 = arith.index_cast %add3A_278 : i32 to index
          %get3A_289 = tpu.vector_load %arg9[%get3A_288] {strides = array<i32>} : memref<40192xf32, #tpu.memory_space<vmem>>, vector<16xf32>,
          %mul3A_290 = arith.mulf %get3A_277, %get3A_277 : vector<16xf32>
          %add3A_291 = arith.addf %get3A_289, %mul3A_290 : vector<16xf32>
          %swap3A_292 = arith.index_cast %add3A_278 : i32 to index
          %swap3A_293 = tpu.vector_load %arg9[%swap3A_292] {strides = array<i32>} : memref<40192xf32, #tpu.memory_space<vmem>>, vector<16xf32>,
          tpu.vector_store %arg9[%swap3A_292], %add3A_291 {strides = array<i32>} : memref<40192xf32, #tpu.memory_space<vmem>>, vector<16xf32>,
          %scan3A_294 = arith.constant 0 : i32
          scf.yield %scan3A_294 : i32
        }
        %scan3A_158 = arith.constant 8 : i32
        %slice3A_159 = vector.extract_strided_slice %get3A_94 {offsets = [6], sizes = [1], strides = [1]} : vector<16xi32> to vector<1xi32>
        %squeeze3A_160 = vector.extract %slice3A_159[0] : i32 from vector<1xi32>
        %mul3A_161 = arith.constant 128 : i32
        %mul3A_162 = arith.muli %squeeze3A_160, %mul3A_161 : i32
        %scan3A_163 = arith.constant 0 : i32
        %scan3A_164 = arith.constant 0 : i32
        %scan3A_165 = arith.constant 8 : i32
        %scan3A_166 = arith.addi %scan3A_164, %scan3A_165 : i32
        %scan3A_167 = arith.constant 1 : i32
        %scan3A_168 = scf.for %scan3A_270 = %scan3A_164 to %scan3A_166 step %scan3A_167 iter_args(%scan3A_271 = %scan3A_163) -> (i32)  : i32 {
          %mul3A_272 = arith.constant 16 : i32
          %mul3A_273 = arith.muli %scan3A_270, %mul3A_272 : i32
          %get3A_274 = arith.constant 6 : i32
          %get3A_275 = arith.index_cast %get3A_274 : i32 to index
          %get3A_276 = arith.index_cast %mul3A_273 : i32 to index
          %get3A_277 = tpu.vector_load %arg13[%get3A_275, %get3A_276] {strides = array<i32>} : memref<16x128xf32, #tpu.memory_space<vmem>>, vector<16xf32>,
          %add3A_278 = arith.addi %mul3A_162, %mul3A_273 : i32
          %get3A_279 = arith.index_cast %add3A_278 : i32 to index
          %get3A_280 = tpu.vector_load %arg7[%get3A_279] {strides = array<i32>} : memref<40192xf32, #tpu.memory_space<vmem>>, vector<16xf32>,
          %add3A_281 = arith.addf %get3A_280, %get3A_277 : vector<16xf32>
          %swap3A_282 = arith.index_cast %add3A_278 : i32 to index
          %swap3A_283 = tpu.vector_load %arg7[%swap3A_282] {strides = array<i32>} : memref<40192xf32, #tpu.memory_space<vmem>>, vector<16xf32>,
          tpu.vector_store %arg7[%swap3A_282], %add3A_281 {strides = array<i32>} : memref<40192xf32, #tpu.memory_space<vmem>>, vector<16xf32>,
          %get3A_284 = arith.index_cast %add3A_278 : i32 to index
          %get3A_285 = tpu.vector_load %arg8[%get3A_284] {strides = array<i32>} : memref<40192xf32, #tpu.memory_space<vmem>>, vector<16xf32>,
          %max3A = arith.maximumf %get3A_285, %get3A_277 : vector<16xf32>
          %swap3A_286 = arith.index_cast %add3A_278 : i32 to index
          %swap3A_287 = tpu.vector_load %arg8[%swap3A_286] {strides = array<i32>} : memref<40192xf32, #tpu.memory_space<vmem>>, vector<16xf32>,
          tpu.vector_store %arg8[%swap3A_286], %max3A {strides = array<i32>} : memref<40192xf32, #tpu.memory_space<vmem>>, vector<16xf32>,
          %get3A_288 = arith.index_cast %add3A_278 : i32 to index
          %get3A_289 = tpu.vector_load %arg9[%get3A_288] {strides = array<i32>} : memref<40192xf32, #tpu.memory_space<vmem>>, vector<16xf32>,
          %mul3A_290 = arith.mulf %get3A_277, %get3A_277 : vector<16xf32>
          %add3A_291 = arith.addf %get3A_289, %mul3A_290 : vector<16xf32>
          %swap3A_292 = arith.index_cast %add3A_278 : i32 to index
          %swap3A_293 = tpu.vector_load %arg9[%swap3A_292] {strides = array<i32>} : memref<40192xf32, #tpu.memory_space<vmem>>, vector<16xf32>,
          tpu.vector_store %arg9[%swap3A_292], %add3A_291 {strides = array<i32>} : memref<40192xf32, #tpu.memory_space<vmem>>, vector<16xf32>,
          %scan3A_294 = arith.constant 0 : i32
          scf.yield %scan3A_294 : i32
        }
        %scan3A_169 = arith.constant 8 : i32
        %slice3A_170 = vector.extract_strided_slice %get3A_94 {offsets = [7], sizes = [1], strides = [1]} : vector<16xi32> to vector<1xi32>
        %squeeze3A_171 = vector.extract %slice3A_170[0] : i32 from vector<1xi32>
        %mul3A_172 = arith.constant 128 : i32
        %mul3A_173 = arith.muli %squeeze3A_171, %mul3A_172 : i32
        %scan3A_174 = arith.constant 0 : i32
        %scan3A_175 = arith.constant 0 : i32
        %scan3A_176 = arith.constant 8 : i32
        %scan3A_177 = arith.addi %scan3A_175, %scan3A_176 : i32
        %scan3A_178 = arith.constant 1 : i32
        %scan3A_179 = scf.for %scan3A_270 = %scan3A_175 to %scan3A_177 step %scan3A_178 iter_args(%scan3A_271 = %scan3A_174) -> (i32)  : i32 {
          %mul3A_272 = arith.constant 16 : i32
          %mul3A_273 = arith.muli %scan3A_270, %mul3A_272 : i32
          %get3A_274 = arith.constant 7 : i32
          %get3A_275 = arith.index_cast %get3A_274 : i32 to index
          %get3A_276 = arith.index_cast %mul3A_273 : i32 to index
          %get3A_277 = tpu.vector_load %arg13[%get3A_275, %get3A_276] {strides = array<i32>} : memref<16x128xf32, #tpu.memory_space<vmem>>, vector<16xf32>,
          %add3A_278 = arith.addi %mul3A_173, %mul3A_273 : i32
          %get3A_279 = arith.index_cast %add3A_278 : i32 to index
          %get3A_280 = tpu.vector_load %arg7[%get3A_279] {strides = array<i32>} : memref<40192xf32, #tpu.memory_space<vmem>>, vector<16xf32>,
          %add3A_281 = arith.addf %get3A_280, %get3A_277 : vector<16xf32>
          %swap3A_282 = arith.index_cast %add3A_278 : i32 to index
          %swap3A_283 = tpu.vector_load %arg7[%swap3A_282] {strides = array<i32>} : memref<40192xf32, #tpu.memory_space<vmem>>, vector<16xf32>,
          tpu.vector_store %arg7[%swap3A_282], %add3A_281 {strides = array<i32>} : memref<40192xf32, #tpu.memory_space<vmem>>, vector<16xf32>,
          %get3A_284 = arith.index_cast %add3A_278 : i32 to index
          %get3A_285 = tpu.vector_load %arg8[%get3A_284] {strides = array<i32>} : memref<40192xf32, #tpu.memory_space<vmem>>, vector<16xf32>,
          %max3A = arith.maximumf %get3A_285, %get3A_277 : vector<16xf32>
          %swap3A_286 = arith.index_cast %add3A_278 : i32 to index
          %swap3A_287 = tpu.vector_load %arg8[%swap3A_286] {strides = array<i32>} : memref<40192xf32, #tpu.memory_space<vmem>>, vector<16xf32>,
          tpu.vector_store %arg8[%swap3A_286], %max3A {strides = array<i32>} : memref<40192xf32, #tpu.memory_space<vmem>>, vector<16xf32>,
          %get3A_288 = arith.index_cast %add3A_278 : i32 to index
          %get3A_289 = tpu.vector_load %arg9[%get3A_288] {strides = array<i32>} : memref<40192xf32, #tpu.memory_space<vmem>>, vector<16xf32>,
          %mul3A_290 = arith.mulf %get3A_277, %get3A_277 : vector<16xf32>
          %add3A_291 = arith.addf %get3A_289, %mul3A_290 : vector<16xf32>
          %swap3A_292 = arith.index_cast %add3A_278 : i32 to index
          %swap3A_293 = tpu.vector_load %arg9[%swap3A_292] {strides = array<i32>} : memref<40192xf32, #tpu.memory_space<vmem>>, vector<16xf32>,
          tpu.vector_store %arg9[%swap3A_292], %add3A_291 {strides = array<i32>} : memref<40192xf32, #tpu.memory_space<vmem>>, vector<16xf32>,
          %scan3A_294 = arith.constant 0 : i32
          scf.yield %scan3A_294 : i32
        }
        %scan3A_180 = arith.constant 8 : i32
        %slice3A_181 = vector.extract_strided_slice %get3A_94 {offsets = [8], sizes = [1], strides = [1]} : vector<16xi32> to vector<1xi32>
        %squeeze3A_182 = vector.extract %slice3A_181[0] : i32 from vector<1xi32>
        %mul3A_183 = arith.constant 128 : i32
        %mul3A_184 = arith.muli %squeeze3A_182, %mul3A_183 : i32
        %scan3A_185 = arith.constant 0 : i32
        %scan3A_186 = arith.constant 0 : i32
        %scan3A_187 = arith.constant 8 : i32
        %scan3A_188 = arith.addi %scan3A_186, %scan3A_187 : i32
        %scan3A_189 = arith.constant 1 : i32
        %scan3A_190 = scf.for %scan3A_270 = %scan3A_186 to %scan3A_188 step %scan3A_189 iter_args(%scan3A_271 = %scan3A_185) -> (i32)  : i32 {
          %mul3A_272 = arith.constant 16 : i32
          %mul3A_273 = arith.muli %scan3A_270, %mul3A_272 : i32
          %get3A_274 = arith.constant 8 : i32
          %get3A_275 = arith.index_cast %get3A_274 : i32 to index
          %get3A_276 = arith.index_cast %mul3A_273 : i32 to index
          %get3A_277 = tpu.vector_load %arg13[%get3A_275, %get3A_276] {strides = array<i32>} : memref<16x128xf32, #tpu.memory_space<vmem>>, vector<16xf32>,
          %add3A_278 = arith.addi %mul3A_184, %mul3A_273 : i32
          %get3A_279 = arith.index_cast %add3A_278 : i32 to index
          %get3A_280 = tpu.vector_load %arg7[%get3A_279] {strides = array<i32>} : memref<40192xf32, #tpu.memory_space<vmem>>, vector<16xf32>,
          %add3A_281 = arith.addf %get3A_280, %get3A_277 : vector<16xf32>
          %swap3A_282 = arith.index_cast %add3A_278 : i32 to index
          %swap3A_283 = tpu.vector_load %arg7[%swap3A_282] {strides = array<i32>} : memref<40192xf32, #tpu.memory_space<vmem>>, vector<16xf32>,
          tpu.vector_store %arg7[%swap3A_282], %add3A_281 {strides = array<i32>} : memref<40192xf32, #tpu.memory_space<vmem>>, vector<16xf32>,
          %get3A_284 = arith.index_cast %add3A_278 : i32 to index
          %get3A_285 = tpu.vector_load %arg8[%get3A_284] {strides = array<i32>} : memref<40192xf32, #tpu.memory_space<vmem>>, vector<16xf32>,
          %max3A = arith.maximumf %get3A_285, %get3A_277 : vector<16xf32>
          %swap3A_286 = arith.index_cast %add3A_278 : i32 to index
          %swap3A_287 = tpu.vector_load %arg8[%swap3A_286] {strides = array<i32>} : memref<40192xf32, #tpu.memory_space<vmem>>, vector<16xf32>,
          tpu.vector_store %arg8[%swap3A_286], %max3A {strides = array<i32>} : memref<40192xf32, #tpu.memory_space<vmem>>, vector<16xf32>,
          %get3A_288 = arith.index_cast %add3A_278 : i32 to index
          %get3A_289 = tpu.vector_load %arg9[%get3A_288] {strides = array<i32>} : memref<40192xf32, #tpu.memory_space<vmem>>, vector<16xf32>,
          %mul3A_290 = arith.mulf %get3A_277, %get3A_277 : vector<16xf32>
          %add3A_291 = arith.addf %get3A_289, %mul3A_290 : vector<16xf32>
          %swap3A_292 = arith.index_cast %add3A_278 : i32 to index
          %swap3A_293 = tpu.vector_load %arg9[%swap3A_292] {strides = array<i32>} : memref<40192xf32, #tpu.memory_space<vmem>>, vector<16xf32>,
          tpu.vector_store %arg9[%swap3A_292], %add3A_291 {strides = array<i32>} : memref<40192xf32, #tpu.memory_space<vmem>>, vector<16xf32>,
          %scan3A_294 = arith.constant 0 : i32
          scf.yield %scan3A_294 : i32
        }
        %scan3A_191 = arith.constant 8 : i32
        %slice3A_192 = vector.extract_strided_slice %get3A_94 {offsets = [9], sizes = [1], strides = [1]} : vector<16xi32> to vector<1xi32>
        %squeeze3A_193 = vector.extract %slice3A_192[0] : i32 from vector<1xi32>
        %mul3A_194 = arith.constant 128 : i32
        %mul3A_195 = arith.muli %squeeze3A_193, %mul3A_194 : i32
        %scan3A_196 = arith.constant 0 : i32
        %scan3A_197 = arith.constant 0 : i32
        %scan3A_198 = arith.constant 8 : i32
        %scan3A_199 = arith.addi %scan3A_197, %scan3A_198 : i32
        %scan3A_200 = arith.constant 1 : i32
        %scan3A_201 = scf.for %scan3A_270 = %scan3A_197 to %scan3A_199 step %scan3A_200 iter_args(%scan3A_271 = %scan3A_196) -> (i32)  : i32 {
          %mul3A_272 = arith.constant 16 : i32
          %mul3A_273 = arith.muli %scan3A_270, %mul3A_272 : i32
          %get3A_274 = arith.constant 9 : i32
          %get3A_275 = arith.index_cast %get3A_274 : i32 to index
          %get3A_276 = arith.index_cast %mul3A_273 : i32 to index
          %get3A_277 = tpu.vector_load %arg13[%get3A_275, %get3A_276] {strides = array<i32>} : memref<16x128xf32, #tpu.memory_space<vmem>>, vector<16xf32>,
          %add3A_278 = arith.addi %mul3A_195, %mul3A_273 : i32
          %get3A_279 = arith.index_cast %add3A_278 : i32 to index
          %get3A_280 = tpu.vector_load %arg7[%get3A_279] {strides = array<i32>} : memref<40192xf32, #tpu.memory_space<vmem>>, vector<16xf32>,
          %add3A_281 = arith.addf %get3A_280, %get3A_277 : vector<16xf32>
          %swap3A_282 = arith.index_cast %add3A_278 : i32 to index
          %swap3A_283 = tpu.vector_load %arg7[%swap3A_282] {strides = array<i32>} : memref<40192xf32, #tpu.memory_space<vmem>>, vector<16xf32>,
          tpu.vector_store %arg7[%swap3A_282], %add3A_281 {strides = array<i32>} : memref<40192xf32, #tpu.memory_space<vmem>>, vector<16xf32>,
          %get3A_284 = arith.index_cast %add3A_278 : i32 to index
          %get3A_285 = tpu.vector_load %arg8[%get3A_284] {strides = array<i32>} : memref<40192xf32, #tpu.memory_space<vmem>>, vector<16xf32>,
          %max3A = arith.maximumf %get3A_285, %get3A_277 : vector<16xf32>
          %swap3A_286 = arith.index_cast %add3A_278 : i32 to index
          %swap3A_287 = tpu.vector_load %arg8[%swap3A_286] {strides = array<i32>} : memref<40192xf32, #tpu.memory_space<vmem>>, vector<16xf32>,
          tpu.vector_store %arg8[%swap3A_286], %max3A {strides = array<i32>} : memref<40192xf32, #tpu.memory_space<vmem>>, vector<16xf32>,
          %get3A_288 = arith.index_cast %add3A_278 : i32 to index
          %get3A_289 = tpu.vector_load %arg9[%get3A_288] {strides = array<i32>} : memref<40192xf32, #tpu.memory_space<vmem>>, vector<16xf32>,
          %mul3A_290 = arith.mulf %get3A_277, %get3A_277 : vector<16xf32>
          %add3A_291 = arith.addf %get3A_289, %mul3A_290 : vector<16xf32>
          %swap3A_292 = arith.index_cast %add3A_278 : i32 to index
          %swap3A_293 = tpu.vector_load %arg9[%swap3A_292] {strides = array<i32>} : memref<40192xf32, #tpu.memory_space<vmem>>, vector<16xf32>,
          tpu.vector_store %arg9[%swap3A_292], %add3A_291 {strides = array<i32>} : memref<40192xf32, #tpu.memory_space<vmem>>, vector<16xf32>,
          %scan3A_294 = arith.constant 0 : i32
          scf.yield %scan3A_294 : i32
        }
        %scan3A_202 = arith.constant 8 : i32
        %slice3A_203 = vector.extract_strided_slice %get3A_94 {offsets = [10], sizes = [1], strides = [1]} : vector<16xi32> to vector<1xi32>
        %squeeze3A_204 = vector.extract %slice3A_203[0] : i32 from vector<1xi32>
        %mul3A_205 = arith.constant 128 : i32
        %mul3A_206 = arith.muli %squeeze3A_204, %mul3A_205 : i32
        %scan3A_207 = arith.constant 0 : i32
        %scan3A_208 = arith.constant 0 : i32
        %scan3A_209 = arith.constant 8 : i32
        %scan3A_210 = arith.addi %scan3A_208, %scan3A_209 : i32
        %scan3A_211 = arith.constant 1 : i32
        %scan3A_212 = scf.for %scan3A_270 = %scan3A_208 to %scan3A_210 step %scan3A_211 iter_args(%scan3A_271 = %scan3A_207) -> (i32)  : i32 {
          %mul3A_272 = arith.constant 16 : i32
          %mul3A_273 = arith.muli %scan3A_270, %mul3A_272 : i32
          %get3A_274 = arith.constant 10 : i32
          %get3A_275 = arith.index_cast %get3A_274 : i32 to index
          %get3A_276 = arith.index_cast %mul3A_273 : i32 to index
          %get3A_277 = tpu.vector_load %arg13[%get3A_275, %get3A_276] {strides = array<i32>} : memref<16x128xf32, #tpu.memory_space<vmem>>, vector<16xf32>,
          %add3A_278 = arith.addi %mul3A_206, %mul3A_273 : i32
          %get3A_279 = arith.index_cast %add3A_278 : i32 to index
          %get3A_280 = tpu.vector_load %arg7[%get3A_279] {strides = array<i32>} : memref<40192xf32, #tpu.memory_space<vmem>>, vector<16xf32>,
          %add3A_281 = arith.addf %get3A_280, %get3A_277 : vector<16xf32>
          %swap3A_282 = arith.index_cast %add3A_278 : i32 to index
          %swap3A_283 = tpu.vector_load %arg7[%swap3A_282] {strides = array<i32>} : memref<40192xf32, #tpu.memory_space<vmem>>, vector<16xf32>,
          tpu.vector_store %arg7[%swap3A_282], %add3A_281 {strides = array<i32>} : memref<40192xf32, #tpu.memory_space<vmem>>, vector<16xf32>,
          %get3A_284 = arith.index_cast %add3A_278 : i32 to index
          %get3A_285 = tpu.vector_load %arg8[%get3A_284] {strides = array<i32>} : memref<40192xf32, #tpu.memory_space<vmem>>, vector<16xf32>,
          %max3A = arith.maximumf %get3A_285, %get3A_277 : vector<16xf32>
          %swap3A_286 = arith.index_cast %add3A_278 : i32 to index
          %swap3A_287 = tpu.vector_load %arg8[%swap3A_286] {strides = array<i32>} : memref<40192xf32, #tpu.memory_space<vmem>>, vector<16xf32>,
          tpu.vector_store %arg8[%swap3A_286], %max3A {strides = array<i32>} : memref<40192xf32, #tpu.memory_space<vmem>>, vector<16xf32>,
          %get3A_288 = arith.index_cast %add3A_278 : i32 to index
          %get3A_289 = tpu.vector_load %arg9[%get3A_288] {strides = array<i32>} : memref<40192xf32, #tpu.memory_space<vmem>>, vector<16xf32>,
          %mul3A_290 = arith.mulf %get3A_277, %get3A_277 : vector<16xf32>
          %add3A_291 = arith.addf %get3A_289, %mul3A_290 : vector<16xf32>
          %swap3A_292 = arith.index_cast %add3A_278 : i32 to index
          %swap3A_293 = tpu.vector_load %arg9[%swap3A_292] {strides = array<i32>} : memref<40192xf32, #tpu.memory_space<vmem>>, vector<16xf32>,
          tpu.vector_store %arg9[%swap3A_292], %add3A_291 {strides = array<i32>} : memref<40192xf32, #tpu.memory_space<vmem>>, vector<16xf32>,
          %scan3A_294 = arith.constant 0 : i32
          scf.yield %scan3A_294 : i32
        }
        %scan3A_213 = arith.constant 8 : i32
        %slice3A_214 = vector.extract_strided_slice %get3A_94 {offsets = [11], sizes = [1], strides = [1]} : vector<16xi32> to vector<1xi32>
        %squeeze3A_215 = vector.extract %slice3A_214[0] : i32 from vector<1xi32>
        %mul3A_216 = arith.constant 128 : i32
        %mul3A_217 = arith.muli %squeeze3A_215, %mul3A_216 : i32
        %scan3A_218 = arith.constant 0 : i32
        %scan3A_219 = arith.constant 0 : i32
        %scan3A_220 = arith.constant 8 : i32
        %scan3A_221 = arith.addi %scan3A_219, %scan3A_220 : i32
        %scan3A_222 = arith.constant 1 : i32
        %scan3A_223 = scf.for %scan3A_270 = %scan3A_219 to %scan3A_221 step %scan3A_222 iter_args(%scan3A_271 = %scan3A_218) -> (i32)  : i32 {
          %mul3A_272 = arith.constant 16 : i32
          %mul3A_273 = arith.muli %scan3A_270, %mul3A_272 : i32
          %get3A_274 = arith.constant 11 : i32
          %get3A_275 = arith.index_cast %get3A_274 : i32 to index
          %get3A_276 = arith.index_cast %mul3A_273 : i32 to index
          %get3A_277 = tpu.vector_load %arg13[%get3A_275, %get3A_276] {strides = array<i32>} : memref<16x128xf32, #tpu.memory_space<vmem>>, vector<16xf32>,
          %add3A_278 = arith.addi %mul3A_217, %mul3A_273 : i32
          %get3A_279 = arith.index_cast %add3A_278 : i32 to index
          %get3A_280 = tpu.vector_load %arg7[%get3A_279] {strides = array<i32>} : memref<40192xf32, #tpu.memory_space<vmem>>, vector<16xf32>,
          %add3A_281 = arith.addf %get3A_280, %get3A_277 : vector<16xf32>
          %swap3A_282 = arith.index_cast %add3A_278 : i32 to index
          %swap3A_283 = tpu.vector_load %arg7[%swap3A_282] {strides = array<i32>} : memref<40192xf32, #tpu.memory_space<vmem>>, vector<16xf32>,
          tpu.vector_store %arg7[%swap3A_282], %add3A_281 {strides = array<i32>} : memref<40192xf32, #tpu.memory_space<vmem>>, vector<16xf32>,
          %get3A_284 = arith.index_cast %add3A_278 : i32 to index
          %get3A_285 = tpu.vector_load %arg8[%get3A_284] {strides = array<i32>} : memref<40192xf32, #tpu.memory_space<vmem>>, vector<16xf32>,
          %max3A = arith.maximumf %get3A_285, %get3A_277 : vector<16xf32>
          %swap3A_286 = arith.index_cast %add3A_278 : i32 to index
          %swap3A_287 = tpu.vector_load %arg8[%swap3A_286] {strides = array<i32>} : memref<40192xf32, #tpu.memory_space<vmem>>, vector<16xf32>,
          tpu.vector_store %arg8[%swap3A_286], %max3A {strides = array<i32>} : memref<40192xf32, #tpu.memory_space<vmem>>, vector<16xf32>,
          %get3A_288 = arith.index_cast %add3A_278 : i32 to index
          %get3A_289 = tpu.vector_load %arg9[%get3A_288] {strides = array<i32>} : memref<40192xf32, #tpu.memory_space<vmem>>, vector<16xf32>,
          %mul3A_290 = arith.mulf %get3A_277, %get3A_277 : vector<16xf32>
          %add3A_291 = arith.addf %get3A_289, %mul3A_290 : vector<16xf32>
          %swap3A_292 = arith.index_cast %add3A_278 : i32 to index
          %swap3A_293 = tpu.vector_load %arg9[%swap3A_292] {strides = array<i32>} : memref<40192xf32, #tpu.memory_space<vmem>>, vector<16xf32>,
          tpu.vector_store %arg9[%swap3A_292], %add3A_291 {strides = array<i32>} : memref<40192xf32, #tpu.memory_space<vmem>>, vector<16xf32>,
          %scan3A_294 = arith.constant 0 : i32
          scf.yield %scan3A_294 : i32
        }
        %scan3A_224 = arith.constant 8 : i32
        %slice3A_225 = vector.extract_strided_slice %get3A_94 {offsets = [12], sizes = [1], strides = [1]} : vector<16xi32> to vector<1xi32>
        %squeeze3A_226 = vector.extract %slice3A_225[0] : i32 from vector<1xi32>
        %mul3A_227 = arith.constant 128 : i32
        %mul3A_228 = arith.muli %squeeze3A_226, %mul3A_227 : i32
        %scan3A_229 = arith.constant 0 : i32
        %scan3A_230 = arith.constant 0 : i32
        %scan3A_231 = arith.constant 8 : i32
        %scan3A_232 = arith.addi %scan3A_230, %scan3A_231 : i32
        %scan3A_233 = arith.constant 1 : i32
        %scan3A_234 = scf.for %scan3A_270 = %scan3A_230 to %scan3A_232 step %scan3A_233 iter_args(%scan3A_271 = %scan3A_229) -> (i32)  : i32 {
          %mul3A_272 = arith.constant 16 : i32
          %mul3A_273 = arith.muli %scan3A_270, %mul3A_272 : i32
          %get3A_274 = arith.constant 12 : i32
          %get3A_275 = arith.index_cast %get3A_274 : i32 to index
          %get3A_276 = arith.index_cast %mul3A_273 : i32 to index
          %get3A_277 = tpu.vector_load %arg13[%get3A_275, %get3A_276] {strides = array<i32>} : memref<16x128xf32, #tpu.memory_space<vmem>>, vector<16xf32>,
          %add3A_278 = arith.addi %mul3A_228, %mul3A_273 : i32
          %get3A_279 = arith.index_cast %add3A_278 : i32 to index
          %get3A_280 = tpu.vector_load %arg7[%get3A_279] {strides = array<i32>} : memref<40192xf32, #tpu.memory_space<vmem>>, vector<16xf32>,
          %add3A_281 = arith.addf %get3A_280, %get3A_277 : vector<16xf32>
          %swap3A_282 = arith.index_cast %add3A_278 : i32 to index
          %swap3A_283 = tpu.vector_load %arg7[%swap3A_282] {strides = array<i32>} : memref<40192xf32, #tpu.memory_space<vmem>>, vector<16xf32>,
          tpu.vector_store %arg7[%swap3A_282], %add3A_281 {strides = array<i32>} : memref<40192xf32, #tpu.memory_space<vmem>>, vector<16xf32>,
          %get3A_284 = arith.index_cast %add3A_278 : i32 to index
          %get3A_285 = tpu.vector_load %arg8[%get3A_284] {strides = array<i32>} : memref<40192xf32, #tpu.memory_space<vmem>>, vector<16xf32>,
          %max3A = arith.maximumf %get3A_285, %get3A_277 : vector<16xf32>
          %swap3A_286 = arith.index_cast %add3A_278 : i32 to index
          %swap3A_287 = tpu.vector_load %arg8[%swap3A_286] {strides = array<i32>} : memref<40192xf32, #tpu.memory_space<vmem>>, vector<16xf32>,
          tpu.vector_store %arg8[%swap3A_286], %max3A {strides = array<i32>} : memref<40192xf32, #tpu.memory_space<vmem>>, vector<16xf32>,
          %get3A_288 = arith.index_cast %add3A_278 : i32 to index
          %get3A_289 = tpu.vector_load %arg9[%get3A_288] {strides = array<i32>} : memref<40192xf32, #tpu.memory_space<vmem>>, vector<16xf32>,
          %mul3A_290 = arith.mulf %get3A_277, %get3A_277 : vector<16xf32>
          %add3A_291 = arith.addf %get3A_289, %mul3A_290 : vector<16xf32>
          %swap3A_292 = arith.index_cast %add3A_278 : i32 to index
          %swap3A_293 = tpu.vector_load %arg9[%swap3A_292] {strides = array<i32>} : memref<40192xf32, #tpu.memory_space<vmem>>, vector<16xf32>,
          tpu.vector_store %arg9[%swap3A_292], %add3A_291 {strides = array<i32>} : memref<40192xf32, #tpu.memory_space<vmem>>, vector<16xf32>,
          %scan3A_294 = arith.constant 0 : i32
          scf.yield %scan3A_294 : i32
        }
        %scan3A_235 = arith.constant 8 : i32
        %slice3A_236 = vector.extract_strided_slice %get3A_94 {offsets = [13], sizes = [1], strides = [1]} : vector<16xi32> to vector<1xi32>
        %squeeze3A_237 = vector.extract %slice3A_236[0] : i32 from vector<1xi32>
        %mul3A_238 = arith.constant 128 : i32
        %mul3A_239 = arith.muli %squeeze3A_237, %mul3A_238 : i32
        %scan3A_240 = arith.constant 0 : i32
        %scan3A_241 = arith.constant 0 : i32
        %scan3A_242 = arith.constant 8 : i32
        %scan3A_243 = arith.addi %scan3A_241, %scan3A_242 : i32
        %scan3A_244 = arith.constant 1 : i32
        %scan3A_245 = scf.for %scan3A_270 = %scan3A_241 to %scan3A_243 step %scan3A_244 iter_args(%scan3A_271 = %scan3A_240) -> (i32)  : i32 {
          %mul3A_272 = arith.constant 16 : i32
          %mul3A_273 = arith.muli %scan3A_270, %mul3A_272 : i32
          %get3A_274 = arith.constant 13 : i32
          %get3A_275 = arith.index_cast %get3A_274 : i32 to index
          %get3A_276 = arith.index_cast %mul3A_273 : i32 to index
          %get3A_277 = tpu.vector_load %arg13[%get3A_275, %get3A_276] {strides = array<i32>} : memref<16x128xf32, #tpu.memory_space<vmem>>, vector<16xf32>,
          %add3A_278 = arith.addi %mul3A_239, %mul3A_273 : i32
          %get3A_279 = arith.index_cast %add3A_278 : i32 to index
          %get3A_280 = tpu.vector_load %arg7[%get3A_279] {strides = array<i32>} : memref<40192xf32, #tpu.memory_space<vmem>>, vector<16xf32>,
          %add3A_281 = arith.addf %get3A_280, %get3A_277 : vector<16xf32>
          %swap3A_282 = arith.index_cast %add3A_278 : i32 to index
          %swap3A_283 = tpu.vector_load %arg7[%swap3A_282] {strides = array<i32>} : memref<40192xf32, #tpu.memory_space<vmem>>, vector<16xf32>,
          tpu.vector_store %arg7[%swap3A_282], %add3A_281 {strides = array<i32>} : memref<40192xf32, #tpu.memory_space<vmem>>, vector<16xf32>,
          %get3A_284 = arith.index_cast %add3A_278 : i32 to index
          %get3A_285 = tpu.vector_load %arg8[%get3A_284] {strides = array<i32>} : memref<40192xf32, #tpu.memory_space<vmem>>, vector<16xf32>,
          %max3A = arith.maximumf %get3A_285, %get3A_277 : vector<16xf32>
          %swap3A_286 = arith.index_cast %add3A_278 : i32 to index
          %swap3A_287 = tpu.vector_load %arg8[%swap3A_286] {strides = array<i32>} : memref<40192xf32, #tpu.memory_space<vmem>>, vector<16xf32>,
          tpu.vector_store %arg8[%swap3A_286], %max3A {strides = array<i32>} : memref<40192xf32, #tpu.memory_space<vmem>>, vector<16xf32>,
          %get3A_288 = arith.index_cast %add3A_278 : i32 to index
          %get3A_289 = tpu.vector_load %arg9[%get3A_288] {strides = array<i32>} : memref<40192xf32, #tpu.memory_space<vmem>>, vector<16xf32>,
          %mul3A_290 = arith.mulf %get3A_277, %get3A_277 : vector<16xf32>
          %add3A_291 = arith.addf %get3A_289, %mul3A_290 : vector<16xf32>
          %swap3A_292 = arith.index_cast %add3A_278 : i32 to index
          %swap3A_293 = tpu.vector_load %arg9[%swap3A_292] {strides = array<i32>} : memref<40192xf32, #tpu.memory_space<vmem>>, vector<16xf32>,
          tpu.vector_store %arg9[%swap3A_292], %add3A_291 {strides = array<i32>} : memref<40192xf32, #tpu.memory_space<vmem>>, vector<16xf32>,
          %scan3A_294 = arith.constant 0 : i32
          scf.yield %scan3A_294 : i32
        }
        %scan3A_246 = arith.constant 8 : i32
        %slice3A_247 = vector.extract_strided_slice %get3A_94 {offsets = [14], sizes = [1], strides = [1]} : vector<16xi32> to vector<1xi32>
        %squeeze3A_248 = vector.extract %slice3A_247[0] : i32 from vector<1xi32>
        %mul3A_249 = arith.constant 128 : i32
        %mul3A_250 = arith.muli %squeeze3A_248, %mul3A_249 : i32
        %scan3A_251 = arith.constant 0 : i32
        %scan3A_252 = arith.constant 0 : i32
        %scan3A_253 = arith.constant 8 : i32
        %scan3A_254 = arith.addi %scan3A_252, %scan3A_253 : i32
        %scan3A_255 = arith.constant 1 : i32
        %scan3A_256 = scf.for %scan3A_270 = %scan3A_252 to %scan3A_254 step %scan3A_255 iter_args(%scan3A_271 = %scan3A_251) -> (i32)  : i32 {
          %mul3A_272 = arith.constant 16 : i32
          %mul3A_273 = arith.muli %scan3A_270, %mul3A_272 : i32
          %get3A_274 = arith.constant 14 : i32
          %get3A_275 = arith.index_cast %get3A_274 : i32 to index
          %get3A_276 = arith.index_cast %mul3A_273 : i32 to index
          %get3A_277 = tpu.vector_load %arg13[%get3A_275, %get3A_276] {strides = array<i32>} : memref<16x128xf32, #tpu.memory_space<vmem>>, vector<16xf32>,
          %add3A_278 = arith.addi %mul3A_250, %mul3A_273 : i32
          %get3A_279 = arith.index_cast %add3A_278 : i32 to index
          %get3A_280 = tpu.vector_load %arg7[%get3A_279] {strides = array<i32>} : memref<40192xf32, #tpu.memory_space<vmem>>, vector<16xf32>,
          %add3A_281 = arith.addf %get3A_280, %get3A_277 : vector<16xf32>
          %swap3A_282 = arith.index_cast %add3A_278 : i32 to index
          %swap3A_283 = tpu.vector_load %arg7[%swap3A_282] {strides = array<i32>} : memref<40192xf32, #tpu.memory_space<vmem>>, vector<16xf32>,
          tpu.vector_store %arg7[%swap3A_282], %add3A_281 {strides = array<i32>} : memref<40192xf32, #tpu.memory_space<vmem>>, vector<16xf32>,
          %get3A_284 = arith.index_cast %add3A_278 : i32 to index
          %get3A_285 = tpu.vector_load %arg8[%get3A_284] {strides = array<i32>} : memref<40192xf32, #tpu.memory_space<vmem>>, vector<16xf32>,
          %max3A = arith.maximumf %get3A_285, %get3A_277 : vector<16xf32>
          %swap3A_286 = arith.index_cast %add3A_278 : i32 to index
          %swap3A_287 = tpu.vector_load %arg8[%swap3A_286] {strides = array<i32>} : memref<40192xf32, #tpu.memory_space<vmem>>, vector<16xf32>,
          tpu.vector_store %arg8[%swap3A_286], %max3A {strides = array<i32>} : memref<40192xf32, #tpu.memory_space<vmem>>, vector<16xf32>,
          %get3A_288 = arith.index_cast %add3A_278 : i32 to index
          %get3A_289 = tpu.vector_load %arg9[%get3A_288] {strides = array<i32>} : memref<40192xf32, #tpu.memory_space<vmem>>, vector<16xf32>,
          %mul3A_290 = arith.mulf %get3A_277, %get3A_277 : vector<16xf32>
          %add3A_291 = arith.addf %get3A_289, %mul3A_290 : vector<16xf32>
          %swap3A_292 = arith.index_cast %add3A_278 : i32 to index
          %swap3A_293 = tpu.vector_load %arg9[%swap3A_292] {strides = array<i32>} : memref<40192xf32, #tpu.memory_space<vmem>>, vector<16xf32>,
          tpu.vector_store %arg9[%swap3A_292], %add3A_291 {strides = array<i32>} : memref<40192xf32, #tpu.memory_space<vmem>>, vector<16xf32>,
          %scan3A_294 = arith.constant 0 : i32
          scf.yield %scan3A_294 : i32
        }
        %scan3A_257 = arith.constant 8 : i32
        %slice3A_258 = vector.extract_strided_slice %get3A_94 {offsets = [15], sizes = [1], strides = [1]} : vector<16xi32> to vector<1xi32>
        %squeeze3A_259 = vector.extract %slice3A_258[0] : i32 from vector<1xi32>
        %mul3A_260 = arith.constant 128 : i32
        %mul3A_261 = arith.muli %squeeze3A_259, %mul3A_260 : i32
        %scan3A_262 = arith.constant 0 : i32
        %scan3A_263 = arith.constant 0 : i32
        %scan3A_264 = arith.constant 8 : i32
        %scan3A_265 = arith.addi %scan3A_263, %scan3A_264 : i32
        %scan3A_266 = arith.constant 1 : i32
        %scan3A_267 = scf.for %scan3A_270 = %scan3A_263 to %scan3A_265 step %scan3A_266 iter_args(%scan3A_271 = %scan3A_262) -> (i32)  : i32 {
          %mul3A_272 = arith.constant 16 : i32
          %mul3A_273 = arith.muli %scan3A_270, %mul3A_272 : i32
          %get3A_274 = arith.constant 15 : i32
          %get3A_275 = arith.index_cast %get3A_274 : i32 to index
          %get3A_276 = arith.index_cast %mul3A_273 : i32 to index
          %get3A_277 = tpu.vector_load %arg13[%get3A_275, %get3A_276] {strides = array<i32>} : memref<16x128xf32, #tpu.memory_space<vmem>>, vector<16xf32>,
          %add3A_278 = arith.addi %mul3A_261, %mul3A_273 : i32
          %get3A_279 = arith.index_cast %add3A_278 : i32 to index
          %get3A_280 = tpu.vector_load %arg7[%get3A_279] {strides = array<i32>} : memref<40192xf32, #tpu.memory_space<vmem>>, vector<16xf32>,
          %add3A_281 = arith.addf %get3A_280, %get3A_277 : vector<16xf32>
          %swap3A_282 = arith.index_cast %add3A_278 : i32 to index
          %swap3A_283 = tpu.vector_load %arg7[%swap3A_282] {strides = array<i32>} : memref<40192xf32, #tpu.memory_space<vmem>>, vector<16xf32>,
          tpu.vector_store %arg7[%swap3A_282], %add3A_281 {strides = array<i32>} : memref<40192xf32, #tpu.memory_space<vmem>>, vector<16xf32>,
          %get3A_284 = arith.index_cast %add3A_278 : i32 to index
          %get3A_285 = tpu.vector_load %arg8[%get3A_284] {strides = array<i32>} : memref<40192xf32, #tpu.memory_space<vmem>>, vector<16xf32>,
          %max3A = arith.maximumf %get3A_285, %get3A_277 : vector<16xf32>
          %swap3A_286 = arith.index_cast %add3A_278 : i32 to index
          %swap3A_287 = tpu.vector_load %arg8[%swap3A_286] {strides = array<i32>} : memref<40192xf32, #tpu.memory_space<vmem>>, vector<16xf32>,
          tpu.vector_store %arg8[%swap3A_286], %max3A {strides = array<i32>} : memref<40192xf32, #tpu.memory_space<vmem>>, vector<16xf32>,
          %get3A_288 = arith.index_cast %add3A_278 : i32 to index
          %get3A_289 = tpu.vector_load %arg9[%get3A_288] {strides = array<i32>} : memref<40192xf32, #tpu.memory_space<vmem>>, vector<16xf32>,
          %mul3A_290 = arith.mulf %get3A_277, %get3A_277 : vector<16xf32>
          %add3A_291 = arith.addf %get3A_289, %mul3A_290 : vector<16xf32>
          %swap3A_292 = arith.index_cast %add3A_278 : i32 to index
          %swap3A_293 = tpu.vector_load %arg9[%swap3A_292] {strides = array<i32>} : memref<40192xf32, #tpu.memory_space<vmem>>, vector<16xf32>,
          tpu.vector_store %arg9[%swap3A_292], %add3A_291 {strides = array<i32>} : memref<40192xf32, #tpu.memory_space<vmem>>, vector<16xf32>,
          %scan3A_294 = arith.constant 0 : i32
          scf.yield %scan3A_294 : i32
        }
        %scan3A_268 = arith.constant 8 : i32
        %while3A_269 = arith.constant 0 : i32
        scf.yield %while3A_269 : i32
      }
      %while3A_76 = arith.constant 1 : i32
      %while3A_77 = scf.for %while3A_79 = %while3A_73 to %while3A_69 step %while3A_76 iter_args(%while3A_80 = %while3A_75) -> (i32)  : i32 {
        %mul3A_81 = arith.constant 16 : i32
        %mul3A_82 = arith.muli %while3A_79, %mul3A_81 : i32
        %dma_start3A = tpu.memref_slice %arg11[%mul3A_82] : memref<1632xi32, #tpu.memory_space<vmem>> -> memref<16xi32, #tpu.memory_space<vmem>>
        %dma_start3A_83 = arith.constant 0 : i32
        %dma_start3A_84 = arith.constant 0 : i32
        %dma_start3A_85 = tpu.memref_slice %arg2[%dma_start3A_83, %dma_start3A_84] : memref<320000x128xf32, #tpu.memory_space<hbm>> -> memref<320000x128xf32, #tpu.memory_space<hbm>>
        %dma_start3A_86 = arith.constant -1 : i32
        tpu.enqueue_indirect_dma source(%dma_start3A_85 : memref<320000x128xf32, #tpu.memory_space<hbm>>) target(%arg13 : memref<16x128xf32, #tpu.memory_space<vmem>>) offsets(%dma_start3A : memref<16xi32, #tpu.memory_space<vmem>>) offset_filter(%dma_start3A_86) semaphore(%arg14 : memref<!tpu.dma_semaphore, #tpu.memory_space<semaphore_mem>>)
        %dma_wait3A = tpu.memref_slice %arg11[%mul3A_82] : memref<1632xi32, #tpu.memory_space<vmem>> -> memref<16xi32, #tpu.memory_space<vmem>>
        %dma_wait3A_87 = arith.constant 0 : i32
        %dma_wait3A_88 = arith.constant 0 : i32
        %dma_wait3A_89 = tpu.memref_slice %arg2[%dma_wait3A_87, %dma_wait3A_88] : memref<320000x128xf32, #tpu.memory_space<hbm>> -> memref<320000x128xf32, #tpu.memory_space<hbm>>
        tpu.wait_indirect_dma semaphore(%arg14 : memref<!tpu.dma_semaphore, #tpu.memory_space<semaphore_mem>>) src(%dma_wait3A_89 : memref<320000x128xf32, #tpu.memory_space<hbm>>) dst(%arg13 : memref<16x128xf32, #tpu.memory_space<vmem>>)
        %mul3A_90 = arith.constant 16 : i32
        %mul3A_91 = arith.muli %while3A_79, %mul3A_90 : i32
        %add3A_92 = arith.constant 0 : i32
        %add3A_93 = arith.addi %mul3A_91, %add3A_92 : i32
        %get3A = arith.index_cast %add3A_93 : i32 to index
        %get3A_94 = tpu.vector_load %arg12[%get3A] {strides = array<i32>} : memref<1632xi32, #tpu.memory_space<vmem>>, vector<16xi32>,
        %slice3A = vector.extract_strided_slice %get3A_94 {offsets = [0], sizes = [1], strides = [1]} : vector<16xi32> to vector<1xi32>
        %squeeze3A = vector.extract %slice3A[0] : i32 from vector<1xi32>
        %mul3A_95 = arith.constant 128 : i32
        %mul3A_96 = arith.muli %squeeze3A, %mul3A_95 : i32
        %scan3A_97 = arith.constant 0 : i32
        %scan3A_98 = arith.constant 0 : i32
        %scan3A_99 = arith.constant 8 : i32
        %scan3A_100 = arith.addi %scan3A_98, %scan3A_99 : i32
        %scan3A_101 = arith.constant 1 : i32
        %scan3A_102 = scf.for %scan3A_270 = %scan3A_98 to %scan3A_100 step %scan3A_101 iter_args(%scan3A_271 = %scan3A_97) -> (i32)  : i32 {
          %mul3A_272 = arith.constant 16 : i32
          %mul3A_273 = arith.muli %scan3A_270, %mul3A_272 : i32
          %get3A_274 = arith.constant 0 : i32
          %get3A_275 = arith.index_cast %get3A_274 : i32 to index
          %get3A_276 = arith.index_cast %mul3A_273 : i32 to index
          %get3A_277 = tpu.vector_load %arg13[%get3A_275, %get3A_276] {strides = array<i32>} : memref<16x128xf32, #tpu.memory_space<vmem>>, vector<16xf32>,
          %add3A_278 = arith.addi %mul3A_96, %mul3A_273 : i32
          %get3A_279 = arith.index_cast %add3A_278 : i32 to index
          %get3A_280 = tpu.vector_load %arg7[%get3A_279] {strides = array<i32>} : memref<40192xf32, #tpu.memory_space<vmem>>, vector<16xf32>,
          %add3A_281 = arith.addf %get3A_280, %get3A_277 : vector<16xf32>
          %swap3A_282 = arith.index_cast %add3A_278 : i32 to index
          %swap3A_283 = tpu.vector_load %arg7[%swap3A_282] {strides = array<i32>} : memref<40192xf32, #tpu.memory_space<vmem>>, vector<16xf32>,
          tpu.vector_store %arg7[%swap3A_282], %add3A_281 {strides = array<i32>} : memref<40192xf32, #tpu.memory_space<vmem>>, vector<16xf32>,
          %get3A_284 = arith.index_cast %add3A_278 : i32 to index
          %get3A_285 = tpu.vector_load %arg8[%get3A_284] {strides = array<i32>} : memref<40192xf32, #tpu.memory_space<vmem>>, vector<16xf32>,
          %max3A = arith.maximumf %get3A_285, %get3A_277 : vector<16xf32>
          %swap3A_286 = arith.index_cast %add3A_278 : i32 to index
          %swap3A_287 = tpu.vector_load %arg8[%swap3A_286] {strides = array<i32>} : memref<40192xf32, #tpu.memory_space<vmem>>, vector<16xf32>,
          tpu.vector_store %arg8[%swap3A_286], %max3A {strides = array<i32>} : memref<40192xf32, #tpu.memory_space<vmem>>, vector<16xf32>,
          %get3A_288 = arith.index_cast %add3A_278 : i32 to index
          %get3A_289 = tpu.vector_load %arg9[%get3A_288] {strides = array<i32>} : memref<40192xf32, #tpu.memory_space<vmem>>, vector<16xf32>,
          %mul3A_290 = arith.mulf %get3A_277, %get3A_277 : vector<16xf32>
          %add3A_291 = arith.addf %get3A_289, %mul3A_290 : vector<16xf32>
          %swap3A_292 = arith.index_cast %add3A_278 : i32 to index
          %swap3A_293 = tpu.vector_load %arg9[%swap3A_292] {strides = array<i32>} : memref<40192xf32, #tpu.memory_space<vmem>>, vector<16xf32>,
          tpu.vector_store %arg9[%swap3A_292], %add3A_291 {strides = array<i32>} : memref<40192xf32, #tpu.memory_space<vmem>>, vector<16xf32>,
          %scan3A_294 = arith.constant 0 : i32
          scf.yield %scan3A_294 : i32
        }
        %scan3A_103 = arith.constant 8 : i32
        %slice3A_104 = vector.extract_strided_slice %get3A_94 {offsets = [1], sizes = [1], strides = [1]} : vector<16xi32> to vector<1xi32>
        %squeeze3A_105 = vector.extract %slice3A_104[0] : i32 from vector<1xi32>
        %mul3A_106 = arith.constant 128 : i32
        %mul3A_107 = arith.muli %squeeze3A_105, %mul3A_106 : i32
        %scan3A_108 = arith.constant 0 : i32
        %scan3A_109 = arith.constant 0 : i32
        %scan3A_110 = arith.constant 8 : i32
        %scan3A_111 = arith.addi %scan3A_109, %scan3A_110 : i32
        %scan3A_112 = arith.constant 1 : i32
        %scan3A_113 = scf.for %scan3A_270 = %scan3A_109 to %scan3A_111 step %scan3A_112 iter_args(%scan3A_271 = %scan3A_108) -> (i32)  : i32 {
          %mul3A_272 = arith.constant 16 : i32
          %mul3A_273 = arith.muli %scan3A_270, %mul3A_272 : i32
          %get3A_274 = arith.constant 1 : i32
          %get3A_275 = arith.index_cast %get3A_274 : i32 to index
          %get3A_276 = arith.index_cast %mul3A_273 : i32 to index
          %get3A_277 = tpu.vector_load %arg13[%get3A_275, %get3A_276] {strides = array<i32>} : memref<16x128xf32, #tpu.memory_space<vmem>>, vector<16xf32>,
          %add3A_278 = arith.addi %mul3A_107, %mul3A_273 : i32
          %get3A_279 = arith.index_cast %add3A_278 : i32 to index
          %get3A_280 = tpu.vector_load %arg7[%get3A_279] {strides = array<i32>} : memref<40192xf32, #tpu.memory_space<vmem>>, vector<16xf32>,
          %add3A_281 = arith.addf %get3A_280, %get3A_277 : vector<16xf32>
          %swap3A_282 = arith.index_cast %add3A_278 : i32 to index
          %swap3A_283 = tpu.vector_load %arg7[%swap3A_282] {strides = array<i32>} : memref<40192xf32, #tpu.memory_space<vmem>>, vector<16xf32>,
          tpu.vector_store %arg7[%swap3A_282], %add3A_281 {strides = array<i32>} : memref<40192xf32, #tpu.memory_space<vmem>>, vector<16xf32>,
          %get3A_284 = arith.index_cast %add3A_278 : i32 to index
          %get3A_285 = tpu.vector_load %arg8[%get3A_284] {strides = array<i32>} : memref<40192xf32, #tpu.memory_space<vmem>>, vector<16xf32>,
          %max3A = arith.maximumf %get3A_285, %get3A_277 : vector<16xf32>
          %swap3A_286 = arith.index_cast %add3A_278 : i32 to index
          %swap3A_287 = tpu.vector_load %arg8[%swap3A_286] {strides = array<i32>} : memref<40192xf32, #tpu.memory_space<vmem>>, vector<16xf32>,
          tpu.vector_store %arg8[%swap3A_286], %max3A {strides = array<i32>} : memref<40192xf32, #tpu.memory_space<vmem>>, vector<16xf32>,
          %get3A_288 = arith.index_cast %add3A_278 : i32 to index
          %get3A_289 = tpu.vector_load %arg9[%get3A_288] {strides = array<i32>} : memref<40192xf32, #tpu.memory_space<vmem>>, vector<16xf32>,
          %mul3A_290 = arith.mulf %get3A_277, %get3A_277 : vector<16xf32>
          %add3A_291 = arith.addf %get3A_289, %mul3A_290 : vector<16xf32>
          %swap3A_292 = arith.index_cast %add3A_278 : i32 to index
          %swap3A_293 = tpu.vector_load %arg9[%swap3A_292] {strides = array<i32>} : memref<40192xf32, #tpu.memory_space<vmem>>, vector<16xf32>,
          tpu.vector_store %arg9[%swap3A_292], %add3A_291 {strides = array<i32>} : memref<40192xf32, #tpu.memory_space<vmem>>, vector<16xf32>,
          %scan3A_294 = arith.constant 0 : i32
          scf.yield %scan3A_294 : i32
        }
        %scan3A_114 = arith.constant 8 : i32
        %slice3A_115 = vector.extract_strided_slice %get3A_94 {offsets = [2], sizes = [1], strides = [1]} : vector<16xi32> to vector<1xi32>
        %squeeze3A_116 = vector.extract %slice3A_115[0] : i32 from vector<1xi32>
        %mul3A_117 = arith.constant 128 : i32
        %mul3A_118 = arith.muli %squeeze3A_116, %mul3A_117 : i32
        %scan3A_119 = arith.constant 0 : i32
        %scan3A_120 = arith.constant 0 : i32
        %scan3A_121 = arith.constant 8 : i32
        %scan3A_122 = arith.addi %scan3A_120, %scan3A_121 : i32
        %scan3A_123 = arith.constant 1 : i32
        %scan3A_124 = scf.for %scan3A_270 = %scan3A_120 to %scan3A_122 step %scan3A_123 iter_args(%scan3A_271 = %scan3A_119) -> (i32)  : i32 {
          %mul3A_272 = arith.constant 16 : i32
          %mul3A_273 = arith.muli %scan3A_270, %mul3A_272 : i32
          %get3A_274 = arith.constant 2 : i32
          %get3A_275 = arith.index_cast %get3A_274 : i32 to index
          %get3A_276 = arith.index_cast %mul3A_273 : i32 to index
          %get3A_277 = tpu.vector_load %arg13[%get3A_275, %get3A_276] {strides = array<i32>} : memref<16x128xf32, #tpu.memory_space<vmem>>, vector<16xf32>,
          %add3A_278 = arith.addi %mul3A_118, %mul3A_273 : i32
          %get3A_279 = arith.index_cast %add3A_278 : i32 to index
          %get3A_280 = tpu.vector_load %arg7[%get3A_279] {strides = array<i32>} : memref<40192xf32, #tpu.memory_space<vmem>>, vector<16xf32>,
          %add3A_281 = arith.addf %get3A_280, %get3A_277 : vector<16xf32>
          %swap3A_282 = arith.index_cast %add3A_278 : i32 to index
          %swap3A_283 = tpu.vector_load %arg7[%swap3A_282] {strides = array<i32>} : memref<40192xf32, #tpu.memory_space<vmem>>, vector<16xf32>,
          tpu.vector_store %arg7[%swap3A_282], %add3A_281 {strides = array<i32>} : memref<40192xf32, #tpu.memory_space<vmem>>, vector<16xf32>,
          %get3A_284 = arith.index_cast %add3A_278 : i32 to index
          %get3A_285 = tpu.vector_load %arg8[%get3A_284] {strides = array<i32>} : memref<40192xf32, #tpu.memory_space<vmem>>, vector<16xf32>,
          %max3A = arith.maximumf %get3A_285, %get3A_277 : vector<16xf32>
          %swap3A_286 = arith.index_cast %add3A_278 : i32 to index
          %swap3A_287 = tpu.vector_load %arg8[%swap3A_286] {strides = array<i32>} : memref<40192xf32, #tpu.memory_space<vmem>>, vector<16xf32>,
          tpu.vector_store %arg8[%swap3A_286], %max3A {strides = array<i32>} : memref<40192xf32, #tpu.memory_space<vmem>>, vector<16xf32>,
          %get3A_288 = arith.index_cast %add3A_278 : i32 to index
          %get3A_289 = tpu.vector_load %arg9[%get3A_288] {strides = array<i32>} : memref<40192xf32, #tpu.memory_space<vmem>>, vector<16xf32>,
          %mul3A_290 = arith.mulf %get3A_277, %get3A_277 : vector<16xf32>
          %add3A_291 = arith.addf %get3A_289, %mul3A_290 : vector<16xf32>
          %swap3A_292 = arith.index_cast %add3A_278 : i32 to index
          %swap3A_293 = tpu.vector_load %arg9[%swap3A_292] {strides = array<i32>} : memref<40192xf32, #tpu.memory_space<vmem>>, vector<16xf32>,
          tpu.vector_store %arg9[%swap3A_292], %add3A_291 {strides = array<i32>} : memref<40192xf32, #tpu.memory_space<vmem>>, vector<16xf32>,
          %scan3A_294 = arith.constant 0 : i32
          scf.yield %scan3A_294 : i32
        }
        %scan3A_125 = arith.constant 8 : i32
        %slice3A_126 = vector.extract_strided_slice %get3A_94 {offsets = [3], sizes = [1], strides = [1]} : vector<16xi32> to vector<1xi32>
        %squeeze3A_127 = vector.extract %slice3A_126[0] : i32 from vector<1xi32>
        %mul3A_128 = arith.constant 128 : i32
        %mul3A_129 = arith.muli %squeeze3A_127, %mul3A_128 : i32
        %scan3A_130 = arith.constant 0 : i32
        %scan3A_131 = arith.constant 0 : i32
        %scan3A_132 = arith.constant 8 : i32
        %scan3A_133 = arith.addi %scan3A_131, %scan3A_132 : i32
        %scan3A_134 = arith.constant 1 : i32
        %scan3A_135 = scf.for %scan3A_270 = %scan3A_131 to %scan3A_133 step %scan3A_134 iter_args(%scan3A_271 = %scan3A_130) -> (i32)  : i32 {
          %mul3A_272 = arith.constant 16 : i32
          %mul3A_273 = arith.muli %scan3A_270, %mul3A_272 : i32
          %get3A_274 = arith.constant 3 : i32
          %get3A_275 = arith.index_cast %get3A_274 : i32 to index
          %get3A_276 = arith.index_cast %mul3A_273 : i32 to index
          %get3A_277 = tpu.vector_load %arg13[%get3A_275, %get3A_276] {strides = array<i32>} : memref<16x128xf32, #tpu.memory_space<vmem>>, vector<16xf32>,
          %add3A_278 = arith.addi %mul3A_129, %mul3A_273 : i32
          %get3A_279 = arith.index_cast %add3A_278 : i32 to index
          %get3A_280 = tpu.vector_load %arg7[%get3A_279] {strides = array<i32>} : memref<40192xf32, #tpu.memory_space<vmem>>, vector<16xf32>,
          %add3A_281 = arith.addf %get3A_280, %get3A_277 : vector<16xf32>
          %swap3A_282 = arith.index_cast %add3A_278 : i32 to index
          %swap3A_283 = tpu.vector_load %arg7[%swap3A_282] {strides = array<i32>} : memref<40192xf32, #tpu.memory_space<vmem>>, vector<16xf32>,
          tpu.vector_store %arg7[%swap3A_282], %add3A_281 {strides = array<i32>} : memref<40192xf32, #tpu.memory_space<vmem>>, vector<16xf32>,
          %get3A_284 = arith.index_cast %add3A_278 : i32 to index
          %get3A_285 = tpu.vector_load %arg8[%get3A_284] {strides = array<i32>} : memref<40192xf32, #tpu.memory_space<vmem>>, vector<16xf32>,
          %max3A = arith.maximumf %get3A_285, %get3A_277 : vector<16xf32>
          %swap3A_286 = arith.index_cast %add3A_278 : i32 to index
          %swap3A_287 = tpu.vector_load %arg8[%swap3A_286] {strides = array<i32>} : memref<40192xf32, #tpu.memory_space<vmem>>, vector<16xf32>,
          tpu.vector_store %arg8[%swap3A_286], %max3A {strides = array<i32>} : memref<40192xf32, #tpu.memory_space<vmem>>, vector<16xf32>,
          %get3A_288 = arith.index_cast %add3A_278 : i32 to index
          %get3A_289 = tpu.vector_load %arg9[%get3A_288] {strides = array<i32>} : memref<40192xf32, #tpu.memory_space<vmem>>, vector<16xf32>,
          %mul3A_290 = arith.mulf %get3A_277, %get3A_277 : vector<16xf32>
          %add3A_291 = arith.addf %get3A_289, %mul3A_290 : vector<16xf32>
          %swap3A_292 = arith.index_cast %add3A_278 : i32 to index
          %swap3A_293 = tpu.vector_load %arg9[%swap3A_292] {strides = array<i32>} : memref<40192xf32, #tpu.memory_space<vmem>>, vector<16xf32>,
          tpu.vector_store %arg9[%swap3A_292], %add3A_291 {strides = array<i32>} : memref<40192xf32, #tpu.memory_space<vmem>>, vector<16xf32>,
          %scan3A_294 = arith.constant 0 : i32
          scf.yield %scan3A_294 : i32
        }
        %scan3A_136 = arith.constant 8 : i32
        %slice3A_137 = vector.extract_strided_slice %get3A_94 {offsets = [4], sizes = [1], strides = [1]} : vector<16xi32> to vector<1xi32>
        %squeeze3A_138 = vector.extract %slice3A_137[0] : i32 from vector<1xi32>
        %mul3A_139 = arith.constant 128 : i32
        %mul3A_140 = arith.muli %squeeze3A_138, %mul3A_139 : i32
        %scan3A_141 = arith.constant 0 : i32
        %scan3A_142 = arith.constant 0 : i32
        %scan3A_143 = arith.constant 8 : i32
        %scan3A_144 = arith.addi %scan3A_142, %scan3A_143 : i32
        %scan3A_145 = arith.constant 1 : i32
        %scan3A_146 = scf.for %scan3A_270 = %scan3A_142 to %scan3A_144 step %scan3A_145 iter_args(%scan3A_271 = %scan3A_141) -> (i32)  : i32 {
          %mul3A_272 = arith.constant 16 : i32
          %mul3A_273 = arith.muli %scan3A_270, %mul3A_272 : i32
          %get3A_274 = arith.constant 4 : i32
          %get3A_275 = arith.index_cast %get3A_274 : i32 to index
          %get3A_276 = arith.index_cast %mul3A_273 : i32 to index
          %get3A_277 = tpu.vector_load %arg13[%get3A_275, %get3A_276] {strides = array<i32>} : memref<16x128xf32, #tpu.memory_space<vmem>>, vector<16xf32>,
          %add3A_278 = arith.addi %mul3A_140, %mul3A_273 : i32
          %get3A_279 = arith.index_cast %add3A_278 : i32 to index
          %get3A_280 = tpu.vector_load %arg7[%get3A_279] {strides = array<i32>} : memref<40192xf32, #tpu.memory_space<vmem>>, vector<16xf32>,
          %add3A_281 = arith.addf %get3A_280, %get3A_277 : vector<16xf32>
          %swap3A_282 = arith.index_cast %add3A_278 : i32 to index
          %swap3A_283 = tpu.vector_load %arg7[%swap3A_282] {strides = array<i32>} : memref<40192xf32, #tpu.memory_space<vmem>>, vector<16xf32>,
          tpu.vector_store %arg7[%swap3A_282], %add3A_281 {strides = array<i32>} : memref<40192xf32, #tpu.memory_space<vmem>>, vector<16xf32>,
          %get3A_284 = arith.index_cast %add3A_278 : i32 to index
          %get3A_285 = tpu.vector_load %arg8[%get3A_284] {strides = array<i32>} : memref<40192xf32, #tpu.memory_space<vmem>>, vector<16xf32>,
          %max3A = arith.maximumf %get3A_285, %get3A_277 : vector<16xf32>
          %swap3A_286 = arith.index_cast %add3A_278 : i32 to index
          %swap3A_287 = tpu.vector_load %arg8[%swap3A_286] {strides = array<i32>} : memref<40192xf32, #tpu.memory_space<vmem>>, vector<16xf32>,
          tpu.vector_store %arg8[%swap3A_286], %max3A {strides = array<i32>} : memref<40192xf32, #tpu.memory_space<vmem>>, vector<16xf32>,
          %get3A_288 = arith.index_cast %add3A_278 : i32 to index
          %get3A_289 = tpu.vector_load %arg9[%get3A_288] {strides = array<i32>} : memref<40192xf32, #tpu.memory_space<vmem>>, vector<16xf32>,
          %mul3A_290 = arith.mulf %get3A_277, %get3A_277 : vector<16xf32>
          %add3A_291 = arith.addf %get3A_289, %mul3A_290 : vector<16xf32>
          %swap3A_292 = arith.index_cast %add3A_278 : i32 to index
          %swap3A_293 = tpu.vector_load %arg9[%swap3A_292] {strides = array<i32>} : memref<40192xf32, #tpu.memory_space<vmem>>, vector<16xf32>,
          tpu.vector_store %arg9[%swap3A_292], %add3A_291 {strides = array<i32>} : memref<40192xf32, #tpu.memory_space<vmem>>, vector<16xf32>,
          %scan3A_294 = arith.constant 0 : i32
          scf.yield %scan3A_294 : i32
        }
        %scan3A_147 = arith.constant 8 : i32
        %slice3A_148 = vector.extract_strided_slice %get3A_94 {offsets = [5], sizes = [1], strides = [1]} : vector<16xi32> to vector<1xi32>
        %squeeze3A_149 = vector.extract %slice3A_148[0] : i32 from vector<1xi32>
        %mul3A_150 = arith.constant 128 : i32
        %mul3A_151 = arith.muli %squeeze3A_149, %mul3A_150 : i32
        %scan3A_152 = arith.constant 0 : i32
        %scan3A_153 = arith.constant 0 : i32
        %scan3A_154 = arith.constant 8 : i32
        %scan3A_155 = arith.addi %scan3A_153, %scan3A_154 : i32
        %scan3A_156 = arith.constant 1 : i32
        %scan3A_157 = scf.for %scan3A_270 = %scan3A_153 to %scan3A_155 step %scan3A_156 iter_args(%scan3A_271 = %scan3A_152) -> (i32)  : i32 {
          %mul3A_272 = arith.constant 16 : i32
          %mul3A_273 = arith.muli %scan3A_270, %mul3A_272 : i32
          %get3A_274 = arith.constant 5 : i32
          %get3A_275 = arith.index_cast %get3A_274 : i32 to index
          %get3A_276 = arith.index_cast %mul3A_273 : i32 to index
          %get3A_277 = tpu.vector_load %arg13[%get3A_275, %get3A_276] {strides = array<i32>} : memref<16x128xf32, #tpu.memory_space<vmem>>, vector<16xf32>,
          %add3A_278 = arith.addi %mul3A_151, %mul3A_273 : i32
          %get3A_279 = arith.index_cast %add3A_278 : i32 to index
          %get3A_280 = tpu.vector_load %arg7[%get3A_279] {strides = array<i32>} : memref<40192xf32, #tpu.memory_space<vmem>>, vector<16xf32>,
          %add3A_281 = arith.addf %get3A_280, %get3A_277 : vector<16xf32>
          %swap3A_282 = arith.index_cast %add3A_278 : i32 to index
          %swap3A_283 = tpu.vector_load %arg7[%swap3A_282] {strides = array<i32>} : memref<40192xf32, #tpu.memory_space<vmem>>, vector<16xf32>,
          tpu.vector_store %arg7[%swap3A_282], %add3A_281 {strides = array<i32>} : memref<40192xf32, #tpu.memory_space<vmem>>, vector<16xf32>,
          %get3A_284 = arith.index_cast %add3A_278 : i32 to index
          %get3A_285 = tpu.vector_load %arg8[%get3A_284] {strides = array<i32>} : memref<40192xf32, #tpu.memory_space<vmem>>, vector<16xf32>,
          %max3A = arith.maximumf %get3A_285, %get3A_277 : vector<16xf32>
          %swap3A_286 = arith.index_cast %add3A_278 : i32 to index
          %swap3A_287 = tpu.vector_load %arg8[%swap3A_286] {strides = array<i32>} : memref<40192xf32, #tpu.memory_space<vmem>>, vector<16xf32>,
          tpu.vector_store %arg8[%swap3A_286], %max3A {strides = array<i32>} : memref<40192xf32, #tpu.memory_space<vmem>>, vector<16xf32>,
          %get3A_288 = arith.index_cast %add3A_278 : i32 to index
          %get3A_289 = tpu.vector_load %arg9[%get3A_288] {strides = array<i32>} : memref<40192xf32, #tpu.memory_space<vmem>>, vector<16xf32>,
          %mul3A_290 = arith.mulf %get3A_277, %get3A_277 : vector<16xf32>
          %add3A_291 = arith.addf %get3A_289, %mul3A_290 : vector<16xf32>
          %swap3A_292 = arith.index_cast %add3A_278 : i32 to index
          %swap3A_293 = tpu.vector_load %arg9[%swap3A_292] {strides = array<i32>} : memref<40192xf32, #tpu.memory_space<vmem>>, vector<16xf32>,
          tpu.vector_store %arg9[%swap3A_292], %add3A_291 {strides = array<i32>} : memref<40192xf32, #tpu.memory_space<vmem>>, vector<16xf32>,
          %scan3A_294 = arith.constant 0 : i32
          scf.yield %scan3A_294 : i32
        }
        %scan3A_158 = arith.constant 8 : i32
        %slice3A_159 = vector.extract_strided_slice %get3A_94 {offsets = [6], sizes = [1], strides = [1]} : vector<16xi32> to vector<1xi32>
        %squeeze3A_160 = vector.extract %slice3A_159[0] : i32 from vector<1xi32>
        %mul3A_161 = arith.constant 128 : i32
        %mul3A_162 = arith.muli %squeeze3A_160, %mul3A_161 : i32
        %scan3A_163 = arith.constant 0 : i32
        %scan3A_164 = arith.constant 0 : i32
        %scan3A_165 = arith.constant 8 : i32
        %scan3A_166 = arith.addi %scan3A_164, %scan3A_165 : i32
        %scan3A_167 = arith.constant 1 : i32
        %scan3A_168 = scf.for %scan3A_270 = %scan3A_164 to %scan3A_166 step %scan3A_167 iter_args(%scan3A_271 = %scan3A_163) -> (i32)  : i32 {
          %mul3A_272 = arith.constant 16 : i32
          %mul3A_273 = arith.muli %scan3A_270, %mul3A_272 : i32
          %get3A_274 = arith.constant 6 : i32
          %get3A_275 = arith.index_cast %get3A_274 : i32 to index
          %get3A_276 = arith.index_cast %mul3A_273 : i32 to index
          %get3A_277 = tpu.vector_load %arg13[%get3A_275, %get3A_276] {strides = array<i32>} : memref<16x128xf32, #tpu.memory_space<vmem>>, vector<16xf32>,
          %add3A_278 = arith.addi %mul3A_162, %mul3A_273 : i32
          %get3A_279 = arith.index_cast %add3A_278 : i32 to index
          %get3A_280 = tpu.vector_load %arg7[%get3A_279] {strides = array<i32>} : memref<40192xf32, #tpu.memory_space<vmem>>, vector<16xf32>,
          %add3A_281 = arith.addf %get3A_280, %get3A_277 : vector<16xf32>
          %swap3A_282 = arith.index_cast %add3A_278 : i32 to index
          %swap3A_283 = tpu.vector_load %arg7[%swap3A_282] {strides = array<i32>} : memref<40192xf32, #tpu.memory_space<vmem>>, vector<16xf32>,
          tpu.vector_store %arg7[%swap3A_282], %add3A_281 {strides = array<i32>} : memref<40192xf32, #tpu.memory_space<vmem>>, vector<16xf32>,
          %get3A_284 = arith.index_cast %add3A_278 : i32 to index
          %get3A_285 = tpu.vector_load %arg8[%get3A_284] {strides = array<i32>} : memref<40192xf32, #tpu.memory_space<vmem>>, vector<16xf32>,
          %max3A = arith.maximumf %get3A_285, %get3A_277 : vector<16xf32>
          %swap3A_286 = arith.index_cast %add3A_278 : i32 to index
          %swap3A_287 = tpu.vector_load %arg8[%swap3A_286] {strides = array<i32>} : memref<40192xf32, #tpu.memory_space<vmem>>, vector<16xf32>,
          tpu.vector_store %arg8[%swap3A_286], %max3A {strides = array<i32>} : memref<40192xf32, #tpu.memory_space<vmem>>, vector<16xf32>,
          %get3A_288 = arith.index_cast %add3A_278 : i32 to index
          %get3A_289 = tpu.vector_load %arg9[%get3A_288] {strides = array<i32>} : memref<40192xf32, #tpu.memory_space<vmem>>, vector<16xf32>,
          %mul3A_290 = arith.mulf %get3A_277, %get3A_277 : vector<16xf32>
          %add3A_291 = arith.addf %get3A_289, %mul3A_290 : vector<16xf32>
          %swap3A_292 = arith.index_cast %add3A_278 : i32 to index
          %swap3A_293 = tpu.vector_load %arg9[%swap3A_292] {strides = array<i32>} : memref<40192xf32, #tpu.memory_space<vmem>>, vector<16xf32>,
          tpu.vector_store %arg9[%swap3A_292], %add3A_291 {strides = array<i32>} : memref<40192xf32, #tpu.memory_space<vmem>>, vector<16xf32>,
          %scan3A_294 = arith.constant 0 : i32
          scf.yield %scan3A_294 : i32
        }
        %scan3A_169 = arith.constant 8 : i32
        %slice3A_170 = vector.extract_strided_slice %get3A_94 {offsets = [7], sizes = [1], strides = [1]} : vector<16xi32> to vector<1xi32>
        %squeeze3A_171 = vector.extract %slice3A_170[0] : i32 from vector<1xi32>
        %mul3A_172 = arith.constant 128 : i32
        %mul3A_173 = arith.muli %squeeze3A_171, %mul3A_172 : i32
        %scan3A_174 = arith.constant 0 : i32
        %scan3A_175 = arith.constant 0 : i32
        %scan3A_176 = arith.constant 8 : i32
        %scan3A_177 = arith.addi %scan3A_175, %scan3A_176 : i32
        %scan3A_178 = arith.constant 1 : i32
        %scan3A_179 = scf.for %scan3A_270 = %scan3A_175 to %scan3A_177 step %scan3A_178 iter_args(%scan3A_271 = %scan3A_174) -> (i32)  : i32 {
          %mul3A_272 = arith.constant 16 : i32
          %mul3A_273 = arith.muli %scan3A_270, %mul3A_272 : i32
          %get3A_274 = arith.constant 7 : i32
          %get3A_275 = arith.index_cast %get3A_274 : i32 to index
          %get3A_276 = arith.index_cast %mul3A_273 : i32 to index
          %get3A_277 = tpu.vector_load %arg13[%get3A_275, %get3A_276] {strides = array<i32>} : memref<16x128xf32, #tpu.memory_space<vmem>>, vector<16xf32>,
          %add3A_278 = arith.addi %mul3A_173, %mul3A_273 : i32
          %get3A_279 = arith.index_cast %add3A_278 : i32 to index
          %get3A_280 = tpu.vector_load %arg7[%get3A_279] {strides = array<i32>} : memref<40192xf32, #tpu.memory_space<vmem>>, vector<16xf32>,
          %add3A_281 = arith.addf %get3A_280, %get3A_277 : vector<16xf32>
          %swap3A_282 = arith.index_cast %add3A_278 : i32 to index
          %swap3A_283 = tpu.vector_load %arg7[%swap3A_282] {strides = array<i32>} : memref<40192xf32, #tpu.memory_space<vmem>>, vector<16xf32>,
          tpu.vector_store %arg7[%swap3A_282], %add3A_281 {strides = array<i32>} : memref<40192xf32, #tpu.memory_space<vmem>>, vector<16xf32>,
          %get3A_284 = arith.index_cast %add3A_278 : i32 to index
          %get3A_285 = tpu.vector_load %arg8[%get3A_284] {strides = array<i32>} : memref<40192xf32, #tpu.memory_space<vmem>>, vector<16xf32>,
          %max3A = arith.maximumf %get3A_285, %get3A_277 : vector<16xf32>
          %swap3A_286 = arith.index_cast %add3A_278 : i32 to index
          %swap3A_287 = tpu.vector_load %arg8[%swap3A_286] {strides = array<i32>} : memref<40192xf32, #tpu.memory_space<vmem>>, vector<16xf32>,
          tpu.vector_store %arg8[%swap3A_286], %max3A {strides = array<i32>} : memref<40192xf32, #tpu.memory_space<vmem>>, vector<16xf32>,
          %get3A_288 = arith.index_cast %add3A_278 : i32 to index
          %get3A_289 = tpu.vector_load %arg9[%get3A_288] {strides = array<i32>} : memref<40192xf32, #tpu.memory_space<vmem>>, vector<16xf32>,
          %mul3A_290 = arith.mulf %get3A_277, %get3A_277 : vector<16xf32>
          %add3A_291 = arith.addf %get3A_289, %mul3A_290 : vector<16xf32>
          %swap3A_292 = arith.index_cast %add3A_278 : i32 to index
          %swap3A_293 = tpu.vector_load %arg9[%swap3A_292] {strides = array<i32>} : memref<40192xf32, #tpu.memory_space<vmem>>, vector<16xf32>,
          tpu.vector_store %arg9[%swap3A_292], %add3A_291 {strides = array<i32>} : memref<40192xf32, #tpu.memory_space<vmem>>, vector<16xf32>,
          %scan3A_294 = arith.constant 0 : i32
          scf.yield %scan3A_294 : i32
        }
        %scan3A_180 = arith.constant 8 : i32
        %slice3A_181 = vector.extract_strided_slice %get3A_94 {offsets = [8], sizes = [1], strides = [1]} : vector<16xi32> to vector<1xi32>
        %squeeze3A_182 = vector.extract %slice3A_181[0] : i32 from vector<1xi32>
        %mul3A_183 = arith.constant 128 : i32
        %mul3A_184 = arith.muli %squeeze3A_182, %mul3A_183 : i32
        %scan3A_185 = arith.constant 0 : i32
        %scan3A_186 = arith.constant 0 : i32
        %scan3A_187 = arith.constant 8 : i32
        %scan3A_188 = arith.addi %scan3A_186, %scan3A_187 : i32
        %scan3A_189 = arith.constant 1 : i32
        %scan3A_190 = scf.for %scan3A_270 = %scan3A_186 to %scan3A_188 step %scan3A_189 iter_args(%scan3A_271 = %scan3A_185) -> (i32)  : i32 {
          %mul3A_272 = arith.constant 16 : i32
          %mul3A_273 = arith.muli %scan3A_270, %mul3A_272 : i32
          %get3A_274 = arith.constant 8 : i32
          %get3A_275 = arith.index_cast %get3A_274 : i32 to index
          %get3A_276 = arith.index_cast %mul3A_273 : i32 to index
          %get3A_277 = tpu.vector_load %arg13[%get3A_275, %get3A_276] {strides = array<i32>} : memref<16x128xf32, #tpu.memory_space<vmem>>, vector<16xf32>,
          %add3A_278 = arith.addi %mul3A_184, %mul3A_273 : i32
          %get3A_279 = arith.index_cast %add3A_278 : i32 to index
          %get3A_280 = tpu.vector_load %arg7[%get3A_279] {strides = array<i32>} : memref<40192xf32, #tpu.memory_space<vmem>>, vector<16xf32>,
          %add3A_281 = arith.addf %get3A_280, %get3A_277 : vector<16xf32>
          %swap3A_282 = arith.index_cast %add3A_278 : i32 to index
          %swap3A_283 = tpu.vector_load %arg7[%swap3A_282] {strides = array<i32>} : memref<40192xf32, #tpu.memory_space<vmem>>, vector<16xf32>,
          tpu.vector_store %arg7[%swap3A_282], %add3A_281 {strides = array<i32>} : memref<40192xf32, #tpu.memory_space<vmem>>, vector<16xf32>,
          %get3A_284 = arith.index_cast %add3A_278 : i32 to index
          %get3A_285 = tpu.vector_load %arg8[%get3A_284] {strides = array<i32>} : memref<40192xf32, #tpu.memory_space<vmem>>, vector<16xf32>,
          %max3A = arith.maximumf %get3A_285, %get3A_277 : vector<16xf32>
          %swap3A_286 = arith.index_cast %add3A_278 : i32 to index
          %swap3A_287 = tpu.vector_load %arg8[%swap3A_286] {strides = array<i32>} : memref<40192xf32, #tpu.memory_space<vmem>>, vector<16xf32>,
          tpu.vector_store %arg8[%swap3A_286], %max3A {strides = array<i32>} : memref<40192xf32, #tpu.memory_space<vmem>>, vector<16xf32>,
          %get3A_288 = arith.index_cast %add3A_278 : i32 to index
          %get3A_289 = tpu.vector_load %arg9[%get3A_288] {strides = array<i32>} : memref<40192xf32, #tpu.memory_space<vmem>>, vector<16xf32>,
          %mul3A_290 = arith.mulf %get3A_277, %get3A_277 : vector<16xf32>
          %add3A_291 = arith.addf %get3A_289, %mul3A_290 : vector<16xf32>
          %swap3A_292 = arith.index_cast %add3A_278 : i32 to index
          %swap3A_293 = tpu.vector_load %arg9[%swap3A_292] {strides = array<i32>} : memref<40192xf32, #tpu.memory_space<vmem>>, vector<16xf32>,
          tpu.vector_store %arg9[%swap3A_292], %add3A_291 {strides = array<i32>} : memref<40192xf32, #tpu.memory_space<vmem>>, vector<16xf32>,
          %scan3A_294 = arith.constant 0 : i32
          scf.yield %scan3A_294 : i32
        }
        %scan3A_191 = arith.constant 8 : i32
        %slice3A_192 = vector.extract_strided_slice %get3A_94 {offsets = [9], sizes = [1], strides = [1]} : vector<16xi32> to vector<1xi32>
        %squeeze3A_193 = vector.extract %slice3A_192[0] : i32 from vector<1xi32>
        %mul3A_194 = arith.constant 128 : i32
        %mul3A_195 = arith.muli %squeeze3A_193, %mul3A_194 : i32
        %scan3A_196 = arith.constant 0 : i32
        %scan3A_197 = arith.constant 0 : i32
        %scan3A_198 = arith.constant 8 : i32
        %scan3A_199 = arith.addi %scan3A_197, %scan3A_198 : i32
        %scan3A_200 = arith.constant 1 : i32
        %scan3A_201 = scf.for %scan3A_270 = %scan3A_197 to %scan3A_199 step %scan3A_200 iter_args(%scan3A_271 = %scan3A_196) -> (i32)  : i32 {
          %mul3A_272 = arith.constant 16 : i32
          %mul3A_273 = arith.muli %scan3A_270, %mul3A_272 : i32
          %get3A_274 = arith.constant 9 : i32
          %get3A_275 = arith.index_cast %get3A_274 : i32 to index
          %get3A_276 = arith.index_cast %mul3A_273 : i32 to index
          %get3A_277 = tpu.vector_load %arg13[%get3A_275, %get3A_276] {strides = array<i32>} : memref<16x128xf32, #tpu.memory_space<vmem>>, vector<16xf32>,
          %add3A_278 = arith.addi %mul3A_195, %mul3A_273 : i32
          %get3A_279 = arith.index_cast %add3A_278 : i32 to index
          %get3A_280 = tpu.vector_load %arg7[%get3A_279] {strides = array<i32>} : memref<40192xf32, #tpu.memory_space<vmem>>, vector<16xf32>,
          %add3A_281 = arith.addf %get3A_280, %get3A_277 : vector<16xf32>
          %swap3A_282 = arith.index_cast %add3A_278 : i32 to index
          %swap3A_283 = tpu.vector_load %arg7[%swap3A_282] {strides = array<i32>} : memref<40192xf32, #tpu.memory_space<vmem>>, vector<16xf32>,
          tpu.vector_store %arg7[%swap3A_282], %add3A_281 {strides = array<i32>} : memref<40192xf32, #tpu.memory_space<vmem>>, vector<16xf32>,
          %get3A_284 = arith.index_cast %add3A_278 : i32 to index
          %get3A_285 = tpu.vector_load %arg8[%get3A_284] {strides = array<i32>} : memref<40192xf32, #tpu.memory_space<vmem>>, vector<16xf32>,
          %max3A = arith.maximumf %get3A_285, %get3A_277 : vector<16xf32>
          %swap3A_286 = arith.index_cast %add3A_278 : i32 to index
          %swap3A_287 = tpu.vector_load %arg8[%swap3A_286] {strides = array<i32>} : memref<40192xf32, #tpu.memory_space<vmem>>, vector<16xf32>,
          tpu.vector_store %arg8[%swap3A_286], %max3A {strides = array<i32>} : memref<40192xf32, #tpu.memory_space<vmem>>, vector<16xf32>,
          %get3A_288 = arith.index_cast %add3A_278 : i32 to index
          %get3A_289 = tpu.vector_load %arg9[%get3A_288] {strides = array<i32>} : memref<40192xf32, #tpu.memory_space<vmem>>, vector<16xf32>,
          %mul3A_290 = arith.mulf %get3A_277, %get3A_277 : vector<16xf32>
          %add3A_291 = arith.addf %get3A_289, %mul3A_290 : vector<16xf32>
          %swap3A_292 = arith.index_cast %add3A_278 : i32 to index
          %swap3A_293 = tpu.vector_load %arg9[%swap3A_292] {strides = array<i32>} : memref<40192xf32, #tpu.memory_space<vmem>>, vector<16xf32>,
          tpu.vector_store %arg9[%swap3A_292], %add3A_291 {strides = array<i32>} : memref<40192xf32, #tpu.memory_space<vmem>>, vector<16xf32>,
          %scan3A_294 = arith.constant 0 : i32
          scf.yield %scan3A_294 : i32
        }
        %scan3A_202 = arith.constant 8 : i32
        %slice3A_203 = vector.extract_strided_slice %get3A_94 {offsets = [10], sizes = [1], strides = [1]} : vector<16xi32> to vector<1xi32>
        %squeeze3A_204 = vector.extract %slice3A_203[0] : i32 from vector<1xi32>
        %mul3A_205 = arith.constant 128 : i32
        %mul3A_206 = arith.muli %squeeze3A_204, %mul3A_205 : i32
        %scan3A_207 = arith.constant 0 : i32
        %scan3A_208 = arith.constant 0 : i32
        %scan3A_209 = arith.constant 8 : i32
        %scan3A_210 = arith.addi %scan3A_208, %scan3A_209 : i32
        %scan3A_211 = arith.constant 1 : i32
        %scan3A_212 = scf.for %scan3A_270 = %scan3A_208 to %scan3A_210 step %scan3A_211 iter_args(%scan3A_271 = %scan3A_207) -> (i32)  : i32 {
          %mul3A_272 = arith.constant 16 : i32
          %mul3A_273 = arith.muli %scan3A_270, %mul3A_272 : i32
          %get3A_274 = arith.constant 10 : i32
          %get3A_275 = arith.index_cast %get3A_274 : i32 to index
          %get3A_276 = arith.index_cast %mul3A_273 : i32 to index
          %get3A_277 = tpu.vector_load %arg13[%get3A_275, %get3A_276] {strides = array<i32>} : memref<16x128xf32, #tpu.memory_space<vmem>>, vector<16xf32>,
          %add3A_278 = arith.addi %mul3A_206, %mul3A_273 : i32
          %get3A_279 = arith.index_cast %add3A_278 : i32 to index
          %get3A_280 = tpu.vector_load %arg7[%get3A_279] {strides = array<i32>} : memref<40192xf32, #tpu.memory_space<vmem>>, vector<16xf32>,
          %add3A_281 = arith.addf %get3A_280, %get3A_277 : vector<16xf32>
          %swap3A_282 = arith.index_cast %add3A_278 : i32 to index
          %swap3A_283 = tpu.vector_load %arg7[%swap3A_282] {strides = array<i32>} : memref<40192xf32, #tpu.memory_space<vmem>>, vector<16xf32>,
          tpu.vector_store %arg7[%swap3A_282], %add3A_281 {strides = array<i32>} : memref<40192xf32, #tpu.memory_space<vmem>>, vector<16xf32>,
          %get3A_284 = arith.index_cast %add3A_278 : i32 to index
          %get3A_285 = tpu.vector_load %arg8[%get3A_284] {strides = array<i32>} : memref<40192xf32, #tpu.memory_space<vmem>>, vector<16xf32>,
          %max3A = arith.maximumf %get3A_285, %get3A_277 : vector<16xf32>
          %swap3A_286 = arith.index_cast %add3A_278 : i32 to index
          %swap3A_287 = tpu.vector_load %arg8[%swap3A_286] {strides = array<i32>} : memref<40192xf32, #tpu.memory_space<vmem>>, vector<16xf32>,
          tpu.vector_store %arg8[%swap3A_286], %max3A {strides = array<i32>} : memref<40192xf32, #tpu.memory_space<vmem>>, vector<16xf32>,
          %get3A_288 = arith.index_cast %add3A_278 : i32 to index
          %get3A_289 = tpu.vector_load %arg9[%get3A_288] {strides = array<i32>} : memref<40192xf32, #tpu.memory_space<vmem>>, vector<16xf32>,
          %mul3A_290 = arith.mulf %get3A_277, %get3A_277 : vector<16xf32>
          %add3A_291 = arith.addf %get3A_289, %mul3A_290 : vector<16xf32>
          %swap3A_292 = arith.index_cast %add3A_278 : i32 to index
          %swap3A_293 = tpu.vector_load %arg9[%swap3A_292] {strides = array<i32>} : memref<40192xf32, #tpu.memory_space<vmem>>, vector<16xf32>,
          tpu.vector_store %arg9[%swap3A_292], %add3A_291 {strides = array<i32>} : memref<40192xf32, #tpu.memory_space<vmem>>, vector<16xf32>,
          %scan3A_294 = arith.constant 0 : i32
          scf.yield %scan3A_294 : i32
        }
        %scan3A_213 = arith.constant 8 : i32
        %slice3A_214 = vector.extract_strided_slice %get3A_94 {offsets = [11], sizes = [1], strides = [1]} : vector<16xi32> to vector<1xi32>
        %squeeze3A_215 = vector.extract %slice3A_214[0] : i32 from vector<1xi32>
        %mul3A_216 = arith.constant 128 : i32
        %mul3A_217 = arith.muli %squeeze3A_215, %mul3A_216 : i32
        %scan3A_218 = arith.constant 0 : i32
        %scan3A_219 = arith.constant 0 : i32
        %scan3A_220 = arith.constant 8 : i32
        %scan3A_221 = arith.addi %scan3A_219, %scan3A_220 : i32
        %scan3A_222 = arith.constant 1 : i32
        %scan3A_223 = scf.for %scan3A_270 = %scan3A_219 to %scan3A_221 step %scan3A_222 iter_args(%scan3A_271 = %scan3A_218) -> (i32)  : i32 {
          %mul3A_272 = arith.constant 16 : i32
          %mul3A_273 = arith.muli %scan3A_270, %mul3A_272 : i32
          %get3A_274 = arith.constant 11 : i32
          %get3A_275 = arith.index_cast %get3A_274 : i32 to index
          %get3A_276 = arith.index_cast %mul3A_273 : i32 to index
          %get3A_277 = tpu.vector_load %arg13[%get3A_275, %get3A_276] {strides = array<i32>} : memref<16x128xf32, #tpu.memory_space<vmem>>, vector<16xf32>,
          %add3A_278 = arith.addi %mul3A_217, %mul3A_273 : i32
          %get3A_279 = arith.index_cast %add3A_278 : i32 to index
          %get3A_280 = tpu.vector_load %arg7[%get3A_279] {strides = array<i32>} : memref<40192xf32, #tpu.memory_space<vmem>>, vector<16xf32>,
          %add3A_281 = arith.addf %get3A_280, %get3A_277 : vector<16xf32>
          %swap3A_282 = arith.index_cast %add3A_278 : i32 to index
          %swap3A_283 = tpu.vector_load %arg7[%swap3A_282] {strides = array<i32>} : memref<40192xf32, #tpu.memory_space<vmem>>, vector<16xf32>,
          tpu.vector_store %arg7[%swap3A_282], %add3A_281 {strides = array<i32>} : memref<40192xf32, #tpu.memory_space<vmem>>, vector<16xf32>,
          %get3A_284 = arith.index_cast %add3A_278 : i32 to index
          %get3A_285 = tpu.vector_load %arg8[%get3A_284] {strides = array<i32>} : memref<40192xf32, #tpu.memory_space<vmem>>, vector<16xf32>,
          %max3A = arith.maximumf %get3A_285, %get3A_277 : vector<16xf32>
          %swap3A_286 = arith.index_cast %add3A_278 : i32 to index
          %swap3A_287 = tpu.vector_load %arg8[%swap3A_286] {strides = array<i32>} : memref<40192xf32, #tpu.memory_space<vmem>>, vector<16xf32>,
          tpu.vector_store %arg8[%swap3A_286], %max3A {strides = array<i32>} : memref<40192xf32, #tpu.memory_space<vmem>>, vector<16xf32>,
          %get3A_288 = arith.index_cast %add3A_278 : i32 to index
          %get3A_289 = tpu.vector_load %arg9[%get3A_288] {strides = array<i32>} : memref<40192xf32, #tpu.memory_space<vmem>>, vector<16xf32>,
          %mul3A_290 = arith.mulf %get3A_277, %get3A_277 : vector<16xf32>
          %add3A_291 = arith.addf %get3A_289, %mul3A_290 : vector<16xf32>
          %swap3A_292 = arith.index_cast %add3A_278 : i32 to index
          %swap3A_293 = tpu.vector_load %arg9[%swap3A_292] {strides = array<i32>} : memref<40192xf32, #tpu.memory_space<vmem>>, vector<16xf32>,
          tpu.vector_store %arg9[%swap3A_292], %add3A_291 {strides = array<i32>} : memref<40192xf32, #tpu.memory_space<vmem>>, vector<16xf32>,
          %scan3A_294 = arith.constant 0 : i32
          scf.yield %scan3A_294 : i32
        }
        %scan3A_224 = arith.constant 8 : i32
        %slice3A_225 = vector.extract_strided_slice %get3A_94 {offsets = [12], sizes = [1], strides = [1]} : vector<16xi32> to vector<1xi32>
        %squeeze3A_226 = vector.extract %slice3A_225[0] : i32 from vector<1xi32>
        %mul3A_227 = arith.constant 128 : i32
        %mul3A_228 = arith.muli %squeeze3A_226, %mul3A_227 : i32
        %scan3A_229 = arith.constant 0 : i32
        %scan3A_230 = arith.constant 0 : i32
        %scan3A_231 = arith.constant 8 : i32
        %scan3A_232 = arith.addi %scan3A_230, %scan3A_231 : i32
        %scan3A_233 = arith.constant 1 : i32
        %scan3A_234 = scf.for %scan3A_270 = %scan3A_230 to %scan3A_232 step %scan3A_233 iter_args(%scan3A_271 = %scan3A_229) -> (i32)  : i32 {
          %mul3A_272 = arith.constant 16 : i32
          %mul3A_273 = arith.muli %scan3A_270, %mul3A_272 : i32
          %get3A_274 = arith.constant 12 : i32
          %get3A_275 = arith.index_cast %get3A_274 : i32 to index
          %get3A_276 = arith.index_cast %mul3A_273 : i32 to index
          %get3A_277 = tpu.vector_load %arg13[%get3A_275, %get3A_276] {strides = array<i32>} : memref<16x128xf32, #tpu.memory_space<vmem>>, vector<16xf32>,
          %add3A_278 = arith.addi %mul3A_228, %mul3A_273 : i32
          %get3A_279 = arith.index_cast %add3A_278 : i32 to index
          %get3A_280 = tpu.vector_load %arg7[%get3A_279] {strides = array<i32>} : memref<40192xf32, #tpu.memory_space<vmem>>, vector<16xf32>,
          %add3A_281 = arith.addf %get3A_280, %get3A_277 : vector<16xf32>
          %swap3A_282 = arith.index_cast %add3A_278 : i32 to index
          %swap3A_283 = tpu.vector_load %arg7[%swap3A_282] {strides = array<i32>} : memref<40192xf32, #tpu.memory_space<vmem>>, vector<16xf32>,
          tpu.vector_store %arg7[%swap3A_282], %add3A_281 {strides = array<i32>} : memref<40192xf32, #tpu.memory_space<vmem>>, vector<16xf32>,
          %get3A_284 = arith.index_cast %add3A_278 : i32 to index
          %get3A_285 = tpu.vector_load %arg8[%get3A_284] {strides = array<i32>} : memref<40192xf32, #tpu.memory_space<vmem>>, vector<16xf32>,
          %max3A = arith.maximumf %get3A_285, %get3A_277 : vector<16xf32>
          %swap3A_286 = arith.index_cast %add3A_278 : i32 to index
          %swap3A_287 = tpu.vector_load %arg8[%swap3A_286] {strides = array<i32>} : memref<40192xf32, #tpu.memory_space<vmem>>, vector<16xf32>,
          tpu.vector_store %arg8[%swap3A_286], %max3A {strides = array<i32>} : memref<40192xf32, #tpu.memory_space<vmem>>, vector<16xf32>,
          %get3A_288 = arith.index_cast %add3A_278 : i32 to index
          %get3A_289 = tpu.vector_load %arg9[%get3A_288] {strides = array<i32>} : memref<40192xf32, #tpu.memory_space<vmem>>, vector<16xf32>,
          %mul3A_290 = arith.mulf %get3A_277, %get3A_277 : vector<16xf32>
          %add3A_291 = arith.addf %get3A_289, %mul3A_290 : vector<16xf32>
          %swap3A_292 = arith.index_cast %add3A_278 : i32 to index
          %swap3A_293 = tpu.vector_load %arg9[%swap3A_292] {strides = array<i32>} : memref<40192xf32, #tpu.memory_space<vmem>>, vector<16xf32>,
          tpu.vector_store %arg9[%swap3A_292], %add3A_291 {strides = array<i32>} : memref<40192xf32, #tpu.memory_space<vmem>>, vector<16xf32>,
          %scan3A_294 = arith.constant 0 : i32
          scf.yield %scan3A_294 : i32
        }
        %scan3A_235 = arith.constant 8 : i32
        %slice3A_236 = vector.extract_strided_slice %get3A_94 {offsets = [13], sizes = [1], strides = [1]} : vector<16xi32> to vector<1xi32>
        %squeeze3A_237 = vector.extract %slice3A_236[0] : i32 from vector<1xi32>
        %mul3A_238 = arith.constant 128 : i32
        %mul3A_239 = arith.muli %squeeze3A_237, %mul3A_238 : i32
        %scan3A_240 = arith.constant 0 : i32
        %scan3A_241 = arith.constant 0 : i32
        %scan3A_242 = arith.constant 8 : i32
        %scan3A_243 = arith.addi %scan3A_241, %scan3A_242 : i32
        %scan3A_244 = arith.constant 1 : i32
        %scan3A_245 = scf.for %scan3A_270 = %scan3A_241 to %scan3A_243 step %scan3A_244 iter_args(%scan3A_271 = %scan3A_240) -> (i32)  : i32 {
          %mul3A_272 = arith.constant 16 : i32
          %mul3A_273 = arith.muli %scan3A_270, %mul3A_272 : i32
          %get3A_274 = arith.constant 13 : i32
          %get3A_275 = arith.index_cast %get3A_274 : i32 to index
          %get3A_276 = arith.index_cast %mul3A_273 : i32 to index
          %get3A_277 = tpu.vector_load %arg13[%get3A_275, %get3A_276] {strides = array<i32>} : memref<16x128xf32, #tpu.memory_space<vmem>>, vector<16xf32>,
          %add3A_278 = arith.addi %mul3A_239, %mul3A_273 : i32
          %get3A_279 = arith.index_cast %add3A_278 : i32 to index
          %get3A_280 = tpu.vector_load %arg7[%get3A_279] {strides = array<i32>} : memref<40192xf32, #tpu.memory_space<vmem>>, vector<16xf32>,
          %add3A_281 = arith.addf %get3A_280, %get3A_277 : vector<16xf32>
          %swap3A_282 = arith.index_cast %add3A_278 : i32 to index
          %swap3A_283 = tpu.vector_load %arg7[%swap3A_282] {strides = array<i32>} : memref<40192xf32, #tpu.memory_space<vmem>>, vector<16xf32>,
          tpu.vector_store %arg7[%swap3A_282], %add3A_281 {strides = array<i32>} : memref<40192xf32, #tpu.memory_space<vmem>>, vector<16xf32>,
          %get3A_284 = arith.index_cast %add3A_278 : i32 to index
          %get3A_285 = tpu.vector_load %arg8[%get3A_284] {strides = array<i32>} : memref<40192xf32, #tpu.memory_space<vmem>>, vector<16xf32>,
          %max3A = arith.maximumf %get3A_285, %get3A_277 : vector<16xf32>
          %swap3A_286 = arith.index_cast %add3A_278 : i32 to index
          %swap3A_287 = tpu.vector_load %arg8[%swap3A_286] {strides = array<i32>} : memref<40192xf32, #tpu.memory_space<vmem>>, vector<16xf32>,
          tpu.vector_store %arg8[%swap3A_286], %max3A {strides = array<i32>} : memref<40192xf32, #tpu.memory_space<vmem>>, vector<16xf32>,
          %get3A_288 = arith.index_cast %add3A_278 : i32 to index
          %get3A_289 = tpu.vector_load %arg9[%get3A_288] {strides = array<i32>} : memref<40192xf32, #tpu.memory_space<vmem>>, vector<16xf32>,
          %mul3A_290 = arith.mulf %get3A_277, %get3A_277 : vector<16xf32>
          %add3A_291 = arith.addf %get3A_289, %mul3A_290 : vector<16xf32>
          %swap3A_292 = arith.index_cast %add3A_278 : i32 to index
          %swap3A_293 = tpu.vector_load %arg9[%swap3A_292] {strides = array<i32>} : memref<40192xf32, #tpu.memory_space<vmem>>, vector<16xf32>,
          tpu.vector_store %arg9[%swap3A_292], %add3A_291 {strides = array<i32>} : memref<40192xf32, #tpu.memory_space<vmem>>, vector<16xf32>,
          %scan3A_294 = arith.constant 0 : i32
          scf.yield %scan3A_294 : i32
        }
        %scan3A_246 = arith.constant 8 : i32
        %slice3A_247 = vector.extract_strided_slice %get3A_94 {offsets = [14], sizes = [1], strides = [1]} : vector<16xi32> to vector<1xi32>
        %squeeze3A_248 = vector.extract %slice3A_247[0] : i32 from vector<1xi32>
        %mul3A_249 = arith.constant 128 : i32
        %mul3A_250 = arith.muli %squeeze3A_248, %mul3A_249 : i32
        %scan3A_251 = arith.constant 0 : i32
        %scan3A_252 = arith.constant 0 : i32
        %scan3A_253 = arith.constant 8 : i32
        %scan3A_254 = arith.addi %scan3A_252, %scan3A_253 : i32
        %scan3A_255 = arith.constant 1 : i32
        %scan3A_256 = scf.for %scan3A_270 = %scan3A_252 to %scan3A_254 step %scan3A_255 iter_args(%scan3A_271 = %scan3A_251) -> (i32)  : i32 {
          %mul3A_272 = arith.constant 16 : i32
          %mul3A_273 = arith.muli %scan3A_270, %mul3A_272 : i32
          %get3A_274 = arith.constant 14 : i32
          %get3A_275 = arith.index_cast %get3A_274 : i32 to index
          %get3A_276 = arith.index_cast %mul3A_273 : i32 to index
          %get3A_277 = tpu.vector_load %arg13[%get3A_275, %get3A_276] {strides = array<i32>} : memref<16x128xf32, #tpu.memory_space<vmem>>, vector<16xf32>,
          %add3A_278 = arith.addi %mul3A_250, %mul3A_273 : i32
          %get3A_279 = arith.index_cast %add3A_278 : i32 to index
          %get3A_280 = tpu.vector_load %arg7[%get3A_279] {strides = array<i32>} : memref<40192xf32, #tpu.memory_space<vmem>>, vector<16xf32>,
          %add3A_281 = arith.addf %get3A_280, %get3A_277 : vector<16xf32>
          %swap3A_282 = arith.index_cast %add3A_278 : i32 to index
          %swap3A_283 = tpu.vector_load %arg7[%swap3A_282] {strides = array<i32>} : memref<40192xf32, #tpu.memory_space<vmem>>, vector<16xf32>,
          tpu.vector_store %arg7[%swap3A_282], %add3A_281 {strides = array<i32>} : memref<40192xf32, #tpu.memory_space<vmem>>, vector<16xf32>,
          %get3A_284 = arith.index_cast %add3A_278 : i32 to index
          %get3A_285 = tpu.vector_load %arg8[%get3A_284] {strides = array<i32>} : memref<40192xf32, #tpu.memory_space<vmem>>, vector<16xf32>,
          %max3A = arith.maximumf %get3A_285, %get3A_277 : vector<16xf32>
          %swap3A_286 = arith.index_cast %add3A_278 : i32 to index
          %swap3A_287 = tpu.vector_load %arg8[%swap3A_286] {strides = array<i32>} : memref<40192xf32, #tpu.memory_space<vmem>>, vector<16xf32>,
          tpu.vector_store %arg8[%swap3A_286], %max3A {strides = array<i32>} : memref<40192xf32, #tpu.memory_space<vmem>>, vector<16xf32>,
          %get3A_288 = arith.index_cast %add3A_278 : i32 to index
          %get3A_289 = tpu.vector_load %arg9[%get3A_288] {strides = array<i32>} : memref<40192xf32, #tpu.memory_space<vmem>>, vector<16xf32>,
          %mul3A_290 = arith.mulf %get3A_277, %get3A_277 : vector<16xf32>
          %add3A_291 = arith.addf %get3A_289, %mul3A_290 : vector<16xf32>
          %swap3A_292 = arith.index_cast %add3A_278 : i32 to index
          %swap3A_293 = tpu.vector_load %arg9[%swap3A_292] {strides = array<i32>} : memref<40192xf32, #tpu.memory_space<vmem>>, vector<16xf32>,
          tpu.vector_store %arg9[%swap3A_292], %add3A_291 {strides = array<i32>} : memref<40192xf32, #tpu.memory_space<vmem>>, vector<16xf32>,
          %scan3A_294 = arith.constant 0 : i32
          scf.yield %scan3A_294 : i32
        }
        %scan3A_257 = arith.constant 8 : i32
        %slice3A_258 = vector.extract_strided_slice %get3A_94 {offsets = [15], sizes = [1], strides = [1]} : vector<16xi32> to vector<1xi32>
        %squeeze3A_259 = vector.extract %slice3A_258[0] : i32 from vector<1xi32>
        %mul3A_260 = arith.constant 128 : i32
        %mul3A_261 = arith.muli %squeeze3A_259, %mul3A_260 : i32
        %scan3A_262 = arith.constant 0 : i32
        %scan3A_263 = arith.constant 0 : i32
        %scan3A_264 = arith.constant 8 : i32
        %scan3A_265 = arith.addi %scan3A_263, %scan3A_264 : i32
        %scan3A_266 = arith.constant 1 : i32
        %scan3A_267 = scf.for %scan3A_270 = %scan3A_263 to %scan3A_265 step %scan3A_266 iter_args(%scan3A_271 = %scan3A_262) -> (i32)  : i32 {
          %mul3A_272 = arith.constant 16 : i32
          %mul3A_273 = arith.muli %scan3A_270, %mul3A_272 : i32
          %get3A_274 = arith.constant 15 : i32
          %get3A_275 = arith.index_cast %get3A_274 : i32 to index
          %get3A_276 = arith.index_cast %mul3A_273 : i32 to index
          %get3A_277 = tpu.vector_load %arg13[%get3A_275, %get3A_276] {strides = array<i32>} : memref<16x128xf32, #tpu.memory_space<vmem>>, vector<16xf32>,
          %add3A_278 = arith.addi %mul3A_261, %mul3A_273 : i32
          %get3A_279 = arith.index_cast %add3A_278 : i32 to index
          %get3A_280 = tpu.vector_load %arg7[%get3A_279] {strides = array<i32>} : memref<40192xf32, #tpu.memory_space<vmem>>, vector<16xf32>,
          %add3A_281 = arith.addf %get3A_280, %get3A_277 : vector<16xf32>
          %swap3A_282 = arith.index_cast %add3A_278 : i32 to index
          %swap3A_283 = tpu.vector_load %arg7[%swap3A_282] {strides = array<i32>} : memref<40192xf32, #tpu.memory_space<vmem>>, vector<16xf32>,
          tpu.vector_store %arg7[%swap3A_282], %add3A_281 {strides = array<i32>} : memref<40192xf32, #tpu.memory_space<vmem>>, vector<16xf32>,
          %get3A_284 = arith.index_cast %add3A_278 : i32 to index
          %get3A_285 = tpu.vector_load %arg8[%get3A_284] {strides = array<i32>} : memref<40192xf32, #tpu.memory_space<vmem>>, vector<16xf32>,
          %max3A = arith.maximumf %get3A_285, %get3A_277 : vector<16xf32>
          %swap3A_286 = arith.index_cast %add3A_278 : i32 to index
          %swap3A_287 = tpu.vector_load %arg8[%swap3A_286] {strides = array<i32>} : memref<40192xf32, #tpu.memory_space<vmem>>, vector<16xf32>,
          tpu.vector_store %arg8[%swap3A_286], %max3A {strides = array<i32>} : memref<40192xf32, #tpu.memory_space<vmem>>, vector<16xf32>,
          %get3A_288 = arith.index_cast %add3A_278 : i32 to index
          %get3A_289 = tpu.vector_load %arg9[%get3A_288] {strides = array<i32>} : memref<40192xf32, #tpu.memory_space<vmem>>, vector<16xf32>,
          %mul3A_290 = arith.mulf %get3A_277, %get3A_277 : vector<16xf32>
          %add3A_291 = arith.addf %get3A_289, %mul3A_290 : vector<16xf32>
          %swap3A_292 = arith.index_cast %add3A_278 : i32 to index
          %swap3A_293 = tpu.vector_load %arg9[%swap3A_292] {strides = array<i32>} : memref<40192xf32, #tpu.memory_space<vmem>>, vector<16xf32>,
          tpu.vector_store %arg9[%swap3A_292], %add3A_291 {strides = array<i32>} : memref<40192xf32, #tpu.memory_space<vmem>>, vector<16xf32>,
          %scan3A_294 = arith.constant 0 : i32
          scf.yield %scan3A_294 : i32
        }
        %scan3A_268 = arith.constant 8 : i32
        %while3A_269 = arith.constant 0 : i32
        scf.yield %while3A_269 : i32
      }
      %scan3A_78 = arith.constant 0 : i32
      scf.yield %scan3A_78 : i32
    }
    %scan3A_15 = arith.constant 200 : i32
    %mul3A_16 = arith.constant 40064 : i32
    %mul3A_17 = arith.muli %add3A, %mul3A_16 : i32
    "tpu.region"() ({
      %run_scoped3A = tpu.sem_alloc : memref<!tpu.dma_semaphore, #tpu.memory_space<semaphore_mem>>
      %dma_start3A = arith.constant 0 : i32
      %dma_start3A_22 = tpu.memref_slice %arg7[%dma_start3A] : memref<40192xf32, #tpu.memory_space<vmem>> -> memref<40064xf32, #tpu.memory_space<vmem>>
      %dma_start3A_23 = tpu.memref_slice %arg4[%mul3A_17] : memref<1282048xf32, #tpu.memory_space<hbm>> -> memref<40064xf32, #tpu.memory_space<hbm>>
      %dma_start3A_24 = tpu.memref_slice %arg4[%mul3A_17] : memref<1282048xf32, #tpu.memory_space<hbm>> -> memref<40064xf32, #tpu.memory_space<hbm>>
      %dma_start3A_25 = arith.constant 0 : i32
      %dma_start3A_26 = tpu.memref_slice %arg7[%dma_start3A_25] : memref<40192xf32, #tpu.memory_space<vmem>> -> memref<40064xf32, #tpu.memory_space<vmem>>
      tpu.enqueue_dma source(%dma_start3A_26 : memref<40064xf32, #tpu.memory_space<vmem>>) target(%dma_start3A_24 : memref<40064xf32, #tpu.memory_space<hbm>>) target_semaphore(%run_scoped3A : memref<!tpu.dma_semaphore, #tpu.memory_space<semaphore_mem>>)
      %dma_wait3A = arith.constant 0 : i32
      %dma_wait3A_27 = tpu.memref_slice %arg7[%dma_wait3A] : memref<40192xf32, #tpu.memory_space<vmem>> -> memref<40064xf32, #tpu.memory_space<vmem>>
      %dma_wait3A_28 = tpu.memref_slice %arg4[%mul3A_17] : memref<1282048xf32, #tpu.memory_space<hbm>> -> memref<40064xf32, #tpu.memory_space<hbm>>
      %dma_wait3A_29 = tpu.memref_slice %arg4[%mul3A_17] : memref<1282048xf32, #tpu.memory_space<hbm>> -> memref<40064xf32, #tpu.memory_space<hbm>>
      %dma_wait3A_30 = arith.constant 0 : i32
      %dma_wait3A_31 = tpu.memref_slice %arg7[%dma_wait3A_30] : memref<40192xf32, #tpu.memory_space<vmem>> -> memref<40064xf32, #tpu.memory_space<vmem>>
      tpu.wait_dma2 semaphore(%run_scoped3A : memref<!tpu.dma_semaphore, #tpu.memory_space<semaphore_mem>>) src(%dma_wait3A_31 : memref<40064xf32, #tpu.memory_space<vmem>>) dst(%dma_wait3A_29 : memref<40064xf32, #tpu.memory_space<hbm>>)
      tpu.yield
    }) : () -> ()
    %mul3A_18 = arith.constant 40064 : i32
    %mul3A_19 = arith.muli %add3A, %mul3A_18 : i32
    "tpu.region"() ({
      %run_scoped3A = tpu.sem_alloc : memref<!tpu.dma_semaphore, #tpu.memory_space<semaphore_mem>>
      %dma_start3A = arith.constant 0 : i32
      %dma_start3A_22 = tpu.memref_slice %arg8[%dma_start3A] : memref<40192xf32, #tpu.memory_space<vmem>> -> memref<40064xf32, #tpu.memory_space<vmem>>
      %dma_start3A_23 = tpu.memref_slice %arg5[%mul3A_19] : memref<1282048xf32, #tpu.memory_space<hbm>> -> memref<40064xf32, #tpu.memory_space<hbm>>
      %dma_start3A_24 = tpu.memref_slice %arg5[%mul3A_19] : memref<1282048xf32, #tpu.memory_space<hbm>> -> memref<40064xf32, #tpu.memory_space<hbm>>
      %dma_start3A_25 = arith.constant 0 : i32
      %dma_start3A_26 = tpu.memref_slice %arg8[%dma_start3A_25] : memref<40192xf32, #tpu.memory_space<vmem>> -> memref<40064xf32, #tpu.memory_space<vmem>>
      tpu.enqueue_dma source(%dma_start3A_26 : memref<40064xf32, #tpu.memory_space<vmem>>) target(%dma_start3A_24 : memref<40064xf32, #tpu.memory_space<hbm>>) target_semaphore(%run_scoped3A : memref<!tpu.dma_semaphore, #tpu.memory_space<semaphore_mem>>)
      %dma_wait3A = arith.constant 0 : i32
      %dma_wait3A_27 = tpu.memref_slice %arg8[%dma_wait3A] : memref<40192xf32, #tpu.memory_space<vmem>> -> memref<40064xf32, #tpu.memory_space<vmem>>
      %dma_wait3A_28 = tpu.memref_slice %arg5[%mul3A_19] : memref<1282048xf32, #tpu.memory_space<hbm>> -> memref<40064xf32, #tpu.memory_space<hbm>>
      %dma_wait3A_29 = tpu.memref_slice %arg5[%mul3A_19] : memref<1282048xf32, #tpu.memory_space<hbm>> -> memref<40064xf32, #tpu.memory_space<hbm>>
      %dma_wait3A_30 = arith.constant 0 : i32
      %dma_wait3A_31 = tpu.memref_slice %arg8[%dma_wait3A_30] : memref<40192xf32, #tpu.memory_space<vmem>> -> memref<40064xf32, #tpu.memory_space<vmem>>
      tpu.wait_dma2 semaphore(%run_scoped3A : memref<!tpu.dma_semaphore, #tpu.memory_space<semaphore_mem>>) src(%dma_wait3A_31 : memref<40064xf32, #tpu.memory_space<vmem>>) dst(%dma_wait3A_29 : memref<40064xf32, #tpu.memory_space<hbm>>)
      tpu.yield
    }) : () -> ()
    %mul3A_20 = arith.constant 40064 : i32
    %mul3A_21 = arith.muli %add3A, %mul3A_20 : i32
    "tpu.region"() ({
      %run_scoped3A = tpu.sem_alloc : memref<!tpu.dma_semaphore, #tpu.memory_space<semaphore_mem>>
      %dma_start3A = arith.constant 0 : i32
      %dma_start3A_22 = tpu.memref_slice %arg9[%dma_start3A] : memref<40192xf32, #tpu.memory_space<vmem>> -> memref<40064xf32, #tpu.memory_space<vmem>>
      %dma_start3A_23 = tpu.memref_slice %arg6[%mul3A_21] : memref<1282048xf32, #tpu.memory_space<hbm>> -> memref<40064xf32, #tpu.memory_space<hbm>>
      %dma_start3A_24 = tpu.memref_slice %arg6[%mul3A_21] : memref<1282048xf32, #tpu.memory_space<hbm>> -> memref<40064xf32, #tpu.memory_space<hbm>>
      %dma_start3A_25 = arith.constant 0 : i32
      %dma_start3A_26 = tpu.memref_slice %arg9[%dma_start3A_25] : memref<40192xf32, #tpu.memory_space<vmem>> -> memref<40064xf32, #tpu.memory_space<vmem>>
      tpu.enqueue_dma source(%dma_start3A_26 : memref<40064xf32, #tpu.memory_space<vmem>>) target(%dma_start3A_24 : memref<40064xf32, #tpu.memory_space<hbm>>) target_semaphore(%run_scoped3A : memref<!tpu.dma_semaphore, #tpu.memory_space<semaphore_mem>>)
      %dma_wait3A = arith.constant 0 : i32
      %dma_wait3A_27 = tpu.memref_slice %arg9[%dma_wait3A] : memref<40192xf32, #tpu.memory_space<vmem>> -> memref<40064xf32, #tpu.memory_space<vmem>>
      %dma_wait3A_28 = tpu.memref_slice %arg6[%mul3A_21] : memref<1282048xf32, #tpu.memory_space<hbm>> -> memref<40064xf32, #tpu.memory_space<hbm>>
      %dma_wait3A_29 = tpu.memref_slice %arg6[%mul3A_21] : memref<1282048xf32, #tpu.memory_space<hbm>> -> memref<40064xf32, #tpu.memory_space<hbm>>
      %dma_wait3A_30 = arith.constant 0 : i32
      %dma_wait3A_31 = tpu.memref_slice %arg9[%dma_wait3A_30] : memref<40192xf32, #tpu.memory_space<vmem>> -> memref<40064xf32, #tpu.memory_space<vmem>>
      tpu.wait_dma2 semaphore(%run_scoped3A : memref<!tpu.dma_semaphore, #tpu.memory_space<semaphore_mem>>) src(%dma_wait3A_31 : memref<40064xf32, #tpu.memory_space<vmem>>) dst(%dma_wait3A_29 : memref<40064xf32, #tpu.memory_space<hbm>>)
      tpu.yield
    }) : () -> ()
    return
  }
}

#map = affine_map<(d0, d1) -> (0, 0)>
#map1 = affine_map<(d0, d1) -> (0)>
module attributes {stable_mosaic.version = 14 : i64} {
  func.func @kern(%arg0: i32, %arg1: i32, %arg2: memref<10000x128xf32, #tpu.memory_space<hbm>>, %arg3: memref<320000xi32, #tpu.memory_space<hbm>>, %arg4: memref<320000xi32, #tpu.memory_space<hbm>>, %arg5: memref<1282048xf32, #tpu.memory_space<hbm>>, %arg6: memref<1282048xf32, #tpu.memory_space<hbm>>, %arg7: memref<1282048xf32, #tpu.memory_space<hbm>>, %arg8: memref<10240xf32, #tpu.memory_space<hbm>>, %arg9: memref<40192xf32, #tpu.memory_space<vmem>>, %arg10: memref<40192xf32, #tpu.memory_space<vmem>>, %arg11: memref<40192xf32, #tpu.memory_space<vmem>>, %arg12: memref<320xf32, #tpu.memory_space<vmem>>, %arg13: memref<1600xi32, #tpu.memory_space<vmem>>, %arg14: memref<1600xi32, #tpu.memory_space<vmem>>, %arg15: memref<1632xi32, #tpu.memory_space<vmem>>, %arg16: memref<1632xi32, #tpu.memory_space<vmem>>, %arg17: memref<16x128xf32, #tpu.memory_space<vmem>>, %arg18: memref<!tpu.dma_semaphore, #tpu.memory_space<semaphore_mem>>) attributes {dimension_semantics = [#tpu.dimension_semantics<core_parallel>, #tpu.dimension_semantics<subcore_parallel>], iteration_bounds = array<i64: 2, 16>, scalar_prefetch = 0 : i64, scratch_operands = 10 : i64, tpu.core_type = #tpu.core_type<sc_vector_subcore>, window_params = [{transform_indices = #map}, {transform_indices = #map1}, {transform_indices = #map1}, {transform_indices = #map1}, {transform_indices = #map1}, {transform_indices = #map1}, {transform_indices = #map1}]} {
    %mul3A = arith.constant 16 : i32
    %mul3A_0 = arith.muli %arg0, %mul3A : i32
    %add3A = arith.addi %mul3A_0, %arg1 : i32
    %mul3A_1 = arith.constant 313 : i32
    %mul3A_2 = arith.muli %add3A, %mul3A_1 : i32
    %scan3A = arith.constant 0 : i32
    %scan3A_3 = arith.constant 0 : i32
    %scan3A_4 = arith.constant 2512 : i32
    %scan3A_5 = arith.addi %scan3A_3, %scan3A_4 : i32
    %scan3A_6 = arith.constant 1 : i32
    %scan3A_7 = scf.for %scan3A_32 = %scan3A_3 to %scan3A_5 step %scan3A_6 iter_args(%scan3A_33 = %scan3A) -> (i32)  : i32 {
      %mul3A_34 = arith.constant 16 : i32
      %mul3A_35 = arith.muli %scan3A_32, %mul3A_34 : i32
      %broadcast_in_dim3A_36 = arith.constant 0.000000e+00 : f32
      %broadcast_in_dim3A_37 = vector.broadcast %broadcast_in_dim3A_36 : f32 to vector<16xf32>
      %swap3A = arith.index_cast %mul3A_35 : i32 to index
      %swap3A_38 = tpu.vector_load %arg9[%swap3A] {strides = array<i32>} : memref<40192xf32, #tpu.memory_space<vmem>>, vector<16xf32>,
      tpu.vector_store %arg9[%swap3A], %broadcast_in_dim3A_37 {strides = array<i32>} : memref<40192xf32, #tpu.memory_space<vmem>>, vector<16xf32>,
      %broadcast_in_dim3A_39 = arith.constant -3.40282347E+38 : f32
      %broadcast_in_dim3A_40 = vector.broadcast %broadcast_in_dim3A_39 : f32 to vector<16xf32>
      %swap3A_41 = arith.index_cast %mul3A_35 : i32 to index
      %swap3A_42 = tpu.vector_load %arg10[%swap3A_41] {strides = array<i32>} : memref<40192xf32, #tpu.memory_space<vmem>>, vector<16xf32>,
      tpu.vector_store %arg10[%swap3A_41], %broadcast_in_dim3A_40 {strides = array<i32>} : memref<40192xf32, #tpu.memory_space<vmem>>, vector<16xf32>,
      %broadcast_in_dim3A_43 = arith.constant 0.000000e+00 : f32
      %broadcast_in_dim3A_44 = vector.broadcast %broadcast_in_dim3A_43 : f32 to vector<16xf32>
      %swap3A_45 = arith.index_cast %mul3A_35 : i32 to index
      %swap3A_46 = tpu.vector_load %arg11[%swap3A_45] {strides = array<i32>} : memref<40192xf32, #tpu.memory_space<vmem>>, vector<16xf32>,
      tpu.vector_store %arg11[%swap3A_45], %broadcast_in_dim3A_44 {strides = array<i32>} : memref<40192xf32, #tpu.memory_space<vmem>>, vector<16xf32>,
      %scan3A_47 = arith.constant 0 : i32
      scf.yield %scan3A_47 : i32
    }
    %scan3A_8 = arith.constant 2512 : i32
    %scan3A_9 = arith.constant 0 : i32
    %scan3A_10 = arith.constant 0 : i32
    %scan3A_11 = arith.constant 20 : i32
    %scan3A_12 = arith.addi %scan3A_10, %scan3A_11 : i32
    %scan3A_13 = arith.constant 1 : i32
    %scan3A_14 = scf.for %scan3A_32 = %scan3A_10 to %scan3A_12 step %scan3A_13 iter_args(%scan3A_33 = %scan3A_9) -> (i32)  : i32 {
      %broadcast_in_dim3A_34 = arith.constant 0.000000e+00 : f32
      %broadcast_in_dim3A_35 = vector.broadcast %broadcast_in_dim3A_34 : f32 to vector<16xf32>
      %mul3A_36 = arith.constant 16 : i32
      %mul3A_37 = arith.muli %scan3A_32, %mul3A_36 : i32
      %swap3A = arith.index_cast %mul3A_37 : i32 to index
      %swap3A_38 = tpu.vector_load %arg12[%swap3A] {strides = array<i32>} : memref<320xf32, #tpu.memory_space<vmem>>, vector<16xf32>,
      tpu.vector_store %arg12[%swap3A], %broadcast_in_dim3A_35 {strides = array<i32>} : memref<320xf32, #tpu.memory_space<vmem>>, vector<16xf32>,
      %scan3A_39 = arith.constant 0 : i32
      scf.yield %scan3A_39 : i32
    }
    %scan3A_15 = arith.constant 20 : i32
    %broadcast_in_dim3A = arith.constant 1.000000e+00 : f32
    %broadcast_in_dim3A_16 = vector.broadcast %broadcast_in_dim3A : f32 to vector<16xf32>
    %scan3A_17 = arith.constant 0 : i32
    %scan3A_18 = arith.constant 0 : i32
    %scan3A_19 = arith.constant 200 : i32
    %scan3A_20 = arith.addi %scan3A_18, %scan3A_19 : i32
    %scan3A_21 = arith.constant 1 : i32
    %scan3A_22 = scf.for %scan3A_32 = %scan3A_18 to %scan3A_20 step %scan3A_21 iter_args(%scan3A_33 = %scan3A_17) -> (i32)  : i32 {
      %mul3A_34 = arith.constant 1600 : i32
      %mul3A_35 = arith.muli %scan3A_32, %mul3A_34 : i32
      "tpu.region"() ({
        %run_scoped3A = tpu.sem_alloc : memref<!tpu.dma_semaphore, #tpu.memory_space<semaphore_mem>>
        %dma_start3A = tpu.memref_slice %arg4[%mul3A_35] : memref<320000xi32, #tpu.memory_space<hbm>> -> memref<1600xi32, #tpu.memory_space<hbm>>
        %dma_start3A_90 = tpu.memref_slice %arg4[%mul3A_35] : memref<320000xi32, #tpu.memory_space<hbm>> -> memref<1600xi32, #tpu.memory_space<hbm>>
        tpu.enqueue_dma source(%dma_start3A_90 : memref<1600xi32, #tpu.memory_space<hbm>>) target(%arg13 : memref<1600xi32, #tpu.memory_space<vmem>>) target_semaphore(%run_scoped3A : memref<!tpu.dma_semaphore, #tpu.memory_space<semaphore_mem>>)
        %dma_wait3A = tpu.memref_slice %arg4[%mul3A_35] : memref<320000xi32, #tpu.memory_space<hbm>> -> memref<1600xi32, #tpu.memory_space<hbm>>
        %dma_wait3A_91 = tpu.memref_slice %arg4[%mul3A_35] : memref<320000xi32, #tpu.memory_space<hbm>> -> memref<1600xi32, #tpu.memory_space<hbm>>
        tpu.wait_dma2 semaphore(%run_scoped3A : memref<!tpu.dma_semaphore, #tpu.memory_space<semaphore_mem>>) src(%dma_wait3A_91 : memref<1600xi32, #tpu.memory_space<hbm>>) dst(%arg13 : memref<1600xi32, #tpu.memory_space<vmem>>)
        tpu.yield
      }) : () -> ()
      "tpu.region"() ({
        %run_scoped3A = tpu.sem_alloc : memref<!tpu.dma_semaphore, #tpu.memory_space<semaphore_mem>>
        %dma_start3A = tpu.memref_slice %arg3[%mul3A_35] : memref<320000xi32, #tpu.memory_space<hbm>> -> memref<1600xi32, #tpu.memory_space<hbm>>
        %dma_start3A_90 = tpu.memref_slice %arg3[%mul3A_35] : memref<320000xi32, #tpu.memory_space<hbm>> -> memref<1600xi32, #tpu.memory_space<hbm>>
        tpu.enqueue_dma source(%dma_start3A_90 : memref<1600xi32, #tpu.memory_space<hbm>>) target(%arg14 : memref<1600xi32, #tpu.memory_space<vmem>>) target_semaphore(%run_scoped3A : memref<!tpu.dma_semaphore, #tpu.memory_space<semaphore_mem>>)
        %dma_wait3A = tpu.memref_slice %arg3[%mul3A_35] : memref<320000xi32, #tpu.memory_space<hbm>> -> memref<1600xi32, #tpu.memory_space<hbm>>
        %dma_wait3A_91 = tpu.memref_slice %arg3[%mul3A_35] : memref<320000xi32, #tpu.memory_space<hbm>> -> memref<1600xi32, #tpu.memory_space<hbm>>
        tpu.wait_dma2 semaphore(%run_scoped3A : memref<!tpu.dma_semaphore, #tpu.memory_space<semaphore_mem>>) src(%dma_wait3A_91 : memref<1600xi32, #tpu.memory_space<hbm>>) dst(%arg14 : memref<1600xi32, #tpu.memory_space<vmem>>)
        tpu.yield
      }) : () -> ()
      %scan3A_36 = arith.constant 0 : i32
      %scan3A_37 = arith.constant 0 : i32
      %scan3A_38 = arith.constant 100 : i32
      %scan3A_39 = arith.addi %scan3A_37, %scan3A_38 : i32
      %scan3A_40 = arith.constant 1 : i32
      %scan3A_41 = scf.for %scan3A_90 = %scan3A_37 to %scan3A_39 step %scan3A_40 iter_args(%scan3A_91 = %scan3A_36) -> (i32)  : i32 {
        %mul3A_92 = arith.constant 16 : i32
        %mul3A_93 = arith.muli %scan3A_90, %mul3A_92 : i32
        %get3A = arith.index_cast %mul3A_93 : i32 to index
        %get3A_94 = tpu.vector_load %arg13[%get3A] {strides = array<i32>} : memref<1600xi32, #tpu.memory_space<vmem>>, vector<16xi32>,
        %mul3A_95 = arith.constant 16 : i32
        %mul3A_96 = arith.muli %scan3A_90, %mul3A_95 : i32
        %get3A_97 = arith.index_cast %mul3A_96 : i32 to index
        %get3A_98 = tpu.vector_load %arg14[%get3A_97] {strides = array<i32>} : memref<1600xi32, #tpu.memory_space<vmem>>, vector<16xi32>,
        %sub3A_99 = vector.broadcast %mul3A_2 : i32 to vector<16xi32>
        %sub3A_100 = arith.subi %get3A_94, %sub3A_99 : vector<16xi32>
        %ge3A = arith.constant 0 : i32
        %ge3A_101 = vector.broadcast %ge3A : i32 to vector<16xi32>
        %ge3A_102 = arith.cmpi sge, %sub3A_100, %ge3A_101 : vector<16xi32>
        %lt3A = arith.constant 313 : i32
        %lt3A_103 = vector.broadcast %lt3A : i32 to vector<16xi32>
        %lt3A_104 = arith.cmpi slt, %sub3A_100, %lt3A_103 : vector<16xi32>
        %and3A_105 = arith.andi %ge3A_102, %lt3A_104 : vector<16xi1>
        %sub3A_106 = arith.constant 1 : i32
        %sub3A_107 = arith.subi %scan3A_91, %sub3A_106 : i32
        %convert_element_type3A = arith.extui %and3A_105 : vector<16xi1> to vector<16xi32>
        %broadcast_in_dim3A_108 = arith.constant true
        %broadcast_in_dim3A_109 = vector.broadcast %broadcast_in_dim3A_108 : i1 to vector<16xi1>
        %masked_cumsum3A = tpu.scan <sum>, %convert_element_type3A masked %broadcast_in_dim3A_109 : vector<16xi32>, vector<16xi1> -> vector<16xi32>
        %add3A_110 = vector.broadcast %sub3A_107 : i32 to vector<16xi32>
        %add3A_111 = arith.addi %add3A_110, %masked_cumsum3A : vector<16xi32>
        tpu.vector_store_idx %arg15[%add3A_111], %get3A_98 masked %and3A_105 : memref<1632xi32, #tpu.memory_space<vmem>>[vector<16xi32>], vector<16xi32>, vector<16xi1>
        tpu.vector_store_idx %arg16[%add3A_111], %sub3A_100 masked %and3A_105 : memref<1632xi32, #tpu.memory_space<vmem>>[vector<16xi32>], vector<16xi32>, vector<16xi1>
        tpu.vector_store_idx %arg12[%sub3A_100], %broadcast_in_dim3A_16 masked %and3A_105 {add = true} : memref<320xf32, #tpu.memory_space<vmem>>[vector<16xi32>], vector<16xf32>, vector<16xi1>
        %slice3A = vector.extract_strided_slice %add3A_111 {offsets = [15], sizes = [1], strides = [1]} : vector<16xi32> to vector<1xi32>
        %squeeze3A = vector.extract %slice3A[0] : i32 from vector<1xi32>
        %add3A_112 = arith.constant 1 : i32
        %add3A_113 = arith.addi %squeeze3A, %add3A_112 : i32
        scf.yield %add3A_113 : i32
      }
      %scan3A_42 = arith.constant 100 : i32
      %broadcast_in_dim3A_43 = arith.constant -1 : i32
      %broadcast_in_dim3A_44 = vector.broadcast %broadcast_in_dim3A_43 : i32 to vector<16xi32>
      %broadcast_in_dim3A_45 = arith.constant 313 : i32
      %broadcast_in_dim3A_46 = vector.broadcast %broadcast_in_dim3A_45 : i32 to vector<16xi32>
      %swap3A = arith.index_cast %scan3A_41 : i32 to index
      %swap3A_47 = tpu.vector_load %arg15[%swap3A] {strides = array<i32>} : memref<1632xi32, #tpu.memory_space<vmem>>, vector<16xi32>,
      tpu.vector_store %arg15[%swap3A], %broadcast_in_dim3A_44 {strides = array<i32>} : memref<1632xi32, #tpu.memory_space<vmem>>, vector<16xi32>,
      %add3A_48 = arith.constant 16 : i32
      %add3A_49 = arith.addi %scan3A_41, %add3A_48 : i32
      %swap3A_50 = arith.index_cast %add3A_49 : i32 to index
      %swap3A_51 = tpu.vector_load %arg15[%swap3A_50] {strides = array<i32>} : memref<1632xi32, #tpu.memory_space<vmem>>, vector<16xi32>,
      tpu.vector_store %arg15[%swap3A_50], %broadcast_in_dim3A_44 {strides = array<i32>} : memref<1632xi32, #tpu.memory_space<vmem>>, vector<16xi32>,
      %swap3A_52 = arith.index_cast %scan3A_41 : i32 to index
      %swap3A_53 = tpu.vector_load %arg16[%swap3A_52] {strides = array<i32>} : memref<1632xi32, #tpu.memory_space<vmem>>, vector<16xi32>,
      tpu.vector_store %arg16[%swap3A_52], %broadcast_in_dim3A_46 {strides = array<i32>} : memref<1632xi32, #tpu.memory_space<vmem>>, vector<16xi32>,
      %add3A_54 = arith.constant 16 : i32
      %add3A_55 = arith.addi %scan3A_41, %add3A_54 : i32
      %swap3A_56 = arith.index_cast %add3A_55 : i32 to index
      %swap3A_57 = tpu.vector_load %arg16[%swap3A_56] {strides = array<i32>} : memref<1632xi32, #tpu.memory_space<vmem>>, vector<16xi32>,
      tpu.vector_store %arg16[%swap3A_56], %broadcast_in_dim3A_46 {strides = array<i32>} : memref<1632xi32, #tpu.memory_space<vmem>>, vector<16xi32>,
      %add3A_58 = arith.constant 16 : i32
      %add3A_59 = arith.addi %scan3A_41, %add3A_58 : i32
      %sub3A = arith.constant 1 : i32
      %sub3A_60 = arith.subi %add3A_59, %sub3A : i32
      %jit3A = arith.constant 16 : i32
      %div3A = arith.divsi %sub3A_60, %jit3A : i32
      %sign3A = arith.constant 0 : i32
      %sign3A_61 = arith.cmpi sgt, %sub3A_60, %sign3A : i32
      %sign3A_62 = arith.extui %sign3A_61 : i1 to i32
      %sign3A_63 = arith.constant 0 : i32
      %sign3A_64 = arith.cmpi slt, %sub3A_60, %sign3A_63 : i32
      %sign3A_65 = arith.extui %sign3A_64 : i1 to i32
      %sign3A_66 = arith.subi %sign3A_62, %sign3A_65 : i32
      %sign3A_67 = arith.constant 0 : i32
      %sign3A_68 = arith.cmpi sgt, %jit3A, %sign3A_67 : i32
      %sign3A_69 = arith.extui %sign3A_68 : i1 to i32
      %sign3A_70 = arith.constant 0 : i32
      %sign3A_71 = arith.cmpi slt, %jit3A, %sign3A_70 : i32
      %sign3A_72 = arith.extui %sign3A_71 : i1 to i32
      %sign3A_73 = arith.subi %sign3A_69, %sign3A_72 : i32
      %ne3A = arith.cmpi ne, %sign3A_66, %sign3A_73 : i32
      %rem3A = arith.remsi %sub3A_60, %jit3A : i32
      %ne3A_74 = arith.constant 0 : i32
      %ne3A_75 = arith.cmpi ne, %rem3A, %ne3A_74 : i32
      %and3A = arith.andi %ne3A, %ne3A_75 : i1
      %sub3A_76 = arith.constant 1 : i32
      %sub3A_77 = arith.subi %div3A, %sub3A_76 : i32
      %select_n3A = arith.select %and3A, %sub3A_77, %div3A : i32
      %while3A = arith.constant 0 : i32
      %while3A_78 = arith.constant 0 : i32
      %while3A_79 = arith.subi %select_n3A, %while3A : i32
      %while3A_80 = arith.addi %while3A, %while3A_79 : i32
      %while3A_81 = arith.constant 1 : i32
      %while3A_82 = arith.divsi %while3A_79, %while3A_81 : i32
      %while3A_83 = arith.muli %while3A_82, %while3A_81 : i32
      %while3A_84 = arith.addi %while3A, %while3A_83 : i32
      %while3A_85 = arith.constant 1 : i32
      %while3A_86 = scf.for %while3A_90 = %while3A to %while3A_84 step %while3A_85 iter_args(%while3A_91 = %while3A_78) -> (i32)  : i32 {
        %mul3A_92 = arith.constant 16 : i32
        %mul3A_93 = arith.muli %while3A_90, %mul3A_92 : i32
        %dma_start3A = tpu.memref_slice %arg15[%mul3A_93] : memref<1632xi32, #tpu.memory_space<vmem>> -> memref<16xi32, #tpu.memory_space<vmem>>
        %dma_start3A_94 = arith.constant 0 : i32
        %dma_start3A_95 = arith.constant 0 : i32
        %dma_start3A_96 = tpu.memref_slice %arg2[%dma_start3A_94, %dma_start3A_95] : memref<10000x128xf32, #tpu.memory_space<hbm>> -> memref<10000x128xf32, #tpu.memory_space<hbm>>
        %dma_start3A_97 = arith.constant -1 : i32
        tpu.enqueue_indirect_dma source(%dma_start3A_96 : memref<10000x128xf32, #tpu.memory_space<hbm>>) target(%arg17 : memref<16x128xf32, #tpu.memory_space<vmem>>) offsets(%dma_start3A : memref<16xi32, #tpu.memory_space<vmem>>) offset_filter(%dma_start3A_97) semaphore(%arg18 : memref<!tpu.dma_semaphore, #tpu.memory_space<semaphore_mem>>)
        %dma_wait3A = tpu.memref_slice %arg15[%mul3A_93] : memref<1632xi32, #tpu.memory_space<vmem>> -> memref<16xi32, #tpu.memory_space<vmem>>
        %dma_wait3A_98 = arith.constant 0 : i32
        %dma_wait3A_99 = arith.constant 0 : i32
        %dma_wait3A_100 = tpu.memref_slice %arg2[%dma_wait3A_98, %dma_wait3A_99] : memref<10000x128xf32, #tpu.memory_space<hbm>> -> memref<10000x128xf32, #tpu.memory_space<hbm>>
        tpu.wait_indirect_dma semaphore(%arg18 : memref<!tpu.dma_semaphore, #tpu.memory_space<semaphore_mem>>) src(%dma_wait3A_100 : memref<10000x128xf32, #tpu.memory_space<hbm>>) dst(%arg17 : memref<16x128xf32, #tpu.memory_space<vmem>>)
        %mul3A_101 = arith.constant 16 : i32
        %mul3A_102 = arith.muli %while3A_90, %mul3A_101 : i32
        %add3A_103 = arith.constant 0 : i32
        %add3A_104 = arith.addi %mul3A_102, %add3A_103 : i32
        %get3A = arith.index_cast %add3A_104 : i32 to index
        %get3A_105 = tpu.vector_load %arg16[%get3A] {strides = array<i32>} : memref<1632xi32, #tpu.memory_space<vmem>>, vector<16xi32>,
        %slice3A = vector.extract_strided_slice %get3A_105 {offsets = [0], sizes = [1], strides = [1]} : vector<16xi32> to vector<1xi32>
        %squeeze3A = vector.extract %slice3A[0] : i32 from vector<1xi32>
        %mul3A_106 = arith.constant 128 : i32
        %mul3A_107 = arith.muli %squeeze3A, %mul3A_106 : i32
        %scan3A_108 = arith.constant 0 : i32
        %scan3A_109 = arith.constant 0 : i32
        %scan3A_110 = arith.constant 8 : i32
        %scan3A_111 = arith.addi %scan3A_109, %scan3A_110 : i32
        %scan3A_112 = arith.constant 1 : i32
        %scan3A_113 = scf.for %scan3A_281 = %scan3A_109 to %scan3A_111 step %scan3A_112 iter_args(%scan3A_282 = %scan3A_108) -> (i32)  : i32 {
          %mul3A_283 = arith.constant 16 : i32
          %mul3A_284 = arith.muli %scan3A_281, %mul3A_283 : i32
          %get3A_285 = arith.constant 0 : i32
          %get3A_286 = arith.index_cast %get3A_285 : i32 to index
          %get3A_287 = arith.index_cast %mul3A_284 : i32 to index
          %get3A_288 = tpu.vector_load %arg17[%get3A_286, %get3A_287] {strides = array<i32>} : memref<16x128xf32, #tpu.memory_space<vmem>>, vector<16xf32>,
          %add3A_289 = arith.addi %mul3A_107, %mul3A_284 : i32
          %get3A_290 = arith.index_cast %add3A_289 : i32 to index
          %get3A_291 = tpu.vector_load %arg9[%get3A_290] {strides = array<i32>} : memref<40192xf32, #tpu.memory_space<vmem>>, vector<16xf32>,
          %add3A_292 = arith.addf %get3A_291, %get3A_288 : vector<16xf32>
          %swap3A_293 = arith.index_cast %add3A_289 : i32 to index
          %swap3A_294 = tpu.vector_load %arg9[%swap3A_293] {strides = array<i32>} : memref<40192xf32, #tpu.memory_space<vmem>>, vector<16xf32>,
          tpu.vector_store %arg9[%swap3A_293], %add3A_292 {strides = array<i32>} : memref<40192xf32, #tpu.memory_space<vmem>>, vector<16xf32>,
          %get3A_295 = arith.index_cast %add3A_289 : i32 to index
          %get3A_296 = tpu.vector_load %arg10[%get3A_295] {strides = array<i32>} : memref<40192xf32, #tpu.memory_space<vmem>>, vector<16xf32>,
          %max3A = arith.maximumf %get3A_296, %get3A_288 : vector<16xf32>
          %swap3A_297 = arith.index_cast %add3A_289 : i32 to index
          %swap3A_298 = tpu.vector_load %arg10[%swap3A_297] {strides = array<i32>} : memref<40192xf32, #tpu.memory_space<vmem>>, vector<16xf32>,
          tpu.vector_store %arg10[%swap3A_297], %max3A {strides = array<i32>} : memref<40192xf32, #tpu.memory_space<vmem>>, vector<16xf32>,
          %get3A_299 = arith.index_cast %add3A_289 : i32 to index
          %get3A_300 = tpu.vector_load %arg11[%get3A_299] {strides = array<i32>} : memref<40192xf32, #tpu.memory_space<vmem>>, vector<16xf32>,
          %mul3A_301 = arith.mulf %get3A_288, %get3A_288 : vector<16xf32>
          %add3A_302 = arith.addf %get3A_300, %mul3A_301 : vector<16xf32>
          %swap3A_303 = arith.index_cast %add3A_289 : i32 to index
          %swap3A_304 = tpu.vector_load %arg11[%swap3A_303] {strides = array<i32>} : memref<40192xf32, #tpu.memory_space<vmem>>, vector<16xf32>,
          tpu.vector_store %arg11[%swap3A_303], %add3A_302 {strides = array<i32>} : memref<40192xf32, #tpu.memory_space<vmem>>, vector<16xf32>,
          %scan3A_305 = arith.constant 0 : i32
          scf.yield %scan3A_305 : i32
        }
        %scan3A_114 = arith.constant 8 : i32
        %slice3A_115 = vector.extract_strided_slice %get3A_105 {offsets = [1], sizes = [1], strides = [1]} : vector<16xi32> to vector<1xi32>
        %squeeze3A_116 = vector.extract %slice3A_115[0] : i32 from vector<1xi32>
        %mul3A_117 = arith.constant 128 : i32
        %mul3A_118 = arith.muli %squeeze3A_116, %mul3A_117 : i32
        %scan3A_119 = arith.constant 0 : i32
        %scan3A_120 = arith.constant 0 : i32
        %scan3A_121 = arith.constant 8 : i32
        %scan3A_122 = arith.addi %scan3A_120, %scan3A_121 : i32
        %scan3A_123 = arith.constant 1 : i32
        %scan3A_124 = scf.for %scan3A_281 = %scan3A_120 to %scan3A_122 step %scan3A_123 iter_args(%scan3A_282 = %scan3A_119) -> (i32)  : i32 {
          %mul3A_283 = arith.constant 16 : i32
          %mul3A_284 = arith.muli %scan3A_281, %mul3A_283 : i32
          %get3A_285 = arith.constant 1 : i32
          %get3A_286 = arith.index_cast %get3A_285 : i32 to index
          %get3A_287 = arith.index_cast %mul3A_284 : i32 to index
          %get3A_288 = tpu.vector_load %arg17[%get3A_286, %get3A_287] {strides = array<i32>} : memref<16x128xf32, #tpu.memory_space<vmem>>, vector<16xf32>,
          %add3A_289 = arith.addi %mul3A_118, %mul3A_284 : i32
          %get3A_290 = arith.index_cast %add3A_289 : i32 to index
          %get3A_291 = tpu.vector_load %arg9[%get3A_290] {strides = array<i32>} : memref<40192xf32, #tpu.memory_space<vmem>>, vector<16xf32>,
          %add3A_292 = arith.addf %get3A_291, %get3A_288 : vector<16xf32>
          %swap3A_293 = arith.index_cast %add3A_289 : i32 to index
          %swap3A_294 = tpu.vector_load %arg9[%swap3A_293] {strides = array<i32>} : memref<40192xf32, #tpu.memory_space<vmem>>, vector<16xf32>,
          tpu.vector_store %arg9[%swap3A_293], %add3A_292 {strides = array<i32>} : memref<40192xf32, #tpu.memory_space<vmem>>, vector<16xf32>,
          %get3A_295 = arith.index_cast %add3A_289 : i32 to index
          %get3A_296 = tpu.vector_load %arg10[%get3A_295] {strides = array<i32>} : memref<40192xf32, #tpu.memory_space<vmem>>, vector<16xf32>,
          %max3A = arith.maximumf %get3A_296, %get3A_288 : vector<16xf32>
          %swap3A_297 = arith.index_cast %add3A_289 : i32 to index
          %swap3A_298 = tpu.vector_load %arg10[%swap3A_297] {strides = array<i32>} : memref<40192xf32, #tpu.memory_space<vmem>>, vector<16xf32>,
          tpu.vector_store %arg10[%swap3A_297], %max3A {strides = array<i32>} : memref<40192xf32, #tpu.memory_space<vmem>>, vector<16xf32>,
          %get3A_299 = arith.index_cast %add3A_289 : i32 to index
          %get3A_300 = tpu.vector_load %arg11[%get3A_299] {strides = array<i32>} : memref<40192xf32, #tpu.memory_space<vmem>>, vector<16xf32>,
          %mul3A_301 = arith.mulf %get3A_288, %get3A_288 : vector<16xf32>
          %add3A_302 = arith.addf %get3A_300, %mul3A_301 : vector<16xf32>
          %swap3A_303 = arith.index_cast %add3A_289 : i32 to index
          %swap3A_304 = tpu.vector_load %arg11[%swap3A_303] {strides = array<i32>} : memref<40192xf32, #tpu.memory_space<vmem>>, vector<16xf32>,
          tpu.vector_store %arg11[%swap3A_303], %add3A_302 {strides = array<i32>} : memref<40192xf32, #tpu.memory_space<vmem>>, vector<16xf32>,
          %scan3A_305 = arith.constant 0 : i32
          scf.yield %scan3A_305 : i32
        }
        %scan3A_125 = arith.constant 8 : i32
        %slice3A_126 = vector.extract_strided_slice %get3A_105 {offsets = [2], sizes = [1], strides = [1]} : vector<16xi32> to vector<1xi32>
        %squeeze3A_127 = vector.extract %slice3A_126[0] : i32 from vector<1xi32>
        %mul3A_128 = arith.constant 128 : i32
        %mul3A_129 = arith.muli %squeeze3A_127, %mul3A_128 : i32
        %scan3A_130 = arith.constant 0 : i32
        %scan3A_131 = arith.constant 0 : i32
        %scan3A_132 = arith.constant 8 : i32
        %scan3A_133 = arith.addi %scan3A_131, %scan3A_132 : i32
        %scan3A_134 = arith.constant 1 : i32
        %scan3A_135 = scf.for %scan3A_281 = %scan3A_131 to %scan3A_133 step %scan3A_134 iter_args(%scan3A_282 = %scan3A_130) -> (i32)  : i32 {
          %mul3A_283 = arith.constant 16 : i32
          %mul3A_284 = arith.muli %scan3A_281, %mul3A_283 : i32
          %get3A_285 = arith.constant 2 : i32
          %get3A_286 = arith.index_cast %get3A_285 : i32 to index
          %get3A_287 = arith.index_cast %mul3A_284 : i32 to index
          %get3A_288 = tpu.vector_load %arg17[%get3A_286, %get3A_287] {strides = array<i32>} : memref<16x128xf32, #tpu.memory_space<vmem>>, vector<16xf32>,
          %add3A_289 = arith.addi %mul3A_129, %mul3A_284 : i32
          %get3A_290 = arith.index_cast %add3A_289 : i32 to index
          %get3A_291 = tpu.vector_load %arg9[%get3A_290] {strides = array<i32>} : memref<40192xf32, #tpu.memory_space<vmem>>, vector<16xf32>,
          %add3A_292 = arith.addf %get3A_291, %get3A_288 : vector<16xf32>
          %swap3A_293 = arith.index_cast %add3A_289 : i32 to index
          %swap3A_294 = tpu.vector_load %arg9[%swap3A_293] {strides = array<i32>} : memref<40192xf32, #tpu.memory_space<vmem>>, vector<16xf32>,
          tpu.vector_store %arg9[%swap3A_293], %add3A_292 {strides = array<i32>} : memref<40192xf32, #tpu.memory_space<vmem>>, vector<16xf32>,
          %get3A_295 = arith.index_cast %add3A_289 : i32 to index
          %get3A_296 = tpu.vector_load %arg10[%get3A_295] {strides = array<i32>} : memref<40192xf32, #tpu.memory_space<vmem>>, vector<16xf32>,
          %max3A = arith.maximumf %get3A_296, %get3A_288 : vector<16xf32>
          %swap3A_297 = arith.index_cast %add3A_289 : i32 to index
          %swap3A_298 = tpu.vector_load %arg10[%swap3A_297] {strides = array<i32>} : memref<40192xf32, #tpu.memory_space<vmem>>, vector<16xf32>,
          tpu.vector_store %arg10[%swap3A_297], %max3A {strides = array<i32>} : memref<40192xf32, #tpu.memory_space<vmem>>, vector<16xf32>,
          %get3A_299 = arith.index_cast %add3A_289 : i32 to index
          %get3A_300 = tpu.vector_load %arg11[%get3A_299] {strides = array<i32>} : memref<40192xf32, #tpu.memory_space<vmem>>, vector<16xf32>,
          %mul3A_301 = arith.mulf %get3A_288, %get3A_288 : vector<16xf32>
          %add3A_302 = arith.addf %get3A_300, %mul3A_301 : vector<16xf32>
          %swap3A_303 = arith.index_cast %add3A_289 : i32 to index
          %swap3A_304 = tpu.vector_load %arg11[%swap3A_303] {strides = array<i32>} : memref<40192xf32, #tpu.memory_space<vmem>>, vector<16xf32>,
          tpu.vector_store %arg11[%swap3A_303], %add3A_302 {strides = array<i32>} : memref<40192xf32, #tpu.memory_space<vmem>>, vector<16xf32>,
          %scan3A_305 = arith.constant 0 : i32
          scf.yield %scan3A_305 : i32
        }
        %scan3A_136 = arith.constant 8 : i32
        %slice3A_137 = vector.extract_strided_slice %get3A_105 {offsets = [3], sizes = [1], strides = [1]} : vector<16xi32> to vector<1xi32>
        %squeeze3A_138 = vector.extract %slice3A_137[0] : i32 from vector<1xi32>
        %mul3A_139 = arith.constant 128 : i32
        %mul3A_140 = arith.muli %squeeze3A_138, %mul3A_139 : i32
        %scan3A_141 = arith.constant 0 : i32
        %scan3A_142 = arith.constant 0 : i32
        %scan3A_143 = arith.constant 8 : i32
        %scan3A_144 = arith.addi %scan3A_142, %scan3A_143 : i32
        %scan3A_145 = arith.constant 1 : i32
        %scan3A_146 = scf.for %scan3A_281 = %scan3A_142 to %scan3A_144 step %scan3A_145 iter_args(%scan3A_282 = %scan3A_141) -> (i32)  : i32 {
          %mul3A_283 = arith.constant 16 : i32
          %mul3A_284 = arith.muli %scan3A_281, %mul3A_283 : i32
          %get3A_285 = arith.constant 3 : i32
          %get3A_286 = arith.index_cast %get3A_285 : i32 to index
          %get3A_287 = arith.index_cast %mul3A_284 : i32 to index
          %get3A_288 = tpu.vector_load %arg17[%get3A_286, %get3A_287] {strides = array<i32>} : memref<16x128xf32, #tpu.memory_space<vmem>>, vector<16xf32>,
          %add3A_289 = arith.addi %mul3A_140, %mul3A_284 : i32
          %get3A_290 = arith.index_cast %add3A_289 : i32 to index
          %get3A_291 = tpu.vector_load %arg9[%get3A_290] {strides = array<i32>} : memref<40192xf32, #tpu.memory_space<vmem>>, vector<16xf32>,
          %add3A_292 = arith.addf %get3A_291, %get3A_288 : vector<16xf32>
          %swap3A_293 = arith.index_cast %add3A_289 : i32 to index
          %swap3A_294 = tpu.vector_load %arg9[%swap3A_293] {strides = array<i32>} : memref<40192xf32, #tpu.memory_space<vmem>>, vector<16xf32>,
          tpu.vector_store %arg9[%swap3A_293], %add3A_292 {strides = array<i32>} : memref<40192xf32, #tpu.memory_space<vmem>>, vector<16xf32>,
          %get3A_295 = arith.index_cast %add3A_289 : i32 to index
          %get3A_296 = tpu.vector_load %arg10[%get3A_295] {strides = array<i32>} : memref<40192xf32, #tpu.memory_space<vmem>>, vector<16xf32>,
          %max3A = arith.maximumf %get3A_296, %get3A_288 : vector<16xf32>
          %swap3A_297 = arith.index_cast %add3A_289 : i32 to index
          %swap3A_298 = tpu.vector_load %arg10[%swap3A_297] {strides = array<i32>} : memref<40192xf32, #tpu.memory_space<vmem>>, vector<16xf32>,
          tpu.vector_store %arg10[%swap3A_297], %max3A {strides = array<i32>} : memref<40192xf32, #tpu.memory_space<vmem>>, vector<16xf32>,
          %get3A_299 = arith.index_cast %add3A_289 : i32 to index
          %get3A_300 = tpu.vector_load %arg11[%get3A_299] {strides = array<i32>} : memref<40192xf32, #tpu.memory_space<vmem>>, vector<16xf32>,
          %mul3A_301 = arith.mulf %get3A_288, %get3A_288 : vector<16xf32>
          %add3A_302 = arith.addf %get3A_300, %mul3A_301 : vector<16xf32>
          %swap3A_303 = arith.index_cast %add3A_289 : i32 to index
          %swap3A_304 = tpu.vector_load %arg11[%swap3A_303] {strides = array<i32>} : memref<40192xf32, #tpu.memory_space<vmem>>, vector<16xf32>,
          tpu.vector_store %arg11[%swap3A_303], %add3A_302 {strides = array<i32>} : memref<40192xf32, #tpu.memory_space<vmem>>, vector<16xf32>,
          %scan3A_305 = arith.constant 0 : i32
          scf.yield %scan3A_305 : i32
        }
        %scan3A_147 = arith.constant 8 : i32
        %slice3A_148 = vector.extract_strided_slice %get3A_105 {offsets = [4], sizes = [1], strides = [1]} : vector<16xi32> to vector<1xi32>
        %squeeze3A_149 = vector.extract %slice3A_148[0] : i32 from vector<1xi32>
        %mul3A_150 = arith.constant 128 : i32
        %mul3A_151 = arith.muli %squeeze3A_149, %mul3A_150 : i32
        %scan3A_152 = arith.constant 0 : i32
        %scan3A_153 = arith.constant 0 : i32
        %scan3A_154 = arith.constant 8 : i32
        %scan3A_155 = arith.addi %scan3A_153, %scan3A_154 : i32
        %scan3A_156 = arith.constant 1 : i32
        %scan3A_157 = scf.for %scan3A_281 = %scan3A_153 to %scan3A_155 step %scan3A_156 iter_args(%scan3A_282 = %scan3A_152) -> (i32)  : i32 {
          %mul3A_283 = arith.constant 16 : i32
          %mul3A_284 = arith.muli %scan3A_281, %mul3A_283 : i32
          %get3A_285 = arith.constant 4 : i32
          %get3A_286 = arith.index_cast %get3A_285 : i32 to index
          %get3A_287 = arith.index_cast %mul3A_284 : i32 to index
          %get3A_288 = tpu.vector_load %arg17[%get3A_286, %get3A_287] {strides = array<i32>} : memref<16x128xf32, #tpu.memory_space<vmem>>, vector<16xf32>,
          %add3A_289 = arith.addi %mul3A_151, %mul3A_284 : i32
          %get3A_290 = arith.index_cast %add3A_289 : i32 to index
          %get3A_291 = tpu.vector_load %arg9[%get3A_290] {strides = array<i32>} : memref<40192xf32, #tpu.memory_space<vmem>>, vector<16xf32>,
          %add3A_292 = arith.addf %get3A_291, %get3A_288 : vector<16xf32>
          %swap3A_293 = arith.index_cast %add3A_289 : i32 to index
          %swap3A_294 = tpu.vector_load %arg9[%swap3A_293] {strides = array<i32>} : memref<40192xf32, #tpu.memory_space<vmem>>, vector<16xf32>,
          tpu.vector_store %arg9[%swap3A_293], %add3A_292 {strides = array<i32>} : memref<40192xf32, #tpu.memory_space<vmem>>, vector<16xf32>,
          %get3A_295 = arith.index_cast %add3A_289 : i32 to index
          %get3A_296 = tpu.vector_load %arg10[%get3A_295] {strides = array<i32>} : memref<40192xf32, #tpu.memory_space<vmem>>, vector<16xf32>,
          %max3A = arith.maximumf %get3A_296, %get3A_288 : vector<16xf32>
          %swap3A_297 = arith.index_cast %add3A_289 : i32 to index
          %swap3A_298 = tpu.vector_load %arg10[%swap3A_297] {strides = array<i32>} : memref<40192xf32, #tpu.memory_space<vmem>>, vector<16xf32>,
          tpu.vector_store %arg10[%swap3A_297], %max3A {strides = array<i32>} : memref<40192xf32, #tpu.memory_space<vmem>>, vector<16xf32>,
          %get3A_299 = arith.index_cast %add3A_289 : i32 to index
          %get3A_300 = tpu.vector_load %arg11[%get3A_299] {strides = array<i32>} : memref<40192xf32, #tpu.memory_space<vmem>>, vector<16xf32>,
          %mul3A_301 = arith.mulf %get3A_288, %get3A_288 : vector<16xf32>
          %add3A_302 = arith.addf %get3A_300, %mul3A_301 : vector<16xf32>
          %swap3A_303 = arith.index_cast %add3A_289 : i32 to index
          %swap3A_304 = tpu.vector_load %arg11[%swap3A_303] {strides = array<i32>} : memref<40192xf32, #tpu.memory_space<vmem>>, vector<16xf32>,
          tpu.vector_store %arg11[%swap3A_303], %add3A_302 {strides = array<i32>} : memref<40192xf32, #tpu.memory_space<vmem>>, vector<16xf32>,
          %scan3A_305 = arith.constant 0 : i32
          scf.yield %scan3A_305 : i32
        }
        %scan3A_158 = arith.constant 8 : i32
        %slice3A_159 = vector.extract_strided_slice %get3A_105 {offsets = [5], sizes = [1], strides = [1]} : vector<16xi32> to vector<1xi32>
        %squeeze3A_160 = vector.extract %slice3A_159[0] : i32 from vector<1xi32>
        %mul3A_161 = arith.constant 128 : i32
        %mul3A_162 = arith.muli %squeeze3A_160, %mul3A_161 : i32
        %scan3A_163 = arith.constant 0 : i32
        %scan3A_164 = arith.constant 0 : i32
        %scan3A_165 = arith.constant 8 : i32
        %scan3A_166 = arith.addi %scan3A_164, %scan3A_165 : i32
        %scan3A_167 = arith.constant 1 : i32
        %scan3A_168 = scf.for %scan3A_281 = %scan3A_164 to %scan3A_166 step %scan3A_167 iter_args(%scan3A_282 = %scan3A_163) -> (i32)  : i32 {
          %mul3A_283 = arith.constant 16 : i32
          %mul3A_284 = arith.muli %scan3A_281, %mul3A_283 : i32
          %get3A_285 = arith.constant 5 : i32
          %get3A_286 = arith.index_cast %get3A_285 : i32 to index
          %get3A_287 = arith.index_cast %mul3A_284 : i32 to index
          %get3A_288 = tpu.vector_load %arg17[%get3A_286, %get3A_287] {strides = array<i32>} : memref<16x128xf32, #tpu.memory_space<vmem>>, vector<16xf32>,
          %add3A_289 = arith.addi %mul3A_162, %mul3A_284 : i32
          %get3A_290 = arith.index_cast %add3A_289 : i32 to index
          %get3A_291 = tpu.vector_load %arg9[%get3A_290] {strides = array<i32>} : memref<40192xf32, #tpu.memory_space<vmem>>, vector<16xf32>,
          %add3A_292 = arith.addf %get3A_291, %get3A_288 : vector<16xf32>
          %swap3A_293 = arith.index_cast %add3A_289 : i32 to index
          %swap3A_294 = tpu.vector_load %arg9[%swap3A_293] {strides = array<i32>} : memref<40192xf32, #tpu.memory_space<vmem>>, vector<16xf32>,
          tpu.vector_store %arg9[%swap3A_293], %add3A_292 {strides = array<i32>} : memref<40192xf32, #tpu.memory_space<vmem>>, vector<16xf32>,
          %get3A_295 = arith.index_cast %add3A_289 : i32 to index
          %get3A_296 = tpu.vector_load %arg10[%get3A_295] {strides = array<i32>} : memref<40192xf32, #tpu.memory_space<vmem>>, vector<16xf32>,
          %max3A = arith.maximumf %get3A_296, %get3A_288 : vector<16xf32>
          %swap3A_297 = arith.index_cast %add3A_289 : i32 to index
          %swap3A_298 = tpu.vector_load %arg10[%swap3A_297] {strides = array<i32>} : memref<40192xf32, #tpu.memory_space<vmem>>, vector<16xf32>,
          tpu.vector_store %arg10[%swap3A_297], %max3A {strides = array<i32>} : memref<40192xf32, #tpu.memory_space<vmem>>, vector<16xf32>,
          %get3A_299 = arith.index_cast %add3A_289 : i32 to index
          %get3A_300 = tpu.vector_load %arg11[%get3A_299] {strides = array<i32>} : memref<40192xf32, #tpu.memory_space<vmem>>, vector<16xf32>,
          %mul3A_301 = arith.mulf %get3A_288, %get3A_288 : vector<16xf32>
          %add3A_302 = arith.addf %get3A_300, %mul3A_301 : vector<16xf32>
          %swap3A_303 = arith.index_cast %add3A_289 : i32 to index
          %swap3A_304 = tpu.vector_load %arg11[%swap3A_303] {strides = array<i32>} : memref<40192xf32, #tpu.memory_space<vmem>>, vector<16xf32>,
          tpu.vector_store %arg11[%swap3A_303], %add3A_302 {strides = array<i32>} : memref<40192xf32, #tpu.memory_space<vmem>>, vector<16xf32>,
          %scan3A_305 = arith.constant 0 : i32
          scf.yield %scan3A_305 : i32
        }
        %scan3A_169 = arith.constant 8 : i32
        %slice3A_170 = vector.extract_strided_slice %get3A_105 {offsets = [6], sizes = [1], strides = [1]} : vector<16xi32> to vector<1xi32>
        %squeeze3A_171 = vector.extract %slice3A_170[0] : i32 from vector<1xi32>
        %mul3A_172 = arith.constant 128 : i32
        %mul3A_173 = arith.muli %squeeze3A_171, %mul3A_172 : i32
        %scan3A_174 = arith.constant 0 : i32
        %scan3A_175 = arith.constant 0 : i32
        %scan3A_176 = arith.constant 8 : i32
        %scan3A_177 = arith.addi %scan3A_175, %scan3A_176 : i32
        %scan3A_178 = arith.constant 1 : i32
        %scan3A_179 = scf.for %scan3A_281 = %scan3A_175 to %scan3A_177 step %scan3A_178 iter_args(%scan3A_282 = %scan3A_174) -> (i32)  : i32 {
          %mul3A_283 = arith.constant 16 : i32
          %mul3A_284 = arith.muli %scan3A_281, %mul3A_283 : i32
          %get3A_285 = arith.constant 6 : i32
          %get3A_286 = arith.index_cast %get3A_285 : i32 to index
          %get3A_287 = arith.index_cast %mul3A_284 : i32 to index
          %get3A_288 = tpu.vector_load %arg17[%get3A_286, %get3A_287] {strides = array<i32>} : memref<16x128xf32, #tpu.memory_space<vmem>>, vector<16xf32>,
          %add3A_289 = arith.addi %mul3A_173, %mul3A_284 : i32
          %get3A_290 = arith.index_cast %add3A_289 : i32 to index
          %get3A_291 = tpu.vector_load %arg9[%get3A_290] {strides = array<i32>} : memref<40192xf32, #tpu.memory_space<vmem>>, vector<16xf32>,
          %add3A_292 = arith.addf %get3A_291, %get3A_288 : vector<16xf32>
          %swap3A_293 = arith.index_cast %add3A_289 : i32 to index
          %swap3A_294 = tpu.vector_load %arg9[%swap3A_293] {strides = array<i32>} : memref<40192xf32, #tpu.memory_space<vmem>>, vector<16xf32>,
          tpu.vector_store %arg9[%swap3A_293], %add3A_292 {strides = array<i32>} : memref<40192xf32, #tpu.memory_space<vmem>>, vector<16xf32>,
          %get3A_295 = arith.index_cast %add3A_289 : i32 to index
          %get3A_296 = tpu.vector_load %arg10[%get3A_295] {strides = array<i32>} : memref<40192xf32, #tpu.memory_space<vmem>>, vector<16xf32>,
          %max3A = arith.maximumf %get3A_296, %get3A_288 : vector<16xf32>
          %swap3A_297 = arith.index_cast %add3A_289 : i32 to index
          %swap3A_298 = tpu.vector_load %arg10[%swap3A_297] {strides = array<i32>} : memref<40192xf32, #tpu.memory_space<vmem>>, vector<16xf32>,
          tpu.vector_store %arg10[%swap3A_297], %max3A {strides = array<i32>} : memref<40192xf32, #tpu.memory_space<vmem>>, vector<16xf32>,
          %get3A_299 = arith.index_cast %add3A_289 : i32 to index
          %get3A_300 = tpu.vector_load %arg11[%get3A_299] {strides = array<i32>} : memref<40192xf32, #tpu.memory_space<vmem>>, vector<16xf32>,
          %mul3A_301 = arith.mulf %get3A_288, %get3A_288 : vector<16xf32>
          %add3A_302 = arith.addf %get3A_300, %mul3A_301 : vector<16xf32>
          %swap3A_303 = arith.index_cast %add3A_289 : i32 to index
          %swap3A_304 = tpu.vector_load %arg11[%swap3A_303] {strides = array<i32>} : memref<40192xf32, #tpu.memory_space<vmem>>, vector<16xf32>,
          tpu.vector_store %arg11[%swap3A_303], %add3A_302 {strides = array<i32>} : memref<40192xf32, #tpu.memory_space<vmem>>, vector<16xf32>,
          %scan3A_305 = arith.constant 0 : i32
          scf.yield %scan3A_305 : i32
        }
        %scan3A_180 = arith.constant 8 : i32
        %slice3A_181 = vector.extract_strided_slice %get3A_105 {offsets = [7], sizes = [1], strides = [1]} : vector<16xi32> to vector<1xi32>
        %squeeze3A_182 = vector.extract %slice3A_181[0] : i32 from vector<1xi32>
        %mul3A_183 = arith.constant 128 : i32
        %mul3A_184 = arith.muli %squeeze3A_182, %mul3A_183 : i32
        %scan3A_185 = arith.constant 0 : i32
        %scan3A_186 = arith.constant 0 : i32
        %scan3A_187 = arith.constant 8 : i32
        %scan3A_188 = arith.addi %scan3A_186, %scan3A_187 : i32
        %scan3A_189 = arith.constant 1 : i32
        %scan3A_190 = scf.for %scan3A_281 = %scan3A_186 to %scan3A_188 step %scan3A_189 iter_args(%scan3A_282 = %scan3A_185) -> (i32)  : i32 {
          %mul3A_283 = arith.constant 16 : i32
          %mul3A_284 = arith.muli %scan3A_281, %mul3A_283 : i32
          %get3A_285 = arith.constant 7 : i32
          %get3A_286 = arith.index_cast %get3A_285 : i32 to index
          %get3A_287 = arith.index_cast %mul3A_284 : i32 to index
          %get3A_288 = tpu.vector_load %arg17[%get3A_286, %get3A_287] {strides = array<i32>} : memref<16x128xf32, #tpu.memory_space<vmem>>, vector<16xf32>,
          %add3A_289 = arith.addi %mul3A_184, %mul3A_284 : i32
          %get3A_290 = arith.index_cast %add3A_289 : i32 to index
          %get3A_291 = tpu.vector_load %arg9[%get3A_290] {strides = array<i32>} : memref<40192xf32, #tpu.memory_space<vmem>>, vector<16xf32>,
          %add3A_292 = arith.addf %get3A_291, %get3A_288 : vector<16xf32>
          %swap3A_293 = arith.index_cast %add3A_289 : i32 to index
          %swap3A_294 = tpu.vector_load %arg9[%swap3A_293] {strides = array<i32>} : memref<40192xf32, #tpu.memory_space<vmem>>, vector<16xf32>,
          tpu.vector_store %arg9[%swap3A_293], %add3A_292 {strides = array<i32>} : memref<40192xf32, #tpu.memory_space<vmem>>, vector<16xf32>,
          %get3A_295 = arith.index_cast %add3A_289 : i32 to index
          %get3A_296 = tpu.vector_load %arg10[%get3A_295] {strides = array<i32>} : memref<40192xf32, #tpu.memory_space<vmem>>, vector<16xf32>,
          %max3A = arith.maximumf %get3A_296, %get3A_288 : vector<16xf32>
          %swap3A_297 = arith.index_cast %add3A_289 : i32 to index
          %swap3A_298 = tpu.vector_load %arg10[%swap3A_297] {strides = array<i32>} : memref<40192xf32, #tpu.memory_space<vmem>>, vector<16xf32>,
          tpu.vector_store %arg10[%swap3A_297], %max3A {strides = array<i32>} : memref<40192xf32, #tpu.memory_space<vmem>>, vector<16xf32>,
          %get3A_299 = arith.index_cast %add3A_289 : i32 to index
          %get3A_300 = tpu.vector_load %arg11[%get3A_299] {strides = array<i32>} : memref<40192xf32, #tpu.memory_space<vmem>>, vector<16xf32>,
          %mul3A_301 = arith.mulf %get3A_288, %get3A_288 : vector<16xf32>
          %add3A_302 = arith.addf %get3A_300, %mul3A_301 : vector<16xf32>
          %swap3A_303 = arith.index_cast %add3A_289 : i32 to index
          %swap3A_304 = tpu.vector_load %arg11[%swap3A_303] {strides = array<i32>} : memref<40192xf32, #tpu.memory_space<vmem>>, vector<16xf32>,
          tpu.vector_store %arg11[%swap3A_303], %add3A_302 {strides = array<i32>} : memref<40192xf32, #tpu.memory_space<vmem>>, vector<16xf32>,
          %scan3A_305 = arith.constant 0 : i32
          scf.yield %scan3A_305 : i32
        }
        %scan3A_191 = arith.constant 8 : i32
        %slice3A_192 = vector.extract_strided_slice %get3A_105 {offsets = [8], sizes = [1], strides = [1]} : vector<16xi32> to vector<1xi32>
        %squeeze3A_193 = vector.extract %slice3A_192[0] : i32 from vector<1xi32>
        %mul3A_194 = arith.constant 128 : i32
        %mul3A_195 = arith.muli %squeeze3A_193, %mul3A_194 : i32
        %scan3A_196 = arith.constant 0 : i32
        %scan3A_197 = arith.constant 0 : i32
        %scan3A_198 = arith.constant 8 : i32
        %scan3A_199 = arith.addi %scan3A_197, %scan3A_198 : i32
        %scan3A_200 = arith.constant 1 : i32
        %scan3A_201 = scf.for %scan3A_281 = %scan3A_197 to %scan3A_199 step %scan3A_200 iter_args(%scan3A_282 = %scan3A_196) -> (i32)  : i32 {
          %mul3A_283 = arith.constant 16 : i32
          %mul3A_284 = arith.muli %scan3A_281, %mul3A_283 : i32
          %get3A_285 = arith.constant 8 : i32
          %get3A_286 = arith.index_cast %get3A_285 : i32 to index
          %get3A_287 = arith.index_cast %mul3A_284 : i32 to index
          %get3A_288 = tpu.vector_load %arg17[%get3A_286, %get3A_287] {strides = array<i32>} : memref<16x128xf32, #tpu.memory_space<vmem>>, vector<16xf32>,
          %add3A_289 = arith.addi %mul3A_195, %mul3A_284 : i32
          %get3A_290 = arith.index_cast %add3A_289 : i32 to index
          %get3A_291 = tpu.vector_load %arg9[%get3A_290] {strides = array<i32>} : memref<40192xf32, #tpu.memory_space<vmem>>, vector<16xf32>,
          %add3A_292 = arith.addf %get3A_291, %get3A_288 : vector<16xf32>
          %swap3A_293 = arith.index_cast %add3A_289 : i32 to index
          %swap3A_294 = tpu.vector_load %arg9[%swap3A_293] {strides = array<i32>} : memref<40192xf32, #tpu.memory_space<vmem>>, vector<16xf32>,
          tpu.vector_store %arg9[%swap3A_293], %add3A_292 {strides = array<i32>} : memref<40192xf32, #tpu.memory_space<vmem>>, vector<16xf32>,
          %get3A_295 = arith.index_cast %add3A_289 : i32 to index
          %get3A_296 = tpu.vector_load %arg10[%get3A_295] {strides = array<i32>} : memref<40192xf32, #tpu.memory_space<vmem>>, vector<16xf32>,
          %max3A = arith.maximumf %get3A_296, %get3A_288 : vector<16xf32>
          %swap3A_297 = arith.index_cast %add3A_289 : i32 to index
          %swap3A_298 = tpu.vector_load %arg10[%swap3A_297] {strides = array<i32>} : memref<40192xf32, #tpu.memory_space<vmem>>, vector<16xf32>,
          tpu.vector_store %arg10[%swap3A_297], %max3A {strides = array<i32>} : memref<40192xf32, #tpu.memory_space<vmem>>, vector<16xf32>,
          %get3A_299 = arith.index_cast %add3A_289 : i32 to index
          %get3A_300 = tpu.vector_load %arg11[%get3A_299] {strides = array<i32>} : memref<40192xf32, #tpu.memory_space<vmem>>, vector<16xf32>,
          %mul3A_301 = arith.mulf %get3A_288, %get3A_288 : vector<16xf32>
          %add3A_302 = arith.addf %get3A_300, %mul3A_301 : vector<16xf32>
          %swap3A_303 = arith.index_cast %add3A_289 : i32 to index
          %swap3A_304 = tpu.vector_load %arg11[%swap3A_303] {strides = array<i32>} : memref<40192xf32, #tpu.memory_space<vmem>>, vector<16xf32>,
          tpu.vector_store %arg11[%swap3A_303], %add3A_302 {strides = array<i32>} : memref<40192xf32, #tpu.memory_space<vmem>>, vector<16xf32>,
          %scan3A_305 = arith.constant 0 : i32
          scf.yield %scan3A_305 : i32
        }
        %scan3A_202 = arith.constant 8 : i32
        %slice3A_203 = vector.extract_strided_slice %get3A_105 {offsets = [9], sizes = [1], strides = [1]} : vector<16xi32> to vector<1xi32>
        %squeeze3A_204 = vector.extract %slice3A_203[0] : i32 from vector<1xi32>
        %mul3A_205 = arith.constant 128 : i32
        %mul3A_206 = arith.muli %squeeze3A_204, %mul3A_205 : i32
        %scan3A_207 = arith.constant 0 : i32
        %scan3A_208 = arith.constant 0 : i32
        %scan3A_209 = arith.constant 8 : i32
        %scan3A_210 = arith.addi %scan3A_208, %scan3A_209 : i32
        %scan3A_211 = arith.constant 1 : i32
        %scan3A_212 = scf.for %scan3A_281 = %scan3A_208 to %scan3A_210 step %scan3A_211 iter_args(%scan3A_282 = %scan3A_207) -> (i32)  : i32 {
          %mul3A_283 = arith.constant 16 : i32
          %mul3A_284 = arith.muli %scan3A_281, %mul3A_283 : i32
          %get3A_285 = arith.constant 9 : i32
          %get3A_286 = arith.index_cast %get3A_285 : i32 to index
          %get3A_287 = arith.index_cast %mul3A_284 : i32 to index
          %get3A_288 = tpu.vector_load %arg17[%get3A_286, %get3A_287] {strides = array<i32>} : memref<16x128xf32, #tpu.memory_space<vmem>>, vector<16xf32>,
          %add3A_289 = arith.addi %mul3A_206, %mul3A_284 : i32
          %get3A_290 = arith.index_cast %add3A_289 : i32 to index
          %get3A_291 = tpu.vector_load %arg9[%get3A_290] {strides = array<i32>} : memref<40192xf32, #tpu.memory_space<vmem>>, vector<16xf32>,
          %add3A_292 = arith.addf %get3A_291, %get3A_288 : vector<16xf32>
          %swap3A_293 = arith.index_cast %add3A_289 : i32 to index
          %swap3A_294 = tpu.vector_load %arg9[%swap3A_293] {strides = array<i32>} : memref<40192xf32, #tpu.memory_space<vmem>>, vector<16xf32>,
          tpu.vector_store %arg9[%swap3A_293], %add3A_292 {strides = array<i32>} : memref<40192xf32, #tpu.memory_space<vmem>>, vector<16xf32>,
          %get3A_295 = arith.index_cast %add3A_289 : i32 to index
          %get3A_296 = tpu.vector_load %arg10[%get3A_295] {strides = array<i32>} : memref<40192xf32, #tpu.memory_space<vmem>>, vector<16xf32>,
          %max3A = arith.maximumf %get3A_296, %get3A_288 : vector<16xf32>
          %swap3A_297 = arith.index_cast %add3A_289 : i32 to index
          %swap3A_298 = tpu.vector_load %arg10[%swap3A_297] {strides = array<i32>} : memref<40192xf32, #tpu.memory_space<vmem>>, vector<16xf32>,
          tpu.vector_store %arg10[%swap3A_297], %max3A {strides = array<i32>} : memref<40192xf32, #tpu.memory_space<vmem>>, vector<16xf32>,
          %get3A_299 = arith.index_cast %add3A_289 : i32 to index
          %get3A_300 = tpu.vector_load %arg11[%get3A_299] {strides = array<i32>} : memref<40192xf32, #tpu.memory_space<vmem>>, vector<16xf32>,
          %mul3A_301 = arith.mulf %get3A_288, %get3A_288 : vector<16xf32>
          %add3A_302 = arith.addf %get3A_300, %mul3A_301 : vector<16xf32>
          %swap3A_303 = arith.index_cast %add3A_289 : i32 to index
          %swap3A_304 = tpu.vector_load %arg11[%swap3A_303] {strides = array<i32>} : memref<40192xf32, #tpu.memory_space<vmem>>, vector<16xf32>,
          tpu.vector_store %arg11[%swap3A_303], %add3A_302 {strides = array<i32>} : memref<40192xf32, #tpu.memory_space<vmem>>, vector<16xf32>,
          %scan3A_305 = arith.constant 0 : i32
          scf.yield %scan3A_305 : i32
        }
        %scan3A_213 = arith.constant 8 : i32
        %slice3A_214 = vector.extract_strided_slice %get3A_105 {offsets = [10], sizes = [1], strides = [1]} : vector<16xi32> to vector<1xi32>
        %squeeze3A_215 = vector.extract %slice3A_214[0] : i32 from vector<1xi32>
        %mul3A_216 = arith.constant 128 : i32
        %mul3A_217 = arith.muli %squeeze3A_215, %mul3A_216 : i32
        %scan3A_218 = arith.constant 0 : i32
        %scan3A_219 = arith.constant 0 : i32
        %scan3A_220 = arith.constant 8 : i32
        %scan3A_221 = arith.addi %scan3A_219, %scan3A_220 : i32
        %scan3A_222 = arith.constant 1 : i32
        %scan3A_223 = scf.for %scan3A_281 = %scan3A_219 to %scan3A_221 step %scan3A_222 iter_args(%scan3A_282 = %scan3A_218) -> (i32)  : i32 {
          %mul3A_283 = arith.constant 16 : i32
          %mul3A_284 = arith.muli %scan3A_281, %mul3A_283 : i32
          %get3A_285 = arith.constant 10 : i32
          %get3A_286 = arith.index_cast %get3A_285 : i32 to index
          %get3A_287 = arith.index_cast %mul3A_284 : i32 to index
          %get3A_288 = tpu.vector_load %arg17[%get3A_286, %get3A_287] {strides = array<i32>} : memref<16x128xf32, #tpu.memory_space<vmem>>, vector<16xf32>,
          %add3A_289 = arith.addi %mul3A_217, %mul3A_284 : i32
          %get3A_290 = arith.index_cast %add3A_289 : i32 to index
          %get3A_291 = tpu.vector_load %arg9[%get3A_290] {strides = array<i32>} : memref<40192xf32, #tpu.memory_space<vmem>>, vector<16xf32>,
          %add3A_292 = arith.addf %get3A_291, %get3A_288 : vector<16xf32>
          %swap3A_293 = arith.index_cast %add3A_289 : i32 to index
          %swap3A_294 = tpu.vector_load %arg9[%swap3A_293] {strides = array<i32>} : memref<40192xf32, #tpu.memory_space<vmem>>, vector<16xf32>,
          tpu.vector_store %arg9[%swap3A_293], %add3A_292 {strides = array<i32>} : memref<40192xf32, #tpu.memory_space<vmem>>, vector<16xf32>,
          %get3A_295 = arith.index_cast %add3A_289 : i32 to index
          %get3A_296 = tpu.vector_load %arg10[%get3A_295] {strides = array<i32>} : memref<40192xf32, #tpu.memory_space<vmem>>, vector<16xf32>,
          %max3A = arith.maximumf %get3A_296, %get3A_288 : vector<16xf32>
          %swap3A_297 = arith.index_cast %add3A_289 : i32 to index
          %swap3A_298 = tpu.vector_load %arg10[%swap3A_297] {strides = array<i32>} : memref<40192xf32, #tpu.memory_space<vmem>>, vector<16xf32>,
          tpu.vector_store %arg10[%swap3A_297], %max3A {strides = array<i32>} : memref<40192xf32, #tpu.memory_space<vmem>>, vector<16xf32>,
          %get3A_299 = arith.index_cast %add3A_289 : i32 to index
          %get3A_300 = tpu.vector_load %arg11[%get3A_299] {strides = array<i32>} : memref<40192xf32, #tpu.memory_space<vmem>>, vector<16xf32>,
          %mul3A_301 = arith.mulf %get3A_288, %get3A_288 : vector<16xf32>
          %add3A_302 = arith.addf %get3A_300, %mul3A_301 : vector<16xf32>
          %swap3A_303 = arith.index_cast %add3A_289 : i32 to index
          %swap3A_304 = tpu.vector_load %arg11[%swap3A_303] {strides = array<i32>} : memref<40192xf32, #tpu.memory_space<vmem>>, vector<16xf32>,
          tpu.vector_store %arg11[%swap3A_303], %add3A_302 {strides = array<i32>} : memref<40192xf32, #tpu.memory_space<vmem>>, vector<16xf32>,
          %scan3A_305 = arith.constant 0 : i32
          scf.yield %scan3A_305 : i32
        }
        %scan3A_224 = arith.constant 8 : i32
        %slice3A_225 = vector.extract_strided_slice %get3A_105 {offsets = [11], sizes = [1], strides = [1]} : vector<16xi32> to vector<1xi32>
        %squeeze3A_226 = vector.extract %slice3A_225[0] : i32 from vector<1xi32>
        %mul3A_227 = arith.constant 128 : i32
        %mul3A_228 = arith.muli %squeeze3A_226, %mul3A_227 : i32
        %scan3A_229 = arith.constant 0 : i32
        %scan3A_230 = arith.constant 0 : i32
        %scan3A_231 = arith.constant 8 : i32
        %scan3A_232 = arith.addi %scan3A_230, %scan3A_231 : i32
        %scan3A_233 = arith.constant 1 : i32
        %scan3A_234 = scf.for %scan3A_281 = %scan3A_230 to %scan3A_232 step %scan3A_233 iter_args(%scan3A_282 = %scan3A_229) -> (i32)  : i32 {
          %mul3A_283 = arith.constant 16 : i32
          %mul3A_284 = arith.muli %scan3A_281, %mul3A_283 : i32
          %get3A_285 = arith.constant 11 : i32
          %get3A_286 = arith.index_cast %get3A_285 : i32 to index
          %get3A_287 = arith.index_cast %mul3A_284 : i32 to index
          %get3A_288 = tpu.vector_load %arg17[%get3A_286, %get3A_287] {strides = array<i32>} : memref<16x128xf32, #tpu.memory_space<vmem>>, vector<16xf32>,
          %add3A_289 = arith.addi %mul3A_228, %mul3A_284 : i32
          %get3A_290 = arith.index_cast %add3A_289 : i32 to index
          %get3A_291 = tpu.vector_load %arg9[%get3A_290] {strides = array<i32>} : memref<40192xf32, #tpu.memory_space<vmem>>, vector<16xf32>,
          %add3A_292 = arith.addf %get3A_291, %get3A_288 : vector<16xf32>
          %swap3A_293 = arith.index_cast %add3A_289 : i32 to index
          %swap3A_294 = tpu.vector_load %arg9[%swap3A_293] {strides = array<i32>} : memref<40192xf32, #tpu.memory_space<vmem>>, vector<16xf32>,
          tpu.vector_store %arg9[%swap3A_293], %add3A_292 {strides = array<i32>} : memref<40192xf32, #tpu.memory_space<vmem>>, vector<16xf32>,
          %get3A_295 = arith.index_cast %add3A_289 : i32 to index
          %get3A_296 = tpu.vector_load %arg10[%get3A_295] {strides = array<i32>} : memref<40192xf32, #tpu.memory_space<vmem>>, vector<16xf32>,
          %max3A = arith.maximumf %get3A_296, %get3A_288 : vector<16xf32>
          %swap3A_297 = arith.index_cast %add3A_289 : i32 to index
          %swap3A_298 = tpu.vector_load %arg10[%swap3A_297] {strides = array<i32>} : memref<40192xf32, #tpu.memory_space<vmem>>, vector<16xf32>,
          tpu.vector_store %arg10[%swap3A_297], %max3A {strides = array<i32>} : memref<40192xf32, #tpu.memory_space<vmem>>, vector<16xf32>,
          %get3A_299 = arith.index_cast %add3A_289 : i32 to index
          %get3A_300 = tpu.vector_load %arg11[%get3A_299] {strides = array<i32>} : memref<40192xf32, #tpu.memory_space<vmem>>, vector<16xf32>,
          %mul3A_301 = arith.mulf %get3A_288, %get3A_288 : vector<16xf32>
          %add3A_302 = arith.addf %get3A_300, %mul3A_301 : vector<16xf32>
          %swap3A_303 = arith.index_cast %add3A_289 : i32 to index
          %swap3A_304 = tpu.vector_load %arg11[%swap3A_303] {strides = array<i32>} : memref<40192xf32, #tpu.memory_space<vmem>>, vector<16xf32>,
          tpu.vector_store %arg11[%swap3A_303], %add3A_302 {strides = array<i32>} : memref<40192xf32, #tpu.memory_space<vmem>>, vector<16xf32>,
          %scan3A_305 = arith.constant 0 : i32
          scf.yield %scan3A_305 : i32
        }
        %scan3A_235 = arith.constant 8 : i32
        %slice3A_236 = vector.extract_strided_slice %get3A_105 {offsets = [12], sizes = [1], strides = [1]} : vector<16xi32> to vector<1xi32>
        %squeeze3A_237 = vector.extract %slice3A_236[0] : i32 from vector<1xi32>
        %mul3A_238 = arith.constant 128 : i32
        %mul3A_239 = arith.muli %squeeze3A_237, %mul3A_238 : i32
        %scan3A_240 = arith.constant 0 : i32
        %scan3A_241 = arith.constant 0 : i32
        %scan3A_242 = arith.constant 8 : i32
        %scan3A_243 = arith.addi %scan3A_241, %scan3A_242 : i32
        %scan3A_244 = arith.constant 1 : i32
        %scan3A_245 = scf.for %scan3A_281 = %scan3A_241 to %scan3A_243 step %scan3A_244 iter_args(%scan3A_282 = %scan3A_240) -> (i32)  : i32 {
          %mul3A_283 = arith.constant 16 : i32
          %mul3A_284 = arith.muli %scan3A_281, %mul3A_283 : i32
          %get3A_285 = arith.constant 12 : i32
          %get3A_286 = arith.index_cast %get3A_285 : i32 to index
          %get3A_287 = arith.index_cast %mul3A_284 : i32 to index
          %get3A_288 = tpu.vector_load %arg17[%get3A_286, %get3A_287] {strides = array<i32>} : memref<16x128xf32, #tpu.memory_space<vmem>>, vector<16xf32>,
          %add3A_289 = arith.addi %mul3A_239, %mul3A_284 : i32
          %get3A_290 = arith.index_cast %add3A_289 : i32 to index
          %get3A_291 = tpu.vector_load %arg9[%get3A_290] {strides = array<i32>} : memref<40192xf32, #tpu.memory_space<vmem>>, vector<16xf32>,
          %add3A_292 = arith.addf %get3A_291, %get3A_288 : vector<16xf32>
          %swap3A_293 = arith.index_cast %add3A_289 : i32 to index
          %swap3A_294 = tpu.vector_load %arg9[%swap3A_293] {strides = array<i32>} : memref<40192xf32, #tpu.memory_space<vmem>>, vector<16xf32>,
          tpu.vector_store %arg9[%swap3A_293], %add3A_292 {strides = array<i32>} : memref<40192xf32, #tpu.memory_space<vmem>>, vector<16xf32>,
          %get3A_295 = arith.index_cast %add3A_289 : i32 to index
          %get3A_296 = tpu.vector_load %arg10[%get3A_295] {strides = array<i32>} : memref<40192xf32, #tpu.memory_space<vmem>>, vector<16xf32>,
          %max3A = arith.maximumf %get3A_296, %get3A_288 : vector<16xf32>
          %swap3A_297 = arith.index_cast %add3A_289 : i32 to index
          %swap3A_298 = tpu.vector_load %arg10[%swap3A_297] {strides = array<i32>} : memref<40192xf32, #tpu.memory_space<vmem>>, vector<16xf32>,
          tpu.vector_store %arg10[%swap3A_297], %max3A {strides = array<i32>} : memref<40192xf32, #tpu.memory_space<vmem>>, vector<16xf32>,
          %get3A_299 = arith.index_cast %add3A_289 : i32 to index
          %get3A_300 = tpu.vector_load %arg11[%get3A_299] {strides = array<i32>} : memref<40192xf32, #tpu.memory_space<vmem>>, vector<16xf32>,
          %mul3A_301 = arith.mulf %get3A_288, %get3A_288 : vector<16xf32>
          %add3A_302 = arith.addf %get3A_300, %mul3A_301 : vector<16xf32>
          %swap3A_303 = arith.index_cast %add3A_289 : i32 to index
          %swap3A_304 = tpu.vector_load %arg11[%swap3A_303] {strides = array<i32>} : memref<40192xf32, #tpu.memory_space<vmem>>, vector<16xf32>,
          tpu.vector_store %arg11[%swap3A_303], %add3A_302 {strides = array<i32>} : memref<40192xf32, #tpu.memory_space<vmem>>, vector<16xf32>,
          %scan3A_305 = arith.constant 0 : i32
          scf.yield %scan3A_305 : i32
        }
        %scan3A_246 = arith.constant 8 : i32
        %slice3A_247 = vector.extract_strided_slice %get3A_105 {offsets = [13], sizes = [1], strides = [1]} : vector<16xi32> to vector<1xi32>
        %squeeze3A_248 = vector.extract %slice3A_247[0] : i32 from vector<1xi32>
        %mul3A_249 = arith.constant 128 : i32
        %mul3A_250 = arith.muli %squeeze3A_248, %mul3A_249 : i32
        %scan3A_251 = arith.constant 0 : i32
        %scan3A_252 = arith.constant 0 : i32
        %scan3A_253 = arith.constant 8 : i32
        %scan3A_254 = arith.addi %scan3A_252, %scan3A_253 : i32
        %scan3A_255 = arith.constant 1 : i32
        %scan3A_256 = scf.for %scan3A_281 = %scan3A_252 to %scan3A_254 step %scan3A_255 iter_args(%scan3A_282 = %scan3A_251) -> (i32)  : i32 {
          %mul3A_283 = arith.constant 16 : i32
          %mul3A_284 = arith.muli %scan3A_281, %mul3A_283 : i32
          %get3A_285 = arith.constant 13 : i32
          %get3A_286 = arith.index_cast %get3A_285 : i32 to index
          %get3A_287 = arith.index_cast %mul3A_284 : i32 to index
          %get3A_288 = tpu.vector_load %arg17[%get3A_286, %get3A_287] {strides = array<i32>} : memref<16x128xf32, #tpu.memory_space<vmem>>, vector<16xf32>,
          %add3A_289 = arith.addi %mul3A_250, %mul3A_284 : i32
          %get3A_290 = arith.index_cast %add3A_289 : i32 to index
          %get3A_291 = tpu.vector_load %arg9[%get3A_290] {strides = array<i32>} : memref<40192xf32, #tpu.memory_space<vmem>>, vector<16xf32>,
          %add3A_292 = arith.addf %get3A_291, %get3A_288 : vector<16xf32>
          %swap3A_293 = arith.index_cast %add3A_289 : i32 to index
          %swap3A_294 = tpu.vector_load %arg9[%swap3A_293] {strides = array<i32>} : memref<40192xf32, #tpu.memory_space<vmem>>, vector<16xf32>,
          tpu.vector_store %arg9[%swap3A_293], %add3A_292 {strides = array<i32>} : memref<40192xf32, #tpu.memory_space<vmem>>, vector<16xf32>,
          %get3A_295 = arith.index_cast %add3A_289 : i32 to index
          %get3A_296 = tpu.vector_load %arg10[%get3A_295] {strides = array<i32>} : memref<40192xf32, #tpu.memory_space<vmem>>, vector<16xf32>,
          %max3A = arith.maximumf %get3A_296, %get3A_288 : vector<16xf32>
          %swap3A_297 = arith.index_cast %add3A_289 : i32 to index
          %swap3A_298 = tpu.vector_load %arg10[%swap3A_297] {strides = array<i32>} : memref<40192xf32, #tpu.memory_space<vmem>>, vector<16xf32>,
          tpu.vector_store %arg10[%swap3A_297], %max3A {strides = array<i32>} : memref<40192xf32, #tpu.memory_space<vmem>>, vector<16xf32>,
          %get3A_299 = arith.index_cast %add3A_289 : i32 to index
          %get3A_300 = tpu.vector_load %arg11[%get3A_299] {strides = array<i32>} : memref<40192xf32, #tpu.memory_space<vmem>>, vector<16xf32>,
          %mul3A_301 = arith.mulf %get3A_288, %get3A_288 : vector<16xf32>
          %add3A_302 = arith.addf %get3A_300, %mul3A_301 : vector<16xf32>
          %swap3A_303 = arith.index_cast %add3A_289 : i32 to index
          %swap3A_304 = tpu.vector_load %arg11[%swap3A_303] {strides = array<i32>} : memref<40192xf32, #tpu.memory_space<vmem>>, vector<16xf32>,
          tpu.vector_store %arg11[%swap3A_303], %add3A_302 {strides = array<i32>} : memref<40192xf32, #tpu.memory_space<vmem>>, vector<16xf32>,
          %scan3A_305 = arith.constant 0 : i32
          scf.yield %scan3A_305 : i32
        }
        %scan3A_257 = arith.constant 8 : i32
        %slice3A_258 = vector.extract_strided_slice %get3A_105 {offsets = [14], sizes = [1], strides = [1]} : vector<16xi32> to vector<1xi32>
        %squeeze3A_259 = vector.extract %slice3A_258[0] : i32 from vector<1xi32>
        %mul3A_260 = arith.constant 128 : i32
        %mul3A_261 = arith.muli %squeeze3A_259, %mul3A_260 : i32
        %scan3A_262 = arith.constant 0 : i32
        %scan3A_263 = arith.constant 0 : i32
        %scan3A_264 = arith.constant 8 : i32
        %scan3A_265 = arith.addi %scan3A_263, %scan3A_264 : i32
        %scan3A_266 = arith.constant 1 : i32
        %scan3A_267 = scf.for %scan3A_281 = %scan3A_263 to %scan3A_265 step %scan3A_266 iter_args(%scan3A_282 = %scan3A_262) -> (i32)  : i32 {
          %mul3A_283 = arith.constant 16 : i32
          %mul3A_284 = arith.muli %scan3A_281, %mul3A_283 : i32
          %get3A_285 = arith.constant 14 : i32
          %get3A_286 = arith.index_cast %get3A_285 : i32 to index
          %get3A_287 = arith.index_cast %mul3A_284 : i32 to index
          %get3A_288 = tpu.vector_load %arg17[%get3A_286, %get3A_287] {strides = array<i32>} : memref<16x128xf32, #tpu.memory_space<vmem>>, vector<16xf32>,
          %add3A_289 = arith.addi %mul3A_261, %mul3A_284 : i32
          %get3A_290 = arith.index_cast %add3A_289 : i32 to index
          %get3A_291 = tpu.vector_load %arg9[%get3A_290] {strides = array<i32>} : memref<40192xf32, #tpu.memory_space<vmem>>, vector<16xf32>,
          %add3A_292 = arith.addf %get3A_291, %get3A_288 : vector<16xf32>
          %swap3A_293 = arith.index_cast %add3A_289 : i32 to index
          %swap3A_294 = tpu.vector_load %arg9[%swap3A_293] {strides = array<i32>} : memref<40192xf32, #tpu.memory_space<vmem>>, vector<16xf32>,
          tpu.vector_store %arg9[%swap3A_293], %add3A_292 {strides = array<i32>} : memref<40192xf32, #tpu.memory_space<vmem>>, vector<16xf32>,
          %get3A_295 = arith.index_cast %add3A_289 : i32 to index
          %get3A_296 = tpu.vector_load %arg10[%get3A_295] {strides = array<i32>} : memref<40192xf32, #tpu.memory_space<vmem>>, vector<16xf32>,
          %max3A = arith.maximumf %get3A_296, %get3A_288 : vector<16xf32>
          %swap3A_297 = arith.index_cast %add3A_289 : i32 to index
          %swap3A_298 = tpu.vector_load %arg10[%swap3A_297] {strides = array<i32>} : memref<40192xf32, #tpu.memory_space<vmem>>, vector<16xf32>,
          tpu.vector_store %arg10[%swap3A_297], %max3A {strides = array<i32>} : memref<40192xf32, #tpu.memory_space<vmem>>, vector<16xf32>,
          %get3A_299 = arith.index_cast %add3A_289 : i32 to index
          %get3A_300 = tpu.vector_load %arg11[%get3A_299] {strides = array<i32>} : memref<40192xf32, #tpu.memory_space<vmem>>, vector<16xf32>,
          %mul3A_301 = arith.mulf %get3A_288, %get3A_288 : vector<16xf32>
          %add3A_302 = arith.addf %get3A_300, %mul3A_301 : vector<16xf32>
          %swap3A_303 = arith.index_cast %add3A_289 : i32 to index
          %swap3A_304 = tpu.vector_load %arg11[%swap3A_303] {strides = array<i32>} : memref<40192xf32, #tpu.memory_space<vmem>>, vector<16xf32>,
          tpu.vector_store %arg11[%swap3A_303], %add3A_302 {strides = array<i32>} : memref<40192xf32, #tpu.memory_space<vmem>>, vector<16xf32>,
          %scan3A_305 = arith.constant 0 : i32
          scf.yield %scan3A_305 : i32
        }
        %scan3A_268 = arith.constant 8 : i32
        %slice3A_269 = vector.extract_strided_slice %get3A_105 {offsets = [15], sizes = [1], strides = [1]} : vector<16xi32> to vector<1xi32>
        %squeeze3A_270 = vector.extract %slice3A_269[0] : i32 from vector<1xi32>
        %mul3A_271 = arith.constant 128 : i32
        %mul3A_272 = arith.muli %squeeze3A_270, %mul3A_271 : i32
        %scan3A_273 = arith.constant 0 : i32
        %scan3A_274 = arith.constant 0 : i32
        %scan3A_275 = arith.constant 8 : i32
        %scan3A_276 = arith.addi %scan3A_274, %scan3A_275 : i32
        %scan3A_277 = arith.constant 1 : i32
        %scan3A_278 = scf.for %scan3A_281 = %scan3A_274 to %scan3A_276 step %scan3A_277 iter_args(%scan3A_282 = %scan3A_273) -> (i32)  : i32 {
          %mul3A_283 = arith.constant 16 : i32
          %mul3A_284 = arith.muli %scan3A_281, %mul3A_283 : i32
          %get3A_285 = arith.constant 15 : i32
          %get3A_286 = arith.index_cast %get3A_285 : i32 to index
          %get3A_287 = arith.index_cast %mul3A_284 : i32 to index
          %get3A_288 = tpu.vector_load %arg17[%get3A_286, %get3A_287] {strides = array<i32>} : memref<16x128xf32, #tpu.memory_space<vmem>>, vector<16xf32>,
          %add3A_289 = arith.addi %mul3A_272, %mul3A_284 : i32
          %get3A_290 = arith.index_cast %add3A_289 : i32 to index
          %get3A_291 = tpu.vector_load %arg9[%get3A_290] {strides = array<i32>} : memref<40192xf32, #tpu.memory_space<vmem>>, vector<16xf32>,
          %add3A_292 = arith.addf %get3A_291, %get3A_288 : vector<16xf32>
          %swap3A_293 = arith.index_cast %add3A_289 : i32 to index
          %swap3A_294 = tpu.vector_load %arg9[%swap3A_293] {strides = array<i32>} : memref<40192xf32, #tpu.memory_space<vmem>>, vector<16xf32>,
          tpu.vector_store %arg9[%swap3A_293], %add3A_292 {strides = array<i32>} : memref<40192xf32, #tpu.memory_space<vmem>>, vector<16xf32>,
          %get3A_295 = arith.index_cast %add3A_289 : i32 to index
          %get3A_296 = tpu.vector_load %arg10[%get3A_295] {strides = array<i32>} : memref<40192xf32, #tpu.memory_space<vmem>>, vector<16xf32>,
          %max3A = arith.maximumf %get3A_296, %get3A_288 : vector<16xf32>
          %swap3A_297 = arith.index_cast %add3A_289 : i32 to index
          %swap3A_298 = tpu.vector_load %arg10[%swap3A_297] {strides = array<i32>} : memref<40192xf32, #tpu.memory_space<vmem>>, vector<16xf32>,
          tpu.vector_store %arg10[%swap3A_297], %max3A {strides = array<i32>} : memref<40192xf32, #tpu.memory_space<vmem>>, vector<16xf32>,
          %get3A_299 = arith.index_cast %add3A_289 : i32 to index
          %get3A_300 = tpu.vector_load %arg11[%get3A_299] {strides = array<i32>} : memref<40192xf32, #tpu.memory_space<vmem>>, vector<16xf32>,
          %mul3A_301 = arith.mulf %get3A_288, %get3A_288 : vector<16xf32>
          %add3A_302 = arith.addf %get3A_300, %mul3A_301 : vector<16xf32>
          %swap3A_303 = arith.index_cast %add3A_289 : i32 to index
          %swap3A_304 = tpu.vector_load %arg11[%swap3A_303] {strides = array<i32>} : memref<40192xf32, #tpu.memory_space<vmem>>, vector<16xf32>,
          tpu.vector_store %arg11[%swap3A_303], %add3A_302 {strides = array<i32>} : memref<40192xf32, #tpu.memory_space<vmem>>, vector<16xf32>,
          %scan3A_305 = arith.constant 0 : i32
          scf.yield %scan3A_305 : i32
        }
        %scan3A_279 = arith.constant 8 : i32
        %while3A_280 = arith.constant 0 : i32
        scf.yield %while3A_280 : i32
      }
      %while3A_87 = arith.constant 1 : i32
      %while3A_88 = scf.for %while3A_90 = %while3A_84 to %while3A_80 step %while3A_87 iter_args(%while3A_91 = %while3A_86) -> (i32)  : i32 {
        %mul3A_92 = arith.constant 16 : i32
        %mul3A_93 = arith.muli %while3A_90, %mul3A_92 : i32
        %dma_start3A = tpu.memref_slice %arg15[%mul3A_93] : memref<1632xi32, #tpu.memory_space<vmem>> -> memref<16xi32, #tpu.memory_space<vmem>>
        %dma_start3A_94 = arith.constant 0 : i32
        %dma_start3A_95 = arith.constant 0 : i32
        %dma_start3A_96 = tpu.memref_slice %arg2[%dma_start3A_94, %dma_start3A_95] : memref<10000x128xf32, #tpu.memory_space<hbm>> -> memref<10000x128xf32, #tpu.memory_space<hbm>>
        %dma_start3A_97 = arith.constant -1 : i32
        tpu.enqueue_indirect_dma source(%dma_start3A_96 : memref<10000x128xf32, #tpu.memory_space<hbm>>) target(%arg17 : memref<16x128xf32, #tpu.memory_space<vmem>>) offsets(%dma_start3A : memref<16xi32, #tpu.memory_space<vmem>>) offset_filter(%dma_start3A_97) semaphore(%arg18 : memref<!tpu.dma_semaphore, #tpu.memory_space<semaphore_mem>>)
        %dma_wait3A = tpu.memref_slice %arg15[%mul3A_93] : memref<1632xi32, #tpu.memory_space<vmem>> -> memref<16xi32, #tpu.memory_space<vmem>>
        %dma_wait3A_98 = arith.constant 0 : i32
        %dma_wait3A_99 = arith.constant 0 : i32
        %dma_wait3A_100 = tpu.memref_slice %arg2[%dma_wait3A_98, %dma_wait3A_99] : memref<10000x128xf32, #tpu.memory_space<hbm>> -> memref<10000x128xf32, #tpu.memory_space<hbm>>
        tpu.wait_indirect_dma semaphore(%arg18 : memref<!tpu.dma_semaphore, #tpu.memory_space<semaphore_mem>>) src(%dma_wait3A_100 : memref<10000x128xf32, #tpu.memory_space<hbm>>) dst(%arg17 : memref<16x128xf32, #tpu.memory_space<vmem>>)
        %mul3A_101 = arith.constant 16 : i32
        %mul3A_102 = arith.muli %while3A_90, %mul3A_101 : i32
        %add3A_103 = arith.constant 0 : i32
        %add3A_104 = arith.addi %mul3A_102, %add3A_103 : i32
        %get3A = arith.index_cast %add3A_104 : i32 to index
        %get3A_105 = tpu.vector_load %arg16[%get3A] {strides = array<i32>} : memref<1632xi32, #tpu.memory_space<vmem>>, vector<16xi32>,
        %slice3A = vector.extract_strided_slice %get3A_105 {offsets = [0], sizes = [1], strides = [1]} : vector<16xi32> to vector<1xi32>
        %squeeze3A = vector.extract %slice3A[0] : i32 from vector<1xi32>
        %mul3A_106 = arith.constant 128 : i32
        %mul3A_107 = arith.muli %squeeze3A, %mul3A_106 : i32
        %scan3A_108 = arith.constant 0 : i32
        %scan3A_109 = arith.constant 0 : i32
        %scan3A_110 = arith.constant 8 : i32
        %scan3A_111 = arith.addi %scan3A_109, %scan3A_110 : i32
        %scan3A_112 = arith.constant 1 : i32
        %scan3A_113 = scf.for %scan3A_281 = %scan3A_109 to %scan3A_111 step %scan3A_112 iter_args(%scan3A_282 = %scan3A_108) -> (i32)  : i32 {
          %mul3A_283 = arith.constant 16 : i32
          %mul3A_284 = arith.muli %scan3A_281, %mul3A_283 : i32
          %get3A_285 = arith.constant 0 : i32
          %get3A_286 = arith.index_cast %get3A_285 : i32 to index
          %get3A_287 = arith.index_cast %mul3A_284 : i32 to index
          %get3A_288 = tpu.vector_load %arg17[%get3A_286, %get3A_287] {strides = array<i32>} : memref<16x128xf32, #tpu.memory_space<vmem>>, vector<16xf32>,
          %add3A_289 = arith.addi %mul3A_107, %mul3A_284 : i32
          %get3A_290 = arith.index_cast %add3A_289 : i32 to index
          %get3A_291 = tpu.vector_load %arg9[%get3A_290] {strides = array<i32>} : memref<40192xf32, #tpu.memory_space<vmem>>, vector<16xf32>,
          %add3A_292 = arith.addf %get3A_291, %get3A_288 : vector<16xf32>
          %swap3A_293 = arith.index_cast %add3A_289 : i32 to index
          %swap3A_294 = tpu.vector_load %arg9[%swap3A_293] {strides = array<i32>} : memref<40192xf32, #tpu.memory_space<vmem>>, vector<16xf32>,
          tpu.vector_store %arg9[%swap3A_293], %add3A_292 {strides = array<i32>} : memref<40192xf32, #tpu.memory_space<vmem>>, vector<16xf32>,
          %get3A_295 = arith.index_cast %add3A_289 : i32 to index
          %get3A_296 = tpu.vector_load %arg10[%get3A_295] {strides = array<i32>} : memref<40192xf32, #tpu.memory_space<vmem>>, vector<16xf32>,
          %max3A = arith.maximumf %get3A_296, %get3A_288 : vector<16xf32>
          %swap3A_297 = arith.index_cast %add3A_289 : i32 to index
          %swap3A_298 = tpu.vector_load %arg10[%swap3A_297] {strides = array<i32>} : memref<40192xf32, #tpu.memory_space<vmem>>, vector<16xf32>,
          tpu.vector_store %arg10[%swap3A_297], %max3A {strides = array<i32>} : memref<40192xf32, #tpu.memory_space<vmem>>, vector<16xf32>,
          %get3A_299 = arith.index_cast %add3A_289 : i32 to index
          %get3A_300 = tpu.vector_load %arg11[%get3A_299] {strides = array<i32>} : memref<40192xf32, #tpu.memory_space<vmem>>, vector<16xf32>,
          %mul3A_301 = arith.mulf %get3A_288, %get3A_288 : vector<16xf32>
          %add3A_302 = arith.addf %get3A_300, %mul3A_301 : vector<16xf32>
          %swap3A_303 = arith.index_cast %add3A_289 : i32 to index
          %swap3A_304 = tpu.vector_load %arg11[%swap3A_303] {strides = array<i32>} : memref<40192xf32, #tpu.memory_space<vmem>>, vector<16xf32>,
          tpu.vector_store %arg11[%swap3A_303], %add3A_302 {strides = array<i32>} : memref<40192xf32, #tpu.memory_space<vmem>>, vector<16xf32>,
          %scan3A_305 = arith.constant 0 : i32
          scf.yield %scan3A_305 : i32
        }
        %scan3A_114 = arith.constant 8 : i32
        %slice3A_115 = vector.extract_strided_slice %get3A_105 {offsets = [1], sizes = [1], strides = [1]} : vector<16xi32> to vector<1xi32>
        %squeeze3A_116 = vector.extract %slice3A_115[0] : i32 from vector<1xi32>
        %mul3A_117 = arith.constant 128 : i32
        %mul3A_118 = arith.muli %squeeze3A_116, %mul3A_117 : i32
        %scan3A_119 = arith.constant 0 : i32
        %scan3A_120 = arith.constant 0 : i32
        %scan3A_121 = arith.constant 8 : i32
        %scan3A_122 = arith.addi %scan3A_120, %scan3A_121 : i32
        %scan3A_123 = arith.constant 1 : i32
        %scan3A_124 = scf.for %scan3A_281 = %scan3A_120 to %scan3A_122 step %scan3A_123 iter_args(%scan3A_282 = %scan3A_119) -> (i32)  : i32 {
          %mul3A_283 = arith.constant 16 : i32
          %mul3A_284 = arith.muli %scan3A_281, %mul3A_283 : i32
          %get3A_285 = arith.constant 1 : i32
          %get3A_286 = arith.index_cast %get3A_285 : i32 to index
          %get3A_287 = arith.index_cast %mul3A_284 : i32 to index
          %get3A_288 = tpu.vector_load %arg17[%get3A_286, %get3A_287] {strides = array<i32>} : memref<16x128xf32, #tpu.memory_space<vmem>>, vector<16xf32>,
          %add3A_289 = arith.addi %mul3A_118, %mul3A_284 : i32
          %get3A_290 = arith.index_cast %add3A_289 : i32 to index
          %get3A_291 = tpu.vector_load %arg9[%get3A_290] {strides = array<i32>} : memref<40192xf32, #tpu.memory_space<vmem>>, vector<16xf32>,
          %add3A_292 = arith.addf %get3A_291, %get3A_288 : vector<16xf32>
          %swap3A_293 = arith.index_cast %add3A_289 : i32 to index
          %swap3A_294 = tpu.vector_load %arg9[%swap3A_293] {strides = array<i32>} : memref<40192xf32, #tpu.memory_space<vmem>>, vector<16xf32>,
          tpu.vector_store %arg9[%swap3A_293], %add3A_292 {strides = array<i32>} : memref<40192xf32, #tpu.memory_space<vmem>>, vector<16xf32>,
          %get3A_295 = arith.index_cast %add3A_289 : i32 to index
          %get3A_296 = tpu.vector_load %arg10[%get3A_295] {strides = array<i32>} : memref<40192xf32, #tpu.memory_space<vmem>>, vector<16xf32>,
          %max3A = arith.maximumf %get3A_296, %get3A_288 : vector<16xf32>
          %swap3A_297 = arith.index_cast %add3A_289 : i32 to index
          %swap3A_298 = tpu.vector_load %arg10[%swap3A_297] {strides = array<i32>} : memref<40192xf32, #tpu.memory_space<vmem>>, vector<16xf32>,
          tpu.vector_store %arg10[%swap3A_297], %max3A {strides = array<i32>} : memref<40192xf32, #tpu.memory_space<vmem>>, vector<16xf32>,
          %get3A_299 = arith.index_cast %add3A_289 : i32 to index
          %get3A_300 = tpu.vector_load %arg11[%get3A_299] {strides = array<i32>} : memref<40192xf32, #tpu.memory_space<vmem>>, vector<16xf32>,
          %mul3A_301 = arith.mulf %get3A_288, %get3A_288 : vector<16xf32>
          %add3A_302 = arith.addf %get3A_300, %mul3A_301 : vector<16xf32>
          %swap3A_303 = arith.index_cast %add3A_289 : i32 to index
          %swap3A_304 = tpu.vector_load %arg11[%swap3A_303] {strides = array<i32>} : memref<40192xf32, #tpu.memory_space<vmem>>, vector<16xf32>,
          tpu.vector_store %arg11[%swap3A_303], %add3A_302 {strides = array<i32>} : memref<40192xf32, #tpu.memory_space<vmem>>, vector<16xf32>,
          %scan3A_305 = arith.constant 0 : i32
          scf.yield %scan3A_305 : i32
        }
        %scan3A_125 = arith.constant 8 : i32
        %slice3A_126 = vector.extract_strided_slice %get3A_105 {offsets = [2], sizes = [1], strides = [1]} : vector<16xi32> to vector<1xi32>
        %squeeze3A_127 = vector.extract %slice3A_126[0] : i32 from vector<1xi32>
        %mul3A_128 = arith.constant 128 : i32
        %mul3A_129 = arith.muli %squeeze3A_127, %mul3A_128 : i32
        %scan3A_130 = arith.constant 0 : i32
        %scan3A_131 = arith.constant 0 : i32
        %scan3A_132 = arith.constant 8 : i32
        %scan3A_133 = arith.addi %scan3A_131, %scan3A_132 : i32
        %scan3A_134 = arith.constant 1 : i32
        %scan3A_135 = scf.for %scan3A_281 = %scan3A_131 to %scan3A_133 step %scan3A_134 iter_args(%scan3A_282 = %scan3A_130) -> (i32)  : i32 {
          %mul3A_283 = arith.constant 16 : i32
          %mul3A_284 = arith.muli %scan3A_281, %mul3A_283 : i32
          %get3A_285 = arith.constant 2 : i32
          %get3A_286 = arith.index_cast %get3A_285 : i32 to index
          %get3A_287 = arith.index_cast %mul3A_284 : i32 to index
          %get3A_288 = tpu.vector_load %arg17[%get3A_286, %get3A_287] {strides = array<i32>} : memref<16x128xf32, #tpu.memory_space<vmem>>, vector<16xf32>,
          %add3A_289 = arith.addi %mul3A_129, %mul3A_284 : i32
          %get3A_290 = arith.index_cast %add3A_289 : i32 to index
          %get3A_291 = tpu.vector_load %arg9[%get3A_290] {strides = array<i32>} : memref<40192xf32, #tpu.memory_space<vmem>>, vector<16xf32>,
          %add3A_292 = arith.addf %get3A_291, %get3A_288 : vector<16xf32>
          %swap3A_293 = arith.index_cast %add3A_289 : i32 to index
          %swap3A_294 = tpu.vector_load %arg9[%swap3A_293] {strides = array<i32>} : memref<40192xf32, #tpu.memory_space<vmem>>, vector<16xf32>,
          tpu.vector_store %arg9[%swap3A_293], %add3A_292 {strides = array<i32>} : memref<40192xf32, #tpu.memory_space<vmem>>, vector<16xf32>,
          %get3A_295 = arith.index_cast %add3A_289 : i32 to index
          %get3A_296 = tpu.vector_load %arg10[%get3A_295] {strides = array<i32>} : memref<40192xf32, #tpu.memory_space<vmem>>, vector<16xf32>,
          %max3A = arith.maximumf %get3A_296, %get3A_288 : vector<16xf32>
          %swap3A_297 = arith.index_cast %add3A_289 : i32 to index
          %swap3A_298 = tpu.vector_load %arg10[%swap3A_297] {strides = array<i32>} : memref<40192xf32, #tpu.memory_space<vmem>>, vector<16xf32>,
          tpu.vector_store %arg10[%swap3A_297], %max3A {strides = array<i32>} : memref<40192xf32, #tpu.memory_space<vmem>>, vector<16xf32>,
          %get3A_299 = arith.index_cast %add3A_289 : i32 to index
          %get3A_300 = tpu.vector_load %arg11[%get3A_299] {strides = array<i32>} : memref<40192xf32, #tpu.memory_space<vmem>>, vector<16xf32>,
          %mul3A_301 = arith.mulf %get3A_288, %get3A_288 : vector<16xf32>
          %add3A_302 = arith.addf %get3A_300, %mul3A_301 : vector<16xf32>
          %swap3A_303 = arith.index_cast %add3A_289 : i32 to index
          %swap3A_304 = tpu.vector_load %arg11[%swap3A_303] {strides = array<i32>} : memref<40192xf32, #tpu.memory_space<vmem>>, vector<16xf32>,
          tpu.vector_store %arg11[%swap3A_303], %add3A_302 {strides = array<i32>} : memref<40192xf32, #tpu.memory_space<vmem>>, vector<16xf32>,
          %scan3A_305 = arith.constant 0 : i32
          scf.yield %scan3A_305 : i32
        }
        %scan3A_136 = arith.constant 8 : i32
        %slice3A_137 = vector.extract_strided_slice %get3A_105 {offsets = [3], sizes = [1], strides = [1]} : vector<16xi32> to vector<1xi32>
        %squeeze3A_138 = vector.extract %slice3A_137[0] : i32 from vector<1xi32>
        %mul3A_139 = arith.constant 128 : i32
        %mul3A_140 = arith.muli %squeeze3A_138, %mul3A_139 : i32
        %scan3A_141 = arith.constant 0 : i32
        %scan3A_142 = arith.constant 0 : i32
        %scan3A_143 = arith.constant 8 : i32
        %scan3A_144 = arith.addi %scan3A_142, %scan3A_143 : i32
        %scan3A_145 = arith.constant 1 : i32
        %scan3A_146 = scf.for %scan3A_281 = %scan3A_142 to %scan3A_144 step %scan3A_145 iter_args(%scan3A_282 = %scan3A_141) -> (i32)  : i32 {
          %mul3A_283 = arith.constant 16 : i32
          %mul3A_284 = arith.muli %scan3A_281, %mul3A_283 : i32
          %get3A_285 = arith.constant 3 : i32
          %get3A_286 = arith.index_cast %get3A_285 : i32 to index
          %get3A_287 = arith.index_cast %mul3A_284 : i32 to index
          %get3A_288 = tpu.vector_load %arg17[%get3A_286, %get3A_287] {strides = array<i32>} : memref<16x128xf32, #tpu.memory_space<vmem>>, vector<16xf32>,
          %add3A_289 = arith.addi %mul3A_140, %mul3A_284 : i32
          %get3A_290 = arith.index_cast %add3A_289 : i32 to index
          %get3A_291 = tpu.vector_load %arg9[%get3A_290] {strides = array<i32>} : memref<40192xf32, #tpu.memory_space<vmem>>, vector<16xf32>,
          %add3A_292 = arith.addf %get3A_291, %get3A_288 : vector<16xf32>
          %swap3A_293 = arith.index_cast %add3A_289 : i32 to index
          %swap3A_294 = tpu.vector_load %arg9[%swap3A_293] {strides = array<i32>} : memref<40192xf32, #tpu.memory_space<vmem>>, vector<16xf32>,
          tpu.vector_store %arg9[%swap3A_293], %add3A_292 {strides = array<i32>} : memref<40192xf32, #tpu.memory_space<vmem>>, vector<16xf32>,
          %get3A_295 = arith.index_cast %add3A_289 : i32 to index
          %get3A_296 = tpu.vector_load %arg10[%get3A_295] {strides = array<i32>} : memref<40192xf32, #tpu.memory_space<vmem>>, vector<16xf32>,
          %max3A = arith.maximumf %get3A_296, %get3A_288 : vector<16xf32>
          %swap3A_297 = arith.index_cast %add3A_289 : i32 to index
          %swap3A_298 = tpu.vector_load %arg10[%swap3A_297] {strides = array<i32>} : memref<40192xf32, #tpu.memory_space<vmem>>, vector<16xf32>,
          tpu.vector_store %arg10[%swap3A_297], %max3A {strides = array<i32>} : memref<40192xf32, #tpu.memory_space<vmem>>, vector<16xf32>,
          %get3A_299 = arith.index_cast %add3A_289 : i32 to index
          %get3A_300 = tpu.vector_load %arg11[%get3A_299] {strides = array<i32>} : memref<40192xf32, #tpu.memory_space<vmem>>, vector<16xf32>,
          %mul3A_301 = arith.mulf %get3A_288, %get3A_288 : vector<16xf32>
          %add3A_302 = arith.addf %get3A_300, %mul3A_301 : vector<16xf32>
          %swap3A_303 = arith.index_cast %add3A_289 : i32 to index
          %swap3A_304 = tpu.vector_load %arg11[%swap3A_303] {strides = array<i32>} : memref<40192xf32, #tpu.memory_space<vmem>>, vector<16xf32>,
          tpu.vector_store %arg11[%swap3A_303], %add3A_302 {strides = array<i32>} : memref<40192xf32, #tpu.memory_space<vmem>>, vector<16xf32>,
          %scan3A_305 = arith.constant 0 : i32
          scf.yield %scan3A_305 : i32
        }
        %scan3A_147 = arith.constant 8 : i32
        %slice3A_148 = vector.extract_strided_slice %get3A_105 {offsets = [4], sizes = [1], strides = [1]} : vector<16xi32> to vector<1xi32>
        %squeeze3A_149 = vector.extract %slice3A_148[0] : i32 from vector<1xi32>
        %mul3A_150 = arith.constant 128 : i32
        %mul3A_151 = arith.muli %squeeze3A_149, %mul3A_150 : i32
        %scan3A_152 = arith.constant 0 : i32
        %scan3A_153 = arith.constant 0 : i32
        %scan3A_154 = arith.constant 8 : i32
        %scan3A_155 = arith.addi %scan3A_153, %scan3A_154 : i32
        %scan3A_156 = arith.constant 1 : i32
        %scan3A_157 = scf.for %scan3A_281 = %scan3A_153 to %scan3A_155 step %scan3A_156 iter_args(%scan3A_282 = %scan3A_152) -> (i32)  : i32 {
          %mul3A_283 = arith.constant 16 : i32
          %mul3A_284 = arith.muli %scan3A_281, %mul3A_283 : i32
          %get3A_285 = arith.constant 4 : i32
          %get3A_286 = arith.index_cast %get3A_285 : i32 to index
          %get3A_287 = arith.index_cast %mul3A_284 : i32 to index
          %get3A_288 = tpu.vector_load %arg17[%get3A_286, %get3A_287] {strides = array<i32>} : memref<16x128xf32, #tpu.memory_space<vmem>>, vector<16xf32>,
          %add3A_289 = arith.addi %mul3A_151, %mul3A_284 : i32
          %get3A_290 = arith.index_cast %add3A_289 : i32 to index
          %get3A_291 = tpu.vector_load %arg9[%get3A_290] {strides = array<i32>} : memref<40192xf32, #tpu.memory_space<vmem>>, vector<16xf32>,
          %add3A_292 = arith.addf %get3A_291, %get3A_288 : vector<16xf32>
          %swap3A_293 = arith.index_cast %add3A_289 : i32 to index
          %swap3A_294 = tpu.vector_load %arg9[%swap3A_293] {strides = array<i32>} : memref<40192xf32, #tpu.memory_space<vmem>>, vector<16xf32>,
          tpu.vector_store %arg9[%swap3A_293], %add3A_292 {strides = array<i32>} : memref<40192xf32, #tpu.memory_space<vmem>>, vector<16xf32>,
          %get3A_295 = arith.index_cast %add3A_289 : i32 to index
          %get3A_296 = tpu.vector_load %arg10[%get3A_295] {strides = array<i32>} : memref<40192xf32, #tpu.memory_space<vmem>>, vector<16xf32>,
          %max3A = arith.maximumf %get3A_296, %get3A_288 : vector<16xf32>
          %swap3A_297 = arith.index_cast %add3A_289 : i32 to index
          %swap3A_298 = tpu.vector_load %arg10[%swap3A_297] {strides = array<i32>} : memref<40192xf32, #tpu.memory_space<vmem>>, vector<16xf32>,
          tpu.vector_store %arg10[%swap3A_297], %max3A {strides = array<i32>} : memref<40192xf32, #tpu.memory_space<vmem>>, vector<16xf32>,
          %get3A_299 = arith.index_cast %add3A_289 : i32 to index
          %get3A_300 = tpu.vector_load %arg11[%get3A_299] {strides = array<i32>} : memref<40192xf32, #tpu.memory_space<vmem>>, vector<16xf32>,
          %mul3A_301 = arith.mulf %get3A_288, %get3A_288 : vector<16xf32>
          %add3A_302 = arith.addf %get3A_300, %mul3A_301 : vector<16xf32>
          %swap3A_303 = arith.index_cast %add3A_289 : i32 to index
          %swap3A_304 = tpu.vector_load %arg11[%swap3A_303] {strides = array<i32>} : memref<40192xf32, #tpu.memory_space<vmem>>, vector<16xf32>,
          tpu.vector_store %arg11[%swap3A_303], %add3A_302 {strides = array<i32>} : memref<40192xf32, #tpu.memory_space<vmem>>, vector<16xf32>,
          %scan3A_305 = arith.constant 0 : i32
          scf.yield %scan3A_305 : i32
        }
        %scan3A_158 = arith.constant 8 : i32
        %slice3A_159 = vector.extract_strided_slice %get3A_105 {offsets = [5], sizes = [1], strides = [1]} : vector<16xi32> to vector<1xi32>
        %squeeze3A_160 = vector.extract %slice3A_159[0] : i32 from vector<1xi32>
        %mul3A_161 = arith.constant 128 : i32
        %mul3A_162 = arith.muli %squeeze3A_160, %mul3A_161 : i32
        %scan3A_163 = arith.constant 0 : i32
        %scan3A_164 = arith.constant 0 : i32
        %scan3A_165 = arith.constant 8 : i32
        %scan3A_166 = arith.addi %scan3A_164, %scan3A_165 : i32
        %scan3A_167 = arith.constant 1 : i32
        %scan3A_168 = scf.for %scan3A_281 = %scan3A_164 to %scan3A_166 step %scan3A_167 iter_args(%scan3A_282 = %scan3A_163) -> (i32)  : i32 {
          %mul3A_283 = arith.constant 16 : i32
          %mul3A_284 = arith.muli %scan3A_281, %mul3A_283 : i32
          %get3A_285 = arith.constant 5 : i32
          %get3A_286 = arith.index_cast %get3A_285 : i32 to index
          %get3A_287 = arith.index_cast %mul3A_284 : i32 to index
          %get3A_288 = tpu.vector_load %arg17[%get3A_286, %get3A_287] {strides = array<i32>} : memref<16x128xf32, #tpu.memory_space<vmem>>, vector<16xf32>,
          %add3A_289 = arith.addi %mul3A_162, %mul3A_284 : i32
          %get3A_290 = arith.index_cast %add3A_289 : i32 to index
          %get3A_291 = tpu.vector_load %arg9[%get3A_290] {strides = array<i32>} : memref<40192xf32, #tpu.memory_space<vmem>>, vector<16xf32>,
          %add3A_292 = arith.addf %get3A_291, %get3A_288 : vector<16xf32>
          %swap3A_293 = arith.index_cast %add3A_289 : i32 to index
          %swap3A_294 = tpu.vector_load %arg9[%swap3A_293] {strides = array<i32>} : memref<40192xf32, #tpu.memory_space<vmem>>, vector<16xf32>,
          tpu.vector_store %arg9[%swap3A_293], %add3A_292 {strides = array<i32>} : memref<40192xf32, #tpu.memory_space<vmem>>, vector<16xf32>,
          %get3A_295 = arith.index_cast %add3A_289 : i32 to index
          %get3A_296 = tpu.vector_load %arg10[%get3A_295] {strides = array<i32>} : memref<40192xf32, #tpu.memory_space<vmem>>, vector<16xf32>,
          %max3A = arith.maximumf %get3A_296, %get3A_288 : vector<16xf32>
          %swap3A_297 = arith.index_cast %add3A_289 : i32 to index
          %swap3A_298 = tpu.vector_load %arg10[%swap3A_297] {strides = array<i32>} : memref<40192xf32, #tpu.memory_space<vmem>>, vector<16xf32>,
          tpu.vector_store %arg10[%swap3A_297], %max3A {strides = array<i32>} : memref<40192xf32, #tpu.memory_space<vmem>>, vector<16xf32>,
          %get3A_299 = arith.index_cast %add3A_289 : i32 to index
          %get3A_300 = tpu.vector_load %arg11[%get3A_299] {strides = array<i32>} : memref<40192xf32, #tpu.memory_space<vmem>>, vector<16xf32>,
          %mul3A_301 = arith.mulf %get3A_288, %get3A_288 : vector<16xf32>
          %add3A_302 = arith.addf %get3A_300, %mul3A_301 : vector<16xf32>
          %swap3A_303 = arith.index_cast %add3A_289 : i32 to index
          %swap3A_304 = tpu.vector_load %arg11[%swap3A_303] {strides = array<i32>} : memref<40192xf32, #tpu.memory_space<vmem>>, vector<16xf32>,
          tpu.vector_store %arg11[%swap3A_303], %add3A_302 {strides = array<i32>} : memref<40192xf32, #tpu.memory_space<vmem>>, vector<16xf32>,
          %scan3A_305 = arith.constant 0 : i32
          scf.yield %scan3A_305 : i32
        }
        %scan3A_169 = arith.constant 8 : i32
        %slice3A_170 = vector.extract_strided_slice %get3A_105 {offsets = [6], sizes = [1], strides = [1]} : vector<16xi32> to vector<1xi32>
        %squeeze3A_171 = vector.extract %slice3A_170[0] : i32 from vector<1xi32>
        %mul3A_172 = arith.constant 128 : i32
        %mul3A_173 = arith.muli %squeeze3A_171, %mul3A_172 : i32
        %scan3A_174 = arith.constant 0 : i32
        %scan3A_175 = arith.constant 0 : i32
        %scan3A_176 = arith.constant 8 : i32
        %scan3A_177 = arith.addi %scan3A_175, %scan3A_176 : i32
        %scan3A_178 = arith.constant 1 : i32
        %scan3A_179 = scf.for %scan3A_281 = %scan3A_175 to %scan3A_177 step %scan3A_178 iter_args(%scan3A_282 = %scan3A_174) -> (i32)  : i32 {
          %mul3A_283 = arith.constant 16 : i32
          %mul3A_284 = arith.muli %scan3A_281, %mul3A_283 : i32
          %get3A_285 = arith.constant 6 : i32
          %get3A_286 = arith.index_cast %get3A_285 : i32 to index
          %get3A_287 = arith.index_cast %mul3A_284 : i32 to index
          %get3A_288 = tpu.vector_load %arg17[%get3A_286, %get3A_287] {strides = array<i32>} : memref<16x128xf32, #tpu.memory_space<vmem>>, vector<16xf32>,
          %add3A_289 = arith.addi %mul3A_173, %mul3A_284 : i32
          %get3A_290 = arith.index_cast %add3A_289 : i32 to index
          %get3A_291 = tpu.vector_load %arg9[%get3A_290] {strides = array<i32>} : memref<40192xf32, #tpu.memory_space<vmem>>, vector<16xf32>,
          %add3A_292 = arith.addf %get3A_291, %get3A_288 : vector<16xf32>
          %swap3A_293 = arith.index_cast %add3A_289 : i32 to index
          %swap3A_294 = tpu.vector_load %arg9[%swap3A_293] {strides = array<i32>} : memref<40192xf32, #tpu.memory_space<vmem>>, vector<16xf32>,
          tpu.vector_store %arg9[%swap3A_293], %add3A_292 {strides = array<i32>} : memref<40192xf32, #tpu.memory_space<vmem>>, vector<16xf32>,
          %get3A_295 = arith.index_cast %add3A_289 : i32 to index
          %get3A_296 = tpu.vector_load %arg10[%get3A_295] {strides = array<i32>} : memref<40192xf32, #tpu.memory_space<vmem>>, vector<16xf32>,
          %max3A = arith.maximumf %get3A_296, %get3A_288 : vector<16xf32>
          %swap3A_297 = arith.index_cast %add3A_289 : i32 to index
          %swap3A_298 = tpu.vector_load %arg10[%swap3A_297] {strides = array<i32>} : memref<40192xf32, #tpu.memory_space<vmem>>, vector<16xf32>,
          tpu.vector_store %arg10[%swap3A_297], %max3A {strides = array<i32>} : memref<40192xf32, #tpu.memory_space<vmem>>, vector<16xf32>,
          %get3A_299 = arith.index_cast %add3A_289 : i32 to index
          %get3A_300 = tpu.vector_load %arg11[%get3A_299] {strides = array<i32>} : memref<40192xf32, #tpu.memory_space<vmem>>, vector<16xf32>,
          %mul3A_301 = arith.mulf %get3A_288, %get3A_288 : vector<16xf32>
          %add3A_302 = arith.addf %get3A_300, %mul3A_301 : vector<16xf32>
          %swap3A_303 = arith.index_cast %add3A_289 : i32 to index
          %swap3A_304 = tpu.vector_load %arg11[%swap3A_303] {strides = array<i32>} : memref<40192xf32, #tpu.memory_space<vmem>>, vector<16xf32>,
          tpu.vector_store %arg11[%swap3A_303], %add3A_302 {strides = array<i32>} : memref<40192xf32, #tpu.memory_space<vmem>>, vector<16xf32>,
          %scan3A_305 = arith.constant 0 : i32
          scf.yield %scan3A_305 : i32
        }
        %scan3A_180 = arith.constant 8 : i32
        %slice3A_181 = vector.extract_strided_slice %get3A_105 {offsets = [7], sizes = [1], strides = [1]} : vector<16xi32> to vector<1xi32>
        %squeeze3A_182 = vector.extract %slice3A_181[0] : i32 from vector<1xi32>
        %mul3A_183 = arith.constant 128 : i32
        %mul3A_184 = arith.muli %squeeze3A_182, %mul3A_183 : i32
        %scan3A_185 = arith.constant 0 : i32
        %scan3A_186 = arith.constant 0 : i32
        %scan3A_187 = arith.constant 8 : i32
        %scan3A_188 = arith.addi %scan3A_186, %scan3A_187 : i32
        %scan3A_189 = arith.constant 1 : i32
        %scan3A_190 = scf.for %scan3A_281 = %scan3A_186 to %scan3A_188 step %scan3A_189 iter_args(%scan3A_282 = %scan3A_185) -> (i32)  : i32 {
          %mul3A_283 = arith.constant 16 : i32
          %mul3A_284 = arith.muli %scan3A_281, %mul3A_283 : i32
          %get3A_285 = arith.constant 7 : i32
          %get3A_286 = arith.index_cast %get3A_285 : i32 to index
          %get3A_287 = arith.index_cast %mul3A_284 : i32 to index
          %get3A_288 = tpu.vector_load %arg17[%get3A_286, %get3A_287] {strides = array<i32>} : memref<16x128xf32, #tpu.memory_space<vmem>>, vector<16xf32>,
          %add3A_289 = arith.addi %mul3A_184, %mul3A_284 : i32
          %get3A_290 = arith.index_cast %add3A_289 : i32 to index
          %get3A_291 = tpu.vector_load %arg9[%get3A_290] {strides = array<i32>} : memref<40192xf32, #tpu.memory_space<vmem>>, vector<16xf32>,
          %add3A_292 = arith.addf %get3A_291, %get3A_288 : vector<16xf32>
          %swap3A_293 = arith.index_cast %add3A_289 : i32 to index
          %swap3A_294 = tpu.vector_load %arg9[%swap3A_293] {strides = array<i32>} : memref<40192xf32, #tpu.memory_space<vmem>>, vector<16xf32>,
          tpu.vector_store %arg9[%swap3A_293], %add3A_292 {strides = array<i32>} : memref<40192xf32, #tpu.memory_space<vmem>>, vector<16xf32>,
          %get3A_295 = arith.index_cast %add3A_289 : i32 to index
          %get3A_296 = tpu.vector_load %arg10[%get3A_295] {strides = array<i32>} : memref<40192xf32, #tpu.memory_space<vmem>>, vector<16xf32>,
          %max3A = arith.maximumf %get3A_296, %get3A_288 : vector<16xf32>
          %swap3A_297 = arith.index_cast %add3A_289 : i32 to index
          %swap3A_298 = tpu.vector_load %arg10[%swap3A_297] {strides = array<i32>} : memref<40192xf32, #tpu.memory_space<vmem>>, vector<16xf32>,
          tpu.vector_store %arg10[%swap3A_297], %max3A {strides = array<i32>} : memref<40192xf32, #tpu.memory_space<vmem>>, vector<16xf32>,
          %get3A_299 = arith.index_cast %add3A_289 : i32 to index
          %get3A_300 = tpu.vector_load %arg11[%get3A_299] {strides = array<i32>} : memref<40192xf32, #tpu.memory_space<vmem>>, vector<16xf32>,
          %mul3A_301 = arith.mulf %get3A_288, %get3A_288 : vector<16xf32>
          %add3A_302 = arith.addf %get3A_300, %mul3A_301 : vector<16xf32>
          %swap3A_303 = arith.index_cast %add3A_289 : i32 to index
          %swap3A_304 = tpu.vector_load %arg11[%swap3A_303] {strides = array<i32>} : memref<40192xf32, #tpu.memory_space<vmem>>, vector<16xf32>,
          tpu.vector_store %arg11[%swap3A_303], %add3A_302 {strides = array<i32>} : memref<40192xf32, #tpu.memory_space<vmem>>, vector<16xf32>,
          %scan3A_305 = arith.constant 0 : i32
          scf.yield %scan3A_305 : i32
        }
        %scan3A_191 = arith.constant 8 : i32
        %slice3A_192 = vector.extract_strided_slice %get3A_105 {offsets = [8], sizes = [1], strides = [1]} : vector<16xi32> to vector<1xi32>
        %squeeze3A_193 = vector.extract %slice3A_192[0] : i32 from vector<1xi32>
        %mul3A_194 = arith.constant 128 : i32
        %mul3A_195 = arith.muli %squeeze3A_193, %mul3A_194 : i32
        %scan3A_196 = arith.constant 0 : i32
        %scan3A_197 = arith.constant 0 : i32
        %scan3A_198 = arith.constant 8 : i32
        %scan3A_199 = arith.addi %scan3A_197, %scan3A_198 : i32
        %scan3A_200 = arith.constant 1 : i32
        %scan3A_201 = scf.for %scan3A_281 = %scan3A_197 to %scan3A_199 step %scan3A_200 iter_args(%scan3A_282 = %scan3A_196) -> (i32)  : i32 {
          %mul3A_283 = arith.constant 16 : i32
          %mul3A_284 = arith.muli %scan3A_281, %mul3A_283 : i32
          %get3A_285 = arith.constant 8 : i32
          %get3A_286 = arith.index_cast %get3A_285 : i32 to index
          %get3A_287 = arith.index_cast %mul3A_284 : i32 to index
          %get3A_288 = tpu.vector_load %arg17[%get3A_286, %get3A_287] {strides = array<i32>} : memref<16x128xf32, #tpu.memory_space<vmem>>, vector<16xf32>,
          %add3A_289 = arith.addi %mul3A_195, %mul3A_284 : i32
          %get3A_290 = arith.index_cast %add3A_289 : i32 to index
          %get3A_291 = tpu.vector_load %arg9[%get3A_290] {strides = array<i32>} : memref<40192xf32, #tpu.memory_space<vmem>>, vector<16xf32>,
          %add3A_292 = arith.addf %get3A_291, %get3A_288 : vector<16xf32>
          %swap3A_293 = arith.index_cast %add3A_289 : i32 to index
          %swap3A_294 = tpu.vector_load %arg9[%swap3A_293] {strides = array<i32>} : memref<40192xf32, #tpu.memory_space<vmem>>, vector<16xf32>,
          tpu.vector_store %arg9[%swap3A_293], %add3A_292 {strides = array<i32>} : memref<40192xf32, #tpu.memory_space<vmem>>, vector<16xf32>,
          %get3A_295 = arith.index_cast %add3A_289 : i32 to index
          %get3A_296 = tpu.vector_load %arg10[%get3A_295] {strides = array<i32>} : memref<40192xf32, #tpu.memory_space<vmem>>, vector<16xf32>,
          %max3A = arith.maximumf %get3A_296, %get3A_288 : vector<16xf32>
          %swap3A_297 = arith.index_cast %add3A_289 : i32 to index
          %swap3A_298 = tpu.vector_load %arg10[%swap3A_297] {strides = array<i32>} : memref<40192xf32, #tpu.memory_space<vmem>>, vector<16xf32>,
          tpu.vector_store %arg10[%swap3A_297], %max3A {strides = array<i32>} : memref<40192xf32, #tpu.memory_space<vmem>>, vector<16xf32>,
          %get3A_299 = arith.index_cast %add3A_289 : i32 to index
          %get3A_300 = tpu.vector_load %arg11[%get3A_299] {strides = array<i32>} : memref<40192xf32, #tpu.memory_space<vmem>>, vector<16xf32>,
          %mul3A_301 = arith.mulf %get3A_288, %get3A_288 : vector<16xf32>
          %add3A_302 = arith.addf %get3A_300, %mul3A_301 : vector<16xf32>
          %swap3A_303 = arith.index_cast %add3A_289 : i32 to index
          %swap3A_304 = tpu.vector_load %arg11[%swap3A_303] {strides = array<i32>} : memref<40192xf32, #tpu.memory_space<vmem>>, vector<16xf32>,
          tpu.vector_store %arg11[%swap3A_303], %add3A_302 {strides = array<i32>} : memref<40192xf32, #tpu.memory_space<vmem>>, vector<16xf32>,
          %scan3A_305 = arith.constant 0 : i32
          scf.yield %scan3A_305 : i32
        }
        %scan3A_202 = arith.constant 8 : i32
        %slice3A_203 = vector.extract_strided_slice %get3A_105 {offsets = [9], sizes = [1], strides = [1]} : vector<16xi32> to vector<1xi32>
        %squeeze3A_204 = vector.extract %slice3A_203[0] : i32 from vector<1xi32>
        %mul3A_205 = arith.constant 128 : i32
        %mul3A_206 = arith.muli %squeeze3A_204, %mul3A_205 : i32
        %scan3A_207 = arith.constant 0 : i32
        %scan3A_208 = arith.constant 0 : i32
        %scan3A_209 = arith.constant 8 : i32
        %scan3A_210 = arith.addi %scan3A_208, %scan3A_209 : i32
        %scan3A_211 = arith.constant 1 : i32
        %scan3A_212 = scf.for %scan3A_281 = %scan3A_208 to %scan3A_210 step %scan3A_211 iter_args(%scan3A_282 = %scan3A_207) -> (i32)  : i32 {
          %mul3A_283 = arith.constant 16 : i32
          %mul3A_284 = arith.muli %scan3A_281, %mul3A_283 : i32
          %get3A_285 = arith.constant 9 : i32
          %get3A_286 = arith.index_cast %get3A_285 : i32 to index
          %get3A_287 = arith.index_cast %mul3A_284 : i32 to index
          %get3A_288 = tpu.vector_load %arg17[%get3A_286, %get3A_287] {strides = array<i32>} : memref<16x128xf32, #tpu.memory_space<vmem>>, vector<16xf32>,
          %add3A_289 = arith.addi %mul3A_206, %mul3A_284 : i32
          %get3A_290 = arith.index_cast %add3A_289 : i32 to index
          %get3A_291 = tpu.vector_load %arg9[%get3A_290] {strides = array<i32>} : memref<40192xf32, #tpu.memory_space<vmem>>, vector<16xf32>,
          %add3A_292 = arith.addf %get3A_291, %get3A_288 : vector<16xf32>
          %swap3A_293 = arith.index_cast %add3A_289 : i32 to index
          %swap3A_294 = tpu.vector_load %arg9[%swap3A_293] {strides = array<i32>} : memref<40192xf32, #tpu.memory_space<vmem>>, vector<16xf32>,
          tpu.vector_store %arg9[%swap3A_293], %add3A_292 {strides = array<i32>} : memref<40192xf32, #tpu.memory_space<vmem>>, vector<16xf32>,
          %get3A_295 = arith.index_cast %add3A_289 : i32 to index
          %get3A_296 = tpu.vector_load %arg10[%get3A_295] {strides = array<i32>} : memref<40192xf32, #tpu.memory_space<vmem>>, vector<16xf32>,
          %max3A = arith.maximumf %get3A_296, %get3A_288 : vector<16xf32>
          %swap3A_297 = arith.index_cast %add3A_289 : i32 to index
          %swap3A_298 = tpu.vector_load %arg10[%swap3A_297] {strides = array<i32>} : memref<40192xf32, #tpu.memory_space<vmem>>, vector<16xf32>,
          tpu.vector_store %arg10[%swap3A_297], %max3A {strides = array<i32>} : memref<40192xf32, #tpu.memory_space<vmem>>, vector<16xf32>,
          %get3A_299 = arith.index_cast %add3A_289 : i32 to index
          %get3A_300 = tpu.vector_load %arg11[%get3A_299] {strides = array<i32>} : memref<40192xf32, #tpu.memory_space<vmem>>, vector<16xf32>,
          %mul3A_301 = arith.mulf %get3A_288, %get3A_288 : vector<16xf32>
          %add3A_302 = arith.addf %get3A_300, %mul3A_301 : vector<16xf32>
          %swap3A_303 = arith.index_cast %add3A_289 : i32 to index
          %swap3A_304 = tpu.vector_load %arg11[%swap3A_303] {strides = array<i32>} : memref<40192xf32, #tpu.memory_space<vmem>>, vector<16xf32>,
          tpu.vector_store %arg11[%swap3A_303], %add3A_302 {strides = array<i32>} : memref<40192xf32, #tpu.memory_space<vmem>>, vector<16xf32>,
          %scan3A_305 = arith.constant 0 : i32
          scf.yield %scan3A_305 : i32
        }
        %scan3A_213 = arith.constant 8 : i32
        %slice3A_214 = vector.extract_strided_slice %get3A_105 {offsets = [10], sizes = [1], strides = [1]} : vector<16xi32> to vector<1xi32>
        %squeeze3A_215 = vector.extract %slice3A_214[0] : i32 from vector<1xi32>
        %mul3A_216 = arith.constant 128 : i32
        %mul3A_217 = arith.muli %squeeze3A_215, %mul3A_216 : i32
        %scan3A_218 = arith.constant 0 : i32
        %scan3A_219 = arith.constant 0 : i32
        %scan3A_220 = arith.constant 8 : i32
        %scan3A_221 = arith.addi %scan3A_219, %scan3A_220 : i32
        %scan3A_222 = arith.constant 1 : i32
        %scan3A_223 = scf.for %scan3A_281 = %scan3A_219 to %scan3A_221 step %scan3A_222 iter_args(%scan3A_282 = %scan3A_218) -> (i32)  : i32 {
          %mul3A_283 = arith.constant 16 : i32
          %mul3A_284 = arith.muli %scan3A_281, %mul3A_283 : i32
          %get3A_285 = arith.constant 10 : i32
          %get3A_286 = arith.index_cast %get3A_285 : i32 to index
          %get3A_287 = arith.index_cast %mul3A_284 : i32 to index
          %get3A_288 = tpu.vector_load %arg17[%get3A_286, %get3A_287] {strides = array<i32>} : memref<16x128xf32, #tpu.memory_space<vmem>>, vector<16xf32>,
          %add3A_289 = arith.addi %mul3A_217, %mul3A_284 : i32
          %get3A_290 = arith.index_cast %add3A_289 : i32 to index
          %get3A_291 = tpu.vector_load %arg9[%get3A_290] {strides = array<i32>} : memref<40192xf32, #tpu.memory_space<vmem>>, vector<16xf32>,
          %add3A_292 = arith.addf %get3A_291, %get3A_288 : vector<16xf32>
          %swap3A_293 = arith.index_cast %add3A_289 : i32 to index
          %swap3A_294 = tpu.vector_load %arg9[%swap3A_293] {strides = array<i32>} : memref<40192xf32, #tpu.memory_space<vmem>>, vector<16xf32>,
          tpu.vector_store %arg9[%swap3A_293], %add3A_292 {strides = array<i32>} : memref<40192xf32, #tpu.memory_space<vmem>>, vector<16xf32>,
          %get3A_295 = arith.index_cast %add3A_289 : i32 to index
          %get3A_296 = tpu.vector_load %arg10[%get3A_295] {strides = array<i32>} : memref<40192xf32, #tpu.memory_space<vmem>>, vector<16xf32>,
          %max3A = arith.maximumf %get3A_296, %get3A_288 : vector<16xf32>
          %swap3A_297 = arith.index_cast %add3A_289 : i32 to index
          %swap3A_298 = tpu.vector_load %arg10[%swap3A_297] {strides = array<i32>} : memref<40192xf32, #tpu.memory_space<vmem>>, vector<16xf32>,
          tpu.vector_store %arg10[%swap3A_297], %max3A {strides = array<i32>} : memref<40192xf32, #tpu.memory_space<vmem>>, vector<16xf32>,
          %get3A_299 = arith.index_cast %add3A_289 : i32 to index
          %get3A_300 = tpu.vector_load %arg11[%get3A_299] {strides = array<i32>} : memref<40192xf32, #tpu.memory_space<vmem>>, vector<16xf32>,
          %mul3A_301 = arith.mulf %get3A_288, %get3A_288 : vector<16xf32>
          %add3A_302 = arith.addf %get3A_300, %mul3A_301 : vector<16xf32>
          %swap3A_303 = arith.index_cast %add3A_289 : i32 to index
          %swap3A_304 = tpu.vector_load %arg11[%swap3A_303] {strides = array<i32>} : memref<40192xf32, #tpu.memory_space<vmem>>, vector<16xf32>,
          tpu.vector_store %arg11[%swap3A_303], %add3A_302 {strides = array<i32>} : memref<40192xf32, #tpu.memory_space<vmem>>, vector<16xf32>,
          %scan3A_305 = arith.constant 0 : i32
          scf.yield %scan3A_305 : i32
        }
        %scan3A_224 = arith.constant 8 : i32
        %slice3A_225 = vector.extract_strided_slice %get3A_105 {offsets = [11], sizes = [1], strides = [1]} : vector<16xi32> to vector<1xi32>
        %squeeze3A_226 = vector.extract %slice3A_225[0] : i32 from vector<1xi32>
        %mul3A_227 = arith.constant 128 : i32
        %mul3A_228 = arith.muli %squeeze3A_226, %mul3A_227 : i32
        %scan3A_229 = arith.constant 0 : i32
        %scan3A_230 = arith.constant 0 : i32
        %scan3A_231 = arith.constant 8 : i32
        %scan3A_232 = arith.addi %scan3A_230, %scan3A_231 : i32
        %scan3A_233 = arith.constant 1 : i32
        %scan3A_234 = scf.for %scan3A_281 = %scan3A_230 to %scan3A_232 step %scan3A_233 iter_args(%scan3A_282 = %scan3A_229) -> (i32)  : i32 {
          %mul3A_283 = arith.constant 16 : i32
          %mul3A_284 = arith.muli %scan3A_281, %mul3A_283 : i32
          %get3A_285 = arith.constant 11 : i32
          %get3A_286 = arith.index_cast %get3A_285 : i32 to index
          %get3A_287 = arith.index_cast %mul3A_284 : i32 to index
          %get3A_288 = tpu.vector_load %arg17[%get3A_286, %get3A_287] {strides = array<i32>} : memref<16x128xf32, #tpu.memory_space<vmem>>, vector<16xf32>,
          %add3A_289 = arith.addi %mul3A_228, %mul3A_284 : i32
          %get3A_290 = arith.index_cast %add3A_289 : i32 to index
          %get3A_291 = tpu.vector_load %arg9[%get3A_290] {strides = array<i32>} : memref<40192xf32, #tpu.memory_space<vmem>>, vector<16xf32>,
          %add3A_292 = arith.addf %get3A_291, %get3A_288 : vector<16xf32>
          %swap3A_293 = arith.index_cast %add3A_289 : i32 to index
          %swap3A_294 = tpu.vector_load %arg9[%swap3A_293] {strides = array<i32>} : memref<40192xf32, #tpu.memory_space<vmem>>, vector<16xf32>,
          tpu.vector_store %arg9[%swap3A_293], %add3A_292 {strides = array<i32>} : memref<40192xf32, #tpu.memory_space<vmem>>, vector<16xf32>,
          %get3A_295 = arith.index_cast %add3A_289 : i32 to index
          %get3A_296 = tpu.vector_load %arg10[%get3A_295] {strides = array<i32>} : memref<40192xf32, #tpu.memory_space<vmem>>, vector<16xf32>,
          %max3A = arith.maximumf %get3A_296, %get3A_288 : vector<16xf32>
          %swap3A_297 = arith.index_cast %add3A_289 : i32 to index
          %swap3A_298 = tpu.vector_load %arg10[%swap3A_297] {strides = array<i32>} : memref<40192xf32, #tpu.memory_space<vmem>>, vector<16xf32>,
          tpu.vector_store %arg10[%swap3A_297], %max3A {strides = array<i32>} : memref<40192xf32, #tpu.memory_space<vmem>>, vector<16xf32>,
          %get3A_299 = arith.index_cast %add3A_289 : i32 to index
          %get3A_300 = tpu.vector_load %arg11[%get3A_299] {strides = array<i32>} : memref<40192xf32, #tpu.memory_space<vmem>>, vector<16xf32>,
          %mul3A_301 = arith.mulf %get3A_288, %get3A_288 : vector<16xf32>
          %add3A_302 = arith.addf %get3A_300, %mul3A_301 : vector<16xf32>
          %swap3A_303 = arith.index_cast %add3A_289 : i32 to index
          %swap3A_304 = tpu.vector_load %arg11[%swap3A_303] {strides = array<i32>} : memref<40192xf32, #tpu.memory_space<vmem>>, vector<16xf32>,
          tpu.vector_store %arg11[%swap3A_303], %add3A_302 {strides = array<i32>} : memref<40192xf32, #tpu.memory_space<vmem>>, vector<16xf32>,
          %scan3A_305 = arith.constant 0 : i32
          scf.yield %scan3A_305 : i32
        }
        %scan3A_235 = arith.constant 8 : i32
        %slice3A_236 = vector.extract_strided_slice %get3A_105 {offsets = [12], sizes = [1], strides = [1]} : vector<16xi32> to vector<1xi32>
        %squeeze3A_237 = vector.extract %slice3A_236[0] : i32 from vector<1xi32>
        %mul3A_238 = arith.constant 128 : i32
        %mul3A_239 = arith.muli %squeeze3A_237, %mul3A_238 : i32
        %scan3A_240 = arith.constant 0 : i32
        %scan3A_241 = arith.constant 0 : i32
        %scan3A_242 = arith.constant 8 : i32
        %scan3A_243 = arith.addi %scan3A_241, %scan3A_242 : i32
        %scan3A_244 = arith.constant 1 : i32
        %scan3A_245 = scf.for %scan3A_281 = %scan3A_241 to %scan3A_243 step %scan3A_244 iter_args(%scan3A_282 = %scan3A_240) -> (i32)  : i32 {
          %mul3A_283 = arith.constant 16 : i32
          %mul3A_284 = arith.muli %scan3A_281, %mul3A_283 : i32
          %get3A_285 = arith.constant 12 : i32
          %get3A_286 = arith.index_cast %get3A_285 : i32 to index
          %get3A_287 = arith.index_cast %mul3A_284 : i32 to index
          %get3A_288 = tpu.vector_load %arg17[%get3A_286, %get3A_287] {strides = array<i32>} : memref<16x128xf32, #tpu.memory_space<vmem>>, vector<16xf32>,
          %add3A_289 = arith.addi %mul3A_239, %mul3A_284 : i32
          %get3A_290 = arith.index_cast %add3A_289 : i32 to index
          %get3A_291 = tpu.vector_load %arg9[%get3A_290] {strides = array<i32>} : memref<40192xf32, #tpu.memory_space<vmem>>, vector<16xf32>,
          %add3A_292 = arith.addf %get3A_291, %get3A_288 : vector<16xf32>
          %swap3A_293 = arith.index_cast %add3A_289 : i32 to index
          %swap3A_294 = tpu.vector_load %arg9[%swap3A_293] {strides = array<i32>} : memref<40192xf32, #tpu.memory_space<vmem>>, vector<16xf32>,
          tpu.vector_store %arg9[%swap3A_293], %add3A_292 {strides = array<i32>} : memref<40192xf32, #tpu.memory_space<vmem>>, vector<16xf32>,
          %get3A_295 = arith.index_cast %add3A_289 : i32 to index
          %get3A_296 = tpu.vector_load %arg10[%get3A_295] {strides = array<i32>} : memref<40192xf32, #tpu.memory_space<vmem>>, vector<16xf32>,
          %max3A = arith.maximumf %get3A_296, %get3A_288 : vector<16xf32>
          %swap3A_297 = arith.index_cast %add3A_289 : i32 to index
          %swap3A_298 = tpu.vector_load %arg10[%swap3A_297] {strides = array<i32>} : memref<40192xf32, #tpu.memory_space<vmem>>, vector<16xf32>,
          tpu.vector_store %arg10[%swap3A_297], %max3A {strides = array<i32>} : memref<40192xf32, #tpu.memory_space<vmem>>, vector<16xf32>,
          %get3A_299 = arith.index_cast %add3A_289 : i32 to index
          %get3A_300 = tpu.vector_load %arg11[%get3A_299] {strides = array<i32>} : memref<40192xf32, #tpu.memory_space<vmem>>, vector<16xf32>,
          %mul3A_301 = arith.mulf %get3A_288, %get3A_288 : vector<16xf32>
          %add3A_302 = arith.addf %get3A_300, %mul3A_301 : vector<16xf32>
          %swap3A_303 = arith.index_cast %add3A_289 : i32 to index
          %swap3A_304 = tpu.vector_load %arg11[%swap3A_303] {strides = array<i32>} : memref<40192xf32, #tpu.memory_space<vmem>>, vector<16xf32>,
          tpu.vector_store %arg11[%swap3A_303], %add3A_302 {strides = array<i32>} : memref<40192xf32, #tpu.memory_space<vmem>>, vector<16xf32>,
          %scan3A_305 = arith.constant 0 : i32
          scf.yield %scan3A_305 : i32
        }
        %scan3A_246 = arith.constant 8 : i32
        %slice3A_247 = vector.extract_strided_slice %get3A_105 {offsets = [13], sizes = [1], strides = [1]} : vector<16xi32> to vector<1xi32>
        %squeeze3A_248 = vector.extract %slice3A_247[0] : i32 from vector<1xi32>
        %mul3A_249 = arith.constant 128 : i32
        %mul3A_250 = arith.muli %squeeze3A_248, %mul3A_249 : i32
        %scan3A_251 = arith.constant 0 : i32
        %scan3A_252 = arith.constant 0 : i32
        %scan3A_253 = arith.constant 8 : i32
        %scan3A_254 = arith.addi %scan3A_252, %scan3A_253 : i32
        %scan3A_255 = arith.constant 1 : i32
        %scan3A_256 = scf.for %scan3A_281 = %scan3A_252 to %scan3A_254 step %scan3A_255 iter_args(%scan3A_282 = %scan3A_251) -> (i32)  : i32 {
          %mul3A_283 = arith.constant 16 : i32
          %mul3A_284 = arith.muli %scan3A_281, %mul3A_283 : i32
          %get3A_285 = arith.constant 13 : i32
          %get3A_286 = arith.index_cast %get3A_285 : i32 to index
          %get3A_287 = arith.index_cast %mul3A_284 : i32 to index
          %get3A_288 = tpu.vector_load %arg17[%get3A_286, %get3A_287] {strides = array<i32>} : memref<16x128xf32, #tpu.memory_space<vmem>>, vector<16xf32>,
          %add3A_289 = arith.addi %mul3A_250, %mul3A_284 : i32
          %get3A_290 = arith.index_cast %add3A_289 : i32 to index
          %get3A_291 = tpu.vector_load %arg9[%get3A_290] {strides = array<i32>} : memref<40192xf32, #tpu.memory_space<vmem>>, vector<16xf32>,
          %add3A_292 = arith.addf %get3A_291, %get3A_288 : vector<16xf32>
          %swap3A_293 = arith.index_cast %add3A_289 : i32 to index
          %swap3A_294 = tpu.vector_load %arg9[%swap3A_293] {strides = array<i32>} : memref<40192xf32, #tpu.memory_space<vmem>>, vector<16xf32>,
          tpu.vector_store %arg9[%swap3A_293], %add3A_292 {strides = array<i32>} : memref<40192xf32, #tpu.memory_space<vmem>>, vector<16xf32>,
          %get3A_295 = arith.index_cast %add3A_289 : i32 to index
          %get3A_296 = tpu.vector_load %arg10[%get3A_295] {strides = array<i32>} : memref<40192xf32, #tpu.memory_space<vmem>>, vector<16xf32>,
          %max3A = arith.maximumf %get3A_296, %get3A_288 : vector<16xf32>
          %swap3A_297 = arith.index_cast %add3A_289 : i32 to index
          %swap3A_298 = tpu.vector_load %arg10[%swap3A_297] {strides = array<i32>} : memref<40192xf32, #tpu.memory_space<vmem>>, vector<16xf32>,
          tpu.vector_store %arg10[%swap3A_297], %max3A {strides = array<i32>} : memref<40192xf32, #tpu.memory_space<vmem>>, vector<16xf32>,
          %get3A_299 = arith.index_cast %add3A_289 : i32 to index
          %get3A_300 = tpu.vector_load %arg11[%get3A_299] {strides = array<i32>} : memref<40192xf32, #tpu.memory_space<vmem>>, vector<16xf32>,
          %mul3A_301 = arith.mulf %get3A_288, %get3A_288 : vector<16xf32>
          %add3A_302 = arith.addf %get3A_300, %mul3A_301 : vector<16xf32>
          %swap3A_303 = arith.index_cast %add3A_289 : i32 to index
          %swap3A_304 = tpu.vector_load %arg11[%swap3A_303] {strides = array<i32>} : memref<40192xf32, #tpu.memory_space<vmem>>, vector<16xf32>,
          tpu.vector_store %arg11[%swap3A_303], %add3A_302 {strides = array<i32>} : memref<40192xf32, #tpu.memory_space<vmem>>, vector<16xf32>,
          %scan3A_305 = arith.constant 0 : i32
          scf.yield %scan3A_305 : i32
        }
        %scan3A_257 = arith.constant 8 : i32
        %slice3A_258 = vector.extract_strided_slice %get3A_105 {offsets = [14], sizes = [1], strides = [1]} : vector<16xi32> to vector<1xi32>
        %squeeze3A_259 = vector.extract %slice3A_258[0] : i32 from vector<1xi32>
        %mul3A_260 = arith.constant 128 : i32
        %mul3A_261 = arith.muli %squeeze3A_259, %mul3A_260 : i32
        %scan3A_262 = arith.constant 0 : i32
        %scan3A_263 = arith.constant 0 : i32
        %scan3A_264 = arith.constant 8 : i32
        %scan3A_265 = arith.addi %scan3A_263, %scan3A_264 : i32
        %scan3A_266 = arith.constant 1 : i32
        %scan3A_267 = scf.for %scan3A_281 = %scan3A_263 to %scan3A_265 step %scan3A_266 iter_args(%scan3A_282 = %scan3A_262) -> (i32)  : i32 {
          %mul3A_283 = arith.constant 16 : i32
          %mul3A_284 = arith.muli %scan3A_281, %mul3A_283 : i32
          %get3A_285 = arith.constant 14 : i32
          %get3A_286 = arith.index_cast %get3A_285 : i32 to index
          %get3A_287 = arith.index_cast %mul3A_284 : i32 to index
          %get3A_288 = tpu.vector_load %arg17[%get3A_286, %get3A_287] {strides = array<i32>} : memref<16x128xf32, #tpu.memory_space<vmem>>, vector<16xf32>,
          %add3A_289 = arith.addi %mul3A_261, %mul3A_284 : i32
          %get3A_290 = arith.index_cast %add3A_289 : i32 to index
          %get3A_291 = tpu.vector_load %arg9[%get3A_290] {strides = array<i32>} : memref<40192xf32, #tpu.memory_space<vmem>>, vector<16xf32>,
          %add3A_292 = arith.addf %get3A_291, %get3A_288 : vector<16xf32>
          %swap3A_293 = arith.index_cast %add3A_289 : i32 to index
          %swap3A_294 = tpu.vector_load %arg9[%swap3A_293] {strides = array<i32>} : memref<40192xf32, #tpu.memory_space<vmem>>, vector<16xf32>,
          tpu.vector_store %arg9[%swap3A_293], %add3A_292 {strides = array<i32>} : memref<40192xf32, #tpu.memory_space<vmem>>, vector<16xf32>,
          %get3A_295 = arith.index_cast %add3A_289 : i32 to index
          %get3A_296 = tpu.vector_load %arg10[%get3A_295] {strides = array<i32>} : memref<40192xf32, #tpu.memory_space<vmem>>, vector<16xf32>,
          %max3A = arith.maximumf %get3A_296, %get3A_288 : vector<16xf32>
          %swap3A_297 = arith.index_cast %add3A_289 : i32 to index
          %swap3A_298 = tpu.vector_load %arg10[%swap3A_297] {strides = array<i32>} : memref<40192xf32, #tpu.memory_space<vmem>>, vector<16xf32>,
          tpu.vector_store %arg10[%swap3A_297], %max3A {strides = array<i32>} : memref<40192xf32, #tpu.memory_space<vmem>>, vector<16xf32>,
          %get3A_299 = arith.index_cast %add3A_289 : i32 to index
          %get3A_300 = tpu.vector_load %arg11[%get3A_299] {strides = array<i32>} : memref<40192xf32, #tpu.memory_space<vmem>>, vector<16xf32>,
          %mul3A_301 = arith.mulf %get3A_288, %get3A_288 : vector<16xf32>
          %add3A_302 = arith.addf %get3A_300, %mul3A_301 : vector<16xf32>
          %swap3A_303 = arith.index_cast %add3A_289 : i32 to index
          %swap3A_304 = tpu.vector_load %arg11[%swap3A_303] {strides = array<i32>} : memref<40192xf32, #tpu.memory_space<vmem>>, vector<16xf32>,
          tpu.vector_store %arg11[%swap3A_303], %add3A_302 {strides = array<i32>} : memref<40192xf32, #tpu.memory_space<vmem>>, vector<16xf32>,
          %scan3A_305 = arith.constant 0 : i32
          scf.yield %scan3A_305 : i32
        }
        %scan3A_268 = arith.constant 8 : i32
        %slice3A_269 = vector.extract_strided_slice %get3A_105 {offsets = [15], sizes = [1], strides = [1]} : vector<16xi32> to vector<1xi32>
        %squeeze3A_270 = vector.extract %slice3A_269[0] : i32 from vector<1xi32>
        %mul3A_271 = arith.constant 128 : i32
        %mul3A_272 = arith.muli %squeeze3A_270, %mul3A_271 : i32
        %scan3A_273 = arith.constant 0 : i32
        %scan3A_274 = arith.constant 0 : i32
        %scan3A_275 = arith.constant 8 : i32
        %scan3A_276 = arith.addi %scan3A_274, %scan3A_275 : i32
        %scan3A_277 = arith.constant 1 : i32
        %scan3A_278 = scf.for %scan3A_281 = %scan3A_274 to %scan3A_276 step %scan3A_277 iter_args(%scan3A_282 = %scan3A_273) -> (i32)  : i32 {
          %mul3A_283 = arith.constant 16 : i32
          %mul3A_284 = arith.muli %scan3A_281, %mul3A_283 : i32
          %get3A_285 = arith.constant 15 : i32
          %get3A_286 = arith.index_cast %get3A_285 : i32 to index
          %get3A_287 = arith.index_cast %mul3A_284 : i32 to index
          %get3A_288 = tpu.vector_load %arg17[%get3A_286, %get3A_287] {strides = array<i32>} : memref<16x128xf32, #tpu.memory_space<vmem>>, vector<16xf32>,
          %add3A_289 = arith.addi %mul3A_272, %mul3A_284 : i32
          %get3A_290 = arith.index_cast %add3A_289 : i32 to index
          %get3A_291 = tpu.vector_load %arg9[%get3A_290] {strides = array<i32>} : memref<40192xf32, #tpu.memory_space<vmem>>, vector<16xf32>,
          %add3A_292 = arith.addf %get3A_291, %get3A_288 : vector<16xf32>
          %swap3A_293 = arith.index_cast %add3A_289 : i32 to index
          %swap3A_294 = tpu.vector_load %arg9[%swap3A_293] {strides = array<i32>} : memref<40192xf32, #tpu.memory_space<vmem>>, vector<16xf32>,
          tpu.vector_store %arg9[%swap3A_293], %add3A_292 {strides = array<i32>} : memref<40192xf32, #tpu.memory_space<vmem>>, vector<16xf32>,
          %get3A_295 = arith.index_cast %add3A_289 : i32 to index
          %get3A_296 = tpu.vector_load %arg10[%get3A_295] {strides = array<i32>} : memref<40192xf32, #tpu.memory_space<vmem>>, vector<16xf32>,
          %max3A = arith.maximumf %get3A_296, %get3A_288 : vector<16xf32>
          %swap3A_297 = arith.index_cast %add3A_289 : i32 to index
          %swap3A_298 = tpu.vector_load %arg10[%swap3A_297] {strides = array<i32>} : memref<40192xf32, #tpu.memory_space<vmem>>, vector<16xf32>,
          tpu.vector_store %arg10[%swap3A_297], %max3A {strides = array<i32>} : memref<40192xf32, #tpu.memory_space<vmem>>, vector<16xf32>,
          %get3A_299 = arith.index_cast %add3A_289 : i32 to index
          %get3A_300 = tpu.vector_load %arg11[%get3A_299] {strides = array<i32>} : memref<40192xf32, #tpu.memory_space<vmem>>, vector<16xf32>,
          %mul3A_301 = arith.mulf %get3A_288, %get3A_288 : vector<16xf32>
          %add3A_302 = arith.addf %get3A_300, %mul3A_301 : vector<16xf32>
          %swap3A_303 = arith.index_cast %add3A_289 : i32 to index
          %swap3A_304 = tpu.vector_load %arg11[%swap3A_303] {strides = array<i32>} : memref<40192xf32, #tpu.memory_space<vmem>>, vector<16xf32>,
          tpu.vector_store %arg11[%swap3A_303], %add3A_302 {strides = array<i32>} : memref<40192xf32, #tpu.memory_space<vmem>>, vector<16xf32>,
          %scan3A_305 = arith.constant 0 : i32
          scf.yield %scan3A_305 : i32
        }
        %scan3A_279 = arith.constant 8 : i32
        %while3A_280 = arith.constant 0 : i32
        scf.yield %while3A_280 : i32
      }
      %scan3A_89 = arith.constant 0 : i32
      scf.yield %scan3A_89 : i32
    }
    %scan3A_23 = arith.constant 200 : i32
    %mul3A_24 = arith.constant 40064 : i32
    %mul3A_25 = arith.muli %add3A, %mul3A_24 : i32
    "tpu.region"() ({
      %run_scoped3A = tpu.sem_alloc : memref<!tpu.dma_semaphore, #tpu.memory_space<semaphore_mem>>
      %dma_start3A = arith.constant 0 : i32
      %dma_start3A_32 = tpu.memref_slice %arg9[%dma_start3A] : memref<40192xf32, #tpu.memory_space<vmem>> -> memref<40064xf32, #tpu.memory_space<vmem>>
      %dma_start3A_33 = tpu.memref_slice %arg5[%mul3A_25] : memref<1282048xf32, #tpu.memory_space<hbm>> -> memref<40064xf32, #tpu.memory_space<hbm>>
      %dma_start3A_34 = tpu.memref_slice %arg5[%mul3A_25] : memref<1282048xf32, #tpu.memory_space<hbm>> -> memref<40064xf32, #tpu.memory_space<hbm>>
      %dma_start3A_35 = arith.constant 0 : i32
      %dma_start3A_36 = tpu.memref_slice %arg9[%dma_start3A_35] : memref<40192xf32, #tpu.memory_space<vmem>> -> memref<40064xf32, #tpu.memory_space<vmem>>
      tpu.enqueue_dma source(%dma_start3A_36 : memref<40064xf32, #tpu.memory_space<vmem>>) target(%dma_start3A_34 : memref<40064xf32, #tpu.memory_space<hbm>>) target_semaphore(%run_scoped3A : memref<!tpu.dma_semaphore, #tpu.memory_space<semaphore_mem>>)
      %dma_wait3A = arith.constant 0 : i32
      %dma_wait3A_37 = tpu.memref_slice %arg9[%dma_wait3A] : memref<40192xf32, #tpu.memory_space<vmem>> -> memref<40064xf32, #tpu.memory_space<vmem>>
      %dma_wait3A_38 = tpu.memref_slice %arg5[%mul3A_25] : memref<1282048xf32, #tpu.memory_space<hbm>> -> memref<40064xf32, #tpu.memory_space<hbm>>
      %dma_wait3A_39 = tpu.memref_slice %arg5[%mul3A_25] : memref<1282048xf32, #tpu.memory_space<hbm>> -> memref<40064xf32, #tpu.memory_space<hbm>>
      %dma_wait3A_40 = arith.constant 0 : i32
      %dma_wait3A_41 = tpu.memref_slice %arg9[%dma_wait3A_40] : memref<40192xf32, #tpu.memory_space<vmem>> -> memref<40064xf32, #tpu.memory_space<vmem>>
      tpu.wait_dma2 semaphore(%run_scoped3A : memref<!tpu.dma_semaphore, #tpu.memory_space<semaphore_mem>>) src(%dma_wait3A_41 : memref<40064xf32, #tpu.memory_space<vmem>>) dst(%dma_wait3A_39 : memref<40064xf32, #tpu.memory_space<hbm>>)
      tpu.yield
    }) : () -> ()
    %mul3A_26 = arith.constant 40064 : i32
    %mul3A_27 = arith.muli %add3A, %mul3A_26 : i32
    "tpu.region"() ({
      %run_scoped3A = tpu.sem_alloc : memref<!tpu.dma_semaphore, #tpu.memory_space<semaphore_mem>>
      %dma_start3A = arith.constant 0 : i32
      %dma_start3A_32 = tpu.memref_slice %arg10[%dma_start3A] : memref<40192xf32, #tpu.memory_space<vmem>> -> memref<40064xf32, #tpu.memory_space<vmem>>
      %dma_start3A_33 = tpu.memref_slice %arg6[%mul3A_27] : memref<1282048xf32, #tpu.memory_space<hbm>> -> memref<40064xf32, #tpu.memory_space<hbm>>
      %dma_start3A_34 = tpu.memref_slice %arg6[%mul3A_27] : memref<1282048xf32, #tpu.memory_space<hbm>> -> memref<40064xf32, #tpu.memory_space<hbm>>
      %dma_start3A_35 = arith.constant 0 : i32
      %dma_start3A_36 = tpu.memref_slice %arg10[%dma_start3A_35] : memref<40192xf32, #tpu.memory_space<vmem>> -> memref<40064xf32, #tpu.memory_space<vmem>>
      tpu.enqueue_dma source(%dma_start3A_36 : memref<40064xf32, #tpu.memory_space<vmem>>) target(%dma_start3A_34 : memref<40064xf32, #tpu.memory_space<hbm>>) target_semaphore(%run_scoped3A : memref<!tpu.dma_semaphore, #tpu.memory_space<semaphore_mem>>)
      %dma_wait3A = arith.constant 0 : i32
      %dma_wait3A_37 = tpu.memref_slice %arg10[%dma_wait3A] : memref<40192xf32, #tpu.memory_space<vmem>> -> memref<40064xf32, #tpu.memory_space<vmem>>
      %dma_wait3A_38 = tpu.memref_slice %arg6[%mul3A_27] : memref<1282048xf32, #tpu.memory_space<hbm>> -> memref<40064xf32, #tpu.memory_space<hbm>>
      %dma_wait3A_39 = tpu.memref_slice %arg6[%mul3A_27] : memref<1282048xf32, #tpu.memory_space<hbm>> -> memref<40064xf32, #tpu.memory_space<hbm>>
      %dma_wait3A_40 = arith.constant 0 : i32
      %dma_wait3A_41 = tpu.memref_slice %arg10[%dma_wait3A_40] : memref<40192xf32, #tpu.memory_space<vmem>> -> memref<40064xf32, #tpu.memory_space<vmem>>
      tpu.wait_dma2 semaphore(%run_scoped3A : memref<!tpu.dma_semaphore, #tpu.memory_space<semaphore_mem>>) src(%dma_wait3A_41 : memref<40064xf32, #tpu.memory_space<vmem>>) dst(%dma_wait3A_39 : memref<40064xf32, #tpu.memory_space<hbm>>)
      tpu.yield
    }) : () -> ()
    %mul3A_28 = arith.constant 40064 : i32
    %mul3A_29 = arith.muli %add3A, %mul3A_28 : i32
    "tpu.region"() ({
      %run_scoped3A = tpu.sem_alloc : memref<!tpu.dma_semaphore, #tpu.memory_space<semaphore_mem>>
      %dma_start3A = arith.constant 0 : i32
      %dma_start3A_32 = tpu.memref_slice %arg11[%dma_start3A] : memref<40192xf32, #tpu.memory_space<vmem>> -> memref<40064xf32, #tpu.memory_space<vmem>>
      %dma_start3A_33 = tpu.memref_slice %arg7[%mul3A_29] : memref<1282048xf32, #tpu.memory_space<hbm>> -> memref<40064xf32, #tpu.memory_space<hbm>>
      %dma_start3A_34 = tpu.memref_slice %arg7[%mul3A_29] : memref<1282048xf32, #tpu.memory_space<hbm>> -> memref<40064xf32, #tpu.memory_space<hbm>>
      %dma_start3A_35 = arith.constant 0 : i32
      %dma_start3A_36 = tpu.memref_slice %arg11[%dma_start3A_35] : memref<40192xf32, #tpu.memory_space<vmem>> -> memref<40064xf32, #tpu.memory_space<vmem>>
      tpu.enqueue_dma source(%dma_start3A_36 : memref<40064xf32, #tpu.memory_space<vmem>>) target(%dma_start3A_34 : memref<40064xf32, #tpu.memory_space<hbm>>) target_semaphore(%run_scoped3A : memref<!tpu.dma_semaphore, #tpu.memory_space<semaphore_mem>>)
      %dma_wait3A = arith.constant 0 : i32
      %dma_wait3A_37 = tpu.memref_slice %arg11[%dma_wait3A] : memref<40192xf32, #tpu.memory_space<vmem>> -> memref<40064xf32, #tpu.memory_space<vmem>>
      %dma_wait3A_38 = tpu.memref_slice %arg7[%mul3A_29] : memref<1282048xf32, #tpu.memory_space<hbm>> -> memref<40064xf32, #tpu.memory_space<hbm>>
      %dma_wait3A_39 = tpu.memref_slice %arg7[%mul3A_29] : memref<1282048xf32, #tpu.memory_space<hbm>> -> memref<40064xf32, #tpu.memory_space<hbm>>
      %dma_wait3A_40 = arith.constant 0 : i32
      %dma_wait3A_41 = tpu.memref_slice %arg11[%dma_wait3A_40] : memref<40192xf32, #tpu.memory_space<vmem>> -> memref<40064xf32, #tpu.memory_space<vmem>>
      tpu.wait_dma2 semaphore(%run_scoped3A : memref<!tpu.dma_semaphore, #tpu.memory_space<semaphore_mem>>) src(%dma_wait3A_41 : memref<40064xf32, #tpu.memory_space<vmem>>) dst(%dma_wait3A_39 : memref<40064xf32, #tpu.memory_space<hbm>>)
      tpu.yield
    }) : () -> ()
    %mul3A_30 = arith.constant 320 : i32
    %mul3A_31 = arith.muli %add3A, %mul3A_30 : i32
    "tpu.region"() ({
      %run_scoped3A = tpu.sem_alloc : memref<!tpu.dma_semaphore, #tpu.memory_space<semaphore_mem>>
      %dma_start3A = tpu.memref_slice %arg8[%mul3A_31] : memref<10240xf32, #tpu.memory_space<hbm>> -> memref<320xf32, #tpu.memory_space<hbm>>
      %dma_start3A_32 = tpu.memref_slice %arg8[%mul3A_31] : memref<10240xf32, #tpu.memory_space<hbm>> -> memref<320xf32, #tpu.memory_space<hbm>>
      tpu.enqueue_dma source(%arg12 : memref<320xf32, #tpu.memory_space<vmem>>) target(%dma_start3A_32 : memref<320xf32, #tpu.memory_space<hbm>>) target_semaphore(%run_scoped3A : memref<!tpu.dma_semaphore, #tpu.memory_space<semaphore_mem>>)
      %dma_wait3A = tpu.memref_slice %arg8[%mul3A_31] : memref<10240xf32, #tpu.memory_space<hbm>> -> memref<320xf32, #tpu.memory_space<hbm>>
      %dma_wait3A_33 = tpu.memref_slice %arg8[%mul3A_31] : memref<10240xf32, #tpu.memory_space<hbm>> -> memref<320xf32, #tpu.memory_space<hbm>>
      tpu.wait_dma2 semaphore(%run_scoped3A : memref<!tpu.dma_semaphore, #tpu.memory_space<semaphore_mem>>) src(%arg12 : memref<320xf32, #tpu.memory_space<vmem>>) dst(%dma_wait3A_33 : memref<320xf32, #tpu.memory_space<hbm>>)
      tpu.yield
    }) : () -> ()
    return
  }
}

module attributes {stable_mosaic.version = 14 : i64} {
  func.func @_mm_bias_body(%arg0: memref<10000x128xf32, #tpu.memory_space<vmem>>, %arg1: memref<128x128xf32, #tpu.memory_space<vmem>>, %arg2: memref<1x128xf32, #tpu.memory_space<vmem>>, %arg3: memref<10000x128xf32, #tpu.memory_space<vmem>>) attributes {dimension_semantics = [], scalar_prefetch = 0 : i64, scratch_operands = 0 : i64, tpu.core_type = #tpu.core_type<tc>} {
    %get3A = arith.constant 0 : index
    %get3A_0 = arith.constant 0 : index
    %get3A_1 = vector.load %arg0[%get3A, %get3A_0] : memref<10000x128xf32, #tpu.memory_space<vmem>>, vector<10000x128xf32>
    %get3A_2 = arith.constant 0 : index
    %get3A_3 = arith.constant 0 : index
    %get3A_4 = vector.load %arg1[%get3A_2, %get3A_3] : memref<128x128xf32, #tpu.memory_space<vmem>>, vector<128x128xf32>
    %dot_general3A = arith.constant dense<0.000000e+00> : vector<10000x128xf32>
    %dot_general3A_5 = tpu.matmul %get3A_1, %get3A_4, %dot_general3A {dimension_numbers = #tpu.dot_dimension_numbers<[1], [0], [0], [1], [0, 0, 1, 1], [], []>, transpose_lhs_hint = false} : vector<10000x128xf32>, vector<128x128xf32>, vector<10000x128xf32> -> vector<10000x128xf32>
    %get3A_6 = arith.constant 0 : index
    %get3A_7 = arith.constant 0 : index
    %get3A_8 = vector.load %arg2[%get3A_6, %get3A_7] : memref<1x128xf32, #tpu.memory_space<vmem>>, vector<1x128xf32>
    %add3A = vector.broadcast %get3A_8 : vector<1x128xf32> to vector<10000x128xf32>
    %add3A_9 = arith.addf %dot_general3A_5, %add3A : vector<10000x128xf32>
    %swap3A = arith.constant 0 : index
    %swap3A_10 = arith.constant 0 : index
    %swap3A_11 = vector.load %arg3[%swap3A, %swap3A_10] : memref<10000x128xf32, #tpu.memory_space<vmem>>, vector<10000x128xf32>
    tpu.vector_store %arg3[%swap3A, %swap3A_10], %add3A_9 {strides = array<i32>} : memref<10000x128xf32, #tpu.memory_space<vmem>>, vector<10000x128xf32>,
    return
  }
}

module attributes {stable_mosaic.version = 14 : i64} {
  func.func @_mm_body(%arg0: i32, %arg1: memref<8000x16xf32, #tpu.memory_space<vmem>>, %arg2: memref<16x128xf32, #tpu.memory_space<vmem>>, %arg3: memref<8000x128xf32, #tpu.memory_space<vmem>>) attributes {dimension_semantics = [#tpu.dimension_semantics<arbitrary>], iteration_bounds = array<i64: 40>, scalar_prefetch = 0 : i64, scratch_operands = 0 : i64, tpu.core_type = #tpu.core_type<tc>, window_params = [{transform_indices = @transform_0, window_bounds = array<i64: 8000, 16>}, {pipeline_mode = #tpu.pipeline_mode<synchronous>, transform_indices = @transform_1, window_bounds = array<i64: 16, 128>}, {transform_indices = @transform_2, window_bounds = array<i64: 8000, 128>}]} {
    %get3A = arith.constant 0 : index
    %get3A_0 = arith.constant 0 : index
    %get3A_1 = vector.load %arg1[%get3A, %get3A_0] : memref<8000x16xf32, #tpu.memory_space<vmem>>, vector<8000x16xf32>
    %get3A_2 = arith.constant 0 : index
    %get3A_3 = arith.constant 0 : index
    %get3A_4 = vector.load %arg2[%get3A_2, %get3A_3] : memref<16x128xf32, #tpu.memory_space<vmem>>, vector<16x128xf32>
    %dot_general3A = arith.constant dense<0.000000e+00> : vector<8000x128xf32>
    %dot_general3A_5 = tpu.matmul %get3A_1, %get3A_4, %dot_general3A {dimension_numbers = #tpu.dot_dimension_numbers<[1], [0], [0], [1], [0, 0, 1, 1], [], []>, transpose_lhs_hint = false} : vector<8000x16xf32>, vector<16x128xf32>, vector<8000x128xf32> -> vector<8000x128xf32>
    %swap3A = arith.constant 0 : index
    %swap3A_6 = arith.constant 0 : index
    %swap3A_7 = vector.load %arg3[%swap3A, %swap3A_6] : memref<8000x128xf32, #tpu.memory_space<vmem>>, vector<8000x128xf32>
    tpu.vector_store %arg3[%swap3A, %swap3A_6], %dot_general3A_5 {strides = array<i32>} : memref<8000x128xf32, #tpu.memory_space<vmem>>, vector<8000x128xf32>,
    return
  }
  func.func @transform_0(%arg0: i32) -> (i32, i32) {
    %c0_i32 = arith.constant 0 : i32
    %c0_i32_0 = arith.constant 0 : i32
    return %arg0, %c0_i32 : i32, i32
  }
  func.func @transform_1(%arg0: i32) -> (i32, i32) {
    %c0_i32 = arith.constant 0 : i32
    %c0_i32_0 = arith.constant 0 : i32
    %c0_i32_1 = arith.constant 0 : i32
    return %c0_i32, %c0_i32_0 : i32, i32
  }
  func.func @transform_2(%arg0: i32) -> (i32, i32) {
    %c0_i32 = arith.constant 0 : i32
    %c0_i32_0 = arith.constant 0 : i32
    return %arg0, %c0_i32 : i32, i32
  }
}

module attributes {stable_mosaic.version = 14 : i64} {
  func.func @_finalize_body(%arg0: i32, %arg1: memref<1000x128xf32, #tpu.memory_space<vmem>>, %arg2: memref<1000x128xf32, #tpu.memory_space<vmem>>, %arg3: memref<1000x128xf32, #tpu.memory_space<vmem>>, %arg4: memref<1000x1xf32, #tpu.memory_space<vmem>>, %arg5: memref<1000x128xf32, #tpu.memory_space<vmem>>, %arg6: memref<1000x128xf32, #tpu.memory_space<vmem>>, %arg7: memref<1000x128xf32, #tpu.memory_space<vmem>>, %arg8: memref<1000x1xf32, #tpu.memory_space<vmem>>, %arg9: memref<1024x128xf32, #tpu.memory_space<vmem>>, %arg10: memref<1024x128xf32, #tpu.memory_space<vmem>>, %arg11: memref<1x128xf32, #tpu.memory_space<vmem>>, %arg12: memref<1000x128xf32, #tpu.memory_space<vmem>>) attributes {dimension_semantics = [#tpu.dimension_semantics<arbitrary>], iteration_bounds = array<i64: 10>, scalar_prefetch = 0 : i64, scratch_operands = 0 : i64, tpu.core_type = #tpu.core_type<tc>, window_params = [{transform_indices = @transform_0, window_bounds = array<i64: 1000, 128>}, {transform_indices = @transform_1, window_bounds = array<i64: 1000, 128>}, {transform_indices = @transform_2, window_bounds = array<i64: 1000, 128>}, {transform_indices = @transform_3, window_bounds = array<i64: 1000, 1>}, {transform_indices = @transform_4, window_bounds = array<i64: 1000, 128>}, {transform_indices = @transform_5, window_bounds = array<i64: 1000, 128>}, {transform_indices = @transform_6, window_bounds = array<i64: 1000, 128>}, {transform_indices = @transform_7, window_bounds = array<i64: 1000, 1>}, {pipeline_mode = #tpu.pipeline_mode<synchronous>, transform_indices = @transform_8, window_bounds = array<i64: 1024, 128>}, {pipeline_mode = #tpu.pipeline_mode<synchronous>, transform_indices = @transform_9, window_bounds = array<i64: 1024, 128>}, {pipeline_mode = #tpu.pipeline_mode<synchronous>, transform_indices = @transform_10, window_bounds = array<i64: 1, 128>}, {transform_indices = @transform_11, window_bounds = array<i64: 1000, 128>}]} {
    %get3A = arith.constant 0 : index
    %get3A_0 = arith.constant 0 : index
    %get3A_1 = vector.load %arg4[%get3A, %get3A_0] : memref<1000x1xf32, #tpu.memory_space<vmem>>, vector<1000x1xf32>
    %max3A = arith.constant 1.000000e+00 : f32
    %max3A_2 = vector.broadcast %max3A : f32 to vector<1000x1xf32>
    %max3A_3 = arith.maximumf %get3A_1, %max3A_2 : vector<1000x1xf32>
    %div3A = arith.constant 1.000000e+00 : f32
    %div3A_4 = vector.broadcast %div3A : f32 to vector<1000x1xf32>
    %div3A_5 = arith.divf %div3A_4, %max3A_3 : vector<1000x1xf32>
    %gt3A = arith.constant 0.000000e+00 : f32
    %gt3A_6 = vector.broadcast %gt3A : f32 to vector<1000x1xf32>
    %gt3A_7 = arith.cmpf ogt, %get3A_1, %gt3A_6 : vector<1000x1xf32>
    %get3A_8 = arith.constant 0 : index
    %get3A_9 = arith.constant 0 : index
    %get3A_10 = vector.load %arg1[%get3A_8, %get3A_9] : memref<1000x128xf32, #tpu.memory_space<vmem>>, vector<1000x128xf32>
    %mul3A = vector.broadcast %div3A_5 : vector<1000x1xf32> to vector<1000x128xf32>
    %mul3A_11 = arith.mulf %get3A_10, %mul3A : vector<1000x128xf32>
    %get3A_12 = arith.constant 0 : index
    %get3A_13 = arith.constant 0 : index
    %get3A_14 = vector.load %arg2[%get3A_12, %get3A_13] : memref<1000x128xf32, #tpu.memory_space<vmem>>, vector<1000x128xf32>
    %jit3A = arith.constant 0.000000e+00 : f32
    %broadcast_in_dim3A = vector.shape_cast %gt3A_7 : vector<1000x1xi1> to vector<1000x1xi1>
    %broadcast_in_dim3A_15 = vector.broadcast %broadcast_in_dim3A : vector<1000x1xi1> to vector<1000x128xi1>
    %broadcast_in_dim3A_16 = vector.broadcast %jit3A : f32 to vector<1000x128xf32>
    %select_n3A = arith.select %broadcast_in_dim3A_15, %get3A_14, %broadcast_in_dim3A_16 : vector<1000x128xi1>, vector<1000x128xf32>
    %get3A_17 = arith.constant 0 : index
    %get3A_18 = arith.constant 0 : index
    %get3A_19 = vector.load %arg3[%get3A_17, %get3A_18] : memref<1000x128xf32, #tpu.memory_space<vmem>>, vector<1000x128xf32>
    %mul3A_20 = vector.broadcast %div3A_5 : vector<1000x1xf32> to vector<1000x128xf32>
    %mul3A_21 = arith.mulf %get3A_19, %mul3A_20 : vector<1000x128xf32>
    %mul3A_22 = arith.mulf %mul3A_11, %mul3A_11 : vector<1000x128xf32>
    %sub3A = arith.subf %mul3A_21, %mul3A_22 : vector<1000x128xf32>
    %max3A_23 = arith.constant 0.000000e+00 : f32
    %max3A_24 = vector.broadcast %max3A_23 : f32 to vector<1000x128xf32>
    %max3A_25 = arith.maximumf %sub3A, %max3A_24 : vector<1000x128xf32>
    %add3A = arith.constant 9.99999968E-21 : f32
    %add3A_26 = vector.broadcast %add3A : f32 to vector<1000x128xf32>
    %add3A_27 = arith.addf %max3A_25, %add3A_26 : vector<1000x128xf32>
    %sqrt3A = math.sqrt %add3A_27 : vector<1000x128xf32>
    %get3A_28 = arith.constant 0 : index
    %get3A_29 = arith.constant 0 : index
    %get3A_30 = vector.load %arg5[%get3A_28, %get3A_29] : memref<1000x128xf32, #tpu.memory_space<vmem>>, vector<1000x128xf32>
    %mul3A_31 = vector.broadcast %div3A_5 : vector<1000x1xf32> to vector<1000x128xf32>
    %mul3A_32 = arith.mulf %get3A_30, %mul3A_31 : vector<1000x128xf32>
    %get3A_33 = arith.constant 0 : index
    %get3A_34 = arith.constant 0 : index
    %get3A_35 = vector.load %arg6[%get3A_33, %get3A_34] : memref<1000x128xf32, #tpu.memory_space<vmem>>, vector<1000x128xf32>
    %jit3A_36 = arith.constant 0.000000e+00 : f32
    %broadcast_in_dim3A_37 = vector.shape_cast %gt3A_7 : vector<1000x1xi1> to vector<1000x1xi1>
    %broadcast_in_dim3A_38 = vector.broadcast %broadcast_in_dim3A_37 : vector<1000x1xi1> to vector<1000x128xi1>
    %broadcast_in_dim3A_39 = vector.broadcast %jit3A_36 : f32 to vector<1000x128xf32>
    %select_n3A_40 = arith.select %broadcast_in_dim3A_38, %get3A_35, %broadcast_in_dim3A_39 : vector<1000x128xi1>, vector<1000x128xf32>
    %get3A_41 = arith.constant 0 : index
    %get3A_42 = arith.constant 0 : index
    %get3A_43 = vector.load %arg7[%get3A_41, %get3A_42] : memref<1000x128xf32, #tpu.memory_space<vmem>>, vector<1000x128xf32>
    %mul3A_44 = vector.broadcast %div3A_5 : vector<1000x1xf32> to vector<1000x128xf32>
    %mul3A_45 = arith.mulf %get3A_43, %mul3A_44 : vector<1000x128xf32>
    %mul3A_46 = arith.mulf %mul3A_32, %mul3A_32 : vector<1000x128xf32>
    %sub3A_47 = arith.subf %mul3A_45, %mul3A_46 : vector<1000x128xf32>
    %max3A_48 = arith.constant 0.000000e+00 : f32
    %max3A_49 = vector.broadcast %max3A_48 : f32 to vector<1000x128xf32>
    %max3A_50 = arith.maximumf %sub3A_47, %max3A_49 : vector<1000x128xf32>
    %add3A_51 = arith.constant 9.99999968E-21 : f32
    %add3A_52 = vector.broadcast %add3A_51 : f32 to vector<1000x128xf32>
    %add3A_53 = arith.addf %max3A_50, %add3A_52 : vector<1000x128xf32>
    %sqrt3A_54 = math.sqrt %add3A_53 : vector<1000x128xf32>
    %concatenate3A = tpu.concatenate %mul3A_11, %select_n3A, %get3A_10, %sqrt3A, %mul3A_32, %select_n3A_40, %get3A_30, %sqrt3A_54 in 1 : vector<1000x128xf32>, vector<1000x128xf32>, vector<1000x128xf32>, vector<1000x128xf32>, vector<1000x128xf32>, vector<1000x128xf32>, vector<1000x128xf32>, vector<1000x128xf32> -> vector<1000x1024xf32>
    %get3A_55 = arith.constant 0 : index
    %get3A_56 = arith.constant 0 : index
    %get3A_57 = vector.load %arg8[%get3A_55, %get3A_56] : memref<1000x1xf32, #tpu.memory_space<vmem>>, vector<1000x1xf32>
    %get3A_58 = arith.constant 0 : index
    %get3A_59 = arith.constant 0 : index
    %get3A_60 = vector.load %arg9[%get3A_58, %get3A_59] : memref<1024x128xf32, #tpu.memory_space<vmem>>, vector<1024x128xf32>
    %dot_general3A = arith.constant dense<0.000000e+00> : vector<1000x128xf32>
    %dot_general3A_61 = tpu.matmul %concatenate3A, %get3A_60, %dot_general3A {dimension_numbers = #tpu.dot_dimension_numbers<[1], [0], [0], [1], [0, 0, 1, 1], [], []>, transpose_lhs_hint = false} : vector<1000x1024xf32>, vector<1024x128xf32>, vector<1000x128xf32> -> vector<1000x128xf32>
    %get3A_62 = arith.constant 0 : index
    %get3A_63 = arith.constant 0 : index
    %get3A_64 = vector.load %arg10[%get3A_62, %get3A_63] : memref<1024x128xf32, #tpu.memory_space<vmem>>, vector<1024x128xf32>
    %dot_general3A_65 = arith.constant dense<0.000000e+00> : vector<1000x128xf32>
    %dot_general3A_66 = tpu.matmul %concatenate3A, %get3A_64, %dot_general3A_65 {dimension_numbers = #tpu.dot_dimension_numbers<[1], [0], [0], [1], [0, 0, 1, 1], [], []>, transpose_lhs_hint = false} : vector<1000x1024xf32>, vector<1024x128xf32>, vector<1000x128xf32> -> vector<1000x128xf32>
    %mul3A_67 = vector.broadcast %get3A_57 : vector<1000x1xf32> to vector<1000x128xf32>
    %mul3A_68 = arith.mulf %mul3A_67, %dot_general3A_66 : vector<1000x128xf32>
    %add3A_69 = arith.addf %dot_general3A_61, %mul3A_68 : vector<1000x128xf32>
    %get3A_70 = arith.constant 0 : index
    %get3A_71 = arith.constant 0 : index
    %get3A_72 = vector.load %arg11[%get3A_70, %get3A_71] : memref<1x128xf32, #tpu.memory_space<vmem>>, vector<1x128xf32>
    %add3A_73 = vector.broadcast %get3A_72 : vector<1x128xf32> to vector<1000x128xf32>
    %add3A_74 = arith.addf %add3A_69, %add3A_73 : vector<1000x128xf32>
    %swap3A = arith.constant 0 : index
    %swap3A_75 = arith.constant 0 : index
    %swap3A_76 = vector.load %arg12[%swap3A, %swap3A_75] : memref<1000x128xf32, #tpu.memory_space<vmem>>, vector<1000x128xf32>
    tpu.vector_store %arg12[%swap3A, %swap3A_75], %add3A_74 {strides = array<i32>} : memref<1000x128xf32, #tpu.memory_space<vmem>>, vector<1000x128xf32>,
    return
  }
  func.func @transform_0(%arg0: i32) -> (i32, i32) {
    %c0_i32 = arith.constant 0 : i32
    %c0_i32_0 = arith.constant 0 : i32
    return %arg0, %c0_i32 : i32, i32
  }
  func.func @transform_1(%arg0: i32) -> (i32, i32) {
    %c0_i32 = arith.constant 0 : i32
    %c0_i32_0 = arith.constant 0 : i32
    return %arg0, %c0_i32 : i32, i32
  }
  func.func @transform_2(%arg0: i32) -> (i32, i32) {
    %c0_i32 = arith.constant 0 : i32
    %c0_i32_0 = arith.constant 0 : i32
    return %arg0, %c0_i32 : i32, i32
  }
  func.func @transform_3(%arg0: i32) -> (i32, i32) {
    %c0_i32 = arith.constant 0 : i32
    %c0_i32_0 = arith.constant 0 : i32
    return %arg0, %c0_i32 : i32, i32
  }
  func.func @transform_4(%arg0: i32) -> (i32, i32) {
    %c0_i32 = arith.constant 0 : i32
    %c0_i32_0 = arith.constant 0 : i32
    return %arg0, %c0_i32 : i32, i32
  }
  func.func @transform_5(%arg0: i32) -> (i32, i32) {
    %c0_i32 = arith.constant 0 : i32
    %c0_i32_0 = arith.constant 0 : i32
    return %arg0, %c0_i32 : i32, i32
  }
  func.func @transform_6(%arg0: i32) -> (i32, i32) {
    %c0_i32 = arith.constant 0 : i32
    %c0_i32_0 = arith.constant 0 : i32
    return %arg0, %c0_i32 : i32, i32
  }
  func.func @transform_7(%arg0: i32) -> (i32, i32) {
    %c0_i32 = arith.constant 0 : i32
    %c0_i32_0 = arith.constant 0 : i32
    return %arg0, %c0_i32 : i32, i32
  }
  func.func @transform_8(%arg0: i32) -> (i32, i32) {
    %c0_i32 = arith.constant 0 : i32
    %c0_i32_0 = arith.constant 0 : i32
    %c0_i32_1 = arith.constant 0 : i32
    return %c0_i32, %c0_i32_0 : i32, i32
  }
  func.func @transform_9(%arg0: i32) -> (i32, i32) {
    %c0_i32 = arith.constant 0 : i32
    %c0_i32_0 = arith.constant 0 : i32
    %c0_i32_1 = arith.constant 0 : i32
    return %c0_i32, %c0_i32_0 : i32, i32
  }
  func.func @transform_10(%arg0: i32) -> (i32, i32) {
    %c0_i32 = arith.constant 0 : i32
    %c0_i32_0 = arith.constant 0 : i32
    %c0_i32_1 = arith.constant 0 : i32
    return %c0_i32, %c0_i32_0 : i32, i32
  }
  func.func @transform_11(%arg0: i32) -> (i32, i32) {
    %c0_i32 = arith.constant 0 : i32
    %c0_i32_0 = arith.constant 0 : i32
    return %arg0, %c0_i32 : i32, i32
  }
}

</mosaic_0001>

<sc_bundles>
// kernel: kernel.10.cloned.1.call-start
scs
__scs_entry_jumppad:
0x0: {  	(pc) =	sbr.rel $0x88, $3  }
0x1: {  	(tag) =	ssettag $0x0;
	lr =	simm.s32 $0x1  }
0x2: {  	[smem:$0x3F98] =	sst lr;
	_ =	strace $0xD0000000  }
0x3: {  	_ = 	snop  }
0x4: {  	_ = 	snop  }
0x5: {  	_ = 	snop  }
0x6: {  	_ = 	snop  }
0x7: {  	_ = 	snop  }
__scs_overlays_trampoline_lowered:
0x8: {  	[smem:$0x3FA7] =	sst s0  }
0x9: {  	[smem:$0x3FA8] =	sst s1  }
0xa: {  	[smem:$0x3FA9] =	sst s2  }
0xb: {  	[smem:$0x3FAA] =	sst s3  }
0xc: {  	[smem:$0x3FAB] =	sst s4  }
0xd: {  	[smem:$0x3FAC] =	sst s5  }
0xe: {  	[smem:$0x3FAD] =	sst s6  }
0xf: {  	[smem:$0x3FAE] =	sst s7  }
0x10: {  	[smem:$0x3FAF] =	sst s8  }
0x11: {  	[smem:$0x3FB0] =	sst s9;
	s0 =	simm.s32 @!p0 $0x0  }
0x12: {  	s1 =	sld [smem:$0x3F96];
	s0 =	simm.s32 @p0 $0x1  }
0x13: {  	[smem:$0x3FB1] =	sst s0;
	s0 =	simm.s32 @!p1 $0x0  }
0x14: {  	s2 =	sld [smem:$0x3F95];
	s0 =	simm.s32 @p1 $0x1  }
0x15: {  	[smem:$0x3FB2] =	sst s0;
	s0 =	simm.s32 @!p2 $0x0  }
0x16: {  	s3 =	sld [smem:$0x3FDB];
	s0 =	simm.s32 @p2 $0x1  }
0x17: {  	s4 =	simm.s32 $0x1BF5;
	[smem:$0x3FB4] =	sst s0  }
0x18: {  	s0 =	sld [smem:$0x3F97];
	_ =	swait.ge [sflag:s4], $0x0  }
0x19: {  	s7 =	sld [smem:$0x3F98]  }
0x1a: {  	s8 =	sadd.s32 $0xFFFFE003, lr  }
0x1b: {  	s9 =	sadd.s32 $0xFFFFFEF7, lr;
	s5 =	simm.s32 $0xFFFFFFFF;
	p2 =	slt.u32 s8, $0xFFFFF086  }
0x1c: {  	p1 =	slt.u32 s9, $0xF7A;
	s5 =	simm.s32 @!p2 $0x0  }
0x1d: {  	s5 =	simm.s32 @p1 $0x1;
	p0 =	seq.s32 s7, s2  }
0x1e: {  	s7 =	smul.u32 @!p0 $0xF7A, s2;
	p2 =	seq.s32 @!p0 s5, $0x0  }
0x1f: {  	s9 =	smul.u32 $0xF7A, s1;
	s8 =	simm.s32 @!p0 $0x1BF5;
	p2 =	por !p2, p0  }
0x20: {  	[sflag:s8] =	ssyncset.s32 @!p0 $0xFFFFF086;
	s6 =	sadd.s32 @!p0 s3, s7;
	s7 =	simm.s32 @!p0 $0x108  }
0x21: {  	s3 =	sadd.s32 s3, s9;
	s6 =	sadd.s32 @!p0 $0x88, s6;
	s7 =	simm.s32 @p2 $0x1082  }
0x22: {  	[simem:s7], [sflag:s8] =	dma.local @!p0 [hbm:s6], $0xF7A  }
0x23: {  	s9 =	sor.u32 $0xD0000000, s2;
	s6 =	simm.s32 $0x108;
	_ =	swait.ge @!p0 [sflag:s8], $0x0  }
0x24: {  	s3 =	sadd.s32 $0x88, s3;
	s6 =	simm.s32 @!p1 $0x1082;
	[sflag:s4] =	ssyncset.s32 $0xFFFFF086  }
0x25: {  	[simem:s6], [sflag:s4] =	dma.local [hbm:s3], $0xF7A  }
0x26: {  	[smem:$0x3F98] =	sst s1;
	(tag) =	ssettag s2;
	_ =	strace s9  }
0x27: {  	s1 =	sld [smem:$0x3FA8]  }
0x28: {  	s2 =	sld [smem:$0x3FA9]  }
0x29: {  	s4 =	sld [smem:$0x3FAB]  }
0x2a: {  	p0 =	seq.s32 s5, $0x0;
	s5 =	sld [smem:$0x3FAC]  }
0x2b: {  	s6 =	sld [smem:$0x3FAD]  }
0x2c: {  	s7 =	sld [smem:$0x3FAE]  }
0x2d: {  	s3 =	simm.s32 $0x108;
	s8 =	sld [smem:$0x3FAF]  }
0x2e: {  	s3 =	simm.s32 @!p0 $0x1082;
	s9 =	sld [smem:$0x3FB0]  }
0x2f: {  	lr =	sadd.s32 s0, s3;
	s0 =	sld [smem:$0x3FA7]  }
0x30: {  	s3 =	sld [smem:$0x3FAA]  }
0x31: {  	[smem:$0x3FB3] =	sst s10  }
0x32: {  	s10 =	sld [smem:$0x3FB1];
	_ =	sdelay $0x3  }
0x33: {  	p0 =	seq.s32 s10, $0x1;
	s10 =	sld [smem:$0x3FB3];
	_ =	sdelay $0x3  }
0x34: {  	[smem:$0x3FB3] =	sst s10  }
0x35: {  	s10 =	sld [smem:$0x3FB2];
	_ =	sdelay $0x3  }
0x36: {  	p1 =	seq.s32 s10, $0x1;
	s10 =	sld [smem:$0x3FB3];
	_ =	sdelay $0x3  }
0x37: {  	[smem:$0x3FB3] =	sst s10  }
0x38: {  	s10 =	sld [smem:$0x3FB4]  }
0x39: {  	_ = 	snop;
	(pc) =	sbr.ind lr, $3  }
0x3a: {  	_ = 	snop  }
0x3b: {  	_ = 	snop  }
0x3c: {  	p2 =	seq.s32 s10, $0x1;
	s10 =	sld [smem:$0x3FB3]  }
0x3d: {  	_ =	shalt  }
0x3e: {  	_ =	shalt  }
0x3f: {  	_ =	shalt  }
0x40: {  	_ =	shalt  }
0x41: {  	_ =	shalt  }
0x42: {  	_ =	shalt  }
0x43: {  	_ =	shalt  }
0x44: {  	_ =	shalt  }
0x45: {  	_ =	shalt  }
0x46: {  	_ =	shalt  }
0x47: {  	_ =	shalt  }
0x48: {  	_ =	shalt  }
0x49: {  	_ =	shalt  }
0x4a: {  	_ =	shalt  }
0x4b: {  	_ =	shalt  }
0x4c: {  	_ =	shalt  }
0x4d: {  	_ =	shalt  }
0x4e: {  	_ =	shalt  }
0x4f: {  	_ =	shalt  }
0x50: {  	_ =	shalt  }
0x51: {  	_ =	shalt  }
0x52: {  	_ =	shalt  }
0x53: {  	_ =	shalt  }
0x54: {  	_ =	shalt  }
0x55: {  	_ =	shalt  }
0x56: {  	_ =	shalt  }
0x57: {  	_ =	shalt  }
0x58: {  	_ =	shalt  }
0x59: {  	_ =	shalt  }
0x5a: {  	_ =	shalt  }
0x5b: {  	_ =	shalt  }
0x5c: {  	_ =	shalt  }
0x5d: {  	_ =	shalt  }
0x5e: {  	_ =	shalt  }
0x5f: {  	_ =	shalt  }
0x60: {  	_ =	shalt  }
0x61: {  	_ =	shalt  }
0x62: {  	_ =	shalt  }
0x63: {  	_ =	shalt  }
0x64: {  	_ =	shalt  }
0x65: {  	_ =	shalt  }
0x66: {  	_ =	shalt  }
0x67: {  	_ =	shalt  }
0x68: {  	_ =	shalt  }
0x69: {  	_ =	shalt  }
0x6a: {  	_ =	shalt  }
0x6b: {  	_ =	shalt  }
0x6c: {  	_ =	shalt  }
0x6d: {  	_ =	shalt  }
0x6e: {  	_ =	shalt  }
0x6f: {  	_ =	shalt  }
0x70: {  	_ =	shalt  }
0x71: {  	_ =	shalt  }
0x72: {  	_ =	shalt  }
0x73: {  	_ =	shalt  }
0x74: {  	_ =	shalt  }
0x75: {  	_ =	shalt  }
0x76: {  	_ =	shalt  }
0x77: {  	_ =	shalt  }
0x78: {  	_ =	shalt  }
0x79: {  	_ =	shalt  }
0x7a: {  	_ =	shalt  }
0x7b: {  	_ =	shalt  }
0x7c: {  	_ =	shalt  }
0x7d: {  	_ =	shalt  }
0x7e: {  	_ =	shalt  }
0x7f: {  	_ =	shalt  }
0x80: {  	_ =	shalt  }
0x81: {  	_ =	shalt  }
0x82: {  	_ =	shalt  }
0x83: {  	_ =	shalt  }
0x84: {  	_ =	shalt  }
0x85: {  	_ =	shalt  }
0x86: {  	_ =	shalt  }
0x87: {  	_ =	shalt  }
.Lfunc_end0:
.L_simem_size_0:
called_computation.1_lowered:
.L_overlay_start_0:
0x88: {  	s2 =	sld [smem:$0x3FD9]  }
0x89: {  	s3 =	sld [smem:$0x3FFE];
	_ =	sdelay $0x1  }
0x8a: {  	s1 =	srdreg.scid  }
0x8b: {  	s0 =	sand.u32 $0x1, s1  }
0x8c: {  	s17 =	sshll.u32 s0, $0xA;
	s2 =	sadd.s32 s3, s2  }
0x8d: {  	s2 =	sadd.s32 s2, s17  }
0x8e: {  	[smem:$0x3FBF] =	sst s2  }
0x8f: {  	_ = 	snop  }
0x90: {  	(tm) =	ssettm $0x1  }
0x91: {  	s18 =	sld [smem:$0x3FFB];
	_ =	sdelay $0x3  }
0x92: {  	_ =	strace s18  }
0x93: {  	s2 =	sld [smem:$0x3FFC];
	_ =	sdelay $0x3  }
0x94: {  	_ =	strace s2  }
0x95: {  	s2 =	sld [smem:$0x3FFD];
	_ =	sdelay $0x3  }
0x96: {  	_ =	strace s2  }
0x97: {  	_ =	strace $0x8FFFFFFF  }
0x98: {  	s19 =	sld [smem:$0x3FDB];
	_ =	sdelay $0x1  }
0x99: {  	s20 =	simm.s32 $_scs_section_size  }
0x9a: {  	s4 =	simm.s32 $_size__tile_overlayer_lowered;
	s5 =	simm.s32 $_tile_overlayer_lowered  }
0x9b: {  	s6 =	simm.s32 $0x1BFF;
	s21 =	sshll.u32 s5, $0x1;
	s3 =	sadd.s32 s20, s19  }
0x9c: {  	s22 =	simm.s32 $0x0;
	s4 =	sshll.u32 s4, $0x1;
	s5 =	sadd.s32 s21, s3  }
0x9d: {  	[timem:s22], [sflag:s6] =	dma.local [hbm:s5], s4  }
0x9e: {  	_ =	swait.ge [sflag:s6], s4  }
0x9f: {  	s4 =	ssub.s32 $0x0, s4;
	[sflag:s6] =	ssyncset.done $0x0  }
0xa0: {  	[sflag:s6] =	ssyncadd.s32 s4;
	_ =	sdelay $0x1  }
0xa1: {  	s23 =	simm.s32 $0x1B8B  }
0xa2: {  	_ =	swait.ge [sflag:s23], $0x1  }
0xa3: {  	[sflag:s23] =	ssyncset.done $0x0  }
0xa4: {  	[sflag:s23] =	ssyncadd.s32 $0xFFFFFFFF  }
0xa5: {  	s4 =	sld [smem:$0x0]  }
0xa6: {  	s5 =	sand.u32 $0xFFFFFFFE, s1  }
0xa7: {  	p0 =	sne.s32 s1, s5  }
0xa8: {  	s5 =	sshll.u32 @p0 s5, $0xE  }
0xa9: {  	s5 =	sadd.s32 @p0 $0x11B8D, s5;
	s6 =	sshll.u32 @p0 s4, $0x11  }
0xaa: {  	s5 =	sor.u32 @p0 s6, s5  }
0xab: {  	[sflag:s5] =	ssyncadd.remote.s32 @p0 $0x1;
	_ =	sdelay $0x1  }
0xac: {  	s5 =	simm.s32 @p0 $0x1B8D  }
0xad: {  	_ =	swait.eq @p0 [sflag:s5], $0x1  }
0xae: {  	[sflag:s5] =	ssyncadd.s32 @p0 $0xFFFFFFFF  }
0xaf: {  	s6 =	sshll.u32 @!p0 s1, $0xE  }
0xb0: {  	s6 =	sor.u32 @!p0 $0x4000, s6;
	s5 =	simm.s32 @!p0 $0x1B8D  }
0xb1: {  	s4 =	sshll.u32 @!p0 s4, $0x11;
	s6 =	sadd.s32 @!p0 $0x11B8D, s6;
	_ =	swait.eq @!p0 [sflag:s5], $0x1  }
0xb2: {  	s4 =	sor.u32 @!p0 s4, s6;
	[sflag:s5] =	ssyncadd.s32 @!p0 $0xFFFFFFFF  }
0xb3: {  	s25 =	simm.s32 $0x1B8E;
	s24 =	sld [smem:$0x3FFE];
	[sflag:s4] =	ssyncadd.remote.s32 @!p0 $0x1  }
0xb4: {  	s26 =	simm.s32 $execute0_lowered;
	[smem:$0x3FD2] =	sst s25  }
0xb5: {  	s5 =	sshll.u32 s26, $0x1;
	_ =	strace $0x80000049;
	[dreg:$0x1] =	wrdreg $0xFFFFFFFF  }
0xb6: {  	s28 =	simm.s32 $_size_execute0_lowered;
	s3 =	sadd.s32 s3, s5;
	[dreg:$0x0] =	wrdreg $0x0  }
0xb7: {  	s5 =	sshll.u32 s28, $0x1;
	[dreg:$0x2] =	wrdreg s3  }
0xb8: {  	[dreg:$0x3] =	wrdreg s5  }
0xb9: {  	[dreg:$0x4] =	wrdreg $0xC0  }
0xba: {  	_ =	task [dreg:s22], $0x5FFFF  }
0xbb: {  	[dreg:$0x1] =	wrdreg $0xFFFFFFFF  }
0xbc: {  	[dreg:$0x0] =	wrdreg $0x60  }
0xbd: {  	[dreg:$0x2] =	wrdreg s24  }
0xbe: {  	[dreg:$0x3] =	wrdreg $0xA  }
0xbf: {  	_ =	task.clear_ibuf [dreg:s22], $0x4FFFF;
	_ =	strace $0x90000049  }
0xc0: {  	s29 =	simm.s32 $0xA;
	_ =	strace $0x8000004B  }
0xc1: {  	_ =	swait.ge [sflag:s29], $0x1  }
0xc2: {  	[sflag:s29] =	ssyncadd.s32 $0xFFFFFFFF  }
0xc3: {  	_ =	strace $0x9000004B  }
0xc4: {  	_ =	sfence  }
0xc5: {  	s30 =	sld [smem:$0x0];
	_ =	sdelay $0x2  }
0xc6: {  	s31 =	sshll.u32 s1, $0xD;
	s1 =	sshrl.u32 s1, $0x2  }
0xc7: {  	s4 =	sand.u32 $0x4000, s31;
	s1 =	sadd.s32 s1, s30  }
0xc8: {  	s0 =	sor.u32 s4, s0;
	s1 =	sshll.u32 s1, $0x11  }
0xc9: {  	s0 =	sor.u32 s1, s0  }
0xca: {  	s0 =	sadd.s32 $0x8F2B, s0  }
0xcb: {  	[sflag:s0] =	ssyncadd.remote.s32 $0x1  }
0xcc: {  	_ =	sfence.sel $0xFFFF  }
0xcd: {  	[dreg:$0x0] =	wrdreg $0xFFFFFFFF;
	(pc) =	sbr.abs _section_cstart, $3  }
0xce: {  	[dreg:$0x1] =	wrdreg $0xFFFFFFFF  }
0xcf: {  	_ =	task.clear_ibuf [dreg:s22], $0x2FFFF;
	_ =	strace $0x9FFFFFFF  }
0xd0: {  	(tm) =	ssettm $0x7FFFFFFF  }
0xd1: {  	_ =	shalt  }
tec
execute0_lowered:
.L_overlay_start_1:
0x0: {  	(tag) =	ssettag $0x1  }
0x1: {  	s0 =	srdreg.scid  }
0x2: {  	s5 =	rddreg [dreg:$0x0];
	s1 =	stileid.u32  }
0x3: {  	s2 =	simm.s32 $0x0;
	s11 =	simm.s32 $0x1DD80;
	s12 =	simm.s32 $0x1E400  }
0x4: {  	s13 =	simm.s32 $0x1;
	s14 =	simm.s32 $0x10;
	s3 =	sand.u32 $0x1, s0  }
0x5: {  	s15 =	simm.s32 $0x1EA80;
	s16 =	simm.s32 $0x9D00;
	s4 =	sshll.u32 s3, $0x4  }
0x6: {  	s17 =	simm.s32 $0x13A00;
	s0 =	rddreg [dreg:$0x1];
	s6 =	sor.u32 s1, s4  }
0x7: {  	s18 =	simm.s32 $0x0;
	[smem:$0x7FF] =	sst s2;
	s7 =	smul.u32 $0x1390, s6  }
.Ltmp0:
0x8: {  	s8 =	ssub.s32 $0x2, s3;
	_ =	strace $0x8000004A;
	(pc) =	sbr.rel .LBB2_1-.Ltmp0, $4  }
0x9: {  	s3 =	sadd.s32 $0x56F600, s5;
	s9 =	sshrl.u32 s8, $0x1;
	s10 =	smul.u32 $0xFFFFFEC7, s6  }
0xa: {  	v1 =	vimm.f32 $0.0e+00;
	s4 =	sadd.s32 $0xDC00, s5;
	s8 =	ssub.s32 s8, s9;
	s9 =	simm.s32 $0x1D700  }
0xb: {  	v2 =	vimm.f32 $-3.402823470e+38;
	v3 =	vlaneseq.u32;
	s8 =	smax.u32 s8, $0x1;
	s7 =	sadd.s32 s7, s5;
	v0 =	vmov s10;
	s10 =	simm.s32 $0x2  }
0xc: {  	v4 =	vimm.s32 $0x0;
	v5 =	vimm.s32 $0xFFFFFFFF;
	v6 =	vimm.s32 $0x139;
	s5 =	sadd.s32 $0x8D600, s7;
	s6 =	sadd.s32 $0xB4800, s7;
	s7 =	sadd.s32 $0xDBA00, s7  }
.LBB2_10:
0xd: {  	[hbm4b:s5+s2] =	stream.linear.scatter [tilespmem:s2], [sflag:$0x2], $0x9C80, $0x38;
	[tilespmem:$0x1F280] =	vst v63  }
0xe: {  	_ =	swait.ge [sflag:s10], $0x9C80  }
0xf: {  	[sflag:s10] =	ssyncset.done $0x0  }
0x10: {  	[sflag:s10] =	ssyncadd.s32 $0xFFFF6380  }
0x11: {  	[hbm4b:s6+s2] =	stream.linear.scatter [tilespmem:s16], [sflag:$0x2], $0x9C80, $0x38;
	[tilespmem:$0x1F280] =	vst v63  }
0x12: {  	s18 =	sadd.s32 $0x1, s18;
	_ =	swait.ge [sflag:s10], $0x9C80  }
0x13: {  	p0 =	sne.s32 s18, s8;
	[sflag:s10] =	ssyncset.done $0x0  }
.Ltmp1:
0x14: {  	[sflag:s10] =	ssyncadd.s32 $0xFFFF6380;
	(pc) =	sbr.rel @!p0 .LBB2_11-.Ltmp1, $4  }
0x15: {  	[hbm4b:s7+s2] =	stream.linear.scatter [tilespmem:s17], [sflag:$0x2], $0x9C80, $0x38;
	[tilespmem:$0x1F280] =	vst v63  }
0x16: {  	_ =	swait.ge [sflag:s10], $0x9C80  }
0x17: {  	[sflag:s10] =	ssyncset.done $0x0  }
0x18: {  	[sflag:s10] =	ssyncadd.s32 $0xFFFF6380  }
.LBB2_1:
0x19: {  	s19 =	simm.s32 $0x40;
	s20 =	simm.s32 $0x0  }
.LBB2_2:
0x1a: {  	p0 =	sne.s32 s19, $0x273C0;
	[tilespmem:s20+$0x13A00] =	vst v1;
	s21 =	smov.u32 s19;
	s19 =	sadd.s32 $0x40, s19  }
.Ltmp2:
0x1b: {  	[tilespmem:s20+$0x0] =	vst v1;
	(pc) =	sbr.rel @p0 .LBB2_2-.Ltmp2, $2  }
0x1c: {  	[tilespmem:s20+$0x9D00] =	vst v2;
	_ =	sdelay $0x2  }
0x1d: {  	s20 =	sshra.s32 s21, $0x2  }
.Ltmp3:
0x1e: {  	(pc) =	sbr.rel .LBB2_4-.Ltmp3, $4  }
0x1f: {  	_ = 	snop  }
0x20: {  	[tilespmem:s20+$0x13A00] =	vst v1  }
0x21: {  	[tilespmem:s20+$0x0] =	vst v1  }
0x22: {  	s19 =	simm.s32 $0x0;
	[tilespmem:s20+$0x9D00] =	vst v2;
	s20 =	simm.s32 $0x0;
	s21 =	simm.s32 $0x0  }
.LBB2_9:
0x23: {  	s21 =	sadd.s32 $0x1, s21  }
0x24: {  	p0 =	sne.s32 s21, $0xC8  }
.Ltmp4:
0x25: {  	_ = 	snop;
	(pc) =	sbr.rel @!p0 .LBB2_10-.Ltmp4, $2  }
0x26: {  	_ =	sdelay $0x2  }
0x27: {  	s20 =	sadd.s32 $0x640, s20  }
.LBB2_4:
0x28: {  	s22 =	smul.u32 $0x640, s21;
	_ =	sdelay $0x1  }
0x29: {  	s22 =	sshrl.u32 s22, $0x3  }
0x2a: {  	s22 =	sadd.s32 s4, s22  }
0x2b: {  	[tilespmem:s9], [sflag:$0x2] =	stream.linear.gather [hbm4b:s22+s19], $0x640, $0x38;
	[tilespmem:$0x1F280] =	vst v63  }
0x2c: {  	_ =	swait.ge [sflag:s10], $0x640  }
0x2d: {  	[sflag:s10] =	ssyncset.done $0x0  }
0x2e: {  	s29 =	simm.s32 $0x0;
	[sflag:s10] =	ssyncadd.s32 $0xFFFFF9C0  }
0x2f: {  	v7 =	vld [tilespmem:s29+$0x1D700];
	_ =	sdelay $0x4  }
0x30: {  	v7 =	vadd.s32 v0, v7  }
0x31: {  	vm0 =	vlt.u32 v7, $0x139  }
0x32: {  	v8 =	vsel vm0, $0x1, v4  }
0x33: {  	(xrf0) =	vadd.scan.msk.s32 $0xffff, v8;
	_ =	sdelay $0x5  }
0x34: {  	s30 =	simm.s32 $0xFFFFFFFF;
	v8, _, _ =	vpop (xrf0)  }
0x35: {  	v8 =	vadd.s32 s30, v8  }
0x36: {  	(v2sf) =	vpush v8, $0xF;
	_ =	sdelay $0x2  }
0x37: {  	v9 =	vor.u32 s20, v3  }
0x38: {  	[tilespmem:v8+s11+$0x0] =	vst.idx.msk vm0, v9  }
0x39: {  	s31 =	simm.s32 $0x10;
	[tilespmem:v8+s12+$0x0] =	vst.idx.msk vm0, v7  }
0x3a: {  	s23 =	simm.s32 $0x80;
	s22 =	smov.u32 s20;
	v7 =	vld [tilespmem:s31+$0x1D700]  }
.LBB2_5:
0x3b: {  	p0 =	sne.s32 s23, $0x18C0;
	_ =	sdelay $0x3  }
0x3c: {  	v7 =	vadd.s32 v0, v7  }
0x3d: {  	vm0 =	vlt.u32 v7, $0x139  }
0x3e: {  	v8 =	vsel vm0, $0x1, v4  }
0x3f: {  	(xrf0) =	vadd.scan.msk.s32 $0xffff, v8  }
0x40: {  	s24 =	spop (v2sf);
	_ =	sdelay $0x4  }
0x41: {  	v8, _, _ =	vpop (xrf0)  }
0x42: {  	v8 =	vadd.s32 s24, v8  }
0x43: {  	(v2sf) =	vpush v8, $0xF;
	_ =	sdelay $0x1  }
.Ltmp5:
0x44: {  	s22 =	sadd.s32 $0x10, s22;
	(pc) =	sbr.rel @p0 .LBB2_5-.Ltmp5, $4  }
0x45: {  	v9 =	vor.u32 s22, v3  }
0x46: {  	[tilespmem:v8+s11+$0x0] =	vst.idx.msk vm0, v9  }
0x47: {  	s24 =	sshra.s32 s23, $0x2;
	[tilespmem:v8+s12+$0x0] =	vst.idx.msk vm0, v7  }
0x48: {  	s23 =	sadd.s32 $0x40, s23;
	v7 =	vld [tilespmem:s24+$0x1D700]  }
0x49: {  	_ =	sdelay $0x3  }
0x4a: {  	v7 =	vadd.s32 v0, v7  }
0x4b: {  	vm0 =	vlt.u32 v7, $0x139  }
0x4c: {  	v8 =	vsel vm0, $0x1, v4  }
0x4d: {  	(xrf0) =	vadd.scan.msk.s32 $0xffff, v8;
	_ =	sdelay $0x5  }
0x4e: {  	s23 =	spop (v2sf);
	v8, _, _ =	vpop (xrf0)  }
0x4f: {  	v8 =	vadd.s32 s23, v8  }
0x50: {  	(v2sf) =	vpush v8, $0xF;
	_ =	sdelay $0xe  }
0x51: {  	s30 =	spop (v2sf)  }
0x52: {  	s22 =	sadd.s32 $0x10, s22;
	s24 =	sadd.s32 $0x10, s30;
	s25 =	sand.u32 $0xF, s30  }
0x53: {  	p0 =	sne.s32 s25, $0x0;
	s31 =	sshra.s32 s24, $0x1F;
	p1 =	slt.s32 s24, $0x1  }
0x54: {  	v9 =	vor.u32 s22, v3;
	s22 =	sshrl.u32 s31, $0x1C;
	p0 =	por !p1, !p0  }
0x55: {  	s22 =	sadd.s32 s22, s24;
	p0 =	por !p0, !p0;
	s24 =	simm.s32 $0x1  }
0x56: {  	s22 =	sshra.s32 s22, $0x4;
	s24 =	simm.s32 @!p0 $0x0  }
0x57: {  	s22 =	ssub.s32 s22, s24  }
0x58: {  	[tilespmem:v8+s11+$0x0] =	vst.idx.msk vm0, v9;
	p0 =	slt.s32 s22, $0x1  }
.Ltmp6:
0x59: {  	[tilespmem:v8+s12+$0x0] =	vst.idx.msk vm0, v7;
	(pc) =	sbr.rel @p0 .LBB2_9-.Ltmp6, $4  }
0x5a: {  	[tilespmem:s30+$0x1DD81] =	vst v5  }
0x5b: {  	[tilespmem:s30+$0x1DD91] =	vst v5  }
0x5c: {  	[tilespmem:s30+$0x1E401] =	vst v6  }
0x5d: {  	[tilespmem:s30+$0x1E411] =	vst v6  }
0x5e: {  	s23 =	simm.s32 $0x1E400;
	s24 =	simm.s32 $0x1DD80  }
.LBB2_8:
0x5f: {  	(ifvalue) =	ssetifvalue $0xFFFFFFFF  }
0x60: {  	(ifvalue) =	ssetifvalue $0xFFFFFFFF  }
0x61: {  	[tilespmem:s15], [sflag:$0x1] =	stream.indirect.gather [hbm4b:s3+s14], $0x80, s24, s14, $0x40b8;
	[tilespmem:$0x1F280] =	vst v63  }
0x62: {  	_ =	swait.ge [sflag:s13], $0x800  }
0x63: {  	[sflag:s13] =	ssyncset.done $0x0  }
0x64: {  	[sflag:s13] =	ssyncadd.s32 $0xFFFFF800  }
0x65: {  	v7 =	vld [tilespmem:s23+$0x0];
	_ =	sdelay $0x4  }
0x66: {  	v7 =	vshll.u32 v7, $0x7  }
0x67: {  	(v2sf) =	vpush v7, $0x0;
	_ =	sdelay $0xe  }
0x68: {  	v8 =	vld [tilespmem:$0x1EA80];
	s25 =	spop (v2sf)  }
0x69: {  	v9 =	vld [tilespmem:s25+$0x0]  }
0x6a: {  	v10 =	vld [tilespmem:s25+$0x9D00]  }
0x6b: {  	v11 =	vld [tilespmem:s25+$0x13A00];
	_ =	sdelay $0x2  }
0x6c: {  	v12 =	vmul.f32 v8, v8  }
0x6d: {  	v9 =	vadd.f32 v9, v8;
	v8 =	vmax.f32 v10, v8  }
0x6e: {  	v44 =	vadd.f32 v11, v12;
	[tilespmem:s25+$0x9D00] =	vst v8  }
0x6f: {  	[tilespmem:s25+$0x0] =	vst v9  }
0x70: {  	v45 =	vld [tilespmem:s25+$0x10];
	[tilespmem:s25+$0x13A00] =	vst v44  }
0x71: {  	v8 =	vld [tilespmem:$0x1EA90]  }
0x72: {  	v46 =	vld [tilespmem:s25+$0x9D10]  }
0x73: {  	v47 =	vld [tilespmem:s25+$0x13A10];
	_ =	sdelay $0x2  }
0x74: {  	v48 =	vmul.f32 v8, v8  }
0x75: {  	v9 =	vadd.f32 v45, v8;
	v8 =	vmax.f32 v46, v8  }
0x76: {  	[tilespmem:s25+$0x9D10] =	vst v8;
	v49 =	vadd.f32 v47, v48  }
0x77: {  	[tilespmem:s25+$0x10] =	vst v9  }
0x78: {  	v50 =	vld [tilespmem:s25+$0x20];
	[tilespmem:s25+$0x13A10] =	vst v49  }
0x79: {  	v8 =	vld [tilespmem:$0x1EAA0]  }
0x7a: {  	v51 =	vld [tilespmem:s25+$0x9D20]  }
0x7b: {  	v52 =	vld [tilespmem:s25+$0x13A20];
	_ =	sdelay $0x2  }
0x7c: {  	v53 =	vmul.f32 v8, v8  }
0x7d: {  	v9 =	vadd.f32 v50, v8;
	v8 =	vmax.f32 v51, v8  }
0x7e: {  	[tilespmem:s25+$0x9D20] =	vst v8;
	v54 =	vadd.f32 v52, v53  }
0x7f: {  	[tilespmem:s25+$0x20] =	vst v9  }
0x80: {  	v55 =	vld [tilespmem:s25+$0x30];
	[tilespmem:s25+$0x13A20] =	vst v54  }
0x81: {  	v8 =	vld [tilespmem:$0x1EAB0]  }
0x82: {  	v56 =	vld [tilespmem:s25+$0x9D30]  }
0x83: {  	v57 =	vld [tilespmem:s25+$0x13A30];
	_ =	sdelay $0x2  }
0x84: {  	v58 =	vmul.f32 v8, v8  }
0x85: {  	v9 =	vadd.f32 v55, v8;
	v8 =	vmax.f32 v56, v8  }
0x86: {  	[tilespmem:s25+$0x9D30] =	vst v8;
	v59 =	vadd.f32 v57, v58  }
0x87: {  	[tilespmem:s25+$0x30] =	vst v9  }
0x88: {  	v60 =	vld [tilespmem:s25+$0x40];
	[tilespmem:s25+$0x13A30] =	vst v59  }
0x89: {  	v8 =	vld [tilespmem:$0x1EAC0]  }
0x8a: {  	v61 =	vld [tilespmem:s25+$0x9D40]  }
0x8b: {  	v62 =	vld [tilespmem:s25+$0x13A40];
	_ =	sdelay $0x2  }
0x8c: {  	v63 =	vmul.f32 v8, v8  }
0x8d: {  	v9 =	vadd.f32 v60, v8;
	v8 =	vmax.f32 v61, v8  }
0x8e: {  	[tilespmem:s25+$0x9D40] =	vst v8;
	v15 =	vadd.f32 v62, v63  }
0x8f: {  	[tilespmem:s25+$0x40] =	vst v9  }
0x90: {  	v16 =	vld [tilespmem:s25+$0x50];
	[tilespmem:s25+$0x13A40] =	vst v15  }
0x91: {  	v8 =	vld [tilespmem:$0x1EAD0]  }
0x92: {  	v17 =	vld [tilespmem:s25+$0x9D50]  }
0x93: {  	v18 =	vld [tilespmem:s25+$0x13A50];
	_ =	sdelay $0x2  }
0x94: {  	v19 =	vmul.f32 v8, v8  }
0x95: {  	v9 =	vadd.f32 v16, v8;
	v8 =	vmax.f32 v17, v8  }
0x96: {  	[tilespmem:s25+$0x9D50] =	vst v8;
	v20 =	vadd.f32 v18, v19  }
0x97: {  	[tilespmem:s25+$0x50] =	vst v9  }
0x98: {  	v21 =	vld [tilespmem:s25+$0x60];
	[tilespmem:s25+$0x13A50] =	vst v20  }
0x99: {  	v8 =	vld [tilespmem:$0x1EAE0]  }
0x9a: {  	v22 =	vld [tilespmem:s25+$0x9D60]  }
0x9b: {  	v23 =	vld [tilespmem:s25+$0x13A60];
	_ =	sdelay $0x2  }
0x9c: {  	(v2sf) =	vpush v7, $0x1;
	v24 =	vmul.f32 v8, v8  }
0x9d: {  	v9 =	vadd.f32 v21, v8;
	v8 =	vmax.f32 v22, v8  }
0x9e: {  	[tilespmem:s25+$0x9D60] =	vst v8;
	v25 =	vadd.f32 v23, v24  }
0x9f: {  	[tilespmem:s25+$0x60] =	vst v9  }
0xa0: {  	v26 =	vld [tilespmem:s25+$0x70];
	[tilespmem:s25+$0x13A60] =	vst v25  }
0xa1: {  	v8 =	vld [tilespmem:$0x1EAF0]  }
0xa2: {  	v27 =	vld [tilespmem:s25+$0x9D70]  }
0xa3: {  	v28 =	vld [tilespmem:s25+$0x13A70];
	_ =	sdelay $0x2  }
0xa4: {  	v29 =	vmul.f32 v8, v8  }
0xa5: {  	v9 =	vadd.f32 v26, v8;
	v8 =	vmax.f32 v27, v8  }
0xa6: {  	[tilespmem:s25+$0x9D70] =	vst v8;
	v30 =	vadd.f32 v28, v29  }
0xa7: {  	[tilespmem:s25+$0x70] =	vst v9  }
0xa8: {  	[tilespmem:s25+$0x13A70] =	vst v30  }
0xa9: {  	s26 =	spop (v2sf);
	v8 =	vld [tilespmem:$0x1EB00]  }
0xaa: {  	v9 =	vld [tilespmem:s26+$0x0]  }
0xab: {  	v31 =	vld [tilespmem:s26+$0x9D00]  }
0xac: {  	v32 =	vld [tilespmem:s26+$0x13A00];
	_ =	sdelay $0x2  }
0xad: {  	v33 =	vmul.f32 v8, v8  }
0xae: {  	v9 =	vadd.f32 v9, v8;
	v8 =	vmax.f32 v31, v8  }
0xaf: {  	[tilespmem:s26+$0x9D00] =	vst v8;
	v34 =	vadd.f32 v32, v33  }
0xb0: {  	[tilespmem:s26+$0x0] =	vst v9  }
0xb1: {  	v35 =	vld [tilespmem:s26+$0x10];
	[tilespmem:s26+$0x13A00] =	vst v34  }
0xb2: {  	v8 =	vld [tilespmem:$0x1EB10]  }
0xb3: {  	v36 =	vld [tilespmem:s26+$0x9D10]  }
0xb4: {  	v37 =	vld [tilespmem:s26+$0x13A10];
	_ =	sdelay $0x2  }
0xb5: {  	v38 =	vmul.f32 v8, v8  }
0xb6: {  	v9 =	vadd.f32 v35, v8;
	v8 =	vmax.f32 v36, v8  }
0xb7: {  	[tilespmem:s26+$0x9D10] =	vst v8;
	v39 =	vadd.f32 v37, v38  }
0xb8: {  	[tilespmem:s26+$0x10] =	vst v9  }
0xb9: {  	v40 =	vld [tilespmem:s26+$0x20];
	[tilespmem:s26+$0x13A10] =	vst v39  }
0xba: {  	v8 =	vld [tilespmem:$0x1EB20]  }
0xbb: {  	v41 =	vld [tilespmem:s26+$0x9D20]  }
0xbc: {  	v42 =	vld [tilespmem:s26+$0x13A20];
	_ =	sdelay $0x2  }
0xbd: {  	v43 =	vmul.f32 v8, v8  }
0xbe: {  	v9 =	vadd.f32 v40, v8;
	v8 =	vmax.f32 v41, v8  }
0xbf: {  	[tilespmem:s26+$0x9D20] =	vst v8;
	v44 =	vadd.f32 v42, v43  }
0xc0: {  	[tilespmem:s26+$0x20] =	vst v9  }
0xc1: {  	v45 =	vld [tilespmem:s26+$0x30];
	[tilespmem:s26+$0x13A20] =	vst v44  }
0xc2: {  	v8 =	vld [tilespmem:$0x1EB30]  }
0xc3: {  	v46 =	vld [tilespmem:s26+$0x9D30]  }
0xc4: {  	v47 =	vld [tilespmem:s26+$0x13A30];
	_ =	sdelay $0x2  }
0xc5: {  	v48 =	vmul.f32 v8, v8  }
0xc6: {  	v9 =	vadd.f32 v45, v8;
	v8 =	vmax.f32 v46, v8  }
0xc7: {  	[tilespmem:s26+$0x9D30] =	vst v8;
	v49 =	vadd.f32 v47, v48  }
0xc8: {  	[tilespmem:s26+$0x30] =	vst v9  }
0xc9: {  	v50 =	vld [tilespmem:s26+$0x40];
	[tilespmem:s26+$0x13A30] =	vst v49  }
0xca: {  	v8 =	vld [tilespmem:$0x1EB40]  }
0xcb: {  	v51 =	vld [tilespmem:s26+$0x9D40]  }
0xcc: {  	v52 =	vld [tilespmem:s26+$0x13A40];
	_ =	sdelay $0x2  }
0xcd: {  	v53 =	vmul.f32 v8, v8  }
0xce: {  	v9 =	vadd.f32 v50, v8;
	v8 =	vmax.f32 v51, v8  }
0xcf: {  	[tilespmem:s26+$0x9D40] =	vst v8;
	v54 =	vadd.f32 v52, v53  }
0xd0: {  	[tilespmem:s26+$0x40] =	vst v9  }
0xd1: {  	v55 =	vld [tilespmem:s26+$0x50];
	[tilespmem:s26+$0x13A40] =	vst v54  }
0xd2: {  	v8 =	vld [tilespmem:$0x1EB50]  }
0xd3: {  	v56 =	vld [tilespmem:s26+$0x9D50]  }
0xd4: {  	v57 =	vld [tilespmem:s26+$0x13A50];
	_ =	sdelay $0x2  }
0xd5: {  	v58 =	vmul.f32 v8, v8  }
0xd6: {  	v9 =	vadd.f32 v55, v8;
	v8 =	vmax.f32 v56, v8  }
0xd7: {  	[tilespmem:s26+$0x9D50] =	vst v8;
	v59 =	vadd.f32 v57, v58  }
0xd8: {  	[tilespmem:s26+$0x50] =	vst v9  }
0xd9: {  	v60 =	vld [tilespmem:s26+$0x60];
	[tilespmem:s26+$0x13A50] =	vst v59  }
0xda: {  	v8 =	vld [tilespmem:$0x1EB60]  }
0xdb: {  	v61 =	vld [tilespmem:s26+$0x9D60]  }
0xdc: {  	v62 =	vld [tilespmem:s26+$0x13A60];
	_ =	sdelay $0x2  }
0xdd: {  	(v2sf) =	vpush v7, $0x2;
	v63 =	vmul.f32 v8, v8  }
0xde: {  	v9 =	vadd.f32 v60, v8;
	v8 =	vmax.f32 v61, v8  }
0xdf: {  	[tilespmem:s26+$0x9D60] =	vst v8;
	v16 =	vadd.f32 v62, v63  }
0xe0: {  	[tilespmem:s26+$0x60] =	vst v9  }
0xe1: {  	v17 =	vld [tilespmem:s26+$0x70];
	[tilespmem:s26+$0x13A60] =	vst v16  }
0xe2: {  	v8 =	vld [tilespmem:$0x1EB70]  }
0xe3: {  	v18 =	vld [tilespmem:s26+$0x9D70]  }
0xe4: {  	v19 =	vld [tilespmem:s26+$0x13A70];
	_ =	sdelay $0x2  }
0xe5: {  	v20 =	vmul.f32 v8, v8  }
0xe6: {  	v9 =	vadd.f32 v17, v8;
	v8 =	vmax.f32 v18, v8  }
0xe7: {  	[tilespmem:s26+$0x9D70] =	vst v8;
	v21 =	vadd.f32 v19, v20  }
0xe8: {  	[tilespmem:s26+$0x70] =	vst v9  }
0xe9: {  	[tilespmem:s26+$0x13A70] =	vst v21  }
0xea: {  	s28 =	spop (v2sf);
	v8 =	vld [tilespmem:$0x1EB80]  }
0xeb: {  	v9 =	vld [tilespmem:s28+$0x0]  }
0xec: {  	v22 =	vld [tilespmem:s28+$0x9D00]  }
0xed: {  	v23 =	vld [tilespmem:s28+$0x13A00];
	_ =	sdelay $0x2  }
0xee: {  	v24 =	vmul.f32 v8, v8  }
0xef: {  	v9 =	vadd.f32 v9, v8;
	v8 =	vmax.f32 v22, v8  }
0xf0: {  	[tilespmem:s28+$0x9D00] =	vst v8;
	v25 =	vadd.f32 v23, v24  }
0xf1: {  	[tilespmem:s28+$0x0] =	vst v9  }
0xf2: {  	v26 =	vld [tilespmem:s28+$0x10];
	[tilespmem:s28+$0x13A00] =	vst v25  }
0xf3: {  	v8 =	vld [tilespmem:$0x1EB90]  }
0xf4: {  	v27 =	vld [tilespmem:s28+$0x9D10]  }
0xf5: {  	v28 =	vld [tilespmem:s28+$0x13A10];
	_ =	sdelay $0x2  }
0xf6: {  	v29 =	vmul.f32 v8, v8  }
0xf7: {  	v9 =	vadd.f32 v26, v8;
	v8 =	vmax.f32 v27, v8  }
0xf8: {  	[tilespmem:s28+$0x9D10] =	vst v8;
	v30 =	vadd.f32 v28, v29  }
0xf9: {  	[tilespmem:s28+$0x10] =	vst v9  }
0xfa: {  	v31 =	vld [tilespmem:s28+$0x20];
	[tilespmem:s28+$0x13A10] =	vst v30  }
0xfb: {  	v8 =	vld [tilespmem:$0x1EBA0]  }
0xfc: {  	v32 =	vld [tilespmem:s28+$0x9D20]  }
0xfd: {  	v33 =	vld [tilespmem:s28+$0x13A20];
	_ =	sdelay $0x2  }
0xfe: {  	v34 =	vmul.f32 v8, v8  }
0xff: {  	v9 =	vadd.f32 v31, v8;
	v8 =	vmax.f32 v32, v8  }
0x100: {  	[tilespmem:s28+$0x9D20] =	vst v8;
	v35 =	vadd.f32 v33, v34  }
0x101: {  	[tilespmem:s28+$0x20] =	vst v9  }
0x102: {  	v36 =	vld [tilespmem:s28+$0x30];
	[tilespmem:s28+$0x13A20] =	vst v35  }
0x103: {  	v8 =	vld [tilespmem:$0x1EBB0]  }
0x104: {  	v37 =	vld [tilespmem:s28+$0x9D30]  }
0x105: {  	v38 =	vld [tilespmem:s28+$0x13A30];
	_ =	sdelay $0x2  }
0x106: {  	v39 =	vmul.f32 v8, v8  }
0x107: {  	v9 =	vadd.f32 v36, v8;
	v8 =	vmax.f32 v37, v8  }
0x108: {  	[tilespmem:s28+$0x9D30] =	vst v8;
	v40 =	vadd.f32 v38, v39  }
0x109: {  	[tilespmem:s28+$0x30] =	vst v9  }
0x10a: {  	v41 =	vld [tilespmem:s28+$0x40];
	[tilespmem:s28+$0x13A30] =	vst v40  }
0x10b: {  	v8 =	vld [tilespmem:$0x1EBC0]  }
0x10c: {  	v42 =	vld [tilespmem:s28+$0x9D40]  }
0x10d: {  	v43 =	vld [tilespmem:s28+$0x13A40];
	_ =	sdelay $0x2  }
0x10e: {  	v44 =	vmul.f32 v8, v8  }
0x10f: {  	v9 =	vadd.f32 v41, v8;
	v8 =	vmax.f32 v42, v8  }
0x110: {  	[tilespmem:s28+$0x9D40] =	vst v8;
	v45 =	vadd.f32 v43, v44  }
0x111: {  	[tilespmem:s28+$0x40] =	vst v9  }
0x112: {  	v46 =	vld [tilespmem:s28+$0x50];
	[tilespmem:s28+$0x13A40] =	vst v45  }
0x113: {  	v8 =	vld [tilespmem:$0x1EBD0]  }
0x114: {  	v47 =	vld [tilespmem:s28+$0x9D50]  }
0x115: {  	v48 =	vld [tilespmem:s28+$0x13A50];
	_ =	sdelay $0x2  }
0x116: {  	v49 =	vmul.f32 v8, v8  }
0x117: {  	v9 =	vadd.f32 v46, v8;
	v8 =	vmax.f32 v47, v8  }
0x118: {  	[tilespmem:s28+$0x9D50] =	vst v8;
	v50 =	vadd.f32 v48, v49  }
0x119: {  	[tilespmem:s28+$0x50] =	vst v9  }
0x11a: {  	v51 =	vld [tilespmem:s28+$0x60];
	[tilespmem:s28+$0x13A50] =	vst v50  }
0x11b: {  	v8 =	vld [tilespmem:$0x1EBE0]  }
0x11c: {  	v52 =	vld [tilespmem:s28+$0x9D60]  }
0x11d: {  	v53 =	vld [tilespmem:s28+$0x13A60];
	_ =	sdelay $0x2  }
0x11e: {  	(v2sf) =	vpush v7, $0x3;
	v54 =	vmul.f32 v8, v8  }
0x11f: {  	v9 =	vadd.f32 v51, v8;
	v8 =	vmax.f32 v52, v8  }
0x120: {  	[tilespmem:s28+$0x9D60] =	vst v8;
	v55 =	vadd.f32 v53, v54  }
0x121: {  	[tilespmem:s28+$0x60] =	vst v9  }
0x122: {  	v56 =	vld [tilespmem:s28+$0x70];
	[tilespmem:s28+$0x13A60] =	vst v55  }
0x123: {  	v8 =	vld [tilespmem:$0x1EBF0]  }
0x124: {  	v57 =	vld [tilespmem:s28+$0x9D70]  }
0x125: {  	v58 =	vld [tilespmem:s28+$0x13A70];
	_ =	sdelay $0x2  }
0x126: {  	v59 =	vmul.f32 v8, v8  }
0x127: {  	v9 =	vadd.f32 v56, v8;
	v8 =	vmax.f32 v57, v8  }
0x128: {  	[tilespmem:s28+$0x9D70] =	vst v8;
	v60 =	vadd.f32 v58, v59  }
0x129: {  	[tilespmem:s28+$0x70] =	vst v9  }
0x12a: {  	[tilespmem:s28+$0x13A70] =	vst v60  }
0x12b: {  	s29 =	spop (v2sf);
	v8 =	vld [tilespmem:$0x1EC00]  }
0x12c: {  	v9 =	vld [tilespmem:s29+$0x0]  }
0x12d: {  	v61 =	vld [tilespmem:s29+$0x9D00]  }
0x12e: {  	v62 =	vld [tilespmem:s29+$0x13A00];
	_ =	sdelay $0x2  }
0x12f: {  	v63 =	vmul.f32 v8, v8  }
0x130: {  	v9 =	vadd.f32 v9, v8;
	v8 =	vmax.f32 v61, v8  }
0x131: {  	[tilespmem:s29+$0x9D00] =	vst v8;
	v15 =	vadd.f32 v62, v63  }
0x132: {  	[tilespmem:s29+$0x0] =	vst v9  }
0x133: {  	v16 =	vld [tilespmem:s29+$0x10];
	[tilespmem:s29+$0x13A00] =	vst v15  }
0x134: {  	v8 =	vld [tilespmem:$0x1EC10]  }
0x135: {  	v17 =	vld [tilespmem:s29+$0x9D10]  }
0x136: {  	v18 =	vld [tilespmem:s29+$0x13A10];
	_ =	sdelay $0x2  }
0x137: {  	v19 =	vmul.f32 v8, v8  }
0x138: {  	v9 =	vadd.f32 v16, v8;
	v8 =	vmax.f32 v17, v8  }
0x139: {  	[tilespmem:s29+$0x9D10] =	vst v8;
	v20 =	vadd.f32 v18, v19  }
0x13a: {  	[tilespmem:s29+$0x10] =	vst v9  }
0x13b: {  	v21 =	vld [tilespmem:s29+$0x20];
	[tilespmem:s29+$0x13A10] =	vst v20  }
0x13c: {  	v8 =	vld [tilespmem:$0x1EC20]  }
0x13d: {  	v22 =	vld [tilespmem:s29+$0x9D20]  }
0x13e: {  	v23 =	vld [tilespmem:s29+$0x13A20];
	_ =	sdelay $0x2  }
0x13f: {  	v24 =	vmul.f32 v8, v8  }
0x140: {  	v9 =	vadd.f32 v21, v8;
	v8 =	vmax.f32 v22, v8  }
0x141: {  	[tilespmem:s29+$0x9D20] =	vst v8;
	v25 =	vadd.f32 v23, v24  }
0x142: {  	[tilespmem:s29+$0x20] =	vst v9  }
0x143: {  	v26 =	vld [tilespmem:s29+$0x30];
	[tilespmem:s29+$0x13A20] =	vst v25  }
0x144: {  	v8 =	vld [tilespmem:$0x1EC30]  }
0x145: {  	v27 =	vld [tilespmem:s29+$0x9D30]  }
0x146: {  	v28 =	vld [tilespmem:s29+$0x13A30];
	_ =	sdelay $0x2  }
0x147: {  	v29 =	vmul.f32 v8, v8  }
0x148: {  	v9 =	vadd.f32 v26, v8;
	v8 =	vmax.f32 v27, v8  }
0x149: {  	[tilespmem:s29+$0x9D30] =	vst v8;
	v30 =	vadd.f32 v28, v29  }
0x14a: {  	[tilespmem:s29+$0x30] =	vst v9  }
0x14b: {  	v31 =	vld [tilespmem:s29+$0x40];
	[tilespmem:s29+$0x13A30] =	vst v30  }
0x14c: {  	v8 =	vld [tilespmem:$0x1EC40]  }
0x14d: {  	v32 =	vld [tilespmem:s29+$0x9D40]  }
0x14e: {  	v33 =	vld [tilespmem:s29+$0x13A40];
	_ =	sdelay $0x2  }
0x14f: {  	v34 =	vmul.f32 v8, v8  }
0x150: {  	v9 =	vadd.f32 v31, v8;
	v8 =	vmax.f32 v32, v8  }
0x151: {  	[tilespmem:s29+$0x9D40] =	vst v8;
	v35 =	vadd.f32 v33, v34  }
0x152: {  	[tilespmem:s29+$0x40] =	vst v9  }
0x153: {  	v36 =	vld [tilespmem:s29+$0x50];
	[tilespmem:s29+$0x13A40] =	vst v35  }
0x154: {  	v8 =	vld [tilespmem:$0x1EC50]  }
0x155: {  	v37 =	vld [tilespmem:s29+$0x9D50]  }
0x156: {  	v38 =	vld [tilespmem:s29+$0x13A50];
	_ =	sdelay $0x2  }
0x157: {  	v39 =	vmul.f32 v8, v8  }
0x158: {  	v9 =	vadd.f32 v36, v8;
	v8 =	vmax.f32 v37, v8  }
0x159: {  	[tilespmem:s29+$0x9D50] =	vst v8;
	v40 =	vadd.f32 v38, v39  }
0x15a: {  	[tilespmem:s29+$0x50] =	vst v9  }
0x15b: {  	v41 =	vld [tilespmem:s29+$0x60];
	[tilespmem:s29+$0x13A50] =	vst v40  }
0x15c: {  	v8 =	vld [tilespmem:$0x1EC60]  }
0x15d: {  	v42 =	vld [tilespmem:s29+$0x9D60]  }
0x15e: {  	v43 =	vld [tilespmem:s29+$0x13A60];
	_ =	sdelay $0x2  }
0x15f: {  	(v2sf) =	vpush v7, $0x4;
	v44 =	vmul.f32 v8, v8  }
0x160: {  	v9 =	vadd.f32 v41, v8;
	v8 =	vmax.f32 v42, v8  }
0x161: {  	[tilespmem:s29+$0x9D60] =	vst v8;
	v45 =	vadd.f32 v43, v44  }
0x162: {  	[tilespmem:s29+$0x60] =	vst v9  }
0x163: {  	v46 =	vld [tilespmem:s29+$0x70];
	[tilespmem:s29+$0x13A60] =	vst v45  }
0x164: {  	v8 =	vld [tilespmem:$0x1EC70]  }
0x165: {  	v47 =	vld [tilespmem:s29+$0x9D70]  }
0x166: {  	v48 =	vld [tilespmem:s29+$0x13A70];
	_ =	sdelay $0x2  }
0x167: {  	v49 =	vmul.f32 v8, v8  }
0x168: {  	v9 =	vadd.f32 v46, v8;
	v8 =	vmax.f32 v47, v8  }
0x169: {  	[tilespmem:s29+$0x9D70] =	vst v8;
	v50 =	vadd.f32 v48, v49  }
0x16a: {  	[tilespmem:s29+$0x70] =	vst v9  }
0x16b: {  	[tilespmem:s29+$0x13A70] =	vst v50  }
0x16c: {  	s30 =	spop (v2sf);
	v8 =	vld [tilespmem:$0x1EC80]  }
0x16d: {  	v9 =	vld [tilespmem:s30+$0x0]  }
0x16e: {  	v51 =	vld [tilespmem:s30+$0x9D00]  }
0x16f: {  	v52 =	vld [tilespmem:s30+$0x13A00];
	_ =	sdelay $0x2  }
0x170: {  	v53 =	vmul.f32 v8, v8  }
0x171: {  	v9 =	vadd.f32 v9, v8;
	v8 =	vmax.f32 v51, v8  }
0x172: {  	[tilespmem:s30+$0x9D00] =	vst v8;
	v54 =	vadd.f32 v52, v53  }
0x173: {  	[tilespmem:s30+$0x0] =	vst v9  }
0x174: {  	v55 =	vld [tilespmem:s30+$0x10];
	[tilespmem:s30+$0x13A00] =	vst v54  }
0x175: {  	v8 =	vld [tilespmem:$0x1EC90]  }
0x176: {  	v56 =	vld [tilespmem:s30+$0x9D10]  }
0x177: {  	v57 =	vld [tilespmem:s30+$0x13A10];
	_ =	sdelay $0x2  }
0x178: {  	v58 =	vmul.f32 v8, v8  }
0x179: {  	v9 =	vadd.f32 v55, v8;
	v8 =	vmax.f32 v56, v8  }
0x17a: {  	[tilespmem:s30+$0x9D10] =	vst v8;
	v59 =	vadd.f32 v57, v58  }
0x17b: {  	[tilespmem:s30+$0x10] =	vst v9  }
0x17c: {  	v60 =	vld [tilespmem:s30+$0x20];
	[tilespmem:s30+$0x13A10] =	vst v59  }
0x17d: {  	v8 =	vld [tilespmem:$0x1ECA0]  }
0x17e: {  	v61 =	vld [tilespmem:s30+$0x9D20]  }
0x17f: {  	v62 =	vld [tilespmem:s30+$0x13A20];
	_ =	sdelay $0x2  }
0x180: {  	v63 =	vmul.f32 v8, v8  }
0x181: {  	v9 =	vadd.f32 v60, v8;
	v8 =	vmax.f32 v61, v8  }
0x182: {  	[tilespmem:s30+$0x9D20] =	vst v8;
	v15 =	vadd.f32 v62, v63  }
0x183: {  	[tilespmem:s30+$0x20] =	vst v9  }
0x184: {  	v16 =	vld [tilespmem:s30+$0x30];
	[tilespmem:s30+$0x13A20] =	vst v15  }
0x185: {  	v8 =	vld [tilespmem:$0x1ECB0]  }
0x186: {  	v17 =	vld [tilespmem:s30+$0x9D30]  }
0x187: {  	v18 =	vld [tilespmem:s30+$0x13A30];
	_ =	sdelay $0x2  }
0x188: {  	v19 =	vmul.f32 v8, v8  }
0x189: {  	v9 =	vadd.f32 v16, v8;
	v8 =	vmax.f32 v17, v8  }
0x18a: {  	[tilespmem:s30+$0x9D30] =	vst v8;
	v20 =	vadd.f32 v18, v19  }
0x18b: {  	[tilespmem:s30+$0x30] =	vst v9  }
0x18c: {  	v21 =	vld [tilespmem:s30+$0x40];
	[tilespmem:s30+$0x13A30] =	vst v20  }
0x18d: {  	v8 =	vld [tilespmem:$0x1ECC0]  }
0x18e: {  	v22 =	vld [tilespmem:s30+$0x9D40]  }
0x18f: {  	v23 =	vld [tilespmem:s30+$0x13A40];
	_ =	sdelay $0x2  }
0x190: {  	v24 =	vmul.f32 v8, v8  }
0x191: {  	v9 =	vadd.f32 v21, v8;
	v8 =	vmax.f32 v22, v8  }
0x192: {  	[tilespmem:s30+$0x9D40] =	vst v8;
	v25 =	vadd.f32 v23, v24  }
0x193: {  	[tilespmem:s30+$0x40] =	vst v9  }
0x194: {  	v26 =	vld [tilespmem:s30+$0x50];
	[tilespmem:s30+$0x13A40] =	vst v25  }
0x195: {  	v8 =	vld [tilespmem:$0x1ECD0]  }
0x196: {  	v27 =	vld [tilespmem:s30+$0x9D50]  }
0x197: {  	v28 =	vld [tilespmem:s30+$0x13A50];
	_ =	sdelay $0x2  }
0x198: {  	v29 =	vmul.f32 v8, v8  }
0x199: {  	v9 =	vadd.f32 v26, v8;
	v8 =	vmax.f32 v27, v8  }
0x19a: {  	[tilespmem:s30+$0x9D50] =	vst v8;
	v30 =	vadd.f32 v28, v29  }
0x19b: {  	[tilespmem:s30+$0x50] =	vst v9  }
0x19c: {  	v31 =	vld [tilespmem:s30+$0x60];
	[tilespmem:s30+$0x13A50] =	vst v30  }
0x19d: {  	v8 =	vld [tilespmem:$0x1ECE0]  }
0x19e: {  	v32 =	vld [tilespmem:s30+$0x9D60]  }
0x19f: {  	v33 =	vld [tilespmem:s30+$0x13A60];
	_ =	sdelay $0x2  }
0x1a0: {  	(v2sf) =	vpush v7, $0x5;
	v34 =	vmul.f32 v8, v8  }
0x1a1: {  	v9 =	vadd.f32 v31, v8;
	v8 =	vmax.f32 v32, v8  }
0x1a2: {  	[tilespmem:s30+$0x9D60] =	vst v8;
	v35 =	vadd.f32 v33, v34  }
0x1a3: {  	[tilespmem:s30+$0x60] =	vst v9  }
0x1a4: {  	v36 =	vld [tilespmem:s30+$0x70];
	[tilespmem:s30+$0x13A60] =	vst v35  }
0x1a5: {  	v8 =	vld [tilespmem:$0x1ECF0]  }
0x1a6: {  	v37 =	vld [tilespmem:s30+$0x9D70]  }
0x1a7: {  	v38 =	vld [tilespmem:s30+$0x13A70];
	_ =	sdelay $0x2  }
0x1a8: {  	v39 =	vmul.f32 v8, v8  }
0x1a9: {  	v9 =	vadd.f32 v36, v8;
	v8 =	vmax.f32 v37, v8  }
0x1aa: {  	[tilespmem:s30+$0x9D70] =	vst v8;
	v40 =	vadd.f32 v38, v39  }
0x1ab: {  	[tilespmem:s30+$0x70] =	vst v9  }
0x1ac: {  	[tilespmem:s30+$0x13A70] =	vst v40  }
0x1ad: {  	s31 =	spop (v2sf);
	v8 =	vld [tilespmem:$0x1ED00]  }
0x1ae: {  	v9 =	vld [tilespmem:s31+$0x0]  }
0x1af: {  	v41 =	vld [tilespmem:s31+$0x9D00]  }
0x1b0: {  	v42 =	vld [tilespmem:s31+$0x13A00];
	_ =	sdelay $0x2  }
0x1b1: {  	v43 =	vmul.f32 v8, v8  }
0x1b2: {  	v9 =	vadd.f32 v9, v8;
	v8 =	vmax.f32 v41, v8  }
0x1b3: {  	[tilespmem:s31+$0x9D00] =	vst v8;
	v44 =	vadd.f32 v42, v43  }
0x1b4: {  	[tilespmem:s31+$0x0] =	vst v9  }
0x1b5: {  	v45 =	vld [tilespmem:s31+$0x10];
	[tilespmem:s31+$0x13A00] =	vst v44  }
0x1b6: {  	v8 =	vld [tilespmem:$0x1ED10]  }
0x1b7: {  	v46 =	vld [tilespmem:s31+$0x9D10]  }
0x1b8: {  	v47 =	vld [tilespmem:s31+$0x13A10];
	_ =	sdelay $0x2  }
0x1b9: {  	v48 =	vmul.f32 v8, v8  }
0x1ba: {  	v9 =	vadd.f32 v45, v8;
	v8 =	vmax.f32 v46, v8  }
0x1bb: {  	[tilespmem:s31+$0x9D10] =	vst v8;
	v49 =	vadd.f32 v47, v48  }
0x1bc: {  	[tilespmem:s31+$0x10] =	vst v9  }
0x1bd: {  	v50 =	vld [tilespmem:s31+$0x20];
	[tilespmem:s31+$0x13A10] =	vst v49  }
0x1be: {  	v8 =	vld [tilespmem:$0x1ED20]  }
0x1bf: {  	v51 =	vld [tilespmem:s31+$0x9D20]  }
0x1c0: {  	v52 =	vld [tilespmem:s31+$0x13A20];
	_ =	sdelay $0x2  }
0x1c1: {  	v53 =	vmul.f32 v8, v8  }
0x1c2: {  	v9 =	vadd.f32 v50, v8;
	v8 =	vmax.f32 v51, v8  }
0x1c3: {  	[tilespmem:s31+$0x9D20] =	vst v8;
	v54 =	vadd.f32 v52, v53  }
0x1c4: {  	[tilespmem:s31+$0x20] =	vst v9  }
0x1c5: {  	v55 =	vld [tilespmem:s31+$0x30];
	[tilespmem:s31+$0x13A20] =	vst v54  }
0x1c6: {  	v8 =	vld [tilespmem:$0x1ED30]  }
0x1c7: {  	v56 =	vld [tilespmem:s31+$0x9D30]  }
0x1c8: {  	v57 =	vld [tilespmem:s31+$0x13A30];
	_ =	sdelay $0x2  }
0x1c9: {  	v58 =	vmul.f32 v8, v8  }
0x1ca: {  	v9 =	vadd.f32 v55, v8;
	v8 =	vmax.f32 v56, v8  }
0x1cb: {  	[tilespmem:s31+$0x9D30] =	vst v8;
	v59 =	vadd.f32 v57, v58  }
0x1cc: {  	[tilespmem:s31+$0x30] =	vst v9  }
0x1cd: {  	v60 =	vld [tilespmem:s31+$0x40];
	[tilespmem:s31+$0x13A30] =	vst v59  }
0x1ce: {  	v8 =	vld [tilespmem:$0x1ED40]  }
0x1cf: {  	v61 =	vld [tilespmem:s31+$0x9D40]  }
0x1d0: {  	v62 =	vld [tilespmem:s31+$0x13A40];
	_ =	sdelay $0x2  }
0x1d1: {  	v63 =	vmul.f32 v8, v8  }
0x1d2: {  	v9 =	vadd.f32 v60, v8;
	v8 =	vmax.f32 v61, v8  }
0x1d3: {  	[tilespmem:s31+$0x9D40] =	vst v8;
	v16 =	vadd.f32 v62, v63  }
0x1d4: {  	[tilespmem:s31+$0x40] =	vst v9  }
0x1d5: {  	v17 =	vld [tilespmem:s31+$0x50];
	[tilespmem:s31+$0x13A40] =	vst v16  }
0x1d6: {  	v8 =	vld [tilespmem:$0x1ED50]  }
0x1d7: {  	v18 =	vld [tilespmem:s31+$0x9D50]  }
0x1d8: {  	v19 =	vld [tilespmem:s31+$0x13A50];
	_ =	sdelay $0x2  }
0x1d9: {  	v20 =	vmul.f32 v8, v8  }
0x1da: {  	v9 =	vadd.f32 v17, v8;
	v8 =	vmax.f32 v18, v8  }
0x1db: {  	[tilespmem:s31+$0x9D50] =	vst v8;
	v21 =	vadd.f32 v19, v20  }
0x1dc: {  	[tilespmem:s31+$0x50] =	vst v9  }
0x1dd: {  	v22 =	vld [tilespmem:s31+$0x60];
	[tilespmem:s31+$0x13A50] =	vst v21  }
0x1de: {  	v8 =	vld [tilespmem:$0x1ED60]  }
0x1df: {  	v23 =	vld [tilespmem:s31+$0x9D60]  }
0x1e0: {  	v24 =	vld [tilespmem:s31+$0x13A60];
	_ =	sdelay $0x2  }
0x1e1: {  	(v2sf) =	vpush v7, $0x6;
	v25 =	vmul.f32 v8, v8  }
0x1e2: {  	v9 =	vadd.f32 v22, v8;
	v8 =	vmax.f32 v23, v8  }
0x1e3: {  	[tilespmem:s31+$0x9D60] =	vst v8;
	v26 =	vadd.f32 v24, v25  }
0x1e4: {  	[tilespmem:s31+$0x60] =	vst v9  }
0x1e5: {  	v27 =	vld [tilespmem:s31+$0x70];
	[tilespmem:s31+$0x13A60] =	vst v26  }
0x1e6: {  	v8 =	vld [tilespmem:$0x1ED70]  }
0x1e7: {  	v28 =	vld [tilespmem:s31+$0x9D70]  }
0x1e8: {  	v29 =	vld [tilespmem:s31+$0x13A70];
	_ =	sdelay $0x2  }
0x1e9: {  	v30 =	vmul.f32 v8, v8  }
0x1ea: {  	v9 =	vadd.f32 v27, v8;
	v8 =	vmax.f32 v28, v8  }
0x1eb: {  	[tilespmem:s31+$0x9D70] =	vst v8;
	v31 =	vadd.f32 v29, v30  }
0x1ec: {  	[tilespmem:s31+$0x70] =	vst v9  }
0x1ed: {  	[tilespmem:s31+$0x13A70] =	vst v31  }
0x1ee: {  	s26 =	spop (v2sf);
	v8 =	vld [tilespmem:$0x1ED80]  }
0x1ef: {  	v9 =	vld [tilespmem:s26+$0x0]  }
0x1f0: {  	v32 =	vld [tilespmem:s26+$0x9D00]  }
0x1f1: {  	v33 =	vld [tilespmem:s26+$0x13A00];
	_ =	sdelay $0x2  }
0x1f2: {  	v34 =	vmul.f32 v8, v8  }
0x1f3: {  	v9 =	vadd.f32 v9, v8;
	v8 =	vmax.f32 v32, v8  }
0x1f4: {  	[tilespmem:s26+$0x9D00] =	vst v8;
	v35 =	vadd.f32 v33, v34  }
0x1f5: {  	[tilespmem:s26+$0x0] =	vst v9  }
0x1f6: {  	v36 =	vld [tilespmem:s26+$0x10];
	[tilespmem:s26+$0x13A00] =	vst v35  }
0x1f7: {  	v8 =	vld [tilespmem:$0x1ED90]  }
0x1f8: {  	v37 =	vld [tilespmem:s26+$0x9D10]  }
0x1f9: {  	v38 =	vld [tilespmem:s26+$0x13A10];
	_ =	sdelay $0x2  }
0x1fa: {  	v39 =	vmul.f32 v8, v8  }
0x1fb: {  	v9 =	vadd.f32 v36, v8;
	v8 =	vmax.f32 v37, v8  }
0x1fc: {  	[tilespmem:s26+$0x9D10] =	vst v8;
	v40 =	vadd.f32 v38, v39  }
0x1fd: {  	[tilespmem:s26+$0x10] =	vst v9  }
0x1fe: {  	v41 =	vld [tilespmem:s26+$0x20];
	[tilespmem:s26+$0x13A10] =	vst v40  }
0x1ff: {  	v8 =	vld [tilespmem:$0x1EDA0]  }
0x200: {  	v42 =	vld [tilespmem:s26+$0x9D20]  }
0x201: {  	v43 =	vld [tilespmem:s26+$0x13A20];
	_ =	sdelay $0x2  }
0x202: {  	v44 =	vmul.f32 v8, v8  }
0x203: {  	v9 =	vadd.f32 v41, v8;
	v8 =	vmax.f32 v42, v8  }
0x204: {  	[tilespmem:s26+$0x9D20] =	vst v8;
	v45 =	vadd.f32 v43, v44  }
0x205: {  	[tilespmem:s26+$0x20] =	vst v9  }
0x206: {  	v46 =	vld [tilespmem:s26+$0x30];
	[tilespmem:s26+$0x13A20] =	vst v45  }
0x207: {  	v8 =	vld [tilespmem:$0x1EDB0]  }
0x208: {  	v47 =	vld [tilespmem:s26+$0x9D30]  }
0x209: {  	v48 =	vld [tilespmem:s26+$0x13A30];
	_ =	sdelay $0x2  }
0x20a: {  	v49 =	vmul.f32 v8, v8  }
0x20b: {  	v9 =	vadd.f32 v46, v8;
	v8 =	vmax.f32 v47, v8  }
0x20c: {  	[tilespmem:s26+$0x9D30] =	vst v8;
	v50 =	vadd.f32 v48, v49  }
0x20d: {  	[tilespmem:s26+$0x30] =	vst v9  }
0x20e: {  	v51 =	vld [tilespmem:s26+$0x40];
	[tilespmem:s26+$0x13A30] =	vst v50  }
0x20f: {  	v8 =	vld [tilespmem:$0x1EDC0]  }
0x210: {  	v52 =	vld [tilespmem:s26+$0x9D40]  }
0x211: {  	v53 =	vld [tilespmem:s26+$0x13A40];
	_ =	sdelay $0x2  }
0x212: {  	v54 =	vmul.f32 v8, v8  }
0x213: {  	v9 =	vadd.f32 v51, v8;
	v8 =	vmax.f32 v52, v8  }
0x214: {  	[tilespmem:s26+$0x9D40] =	vst v8;
	v55 =	vadd.f32 v53, v54  }
0x215: {  	[tilespmem:s26+$0x40] =	vst v9  }
0x216: {  	v56 =	vld [tilespmem:s26+$0x50];
	[tilespmem:s26+$0x13A40] =	vst v55  }
0x217: {  	v8 =	vld [tilespmem:$0x1EDD0]  }
0x218: {  	v57 =	vld [tilespmem:s26+$0x9D50]  }
0x219: {  	v58 =	vld [tilespmem:s26+$0x13A50];
	_ =	sdelay $0x2  }
0x21a: {  	v59 =	vmul.f32 v8, v8  }
0x21b: {  	v9 =	vadd.f32 v56, v8;
	v8 =	vmax.f32 v57, v8  }
0x21c: {  	[tilespmem:s26+$0x9D50] =	vst v8;
	v60 =	vadd.f32 v58, v59  }
0x21d: {  	[tilespmem:s26+$0x50] =	vst v9  }
0x21e: {  	v61 =	vld [tilespmem:s26+$0x60];
	[tilespmem:s26+$0x13A50] =	vst v60  }
0x21f: {  	v8 =	vld [tilespmem:$0x1EDE0]  }
0x220: {  	v62 =	vld [tilespmem:s26+$0x9D60]  }
0x221: {  	v63 =	vld [tilespmem:s26+$0x13A60];
	_ =	sdelay $0x2  }
0x222: {  	(v2sf) =	vpush v7, $0x7;
	v16 =	vmul.f32 v8, v8  }
0x223: {  	v9 =	vadd.f32 v61, v8;
	v8 =	vmax.f32 v62, v8  }
0x224: {  	[tilespmem:s26+$0x9D60] =	vst v8;
	v17 =	vadd.f32 v63, v16  }
0x225: {  	[tilespmem:s26+$0x60] =	vst v9  }
0x226: {  	v18 =	vld [tilespmem:s26+$0x70];
	[tilespmem:s26+$0x13A60] =	vst v17  }
0x227: {  	v8 =	vld [tilespmem:$0x1EDF0]  }
0x228: {  	v19 =	vld [tilespmem:s26+$0x9D70]  }
0x229: {  	v20 =	vld [tilespmem:s26+$0x13A70];
	_ =	sdelay $0x2  }
0x22a: {  	v21 =	vmul.f32 v8, v8  }
0x22b: {  	v9 =	vadd.f32 v18, v8;
	v8 =	vmax.f32 v19, v8  }
0x22c: {  	[tilespmem:s26+$0x9D70] =	vst v8;
	v22 =	vadd.f32 v20, v21  }
0x22d: {  	[tilespmem:s26+$0x70] =	vst v9  }
0x22e: {  	[tilespmem:s26+$0x13A70] =	vst v22  }
0x22f: {  	s28 =	spop (v2sf);
	v8 =	vld [tilespmem:$0x1EE00]  }
0x230: {  	v9 =	vld [tilespmem:s28+$0x0]  }
0x231: {  	v23 =	vld [tilespmem:s28+$0x9D00]  }
0x232: {  	v24 =	vld [tilespmem:s28+$0x13A00];
	_ =	sdelay $0x2  }
0x233: {  	v25 =	vmul.f32 v8, v8  }
0x234: {  	v9 =	vadd.f32 v9, v8;
	v8 =	vmax.f32 v23, v8  }
0x235: {  	[tilespmem:s28+$0x9D00] =	vst v8;
	v26 =	vadd.f32 v24, v25  }
0x236: {  	[tilespmem:s28+$0x0] =	vst v9  }
0x237: {  	v27 =	vld [tilespmem:s28+$0x10];
	[tilespmem:s28+$0x13A00] =	vst v26  }
0x238: {  	v8 =	vld [tilespmem:$0x1EE10]  }
0x239: {  	v28 =	vld [tilespmem:s28+$0x9D10]  }
0x23a: {  	v29 =	vld [tilespmem:s28+$0x13A10];
	_ =	sdelay $0x2  }
0x23b: {  	v30 =	vmul.f32 v8, v8  }
0x23c: {  	v9 =	vadd.f32 v27, v8;
	v8 =	vmax.f32 v28, v8  }
0x23d: {  	[tilespmem:s28+$0x9D10] =	vst v8;
	v31 =	vadd.f32 v29, v30  }
0x23e: {  	[tilespmem:s28+$0x10] =	vst v9  }
0x23f: {  	v32 =	vld [tilespmem:s28+$0x20];
	[tilespmem:s28+$0x13A10] =	vst v31  }
0x240: {  	v8 =	vld [tilespmem:$0x1EE20]  }
0x241: {  	v33 =	vld [tilespmem:s28+$0x9D20]  }
0x242: {  	v34 =	vld [tilespmem:s28+$0x13A20];
	_ =	sdelay $0x2  }
0x243: {  	v35 =	vmul.f32 v8, v8  }
0x244: {  	v9 =	vadd.f32 v32, v8;
	v8 =	vmax.f32 v33, v8  }
0x245: {  	[tilespmem:s28+$0x9D20] =	vst v8;
	v36 =	vadd.f32 v34, v35  }
0x246: {  	[tilespmem:s28+$0x20] =	vst v9  }
0x247: {  	[tilespmem:s28+$0x13A20] =	vst v36  }
0x248: {  	v8 =	vld [tilespmem:$0x1EE30]  }
0x249: {  	v9 =	vld [tilespmem:s28+$0x30]  }
0x24a: {  	v37 =	vld [tilespmem:s28+$0x9D30]  }
0x24b: {  	v38 =	vld [tilespmem:s28+$0x13A30];
	_ =	sdelay $0x2  }
0x24c: {  	v39 =	vmul.f32 v8, v8  }
0x24d: {  	v9 =	vadd.f32 v9, v8;
	v8 =	vmax.f32 v37, v8  }
0x24e: {  	[tilespmem:s28+$0x9D30] =	vst v8;
	v40 =	vadd.f32 v38, v39  }
0x24f: {  	[tilespmem:s28+$0x30] =	vst v9  }
0x250: {  	v41 =	vld [tilespmem:s28+$0x40];
	[tilespmem:s28+$0x13A30] =	vst v40  }
0x251: {  	v8 =	vld [tilespmem:$0x1EE40]  }
0x252: {  	v42 =	vld [tilespmem:s28+$0x9D40]  }
0x253: {  	v43 =	vld [tilespmem:s28+$0x13A40];
	_ =	sdelay $0x2  }
0x254: {  	v44 =	vmul.f32 v8, v8  }
0x255: {  	v9 =	vadd.f32 v41, v8;
	v8 =	vmax.f32 v42, v8  }
0x256: {  	[tilespmem:s28+$0x9D40] =	vst v8;
	v45 =	vadd.f32 v43, v44  }
0x257: {  	[tilespmem:s28+$0x40] =	vst v9  }
0x258: {  	v46 =	vld [tilespmem:s28+$0x50];
	[tilespmem:s28+$0x13A40] =	vst v45  }
0x259: {  	v8 =	vld [tilespmem:$0x1EE50]  }
0x25a: {  	v47 =	vld [tilespmem:s28+$0x9D50]  }
0x25b: {  	v48 =	vld [tilespmem:s28+$0x13A50];
	_ =	sdelay $0x2  }
0x25c: {  	v49 =	vmul.f32 v8, v8  }
0x25d: {  	v9 =	vadd.f32 v46, v8;
	v8 =	vmax.f32 v47, v8  }
0x25e: {  	[tilespmem:s28+$0x9D50] =	vst v8;
	v50 =	vadd.f32 v48, v49  }
0x25f: {  	[tilespmem:s28+$0x50] =	vst v9  }
0x260: {  	v51 =	vld [tilespmem:s28+$0x60];
	[tilespmem:s28+$0x13A50] =	vst v50  }
0x261: {  	v8 =	vld [tilespmem:$0x1EE60]  }
0x262: {  	v52 =	vld [tilespmem:s28+$0x9D60]  }
0x263: {  	v53 =	vld [tilespmem:s28+$0x13A60];
	_ =	sdelay $0x2  }
0x264: {  	(v2sf) =	vpush v7, $0x8;
	v54 =	vmul.f32 v8, v8  }
0x265: {  	v9 =	vadd.f32 v51, v8;
	v8 =	vmax.f32 v52, v8  }
0x266: {  	[tilespmem:s28+$0x9D60] =	vst v8;
	v55 =	vadd.f32 v53, v54  }
0x267: {  	[tilespmem:s28+$0x60] =	vst v9  }
0x268: {  	v56 =	vld [tilespmem:s28+$0x70];
	[tilespmem:s28+$0x13A60] =	vst v55  }
0x269: {  	v8 =	vld [tilespmem:$0x1EE70]  }
0x26a: {  	v57 =	vld [tilespmem:s28+$0x9D70]  }
0x26b: {  	v58 =	vld [tilespmem:s28+$0x13A70];
	_ =	sdelay $0x2  }
0x26c: {  	v59 =	vmul.f32 v8, v8  }
0x26d: {  	v9 =	vadd.f32 v56, v8;
	v8 =	vmax.f32 v57, v8  }
0x26e: {  	[tilespmem:s28+$0x9D70] =	vst v8;
	v60 =	vadd.f32 v58, v59  }
0x26f: {  	[tilespmem:s28+$0x70] =	vst v9  }
0x270: {  	[tilespmem:s28+$0x13A70] =	vst v60  }
0x271: {  	s29 =	spop (v2sf);
	v8 =	vld [tilespmem:$0x1EE80]  }
0x272: {  	v9 =	vld [tilespmem:s29+$0x0]  }
0x273: {  	v61 =	vld [tilespmem:s29+$0x9D00]  }
0x274: {  	v62 =	vld [tilespmem:s29+$0x13A00];
	_ =	sdelay $0x2  }
0x275: {  	v63 =	vmul.f32 v8, v8  }
0x276: {  	v9 =	vadd.f32 v9, v8;
	v8 =	vmax.f32 v61, v8  }
0x277: {  	[tilespmem:s29+$0x9D00] =	vst v8;
	v15 =	vadd.f32 v62, v63  }
0x278: {  	[tilespmem:s29+$0x0] =	vst v9  }
0x279: {  	v16 =	vld [tilespmem:s29+$0x10];
	[tilespmem:s29+$0x13A00] =	vst v15  }
0x27a: {  	v8 =	vld [tilespmem:$0x1EE90]  }
0x27b: {  	v17 =	vld [tilespmem:s29+$0x9D10]  }
0x27c: {  	v18 =	vld [tilespmem:s29+$0x13A10];
	_ =	sdelay $0x2  }
0x27d: {  	v19 =	vmul.f32 v8, v8  }
0x27e: {  	v9 =	vadd.f32 v16, v8;
	v8 =	vmax.f32 v17, v8  }
0x27f: {  	[tilespmem:s29+$0x9D10] =	vst v8;
	v20 =	vadd.f32 v18, v19  }
0x280: {  	[tilespmem:s29+$0x10] =	vst v9  }
0x281: {  	v21 =	vld [tilespmem:s29+$0x20];
	[tilespmem:s29+$0x13A10] =	vst v20  }
0x282: {  	v8 =	vld [tilespmem:$0x1EEA0]  }
0x283: {  	v22 =	vld [tilespmem:s29+$0x9D20]  }
0x284: {  	v23 =	vld [tilespmem:s29+$0x13A20];
	_ =	sdelay $0x2  }
0x285: {  	v24 =	vmul.f32 v8, v8  }
0x286: {  	v9 =	vadd.f32 v21, v8;
	v8 =	vmax.f32 v22, v8  }
0x287: {  	[tilespmem:s29+$0x9D20] =	vst v8;
	v25 =	vadd.f32 v23, v24  }
0x288: {  	[tilespmem:s29+$0x20] =	vst v9  }
0x289: {  	v26 =	vld [tilespmem:s29+$0x30];
	[tilespmem:s29+$0x13A20] =	vst v25  }
0x28a: {  	v8 =	vld [tilespmem:$0x1EEB0]  }
0x28b: {  	v27 =	vld [tilespmem:s29+$0x9D30]  }
0x28c: {  	v28 =	vld [tilespmem:s29+$0x13A30];
	_ =	sdelay $0x2  }
0x28d: {  	v29 =	vmul.f32 v8, v8  }
0x28e: {  	v9 =	vadd.f32 v26, v8;
	v8 =	vmax.f32 v27, v8  }
0x28f: {  	[tilespmem:s29+$0x9D30] =	vst v8;
	v30 =	vadd.f32 v28, v29  }
0x290: {  	[tilespmem:s29+$0x30] =	vst v9  }
0x291: {  	v31 =	vld [tilespmem:s29+$0x40];
	[tilespmem:s29+$0x13A30] =	vst v30  }
0x292: {  	v8 =	vld [tilespmem:$0x1EEC0]  }
0x293: {  	v32 =	vld [tilespmem:s29+$0x9D40]  }
0x294: {  	v33 =	vld [tilespmem:s29+$0x13A40];
	_ =	sdelay $0x2  }
0x295: {  	v34 =	vmul.f32 v8, v8  }
0x296: {  	v9 =	vadd.f32 v31, v8;
	v8 =	vmax.f32 v32, v8  }
0x297: {  	[tilespmem:s29+$0x9D40] =	vst v8;
	v35 =	vadd.f32 v33, v34  }
0x298: {  	[tilespmem:s29+$0x40] =	vst v9  }
0x299: {  	v36 =	vld [tilespmem:s29+$0x50];
	[tilespmem:s29+$0x13A40] =	vst v35  }
0x29a: {  	v8 =	vld [tilespmem:$0x1EED0]  }
0x29b: {  	v37 =	vld [tilespmem:s29+$0x9D50]  }
0x29c: {  	v38 =	vld [tilespmem:s29+$0x13A50];
	_ =	sdelay $0x2  }
0x29d: {  	v39 =	vmul.f32 v8, v8  }
0x29e: {  	v9 =	vadd.f32 v36, v8;
	v8 =	vmax.f32 v37, v8  }
0x29f: {  	[tilespmem:s29+$0x9D50] =	vst v8;
	v40 =	vadd.f32 v38, v39  }
0x2a0: {  	[tilespmem:s29+$0x50] =	vst v9  }
0x2a1: {  	v41 =	vld [tilespmem:s29+$0x60];
	[tilespmem:s29+$0x13A50] =	vst v40  }
0x2a2: {  	v8 =	vld [tilespmem:$0x1EEE0]  }
0x2a3: {  	v42 =	vld [tilespmem:s29+$0x9D60]  }
0x2a4: {  	v43 =	vld [tilespmem:s29+$0x13A60];
	_ =	sdelay $0x2  }
0x2a5: {  	(v2sf) =	vpush v7, $0x9;
	v44 =	vmul.f32 v8, v8  }
0x2a6: {  	v9 =	vadd.f32 v41, v8;
	v8 =	vmax.f32 v42, v8  }
0x2a7: {  	[tilespmem:s29+$0x9D60] =	vst v8;
	v45 =	vadd.f32 v43, v44  }
0x2a8: {  	[tilespmem:s29+$0x60] =	vst v9  }
0x2a9: {  	v46 =	vld [tilespmem:s29+$0x70];
	[tilespmem:s29+$0x13A60] =	vst v45  }
0x2aa: {  	v8 =	vld [tilespmem:$0x1EEF0]  }
0x2ab: {  	v47 =	vld [tilespmem:s29+$0x9D70]  }
0x2ac: {  	v48 =	vld [tilespmem:s29+$0x13A70];
	_ =	sdelay $0x2  }
0x2ad: {  	v49 =	vmul.f32 v8, v8  }
0x2ae: {  	v9 =	vadd.f32 v46, v8;
	v8 =	vmax.f32 v47, v8  }
0x2af: {  	[tilespmem:s29+$0x9D70] =	vst v8;
	v50 =	vadd.f32 v48, v49  }
0x2b0: {  	[tilespmem:s29+$0x70] =	vst v9  }
0x2b1: {  	[tilespmem:s29+$0x13A70] =	vst v50  }
0x2b2: {  	s30 =	spop (v2sf);
	v8 =	vld [tilespmem:$0x1EF00]  }
0x2b3: {  	v9 =	vld [tilespmem:s30+$0x0]  }
0x2b4: {  	v51 =	vld [tilespmem:s30+$0x9D00]  }
0x2b5: {  	v52 =	vld [tilespmem:s30+$0x13A00];
	_ =	sdelay $0x2  }
0x2b6: {  	v53 =	vmul.f32 v8, v8  }
0x2b7: {  	v9 =	vadd.f32 v9, v8;
	v8 =	vmax.f32 v51, v8  }
0x2b8: {  	[tilespmem:s30+$0x9D00] =	vst v8;
	v54 =	vadd.f32 v52, v53  }
0x2b9: {  	[tilespmem:s30+$0x0] =	vst v9  }
0x2ba: {  	v55 =	vld [tilespmem:s30+$0x10];
	[tilespmem:s30+$0x13A00] =	vst v54  }
0x2bb: {  	v8 =	vld [tilespmem:$0x1EF10]  }
0x2bc: {  	v56 =	vld [tilespmem:s30+$0x9D10]  }
0x2bd: {  	v57 =	vld [tilespmem:s30+$0x13A10];
	_ =	sdelay $0x2  }
0x2be: {  	v58 =	vmul.f32 v8, v8  }
0x2bf: {  	v9 =	vadd.f32 v55, v8;
	v8 =	vmax.f32 v56, v8  }
0x2c0: {  	[tilespmem:s30+$0x9D10] =	vst v8;
	v59 =	vadd.f32 v57, v58  }
0x2c1: {  	[tilespmem:s30+$0x10] =	vst v9  }
0x2c2: {  	v60 =	vld [tilespmem:s30+$0x20];
	[tilespmem:s30+$0x13A10] =	vst v59  }
0x2c3: {  	v8 =	vld [tilespmem:$0x1EF20]  }
0x2c4: {  	v61 =	vld [tilespmem:s30+$0x9D20]  }
0x2c5: {  	v62 =	vld [tilespmem:s30+$0x13A20];
	_ =	sdelay $0x2  }
0x2c6: {  	v63 =	vmul.f32 v8, v8  }
0x2c7: {  	v9 =	vadd.f32 v60, v8;
	v8 =	vmax.f32 v61, v8  }
0x2c8: {  	[tilespmem:s30+$0x9D20] =	vst v8;
	v15 =	vadd.f32 v62, v63  }
0x2c9: {  	[tilespmem:s30+$0x20] =	vst v9  }
0x2ca: {  	v16 =	vld [tilespmem:s30+$0x30];
	[tilespmem:s30+$0x13A20] =	vst v15  }
0x2cb: {  	v8 =	vld [tilespmem:$0x1EF30]  }
0x2cc: {  	v17 =	vld [tilespmem:s30+$0x9D30]  }
0x2cd: {  	v18 =	vld [tilespmem:s30+$0x13A30];
	_ =	sdelay $0x2  }
0x2ce: {  	v19 =	vmul.f32 v8, v8  }
0x2cf: {  	v9 =	vadd.f32 v16, v8;
	v8 =	vmax.f32 v17, v8  }
0x2d0: {  	[tilespmem:s30+$0x9D30] =	vst v8;
	v20 =	vadd.f32 v18, v19  }
0x2d1: {  	[tilespmem:s30+$0x30] =	vst v9  }
0x2d2: {  	v21 =	vld [tilespmem:s30+$0x40];
	[tilespmem:s30+$0x13A30] =	vst v20  }
0x2d3: {  	v8 =	vld [tilespmem:$0x1EF40]  }
0x2d4: {  	v22 =	vld [tilespmem:s30+$0x9D40]  }
0x2d5: {  	v23 =	vld [tilespmem:s30+$0x13A40];
	_ =	sdelay $0x2  }
0x2d6: {  	v24 =	vmul.f32 v8, v8  }
0x2d7: {  	v9 =	vadd.f32 v21, v8;
	v8 =	vmax.f32 v22, v8  }
0x2d8: {  	[tilespmem:s30+$0x9D40] =	vst v8;
	v25 =	vadd.f32 v23, v24  }
0x2d9: {  	[tilespmem:s30+$0x40] =	vst v9  }
0x2da: {  	v26 =	vld [tilespmem:s30+$0x50];
	[tilespmem:s30+$0x13A40] =	vst v25  }
0x2db: {  	v8 =	vld [tilespmem:$0x1EF50]  }
0x2dc: {  	v27 =	vld [tilespmem:s30+$0x9D50]  }
0x2dd: {  	v28 =	vld [tilespmem:s30+$0x13A50];
	_ =	sdelay $0x2  }
0x2de: {  	v29 =	vmul.f32 v8, v8  }
0x2df: {  	v9 =	vadd.f32 v26, v8;
	v8 =	vmax.f32 v27, v8  }
0x2e0: {  	[tilespmem:s30+$0x9D50] =	vst v8;
	v30 =	vadd.f32 v28, v29  }
0x2e1: {  	[tilespmem:s30+$0x50] =	vst v9  }
0x2e2: {  	v31 =	vld [tilespmem:s30+$0x60];
	[tilespmem:s30+$0x13A50] =	vst v30  }
0x2e3: {  	v8 =	vld [tilespmem:$0x1EF60]  }
0x2e4: {  	v32 =	vld [tilespmem:s30+$0x9D60]  }
0x2e5: {  	v33 =	vld [tilespmem:s30+$0x13A60];
	_ =	sdelay $0x2  }
0x2e6: {  	(v2sf) =	vpush v7, $0xA;
	v34 =	vmul.f32 v8, v8  }
0x2e7: {  	v9 =	vadd.f32 v31, v8;
	v8 =	vmax.f32 v32, v8  }
0x2e8: {  	[tilespmem:s30+$0x9D60] =	vst v8;
	v35 =	vadd.f32 v33, v34  }
0x2e9: {  	[tilespmem:s30+$0x60] =	vst v9  }
0x2ea: {  	v36 =	vld [tilespmem:s30+$0x70];
	[tilespmem:s30+$0x13A60] =	vst v35  }
0x2eb: {  	v8 =	vld [tilespmem:$0x1EF70]  }
0x2ec: {  	v37 =	vld [tilespmem:s30+$0x9D70]  }
0x2ed: {  	v38 =	vld [tilespmem:s30+$0x13A70];
	_ =	sdelay $0x2  }
0x2ee: {  	v39 =	vmul.f32 v8, v8  }
0x2ef: {  	v9 =	vadd.f32 v36, v8;
	v8 =	vmax.f32 v37, v8  }
0x2f0: {  	[tilespmem:s30+$0x9D70] =	vst v8;
	v40 =	vadd.f32 v38, v39  }
0x2f1: {  	[tilespmem:s30+$0x70] =	vst v9  }
0x2f2: {  	[tilespmem:s30+$0x13A70] =	vst v40  }
0x2f3: {  	s31 =	spop (v2sf);
	v8 =	vld [tilespmem:$0x1EF80]  }
0x2f4: {  	v9 =	vld [tilespmem:s31+$0x0]  }
0x2f5: {  	v41 =	vld [tilespmem:s31+$0x9D00]  }
0x2f6: {  	v42 =	vld [tilespmem:s31+$0x13A00];
	_ =	sdelay $0x2  }
0x2f7: {  	v43 =	vmul.f32 v8, v8  }
0x2f8: {  	v9 =	vadd.f32 v9, v8;
	v8 =	vmax.f32 v41, v8  }
0x2f9: {  	[tilespmem:s31+$0x9D00] =	vst v8;
	v44 =	vadd.f32 v42, v43  }
0x2fa: {  	[tilespmem:s31+$0x0] =	vst v9  }
0x2fb: {  	v45 =	vld [tilespmem:s31+$0x10];
	[tilespmem:s31+$0x13A00] =	vst v44  }
0x2fc: {  	v8 =	vld [tilespmem:$0x1EF90]  }
0x2fd: {  	v46 =	vld [tilespmem:s31+$0x9D10]  }
0x2fe: {  	v47 =	vld [tilespmem:s31+$0x13A10];
	_ =	sdelay $0x2  }
0x2ff: {  	v48 =	vmul.f32 v8, v8  }
0x300: {  	v9 =	vadd.f32 v45, v8;
	v8 =	vmax.f32 v46, v8  }
0x301: {  	[tilespmem:s31+$0x9D10] =	vst v8;
	v49 =	vadd.f32 v47, v48  }
0x302: {  	[tilespmem:s31+$0x10] =	vst v9  }
0x303: {  	v50 =	vld [tilespmem:s31+$0x20];
	[tilespmem:s31+$0x13A10] =	vst v49  }
0x304: {  	v8 =	vld [tilespmem:$0x1EFA0]  }
0x305: {  	v51 =	vld [tilespmem:s31+$0x9D20]  }
0x306: {  	v52 =	vld [tilespmem:s31+$0x13A20];
	_ =	sdelay $0x2  }
0x307: {  	v53 =	vmul.f32 v8, v8  }
0x308: {  	v9 =	vadd.f32 v50, v8;
	v8 =	vmax.f32 v51, v8  }
0x309: {  	[tilespmem:s31+$0x9D20] =	vst v8;
	v54 =	vadd.f32 v52, v53  }
0x30a: {  	[tilespmem:s31+$0x20] =	vst v9  }
0x30b: {  	v55 =	vld [tilespmem:s31+$0x30];
	[tilespmem:s31+$0x13A20] =	vst v54  }
0x30c: {  	v8 =	vld [tilespmem:$0x1EFB0]  }
0x30d: {  	v56 =	vld [tilespmem:s31+$0x9D30]  }
0x30e: {  	v57 =	vld [tilespmem:s31+$0x13A30];
	_ =	sdelay $0x2  }
0x30f: {  	v58 =	vmul.f32 v8, v8  }
0x310: {  	v9 =	vadd.f32 v55, v8;
	v8 =	vmax.f32 v56, v8  }
0x311: {  	[tilespmem:s31+$0x9D30] =	vst v8;
	v59 =	vadd.f32 v57, v58  }
0x312: {  	[tilespmem:s31+$0x30] =	vst v9  }
0x313: {  	v60 =	vld [tilespmem:s31+$0x40];
	[tilespmem:s31+$0x13A30] =	vst v59  }
0x314: {  	v8 =	vld [tilespmem:$0x1EFC0]  }
0x315: {  	v61 =	vld [tilespmem:s31+$0x9D40]  }
0x316: {  	v62 =	vld [tilespmem:s31+$0x13A40];
	_ =	sdelay $0x2  }
0x317: {  	v63 =	vmul.f32 v8, v8  }
0x318: {  	v9 =	vadd.f32 v60, v8;
	v8 =	vmax.f32 v61, v8  }
0x319: {  	[tilespmem:s31+$0x9D40] =	vst v8;
	v15 =	vadd.f32 v62, v63  }
0x31a: {  	[tilespmem:s31+$0x40] =	vst v9  }
0x31b: {  	v16 =	vld [tilespmem:s31+$0x50];
	[tilespmem:s31+$0x13A40] =	vst v15  }
0x31c: {  	v8 =	vld [tilespmem:$0x1EFD0]  }
0x31d: {  	v17 =	vld [tilespmem:s31+$0x9D50]  }
0x31e: {  	v18 =	vld [tilespmem:s31+$0x13A50];
	_ =	sdelay $0x2  }
0x31f: {  	v19 =	vmul.f32 v8, v8  }
0x320: {  	v9 =	vadd.f32 v16, v8;
	v8 =	vmax.f32 v17, v8  }
0x321: {  	[tilespmem:s31+$0x9D50] =	vst v8;
	v20 =	vadd.f32 v18, v19  }
0x322: {  	[tilespmem:s31+$0x50] =	vst v9  }
0x323: {  	v21 =	vld [tilespmem:s31+$0x60];
	[tilespmem:s31+$0x13A50] =	vst v20  }
0x324: {  	v8 =	vld [tilespmem:$0x1EFE0]  }
0x325: {  	v22 =	vld [tilespmem:s31+$0x9D60]  }
0x326: {  	v23 =	vld [tilespmem:s31+$0x13A60];
	_ =	sdelay $0x2  }
0x327: {  	(v2sf) =	vpush v7, $0xB;
	v24 =	vmul.f32 v8, v8  }
0x328: {  	v9 =	vadd.f32 v21, v8;
	v8 =	vmax.f32 v22, v8  }
0x329: {  	[tilespmem:s31+$0x9D60] =	vst v8;
	v25 =	vadd.f32 v23, v24  }
0x32a: {  	[tilespmem:s31+$0x60] =	vst v9  }
0x32b: {  	v26 =	vld [tilespmem:s31+$0x70];
	[tilespmem:s31+$0x13A60] =	vst v25  }
0x32c: {  	v8 =	vld [tilespmem:$0x1EFF0]  }
0x32d: {  	v27 =	vld [tilespmem:s31+$0x9D70]  }
0x32e: {  	v28 =	vld [tilespmem:s31+$0x13A70];
	_ =	sdelay $0x2  }
0x32f: {  	v29 =	vmul.f32 v8, v8  }
0x330: {  	v9 =	vadd.f32 v26, v8;
	v8 =	vmax.f32 v27, v8  }
0x331: {  	[tilespmem:s31+$0x9D70] =	vst v8;
	v30 =	vadd.f32 v28, v29  }
0x332: {  	[tilespmem:s31+$0x70] =	vst v9  }
0x333: {  	[tilespmem:s31+$0x13A70] =	vst v30  }
0x334: {  	s26 =	spop (v2sf);
	v8 =	vld [tilespmem:$0x1F000]  }
0x335: {  	v9 =	vld [tilespmem:s26+$0x0]  }
0x336: {  	v31 =	vld [tilespmem:s26+$0x9D00]  }
0x337: {  	v32 =	vld [tilespmem:s26+$0x13A00];
	_ =	sdelay $0x2  }
0x338: {  	v33 =	vmul.f32 v8, v8  }
0x339: {  	v9 =	vadd.f32 v9, v8;
	v8 =	vmax.f32 v31, v8  }
0x33a: {  	[tilespmem:s26+$0x9D00] =	vst v8;
	v34 =	vadd.f32 v32, v33  }
0x33b: {  	[tilespmem:s26+$0x0] =	vst v9  }
0x33c: {  	v35 =	vld [tilespmem:s26+$0x10];
	[tilespmem:s26+$0x13A00] =	vst v34  }
0x33d: {  	v8 =	vld [tilespmem:$0x1F010]  }
0x33e: {  	v36 =	vld [tilespmem:s26+$0x9D10]  }
0x33f: {  	v37 =	vld [tilespmem:s26+$0x13A10];
	_ =	sdelay $0x2  }
0x340: {  	v38 =	vmul.f32 v8, v8  }
0x341: {  	v9 =	vadd.f32 v35, v8;
	v8 =	vmax.f32 v36, v8  }
0x342: {  	[tilespmem:s26+$0x9D10] =	vst v8;
	v39 =	vadd.f32 v37, v38  }
0x343: {  	[tilespmem:s26+$0x10] =	vst v9  }
0x344: {  	v40 =	vld [tilespmem:s26+$0x20];
	[tilespmem:s26+$0x13A10] =	vst v39  }
0x345: {  	v8 =	vld [tilespmem:$0x1F020]  }
0x346: {  	v41 =	vld [tilespmem:s26+$0x9D20]  }
0x347: {  	v42 =	vld [tilespmem:s26+$0x13A20];
	_ =	sdelay $0x2  }
0x348: {  	v43 =	vmul.f32 v8, v8  }
0x349: {  	v9 =	vadd.f32 v40, v8;
	v8 =	vmax.f32 v41, v8  }
0x34a: {  	[tilespmem:s26+$0x9D20] =	vst v8;
	v44 =	vadd.f32 v42, v43  }
0x34b: {  	[tilespmem:s26+$0x20] =	vst v9  }
0x34c: {  	v45 =	vld [tilespmem:s26+$0x30];
	[tilespmem:s26+$0x13A20] =	vst v44  }
0x34d: {  	v8 =	vld [tilespmem:$0x1F030]  }
0x34e: {  	v46 =	vld [tilespmem:s26+$0x9D30]  }
0x34f: {  	v47 =	vld [tilespmem:s26+$0x13A30];
	_ =	sdelay $0x2  }
0x350: {  	v48 =	vmul.f32 v8, v8  }
0x351: {  	v9 =	vadd.f32 v45, v8;
	v8 =	vmax.f32 v46, v8  }
0x352: {  	[tilespmem:s26+$0x9D30] =	vst v8;
	v49 =	vadd.f32 v47, v48  }
0x353: {  	[tilespmem:s26+$0x30] =	vst v9  }
0x354: {  	v50 =	vld [tilespmem:s26+$0x40];
	[tilespmem:s26+$0x13A30] =	vst v49  }
0x355: {  	v8 =	vld [tilespmem:$0x1F040]  }
0x356: {  	v51 =	vld [tilespmem:s26+$0x9D40]  }
0x357: {  	v52 =	vld [tilespmem:s26+$0x13A40];
	_ =	sdelay $0x2  }
0x358: {  	v53 =	vmul.f32 v8, v8  }
0x359: {  	v9 =	vadd.f32 v50, v8;
	v8 =	vmax.f32 v51, v8  }
0x35a: {  	[tilespmem:s26+$0x9D40] =	vst v8;
	v54 =	vadd.f32 v52, v53  }
0x35b: {  	[tilespmem:s26+$0x40] =	vst v9  }
0x35c: {  	v55 =	vld [tilespmem:s26+$0x50];
	[tilespmem:s26+$0x13A40] =	vst v54  }
0x35d: {  	v8 =	vld [tilespmem:$0x1F050]  }
0x35e: {  	v56 =	vld [tilespmem:s26+$0x9D50]  }
0x35f: {  	v57 =	vld [tilespmem:s26+$0x13A50];
	_ =	sdelay $0x2  }
0x360: {  	v58 =	vmul.f32 v8, v8  }
0x361: {  	v9 =	vadd.f32 v55, v8;
	v8 =	vmax.f32 v56, v8  }
0x362: {  	[tilespmem:s26+$0x9D50] =	vst v8;
	v59 =	vadd.f32 v57, v58  }
0x363: {  	[tilespmem:s26+$0x50] =	vst v9  }
0x364: {  	v60 =	vld [tilespmem:s26+$0x60];
	[tilespmem:s26+$0x13A50] =	vst v59  }
0x365: {  	v8 =	vld [tilespmem:$0x1F060]  }
0x366: {  	v61 =	vld [tilespmem:s26+$0x9D60]  }
0x367: {  	v62 =	vld [tilespmem:s26+$0x13A60];
	_ =	sdelay $0x2  }
0x368: {  	(v2sf) =	vpush v7, $0xC;
	v63 =	vmul.f32 v8, v8  }
0x369: {  	v9 =	vadd.f32 v60, v8;
	v8 =	vmax.f32 v61, v8  }
0x36a: {  	[tilespmem:s26+$0x9D60] =	vst v8;
	v16 =	vadd.f32 v62, v63  }
0x36b: {  	[tilespmem:s26+$0x60] =	vst v9  }
0x36c: {  	v17 =	vld [tilespmem:s26+$0x70];
	[tilespmem:s26+$0x13A60] =	vst v16  }
0x36d: {  	v8 =	vld [tilespmem:$0x1F070]  }
0x36e: {  	v18 =	vld [tilespmem:s26+$0x9D70]  }
0x36f: {  	v19 =	vld [tilespmem:s26+$0x13A70];
	_ =	sdelay $0x2  }
0x370: {  	v20 =	vmul.f32 v8, v8  }
0x371: {  	v9 =	vadd.f32 v17, v8;
	v8 =	vmax.f32 v18, v8  }
0x372: {  	[tilespmem:s26+$0x9D70] =	vst v8;
	v21 =	vadd.f32 v19, v20  }
0x373: {  	[tilespmem:s26+$0x70] =	vst v9  }
0x374: {  	[tilespmem:s26+$0x13A70] =	vst v21  }
0x375: {  	s28 =	spop (v2sf);
	v8 =	vld [tilespmem:$0x1F080]  }
0x376: {  	v9 =	vld [tilespmem:s28+$0x0]  }
0x377: {  	v22 =	vld [tilespmem:s28+$0x9D00]  }
0x378: {  	v23 =	vld [tilespmem:s28+$0x13A00];
	_ =	sdelay $0x2  }
0x379: {  	v24 =	vmul.f32 v8, v8  }
0x37a: {  	v9 =	vadd.f32 v9, v8;
	v8 =	vmax.f32 v22, v8  }
0x37b: {  	[tilespmem:s28+$0x9D00] =	vst v8;
	v25 =	vadd.f32 v23, v24  }
0x37c: {  	[tilespmem:s28+$0x0] =	vst v9  }
0x37d: {  	v26 =	vld [tilespmem:s28+$0x10];
	[tilespmem:s28+$0x13A00] =	vst v25  }
0x37e: {  	v8 =	vld [tilespmem:$0x1F090]  }
0x37f: {  	v27 =	vld [tilespmem:s28+$0x9D10]  }
0x380: {  	v28 =	vld [tilespmem:s28+$0x13A10];
	_ =	sdelay $0x2  }
0x381: {  	v29 =	vmul.f32 v8, v8  }
0x382: {  	v9 =	vadd.f32 v26, v8;
	v8 =	vmax.f32 v27, v8  }
0x383: {  	[tilespmem:s28+$0x9D10] =	vst v8;
	v30 =	vadd.f32 v28, v29  }
0x384: {  	[tilespmem:s28+$0x10] =	vst v9  }
0x385: {  	v31 =	vld [tilespmem:s28+$0x20];
	[tilespmem:s28+$0x13A10] =	vst v30  }
0x386: {  	v8 =	vld [tilespmem:$0x1F0A0]  }
0x387: {  	v32 =	vld [tilespmem:s28+$0x9D20]  }
0x388: {  	v33 =	vld [tilespmem:s28+$0x13A20];
	_ =	sdelay $0x2  }
0x389: {  	v34 =	vmul.f32 v8, v8  }
0x38a: {  	v9 =	vadd.f32 v31, v8;
	v8 =	vmax.f32 v32, v8  }
0x38b: {  	[tilespmem:s28+$0x9D20] =	vst v8;
	v35 =	vadd.f32 v33, v34  }
0x38c: {  	[tilespmem:s28+$0x20] =	vst v9  }
0x38d: {  	v36 =	vld [tilespmem:s28+$0x30];
	[tilespmem:s28+$0x13A20] =	vst v35  }
0x38e: {  	v8 =	vld [tilespmem:$0x1F0B0]  }
0x38f: {  	v37 =	vld [tilespmem:s28+$0x9D30]  }
0x390: {  	v38 =	vld [tilespmem:s28+$0x13A30];
	_ =	sdelay $0x2  }
0x391: {  	v39 =	vmul.f32 v8, v8  }
0x392: {  	v9 =	vadd.f32 v36, v8;
	v8 =	vmax.f32 v37, v8  }
0x393: {  	[tilespmem:s28+$0x9D30] =	vst v8;
	v40 =	vadd.f32 v38, v39  }
0x394: {  	[tilespmem:s28+$0x30] =	vst v9  }
0x395: {  	v41 =	vld [tilespmem:s28+$0x40];
	[tilespmem:s28+$0x13A30] =	vst v40  }
0x396: {  	v8 =	vld [tilespmem:$0x1F0C0]  }
0x397: {  	v42 =	vld [tilespmem:s28+$0x9D40]  }
0x398: {  	v43 =	vld [tilespmem:s28+$0x13A40];
	_ =	sdelay $0x2  }
0x399: {  	v44 =	vmul.f32 v8, v8  }
0x39a: {  	v9 =	vadd.f32 v41, v8;
	v8 =	vmax.f32 v42, v8  }
0x39b: {  	[tilespmem:s28+$0x9D40] =	vst v8;
	v45 =	vadd.f32 v43, v44  }
0x39c: {  	[tilespmem:s28+$0x40] =	vst v9  }
0x39d: {  	v46 =	vld [tilespmem:s28+$0x50];
	[tilespmem:s28+$0x13A40] =	vst v45  }
0x39e: {  	v8 =	vld [tilespmem:$0x1F0D0]  }
0x39f: {  	v47 =	vld [tilespmem:s28+$0x9D50]  }
0x3a0: {  	v48 =	vld [tilespmem:s28+$0x13A50];
	_ =	sdelay $0x2  }
0x3a1: {  	v49 =	vmul.f32 v8, v8  }
0x3a2: {  	v9 =	vadd.f32 v46, v8;
	v8 =	vmax.f32 v47, v8  }
0x3a3: {  	[tilespmem:s28+$0x9D50] =	vst v8;
	v50 =	vadd.f32 v48, v49  }
0x3a4: {  	[tilespmem:s28+$0x50] =	vst v9  }
0x3a5: {  	v51 =	vld [tilespmem:s28+$0x60];
	[tilespmem:s28+$0x13A50] =	vst v50  }
0x3a6: {  	v8 =	vld [tilespmem:$0x1F0E0]  }
0x3a7: {  	v52 =	vld [tilespmem:s28+$0x9D60]  }
0x3a8: {  	v53 =	vld [tilespmem:s28+$0x13A60];
	_ =	sdelay $0x2  }
0x3a9: {  	(v2sf) =	vpush v7, $0xD;
	v54 =	vmul.f32 v8, v8  }
0x3aa: {  	v9 =	vadd.f32 v51, v8;
	v8 =	vmax.f32 v52, v8  }
0x3ab: {  	[tilespmem:s28+$0x9D60] =	vst v8;
	v55 =	vadd.f32 v53, v54  }
0x3ac: {  	[tilespmem:s28+$0x60] =	vst v9  }
0x3ad: {  	v56 =	vld [tilespmem:s28+$0x70];
	[tilespmem:s28+$0x13A60] =	vst v55  }
0x3ae: {  	v8 =	vld [tilespmem:$0x1F0F0]  }
0x3af: {  	v57 =	vld [tilespmem:s28+$0x9D70]  }
0x3b0: {  	v58 =	vld [tilespmem:s28+$0x13A70];
	_ =	sdelay $0x2  }
0x3b1: {  	v59 =	vmul.f32 v8, v8  }
0x3b2: {  	v9 =	vadd.f32 v56, v8;
	v8 =	vmax.f32 v57, v8  }
0x3b3: {  	[tilespmem:s28+$0x9D70] =	vst v8;
	v60 =	vadd.f32 v58, v59  }
0x3b4: {  	[tilespmem:s28+$0x70] =	vst v9  }
0x3b5: {  	[tilespmem:s28+$0x13A70] =	vst v60  }
0x3b6: {  	s29 =	spop (v2sf);
	v8 =	vld [tilespmem:$0x1F100]  }
0x3b7: {  	v9 =	vld [tilespmem:s29+$0x0]  }
0x3b8: {  	v61 =	vld [tilespmem:s29+$0x9D00]  }
0x3b9: {  	v62 =	vld [tilespmem:s29+$0x13A00];
	_ =	sdelay $0x2  }
0x3ba: {  	v63 =	vmul.f32 v8, v8  }
0x3bb: {  	v9 =	vadd.f32 v9, v8;
	v8 =	vmax.f32 v61, v8  }
0x3bc: {  	[tilespmem:s29+$0x9D00] =	vst v8;
	v16 =	vadd.f32 v62, v63  }
0x3bd: {  	[tilespmem:s29+$0x0] =	vst v9  }
0x3be: {  	v17 =	vld [tilespmem:s29+$0x10];
	[tilespmem:s29+$0x13A00] =	vst v16  }
0x3bf: {  	v8 =	vld [tilespmem:$0x1F110]  }
0x3c0: {  	v18 =	vld [tilespmem:s29+$0x9D10]  }
0x3c1: {  	v19 =	vld [tilespmem:s29+$0x13A10];
	_ =	sdelay $0x2  }
0x3c2: {  	v20 =	vmul.f32 v8, v8  }
0x3c3: {  	v9 =	vadd.f32 v17, v8;
	v8 =	vmax.f32 v18, v8  }
0x3c4: {  	[tilespmem:s29+$0x9D10] =	vst v8;
	v21 =	vadd.f32 v19, v20  }
0x3c5: {  	[tilespmem:s29+$0x10] =	vst v9  }
0x3c6: {  	v22 =	vld [tilespmem:s29+$0x20];
	[tilespmem:s29+$0x13A10] =	vst v21  }
0x3c7: {  	v8 =	vld [tilespmem:$0x1F120]  }
0x3c8: {  	v23 =	vld [tilespmem:s29+$0x9D20]  }
0x3c9: {  	v24 =	vld [tilespmem:s29+$0x13A20];
	_ =	sdelay $0x2  }
0x3ca: {  	v25 =	vmul.f32 v8, v8  }
0x3cb: {  	v9 =	vadd.f32 v22, v8;
	v8 =	vmax.f32 v23, v8  }
0x3cc: {  	[tilespmem:s29+$0x9D20] =	vst v8;
	v26 =	vadd.f32 v24, v25  }
0x3cd: {  	[tilespmem:s29+$0x20] =	vst v9  }
0x3ce: {  	v27 =	vld [tilespmem:s29+$0x30];
	[tilespmem:s29+$0x13A20] =	vst v26  }
0x3cf: {  	v8 =	vld [tilespmem:$0x1F130]  }
0x3d0: {  	v28 =	vld [tilespmem:s29+$0x9D30]  }
0x3d1: {  	v29 =	vld [tilespmem:s29+$0x13A30];
	_ =	sdelay $0x2  }
0x3d2: {  	v30 =	vmul.f32 v8, v8  }
0x3d3: {  	v9 =	vadd.f32 v27, v8;
	v8 =	vmax.f32 v28, v8  }
0x3d4: {  	[tilespmem:s29+$0x9D30] =	vst v8;
	v31 =	vadd.f32 v29, v30  }
0x3d5: {  	[tilespmem:s29+$0x30] =	vst v9  }
0x3d6: {  	v32 =	vld [tilespmem:s29+$0x40];
	[tilespmem:s29+$0x13A30] =	vst v31  }
0x3d7: {  	v8 =	vld [tilespmem:$0x1F140]  }
0x3d8: {  	v33 =	vld [tilespmem:s29+$0x9D40]  }
0x3d9: {  	v34 =	vld [tilespmem:s29+$0x13A40];
	_ =	sdelay $0x2  }
0x3da: {  	v35 =	vmul.f32 v8, v8  }
0x3db: {  	v9 =	vadd.f32 v32, v8;
	v8 =	vmax.f32 v33, v8  }
0x3dc: {  	[tilespmem:s29+$0x9D40] =	vst v8;
	v36 =	vadd.f32 v34, v35  }
0x3dd: {  	[tilespmem:s29+$0x40] =	vst v9  }
0x3de: {  	v37 =	vld [tilespmem:s29+$0x50];
	[tilespmem:s29+$0x13A40] =	vst v36  }
0x3df: {  	v8 =	vld [tilespmem:$0x1F150]  }
0x3e0: {  	v38 =	vld [tilespmem:s29+$0x9D50]  }
0x3e1: {  	v39 =	vld [tilespmem:s29+$0x13A50];
	_ =	sdelay $0x2  }
0x3e2: {  	v40 =	vmul.f32 v8, v8  }
0x3e3: {  	v9 =	vadd.f32 v37, v8;
	v8 =	vmax.f32 v38, v8  }
0x3e4: {  	[tilespmem:s29+$0x9D50] =	vst v8;
	v41 =	vadd.f32 v39, v40  }
0x3e5: {  	[tilespmem:s29+$0x50] =	vst v9  }
0x3e6: {  	v42 =	vld [tilespmem:s29+$0x60];
	[tilespmem:s29+$0x13A50] =	vst v41  }
0x3e7: {  	v8 =	vld [tilespmem:$0x1F160]  }
0x3e8: {  	v43 =	vld [tilespmem:s29+$0x9D60]  }
0x3e9: {  	v44 =	vld [tilespmem:s29+$0x13A60];
	_ =	sdelay $0x2  }
0x3ea: {  	(v2sf) =	vpush v7, $0xE;
	v45 =	vmul.f32 v8, v8  }
0x3eb: {  	v9 =	vadd.f32 v42, v8;
	v8 =	vmax.f32 v43, v8  }
0x3ec: {  	[tilespmem:s29+$0x9D60] =	vst v8;
	v46 =	vadd.f32 v44, v45  }
0x3ed: {  	[tilespmem:s29+$0x60] =	vst v9  }
0x3ee: {  	v47 =	vld [tilespmem:s29+$0x70];
	[tilespmem:s29+$0x13A60] =	vst v46  }
0x3ef: {  	v8 =	vld [tilespmem:$0x1F170]  }
0x3f0: {  	v48 =	vld [tilespmem:s29+$0x9D70]  }
0x3f1: {  	v49 =	vld [tilespmem:s29+$0x13A70];
	_ =	sdelay $0x2  }
0x3f2: {  	v50 =	vmul.f32 v8, v8  }
0x3f3: {  	v9 =	vadd.f32 v47, v8;
	v8 =	vmax.f32 v48, v8  }
0x3f4: {  	[tilespmem:s29+$0x9D70] =	vst v8;
	v51 =	vadd.f32 v49, v50  }
0x3f5: {  	[tilespmem:s29+$0x70] =	vst v9  }
0x3f6: {  	[tilespmem:s29+$0x13A70] =	vst v51  }
0x3f7: {  	s30 =	spop (v2sf);
	v8 =	vld [tilespmem:$0x1F180]  }
0x3f8: {  	v9 =	vld [tilespmem:s30+$0x0]  }
0x3f9: {  	v52 =	vld [tilespmem:s30+$0x9D00]  }
0x3fa: {  	v53 =	vld [tilespmem:s30+$0x13A00];
	_ =	sdelay $0x2  }
0x3fb: {  	v54 =	vmul.f32 v8, v8  }
0x3fc: {  	v9 =	vadd.f32 v9, v8;
	v8 =	vmax.f32 v52, v8  }
0x3fd: {  	[tilespmem:s30+$0x9D00] =	vst v8;
	v55 =	vadd.f32 v53, v54  }
0x3fe: {  	[tilespmem:s30+$0x0] =	vst v9  }
0x3ff: {  	v56 =	vld [tilespmem:s30+$0x10];
	[tilespmem:s30+$0x13A00] =	vst v55  }
0x400: {  	v8 =	vld [tilespmem:$0x1F190]  }
0x401: {  	v57 =	vld [tilespmem:s30+$0x9D10]  }
0x402: {  	v58 =	vld [tilespmem:s30+$0x13A10];
	_ =	sdelay $0x2  }
0x403: {  	v59 =	vmul.f32 v8, v8  }
0x404: {  	v9 =	vadd.f32 v56, v8;
	v8 =	vmax.f32 v57, v8  }
0x405: {  	[tilespmem:s30+$0x9D10] =	vst v8;
	v60 =	vadd.f32 v58, v59  }
0x406: {  	[tilespmem:s30+$0x10] =	vst v9  }
0x407: {  	v61 =	vld [tilespmem:s30+$0x20];
	[tilespmem:s30+$0x13A10] =	vst v60  }
0x408: {  	v8 =	vld [tilespmem:$0x1F1A0]  }
0x409: {  	v62 =	vld [tilespmem:s30+$0x9D20]  }
0x40a: {  	v63 =	vld [tilespmem:s30+$0x13A20];
	_ =	sdelay $0x2  }
0x40b: {  	v16 =	vmul.f32 v8, v8  }
0x40c: {  	v9 =	vadd.f32 v61, v8;
	v8 =	vmax.f32 v62, v8  }
0x40d: {  	[tilespmem:s30+$0x9D20] =	vst v8;
	v17 =	vadd.f32 v63, v16  }
0x40e: {  	[tilespmem:s30+$0x20] =	vst v9  }
0x40f: {  	v18 =	vld [tilespmem:s30+$0x30];
	[tilespmem:s30+$0x13A20] =	vst v17  }
0x410: {  	v8 =	vld [tilespmem:$0x1F1B0]  }
0x411: {  	v19 =	vld [tilespmem:s30+$0x9D30]  }
0x412: {  	v20 =	vld [tilespmem:s30+$0x13A30];
	_ =	sdelay $0x2  }
0x413: {  	v21 =	vmul.f32 v8, v8  }
0x414: {  	v9 =	vadd.f32 v18, v8;
	v8 =	vmax.f32 v19, v8  }
0x415: {  	[tilespmem:s30+$0x9D30] =	vst v8;
	v22 =	vadd.f32 v20, v21  }
0x416: {  	[tilespmem:s30+$0x30] =	vst v9  }
0x417: {  	v23 =	vld [tilespmem:s30+$0x40];
	[tilespmem:s30+$0x13A30] =	vst v22  }
0x418: {  	v8 =	vld [tilespmem:$0x1F1C0]  }
0x419: {  	v24 =	vld [tilespmem:s30+$0x9D40]  }
0x41a: {  	v25 =	vld [tilespmem:s30+$0x13A40];
	_ =	sdelay $0x2  }
0x41b: {  	v26 =	vmul.f32 v8, v8  }
0x41c: {  	v9 =	vadd.f32 v23, v8;
	v8 =	vmax.f32 v24, v8  }
0x41d: {  	[tilespmem:s30+$0x9D40] =	vst v8;
	v27 =	vadd.f32 v25, v26  }
0x41e: {  	[tilespmem:s30+$0x40] =	vst v9  }
0x41f: {  	v28 =	vld [tilespmem:s30+$0x50];
	[tilespmem:s30+$0x13A40] =	vst v27  }
0x420: {  	v8 =	vld [tilespmem:$0x1F1D0]  }
0x421: {  	v29 =	vld [tilespmem:s30+$0x9D50]  }
0x422: {  	v30 =	vld [tilespmem:s30+$0x13A50];
	_ =	sdelay $0x2  }
0x423: {  	v31 =	vmul.f32 v8, v8  }
0x424: {  	v9 =	vadd.f32 v28, v8;
	v8 =	vmax.f32 v29, v8  }
0x425: {  	[tilespmem:s30+$0x9D50] =	vst v8;
	v32 =	vadd.f32 v30, v31  }
0x426: {  	[tilespmem:s30+$0x50] =	vst v9  }
0x427: {  	v33 =	vld [tilespmem:s30+$0x60];
	[tilespmem:s30+$0x13A50] =	vst v32  }
0x428: {  	v8 =	vld [tilespmem:$0x1F1E0]  }
0x429: {  	v34 =	vld [tilespmem:s30+$0x9D60]  }
0x42a: {  	v35 =	vld [tilespmem:s30+$0x13A60];
	_ =	sdelay $0x2  }
0x42b: {  	(v2sf) =	vpush v7, $0xF;
	v36 =	vmul.f32 v8, v8  }
0x42c: {  	v9 =	vadd.f32 v33, v8;
	v7 =	vmax.f32 v34, v8  }
0x42d: {  	[tilespmem:s30+$0x9D60] =	vst v7;
	v8 =	vadd.f32 v35, v36  }
0x42e: {  	[tilespmem:s30+$0x60] =	vst v9  }
0x42f: {  	[tilespmem:s30+$0x13A60] =	vst v8;
	v8 =	vld [tilespmem:s30+$0x70]  }
0x430: {  	v7 =	vld [tilespmem:$0x1F1F0]  }
0x431: {  	v37 =	vld [tilespmem:s30+$0x9D70]  }
0x432: {  	v38 =	vld [tilespmem:s30+$0x13A70];
	_ =	sdelay $0x2  }
0x433: {  	v8 =	vadd.f32 v8, v7;
	v39 =	vmul.f32 v7, v7;
	_ =	sdelay $0x1  }
0x434: {  	v7 =	vmax.f32 v37, v7;
	[tilespmem:s30+$0x70] =	vst v8;
	v8 =	vadd.f32 v38, v39  }
0x435: {  	[tilespmem:s30+$0x9D70] =	vst v7  }
0x436: {  	[tilespmem:s30+$0x13A70] =	vst v8  }
0x437: {  	s31 =	spop (v2sf);
	v7 =	vld [tilespmem:$0x1F200]  }
0x438: {  	v8 =	vld [tilespmem:s31+$0x0]  }
0x439: {  	v40 =	vld [tilespmem:s31+$0x9D00]  }
0x43a: {  	v41 =	vld [tilespmem:s31+$0x13A00];
	_ =	sdelay $0x2  }
0x43b: {  	v8 =	vadd.f32 v8, v7;
	v42 =	vmul.f32 v7, v7;
	_ =	sdelay $0x1  }
0x43c: {  	v7 =	vmax.f32 v40, v7;
	[tilespmem:s31+$0x0] =	vst v8;
	v8 =	vadd.f32 v41, v42  }
0x43d: {  	[tilespmem:s31+$0x9D00] =	vst v7  }
0x43e: {  	[tilespmem:s31+$0x13A00] =	vst v8;
	v8 =	vld [tilespmem:s31+$0x10]  }
0x43f: {  	v7 =	vld [tilespmem:$0x1F210]  }
0x440: {  	v43 =	vld [tilespmem:s31+$0x9D10]  }
0x441: {  	v44 =	vld [tilespmem:s31+$0x13A10];
	_ =	sdelay $0x2  }
0x442: {  	v8 =	vadd.f32 v8, v7;
	v45 =	vmul.f32 v7, v7;
	_ =	sdelay $0x1  }
0x443: {  	v7 =	vmax.f32 v43, v7;
	[tilespmem:s31+$0x10] =	vst v8;
	v8 =	vadd.f32 v44, v45  }
0x444: {  	[tilespmem:s31+$0x9D10] =	vst v7  }
0x445: {  	[tilespmem:s31+$0x13A10] =	vst v8;
	v8 =	vld [tilespmem:s31+$0x20]  }
0x446: {  	v7 =	vld [tilespmem:$0x1F220]  }
0x447: {  	v46 =	vld [tilespmem:s31+$0x9D20]  }
0x448: {  	v47 =	vld [tilespmem:s31+$0x13A20];
	_ =	sdelay $0x2  }
0x449: {  	v8 =	vadd.f32 v8, v7;
	v48 =	vmul.f32 v7, v7;
	_ =	sdelay $0x1  }
0x44a: {  	v7 =	vmax.f32 v46, v7;
	[tilespmem:s31+$0x20] =	vst v8;
	v8 =	vadd.f32 v47, v48  }
0x44b: {  	[tilespmem:s31+$0x9D20] =	vst v7  }
0x44c: {  	[tilespmem:s31+$0x13A20] =	vst v8;
	v8 =	vld [tilespmem:s31+$0x30]  }
0x44d: {  	v7 =	vld [tilespmem:$0x1F230]  }
0x44e: {  	v50 =	vld [tilespmem:s31+$0x13A30]  }
0x44f: {  	v49 =	vld [tilespmem:s31+$0x9D30];
	_ =	sdelay $0x2  }
0x450: {  	v8 =	vadd.f32 v8, v7;
	v51 =	vmul.f32 v7, v7;
	_ =	sdelay $0x1  }
0x451: {  	v7 =	vmax.f32 v49, v7;
	[tilespmem:s31+$0x30] =	vst v8;
	v8 =	vadd.f32 v50, v51  }
0x452: {  	[tilespmem:s31+$0x9D30] =	vst v7  }
0x453: {  	[tilespmem:s31+$0x13A30] =	vst v8;
	v8 =	vld [tilespmem:s31+$0x40]  }
0x454: {  	v7 =	vld [tilespmem:$0x1F240]  }
0x455: {  	v52 =	vld [tilespmem:s31+$0x9D40]  }
0x456: {  	v53 =	vld [tilespmem:s31+$0x13A40];
	_ =	sdelay $0x2  }
0x457: {  	v8 =	vadd.f32 v8, v7;
	v54 =	vmul.f32 v7, v7;
	_ =	sdelay $0x1  }
0x458: {  	v7 =	vmax.f32 v52, v7;
	[tilespmem:s31+$0x40] =	vst v8;
	v8 =	vadd.f32 v53, v54  }
0x459: {  	[tilespmem:s31+$0x9D40] =	vst v7  }
0x45a: {  	[tilespmem:s31+$0x13A40] =	vst v8;
	v8 =	vld [tilespmem:s31+$0x50]  }
0x45b: {  	v7 =	vld [tilespmem:$0x1F250]  }
0x45c: {  	v55 =	vld [tilespmem:s31+$0x9D50]  }
0x45d: {  	v56 =	vld [tilespmem:s31+$0x13A50];
	_ =	sdelay $0x2  }
0x45e: {  	v8 =	vadd.f32 v8, v7;
	v57 =	vmul.f32 v7, v7;
	_ =	sdelay $0x1  }
0x45f: {  	v7 =	vmax.f32 v55, v7;
	[tilespmem:s31+$0x50] =	vst v8;
	v8 =	vadd.f32 v56, v57  }
0x460: {  	[tilespmem:s31+$0x9D50] =	vst v7  }
0x461: {  	[tilespmem:s31+$0x13A50] =	vst v8;
	v8 =	vld [tilespmem:s31+$0x60]  }
0x462: {  	v7 =	vld [tilespmem:$0x1F260]  }
0x463: {  	v58 =	vld [tilespmem:s31+$0x9D60]  }
0x464: {  	v59 =	vld [tilespmem:s31+$0x13A60];
	_ =	sdelay $0x2  }
0x465: {  	v8 =	vadd.f32 v8, v7;
	v60 =	vmul.f32 v7, v7;
	_ =	sdelay $0x1  }
0x466: {  	v7 =	vmax.f32 v58, v7;
	[tilespmem:s31+$0x60] =	vst v8;
	v8 =	vadd.f32 v59, v60  }
0x467: {  	[tilespmem:s31+$0x9D60] =	vst v7  }
0x468: {  	[tilespmem:s31+$0x13A60] =	vst v8;
	v8 =	vld [tilespmem:s31+$0x70]  }
0x469: {  	v7 =	vld [tilespmem:$0x1F270]  }
0x46a: {  	v61 =	vld [tilespmem:s31+$0x9D70]  }
0x46b: {  	v62 =	vld [tilespmem:s31+$0x13A70];
	_ =	sdelay $0x1  }
0x46c: {  	p0 =	sne.s32 s22, $0x1  }
.Ltmp7:
0x46d: {  	v8 =	vadd.f32 v8, v7;
	v63 =	vmul.f32 v7, v7;
	(pc) =	sbr.rel @p0 .LBB2_8-.Ltmp7, $4  }
0x46e: {  	_ = 	snop  }
0x46f: {  	v7 =	vmax.f32 v61, v7;
	[tilespmem:s31+$0x70] =	vst v8;
	v8 =	vadd.f32 v62, v63  }
0x470: {  	[tilespmem:s31+$0x9D70] =	vst v7  }
0x471: {  	s22 =	sadd.s32 $0xFFFFFFFF, s22;
	s24 =	sadd.s32 $0x10, s24;
	s23 =	sadd.s32 $0x10, s23;
	[tilespmem:s31+$0x13A70] =	vst v8  }
.Ltmp8:
0x472: {  	_ = 	snop;
	(pc) =	sbr.rel .LBB2_9-.Ltmp8, $1  }
0x473: {  	_ =	sdelay $0x3  }
.LBB2_11:
0x474: {  	_ =	sfence.sel $0x180000  }
0x475: {  	[bflag:$0x0] =	sbarrier.arrive $0xFFFF  }
0x476: {  	p0 =	sne.s32 s1, $0x0;
	_ =	strace $0x9000004A  }
0x477: {  	s0 =	sadd.s32 @!p0 $0x100000, s0;
	[bflag:$0x2] =	sbarrier.arrive $0xFFFF  }
0x478: {  	[sflag:s0] =	ssyncadd.tile.s32 @!p0 $0x1;
	_ =	shalt  }
.Lfunc_end2:
_tile_overlayer_lowered:
.L_overlay_start_2:
0x479: {  	(tag) =	ssettag $0x2  }
0x47a: {  	s0 =	rddreg [dreg:$0x0];
	s2 =	stileid.u32  }
0x47b: {  	s1 =	rddreg [dreg:$0x1];
	p0 =	sne.s32 s2, $0x0  }
0x47c: {  	s3 =	rddreg [dreg:$0x2];
	[bflag:$0x3] =	sbarrier.arrive $0xFFFF;
	s2 =	simm.s32 @!p0 $0x1C02  }
0x47d: {  	[timem:s3], [sflag:s2] =	dma.local @!p0 [hbm:s0], s1  }
0x47e: {  	s0 =	simm.s32 @!p0 $0x2  }
0x47f: {  	_ =	swait.ge @!p0 [sflag:s0], s1  }
0x480: {  	s1 =	ssub.s32 @!p0 $0x0, s1;
	[sflag:s0] =	ssyncset.done @!p0 $0x0  }
0x481: {  	[sflag:s0] =	ssyncadd.s32 @!p0 s1  }
0x482: {  	[bflag:$0x3] =	sbarrier.arrive $0xFFFF  }
0x483: {  	_ =	shalt  }

// kernel: kernel.7.cloned.1.call-start
scs
__scs_entry_jumppad:
0x0: {  	(pc) =	sbr.rel $0x88, $3  }
0x1: {  	(tag) =	ssettag $0x0;
	lr =	simm.s32 $0x1  }
0x2: {  	[smem:$0x3F98] =	sst lr;
	_ =	strace $0xD0000000  }
0x3: {  	_ = 	snop  }
0x4: {  	_ = 	snop  }
0x5: {  	_ = 	snop  }
0x6: {  	_ = 	snop  }
0x7: {  	_ = 	snop  }
__scs_overlays_trampoline_lowered:
0x8: {  	[smem:$0x3FA7] =	sst s0  }
0x9: {  	[smem:$0x3FA8] =	sst s1  }
0xa: {  	[smem:$0x3FA9] =	sst s2  }
0xb: {  	[smem:$0x3FAA] =	sst s3  }
0xc: {  	[smem:$0x3FAB] =	sst s4  }
0xd: {  	[smem:$0x3FAC] =	sst s5  }
0xe: {  	[smem:$0x3FAD] =	sst s6  }
0xf: {  	[smem:$0x3FAE] =	sst s7  }
0x10: {  	[smem:$0x3FAF] =	sst s8  }
0x11: {  	[smem:$0x3FB0] =	sst s9;
	s0 =	simm.s32 @!p0 $0x0  }
0x12: {  	s1 =	sld [smem:$0x3F96];
	s0 =	simm.s32 @p0 $0x1  }
0x13: {  	[smem:$0x3FB1] =	sst s0;
	s0 =	simm.s32 @!p1 $0x0  }
0x14: {  	s2 =	sld [smem:$0x3F95];
	s0 =	simm.s32 @p1 $0x1  }
0x15: {  	[smem:$0x3FB2] =	sst s0;
	s0 =	simm.s32 @!p2 $0x0  }
0x16: {  	s3 =	sld [smem:$0x3FDB];
	s0 =	simm.s32 @p2 $0x1  }
0x17: {  	s4 =	simm.s32 $0x1BF5;
	[smem:$0x3FB4] =	sst s0  }
0x18: {  	s0 =	sld [smem:$0x3F97];
	_ =	swait.ge [sflag:s4], $0x0  }
0x19: {  	s7 =	sld [smem:$0x3F98]  }
0x1a: {  	s8 =	sadd.s32 $0xFFFFE003, lr  }
0x1b: {  	s9 =	sadd.s32 $0xFFFFFEF7, lr;
	s5 =	simm.s32 $0xFFFFFFFF;
	p2 =	slt.u32 s8, $0xFFFFF086  }
0x1c: {  	p1 =	slt.u32 s9, $0xF7A;
	s5 =	simm.s32 @!p2 $0x0  }
0x1d: {  	s5 =	simm.s32 @p1 $0x1;
	p0 =	seq.s32 s7, s2  }
0x1e: {  	s7 =	smul.u32 @!p0 $0xF7A, s2;
	p2 =	seq.s32 @!p0 s5, $0x0  }
0x1f: {  	s9 =	smul.u32 $0xF7A, s1;
	s8 =	simm.s32 @!p0 $0x1BF5;
	p2 =	por !p2, p0  }
0x20: {  	[sflag:s8] =	ssyncset.s32 @!p0 $0xFFFFF086;
	s6 =	sadd.s32 @!p0 s3, s7;
	s7 =	simm.s32 @!p0 $0x108  }
0x21: {  	s3 =	sadd.s32 s3, s9;
	s6 =	sadd.s32 @!p0 $0x88, s6;
	s7 =	simm.s32 @p2 $0x1082  }
0x22: {  	[simem:s7], [sflag:s8] =	dma.local @!p0 [hbm:s6], $0xF7A  }
0x23: {  	s9 =	sor.u32 $0xD0000000, s2;
	s6 =	simm.s32 $0x108;
	_ =	swait.ge @!p0 [sflag:s8], $0x0  }
0x24: {  	s3 =	sadd.s32 $0x88, s3;
	s6 =	simm.s32 @!p1 $0x1082;
	[sflag:s4] =	ssyncset.s32 $0xFFFFF086  }
0x25: {  	[simem:s6], [sflag:s4] =	dma.local [hbm:s3], $0xF7A  }
0x26: {  	[smem:$0x3F98] =	sst s1;
	(tag) =	ssettag s2;
	_ =	strace s9  }
0x27: {  	s1 =	sld [smem:$0x3FA8]  }
0x28: {  	s2 =	sld [smem:$0x3FA9]  }
0x29: {  	s4 =	sld [smem:$0x3FAB]  }
0x2a: {  	p0 =	seq.s32 s5, $0x0;
	s5 =	sld [smem:$0x3FAC]  }
0x2b: {  	s6 =	sld [smem:$0x3FAD]  }
0x2c: {  	s7 =	sld [smem:$0x3FAE]  }
0x2d: {  	s3 =	simm.s32 $0x108;
	s8 =	sld [smem:$0x3FAF]  }
0x2e: {  	s3 =	simm.s32 @!p0 $0x1082;
	s9 =	sld [smem:$0x3FB0]  }
0x2f: {  	lr =	sadd.s32 s0, s3;
	s0 =	sld [smem:$0x3FA7]  }
0x30: {  	s3 =	sld [smem:$0x3FAA]  }
0x31: {  	[smem:$0x3FB3] =	sst s10  }
0x32: {  	s10 =	sld [smem:$0x3FB1];
	_ =	sdelay $0x3  }
0x33: {  	p0 =	seq.s32 s10, $0x1;
	s10 =	sld [smem:$0x3FB3];
	_ =	sdelay $0x3  }
0x34: {  	[smem:$0x3FB3] =	sst s10  }
0x35: {  	s10 =	sld [smem:$0x3FB2];
	_ =	sdelay $0x3  }
0x36: {  	p1 =	seq.s32 s10, $0x1;
	s10 =	sld [smem:$0x3FB3];
	_ =	sdelay $0x3  }
0x37: {  	[smem:$0x3FB3] =	sst s10  }
0x38: {  	s10 =	sld [smem:$0x3FB4]  }
0x39: {  	_ = 	snop;
	(pc) =	sbr.ind lr, $3  }
0x3a: {  	_ = 	snop  }
0x3b: {  	_ = 	snop  }
0x3c: {  	p2 =	seq.s32 s10, $0x1;
	s10 =	sld [smem:$0x3FB3]  }
0x3d: {  	_ =	shalt  }
0x3e: {  	_ =	shalt  }
0x3f: {  	_ =	shalt  }
0x40: {  	_ =	shalt  }
0x41: {  	_ =	shalt  }
0x42: {  	_ =	shalt  }
0x43: {  	_ =	shalt  }
0x44: {  	_ =	shalt  }
0x45: {  	_ =	shalt  }
0x46: {  	_ =	shalt  }
0x47: {  	_ =	shalt  }
0x48: {  	_ =	shalt  }
0x49: {  	_ =	shalt  }
0x4a: {  	_ =	shalt  }
0x4b: {  	_ =	shalt  }
0x4c: {  	_ =	shalt  }
0x4d: {  	_ =	shalt  }
0x4e: {  	_ =	shalt  }
0x4f: {  	_ =	shalt  }
0x50: {  	_ =	shalt  }
0x51: {  	_ =	shalt  }
0x52: {  	_ =	shalt  }
0x53: {  	_ =	shalt  }
0x54: {  	_ =	shalt  }
0x55: {  	_ =	shalt  }
0x56: {  	_ =	shalt  }
0x57: {  	_ =	shalt  }
0x58: {  	_ =	shalt  }
0x59: {  	_ =	shalt  }
0x5a: {  	_ =	shalt  }
0x5b: {  	_ =	shalt  }
0x5c: {  	_ =	shalt  }
0x5d: {  	_ =	shalt  }
0x5e: {  	_ =	shalt  }
0x5f: {  	_ =	shalt  }
0x60: {  	_ =	shalt  }
0x61: {  	_ =	shalt  }
0x62: {  	_ =	shalt  }
0x63: {  	_ =	shalt  }
0x64: {  	_ =	shalt  }
0x65: {  	_ =	shalt  }
0x66: {  	_ =	shalt  }
0x67: {  	_ =	shalt  }
0x68: {  	_ =	shalt  }
0x69: {  	_ =	shalt  }
0x6a: {  	_ =	shalt  }
0x6b: {  	_ =	shalt  }
0x6c: {  	_ =	shalt  }
0x6d: {  	_ =	shalt  }
0x6e: {  	_ =	shalt  }
0x6f: {  	_ =	shalt  }
0x70: {  	_ =	shalt  }
0x71: {  	_ =	shalt  }
0x72: {  	_ =	shalt  }
0x73: {  	_ =	shalt  }
0x74: {  	_ =	shalt  }
0x75: {  	_ =	shalt  }
0x76: {  	_ =	shalt  }
0x77: {  	_ =	shalt  }
0x78: {  	_ =	shalt  }
0x79: {  	_ =	shalt  }
0x7a: {  	_ =	shalt  }
0x7b: {  	_ =	shalt  }
0x7c: {  	_ =	shalt  }
0x7d: {  	_ =	shalt  }
0x7e: {  	_ =	shalt  }
0x7f: {  	_ =	shalt  }
0x80: {  	_ =	shalt  }
0x81: {  	_ =	shalt  }
0x82: {  	_ =	shalt  }
0x83: {  	_ =	shalt  }
0x84: {  	_ =	shalt  }
0x85: {  	_ =	shalt  }
0x86: {  	_ =	shalt  }
0x87: {  	_ =	shalt  }
.Lfunc_end0:
.L_simem_size_0:
called_computation_lowered:
.L_overlay_start_0:
0x88: {  	s2 =	sld [smem:$0x3FD9]  }
0x89: {  	s3 =	sld [smem:$0x3FFE];
	_ =	sdelay $0x1  }
0x8a: {  	s1 =	srdreg.scid  }
0x8b: {  	s0 =	sand.u32 $0x1, s1  }
0x8c: {  	s17 =	sshll.u32 s0, $0xA;
	s2 =	sadd.s32 s3, s2  }
0x8d: {  	s2 =	sadd.s32 s2, s17  }
0x8e: {  	[smem:$0x3FBF] =	sst s2  }
0x8f: {  	_ = 	snop  }
0x90: {  	s2 =	sld [smem:$0x3FD0];
	(tm) =	ssettm $0x1  }
0x91: {  	s18 =	sld [smem:$0x3FFB];
	_ =	sdelay $0x3  }
0x92: {  	_ =	strace s18  }
0x93: {  	s3 =	sld [smem:$0x3FFC];
	_ =	sdelay $0x3  }
0x94: {  	_ =	strace s3  }
0x95: {  	s3 =	sld [smem:$0x3FFD];
	_ =	sdelay $0x3  }
0x96: {  	_ =	strace s3  }
0x97: {  	_ =	strace $0x8FFFFFFF  }
0x98: {  	s19 =	sld [smem:$0x3FDB];
	_ =	sdelay $0x1  }
0x99: {  	s4 =	simm.s32 $_scs_section_size  }
0x9a: {  	s5 =	simm.s32 $_size__tile_overlayer_lowered;
	s6 =	simm.s32 $_tile_overlayer_lowered  }
0x9b: {  	s22 =	simm.s32 $0x1BFF;
	s21 =	sshll.u32 s6, $0x1;
	s3 =	sadd.s32 s4, s19  }
0x9c: {  	s7 =	simm.s32 $0x0;
	s20 =	sshll.u32 s5, $0x1;
	s5 =	sadd.s32 s21, s3  }
0x9d: {  	[timem:s7], [sflag:s22] =	dma.local [hbm:s5], s20  }
0x9e: {  	_ =	swait.ge [sflag:s22], s20  }
0x9f: {  	s4 =	ssub.s32 $0x0, s20;
	[sflag:s22] =	ssyncset.done $0x0  }
0xa0: {  	[sflag:s22] =	ssyncadd.s32 s4;
	_ =	sdelay $0x1  }
0xa1: {  	s23 =	simm.s32 $0x1B8B  }
0xa2: {  	_ =	swait.ge [sflag:s23], $0x1  }
0xa3: {  	[sflag:s23] =	ssyncset.done $0x0  }
0xa4: {  	s25 =	simm.s32 $0x1B8E;
	s24 =	sld [smem:$0x3FFE];
	[sflag:s23] =	ssyncadd.s32 $0xFFFFFFFF  }
0xa5: {  	s26 =	simm.s32 $execute0_lowered;
	[smem:$0x3FD2] =	sst s25  }
0xa6: {  	s5 =	sshll.u32 s26, $0x1;
	_ =	strace $0x80000046;
	[dreg:$0x1] =	wrdreg $0xFFFFFFFF  }
0xa7: {  	s28 =	simm.s32 $_size_execute0_lowered;
	s3 =	sadd.s32 s3, s5;
	[dreg:$0x0] =	wrdreg $0x0  }
0xa8: {  	s5 =	sshll.u32 s28, $0x1;
	[dreg:$0x2] =	wrdreg s3  }
0xa9: {  	[dreg:$0x3] =	wrdreg s5  }
0xaa: {  	[dreg:$0x4] =	wrdreg $0xC0  }
0xab: {  	_ =	task [dreg:s7], $0x5FFFF  }
0xac: {  	[dreg:$0x1] =	wrdreg $0xFFFFFFFF  }
0xad: {  	[dreg:$0x0] =	wrdreg $0x60  }
0xae: {  	[dreg:$0x2] =	wrdreg s2  }
0xaf: {  	[dreg:$0x3] =	wrdreg s24  }
0xb0: {  	[dreg:$0x4] =	wrdreg $0x9  }
0xb1: {  	_ =	task.clear_ibuf [dreg:s7], $0x5FFFF;
	_ =	strace $0x90000046  }
0xb2: {  	s29 =	simm.s32 $0x9;
	_ =	strace $0x80000048  }
0xb3: {  	_ =	swait.ge [sflag:s29], $0x1  }
0xb4: {  	[sflag:s29] =	ssyncadd.s32 $0xFFFFFFFF  }
0xb5: {  	_ =	strace $0x90000048  }
0xb6: {  	_ =	sfence  }
0xb7: {  	s30 =	sld [smem:$0x0];
	_ =	sdelay $0x2  }
0xb8: {  	s31 =	sshll.u32 s1, $0xD;
	s1 =	sshrl.u32 s1, $0x2  }
0xb9: {  	s3 =	sand.u32 $0x4000, s31;
	s1 =	sadd.s32 s1, s30  }
0xba: {  	s0 =	sor.u32 s3, s0;
	s1 =	sshll.u32 s1, $0x11  }
0xbb: {  	s0 =	sor.u32 s1, s0  }
0xbc: {  	s0 =	sadd.s32 $0x8F2B, s0  }
0xbd: {  	[sflag:s0] =	ssyncadd.remote.s32 $0x1  }
0xbe: {  	_ =	sfence.sel $0xFFFF  }
0xbf: {  	[dreg:$0x0] =	wrdreg $0xFFFFFFFF;
	(pc) =	sbr.abs _section_cstart, $3  }
0xc0: {  	[dreg:$0x1] =	wrdreg $0xFFFFFFFF  }
0xc1: {  	_ =	task.clear_ibuf [dreg:s7], $0x2FFFF;
	_ =	strace $0x9FFFFFFF  }
0xc2: {  	(tm) =	ssettm $0x7FFFFFFF  }
0xc3: {  	_ =	shalt  }
tec
execute0_lowered:
.L_overlay_start_1:
0x0: {  	(tag) =	ssettag $0x1  }
0x1: {  	s2 =	rddreg [dreg:$0x0]  }
0x2: {  	s0 =	srdreg.scid;
	s6 =	rddreg [dreg:$0x1]  }
0x3: {  	s1 =	stileid.u32;
	s3 =	simm.s32 $0x0;
	s12 =	simm.s32 $0x2  }
0x4: {  	s13 =	simm.s32 $0x1DF00;
	s15 =	simm.s32 $0x1EC00;
	s16 =	simm.s32 $0x1D700  }
0x5: {  	s17 =	simm.s32 $0x1;
	s18 =	simm.s32 $0x10;
	s4 =	sand.u32 $0x1, s0  }
0x6: {  	s19 =	simm.s32 $0x1F280;
	s20 =	simm.s32 $0x9D00;
	s5 =	sshll.u32 s4, $0x4  }
0x7: {  	s21 =	simm.s32 $0x13A00;
	s0 =	rddreg [dreg:$0x2];
	s7 =	sor.u32 s1, s5  }
0x8: {  	s22 =	simm.s32 $0x0;
	[smem:$0x7FF] =	sst s3;
	s8 =	smul.u32 $0x1390, s7  }
0x9: {  	_ =	strace $0x80000047;
	s10 =	ssub.s32 $0x2, s4;
	s9 =	smul.u32 $0x28, s7  }
.Ltmp0:
0xa: {  	s4 =	sadd.s32 $0x3E00, s6;
	s11 =	sshrl.u32 s10, $0x1;
	(pc) =	sbr.rel .LBB2_1-.Ltmp0, $4  }
0xb: {  	s5 =	sadd.s32 $0xDC00, s6;
	s10 =	ssub.s32 s10, s11;
	s14 =	smul.u32 $0xFFFFFEC7, s7  }
0xc: {  	v1 =	vimm.f32 $0.0e+00;
	s11 =	simm.s32 $0x1D880;
	s10 =	smax.u32 s10, $0x1;
	s8 =	sadd.s32 s8, s6  }
0xd: {  	v2 =	vimm.f32 $-3.402823470e+38;
	v3 =	vimm.s32 $0x0;
	s9 =	sadd.s32 s9, s6;
	v0 =	vmov s14;
	s14 =	simm.s32 $0x1E580;
	s6 =	sadd.s32 $0x18000, s8  }
0xe: {  	v4 =	vimm.f32 $1.000000000e+00;
	v5 =	vimm.s32 $0xFFFFFFFF;
	v6 =	vimm.s32 $0x139;
	s7 =	sadd.s32 $0x3F200, s8;
	s8 =	sadd.s32 $0x66400, s8;
	s9 =	sadd.s32 $0x17A00, s9  }
.LBB2_10:
0xf: {  	[hbm4b:s6+s3] =	stream.linear.scatter [tilespmem:s3], [sflag:$0x2], $0x9C80, $0x38;
	[tilespmem:$0x1FA80] =	vst v63  }
0x10: {  	_ =	swait.ge [sflag:s12], $0x9C80  }
0x11: {  	[sflag:s12] =	ssyncset.done $0x0  }
0x12: {  	[sflag:s12] =	ssyncadd.s32 $0xFFFF6380  }
0x13: {  	[hbm4b:s7+s3] =	stream.linear.scatter [tilespmem:s20], [sflag:$0x2], $0x9C80, $0x38;
	[tilespmem:$0x1FA80] =	vst v63  }
0x14: {  	_ =	swait.ge [sflag:s12], $0x9C80  }
0x15: {  	[sflag:s12] =	ssyncset.done $0x0  }
0x16: {  	[sflag:s12] =	ssyncadd.s32 $0xFFFF6380  }
0x17: {  	[hbm4b:s8+s3] =	stream.linear.scatter [tilespmem:s21], [sflag:$0x2], $0x9C80, $0x38;
	[tilespmem:$0x1FA80] =	vst v63  }
0x18: {  	s22 =	sadd.s32 $0x1, s22;
	_ =	swait.ge [sflag:s12], $0x9C80  }
0x19: {  	p0 =	sne.s32 s22, s10;
	[sflag:s12] =	ssyncset.done $0x0  }
.Ltmp1:
0x1a: {  	[sflag:s12] =	ssyncadd.s32 $0xFFFF6380;
	(pc) =	sbr.rel @!p0 .LBB2_11-.Ltmp1, $4  }
0x1b: {  	[hbm4b:s9+s3] =	stream.linear.scatter [tilespmem:s16], [sflag:$0x2], $0x140, $0x38;
	[tilespmem:$0x1FA80] =	vst v63  }
0x1c: {  	_ =	swait.ge [sflag:s12], $0x140  }
0x1d: {  	[sflag:s12] =	ssyncset.done $0x0  }
0x1e: {  	[sflag:s12] =	ssyncadd.s32 $0xFFFFFEC0  }
.LBB2_1:
0x1f: {  	s23 =	simm.s32 $0x40;
	s24 =	simm.s32 $0x0  }
.LBB2_2:
0x20: {  	p0 =	sne.s32 s23, $0x273C0;
	[tilespmem:s24+$0x13A00] =	vst v1;
	s25 =	smov.u32 s23;
	s23 =	sadd.s32 $0x40, s23  }
.Ltmp2:
0x21: {  	[tilespmem:s24+$0x0] =	vst v1;
	(pc) =	sbr.rel @p0 .LBB2_2-.Ltmp2, $2  }
0x22: {  	[tilespmem:s24+$0x9D00] =	vst v2;
	_ =	sdelay $0x2  }
0x23: {  	s24 =	sshra.s32 s25, $0x2  }
0x24: {  	[tilespmem:s24+$0x13A00] =	vst v1  }
0x25: {  	[tilespmem:s24+$0x0] =	vst v1  }
0x26: {  	[tilespmem:s24+$0x9D00] =	vst v2  }
0x27: {  	[tilespmem:$0x1D700] =	vst v1  }
0x28: {  	[tilespmem:$0x1D710] =	vst v1  }
0x29: {  	[tilespmem:$0x1D720] =	vst v1  }
0x2a: {  	[tilespmem:$0x1D730] =	vst v1  }
0x2b: {  	[tilespmem:$0x1D740] =	vst v1  }
0x2c: {  	[tilespmem:$0x1D750] =	vst v1  }
0x2d: {  	[tilespmem:$0x1D760] =	vst v1  }
0x2e: {  	[tilespmem:$0x1D770] =	vst v1  }
0x2f: {  	[tilespmem:$0x1D780] =	vst v1  }
0x30: {  	[tilespmem:$0x1D790] =	vst v1  }
0x31: {  	[tilespmem:$0x1D7A0] =	vst v1  }
0x32: {  	[tilespmem:$0x1D7B0] =	vst v1  }
0x33: {  	[tilespmem:$0x1D7C0] =	vst v1  }
0x34: {  	[tilespmem:$0x1D7D0] =	vst v1  }
0x35: {  	[tilespmem:$0x1D7E0] =	vst v1  }
.Ltmp3:
0x36: {  	[tilespmem:$0x1D7F0] =	vst v1;
	(pc) =	sbr.rel .LBB2_4-.Ltmp3, $4  }
0x37: {  	[tilespmem:$0x1D800] =	vst v1  }
0x38: {  	[tilespmem:$0x1D810] =	vst v1  }
0x39: {  	[tilespmem:$0x1D820] =	vst v1  }
0x3a: {  	s23 =	simm.s32 $0x0;
	s24 =	simm.s32 $0x0;
	[tilespmem:$0x1D830] =	vst v1  }
.LBB2_9:
0x3b: {  	s24 =	sadd.s32 $0x1, s24  }
0x3c: {  	p0 =	sne.s32 s24, $0xC8  }
.Ltmp4:
0x3d: {  	_ = 	snop;
	(pc) =	sbr.rel @!p0 .LBB2_10-.Ltmp4, $1  }
0x3e: {  	_ =	sdelay $0x3  }
.LBB2_4:
0x3f: {  	s25 =	smul.u32 $0xC8, s24;
	_ =	sdelay $0x1  }
0x40: {  	s26 =	sadd.s32 s5, s25  }
0x41: {  	[tilespmem:s11], [sflag:$0x2] =	stream.linear.gather [hbm4b:s26+s23], $0x640, $0x38;
	[tilespmem:$0x1FA80] =	vst v63  }
0x42: {  	_ =	swait.ge [sflag:s12], $0x640  }
0x43: {  	[sflag:s12] =	ssyncset.done $0x0  }
0x44: {  	s25 =	sadd.s32 s4, s25;
	[sflag:s12] =	ssyncadd.s32 $0xFFFFF9C0  }
0x45: {  	[tilespmem:s13], [sflag:$0x2] =	stream.linear.gather [hbm4b:s25+s23], $0x640, $0x38;
	[tilespmem:$0x1FA80] =	vst v63  }
0x46: {  	_ =	swait.ge [sflag:s12], $0x640  }
0x47: {  	[sflag:s12] =	ssyncset.done $0x0  }
0x48: {  	s29 =	simm.s32 $0x0;
	[sflag:s12] =	ssyncadd.s32 $0xFFFFF9C0  }
0x49: {  	v7 =	vld [tilespmem:s29+$0x1D880];
	_ =	sdelay $0x4  }
0x4a: {  	v7 =	vadd.s32 v0, v7  }
0x4b: {  	vm0 =	vlt.u32 v7, $0x139  }
0x4c: {  	v8 =	vsel vm0, $0x1, v3  }
0x4d: {  	(xrf0) =	vadd.scan.msk.s32 $0xffff, v8;
	_ =	sdelay $0x5  }
0x4e: {  	s30 =	simm.s32 $0xFFFFFFFF;
	v8, _, _ =	vpop (xrf0)  }
0x4f: {  	v9 =	vld [tilespmem:s29+$0x1DF00];
	v10 =	vadd.s32 s30, v8  }
0x50: {  	(v2sf) =	vpush v10, $0xF;
	_ =	sdelay $0x3  }
0x51: {  	[tilespmem:v10+s14+$0x0] =	vst.idx.msk vm0, v9  }
0x52: {  	[tilespmem:v10+s15+$0x0] =	vst.idx.msk vm0, v7  }
0x53: {  	s31 =	simm.s32 $0x10;
	[tilespmem:v7+s16+$0x0] =	vst.idx.add.f32.msk vm0, v4  }
0x54: {  	v8 =	vld [tilespmem:s31+$0x1D880]  }
0x55: {  	s25 =	simm.s32 $0x80;
	v7 =	vld [tilespmem:s31+$0x1DF00]  }
.LBB2_5:
0x56: {  	p0 =	sne.s32 s25, $0x18C0;
	_ =	sdelay $0x2  }
0x57: {  	v8 =	vadd.s32 v0, v8  }
0x58: {  	vm0 =	vlt.u32 v8, $0x139  }
0x59: {  	v9 =	vsel vm0, $0x1, v3  }
0x5a: {  	(xrf0) =	vadd.scan.msk.s32 $0xffff, v9;
	s26 =	spop (v2sf);
	_ =	sdelay $0x5  }
0x5b: {  	v9, _, _ =	vpop (xrf0)  }
0x5c: {  	v9 =	vadd.s32 s26, v9  }
0x5d: {  	(v2sf) =	vpush v9, $0xF;
	_ =	sdelay $0x3  }
.Ltmp5:
0x5e: {  	[tilespmem:v9+s14+$0x0] =	vst.idx.msk vm0, v7;
	(pc) =	sbr.rel @p0 .LBB2_5-.Ltmp5, $4  }
0x5f: {  	[tilespmem:v9+s15+$0x0] =	vst.idx.msk vm0, v8  }
0x60: {  	s26 =	sshra.s32 s25, $0x2;
	[tilespmem:v8+s16+$0x0] =	vst.idx.add.f32.msk vm0, v4  }
0x61: {  	v8 =	vld [tilespmem:s26+$0x1D880]  }
0x62: {  	s25 =	sadd.s32 $0x40, s25;
	v7 =	vld [tilespmem:s26+$0x1DF00]  }
0x63: {  	_ =	sdelay $0x2  }
0x64: {  	v8 =	vadd.s32 v0, v8  }
0x65: {  	vm0 =	vlt.u32 v8, $0x139  }
0x66: {  	v9 =	vsel vm0, $0x1, v3  }
0x67: {  	(xrf0) =	vadd.scan.msk.s32 $0xffff, v9;
	_ =	sdelay $0x5  }
0x68: {  	s25 =	spop (v2sf);
	v9, _, _ =	vpop (xrf0)  }
0x69: {  	v9 =	vadd.s32 s25, v9  }
0x6a: {  	(v2sf) =	vpush v9, $0xF;
	_ =	sdelay $0xe  }
0x6b: {  	s26 =	spop (v2sf)  }
0x6c: {  	s30 =	sadd.s32 $0x10, s26;
	s28 =	sand.u32 $0xF, s26  }
0x6d: {  	p0 =	sne.s32 s28, $0x0;
	s31 =	sshra.s32 s30, $0x1F;
	p1 =	slt.s32 s30, $0x1  }
0x6e: {  	s28 =	sshrl.u32 s31, $0x1C;
	p0 =	por !p1, !p0  }
0x6f: {  	s25 =	sadd.s32 s28, s30;
	p0 =	por !p0, !p0;
	s28 =	simm.s32 $0x1  }
0x70: {  	s25 =	sshra.s32 s25, $0x4;
	s28 =	simm.s32 @!p0 $0x0  }
0x71: {  	[tilespmem:v9+s14+$0x0] =	vst.idx.msk vm0, v7;
	s25 =	ssub.s32 s25, s28  }
0x72: {  	[tilespmem:v9+s15+$0x0] =	vst.idx.msk vm0, v8;
	p0 =	slt.s32 s25, $0x1  }
.Ltmp6:
0x73: {  	[tilespmem:v8+s16+$0x0] =	vst.idx.add.f32.msk vm0, v4;
	(pc) =	sbr.rel @p0 .LBB2_9-.Ltmp6, $4  }
0x74: {  	[tilespmem:s26+$0x1E581] =	vst v5  }
0x75: {  	[tilespmem:s26+$0x1E591] =	vst v5  }
0x76: {  	[tilespmem:s26+$0x1EC01] =	vst v6  }
0x77: {  	[tilespmem:s26+$0x1EC11] =	vst v6  }
0x78: {  	s26 =	simm.s32 $0x1EC00;
	s28 =	simm.s32 $0x1E580  }
.LBB2_8:
0x79: {  	(ifvalue) =	ssetifvalue $0xFFFFFFFF  }
0x7a: {  	(ifvalue) =	ssetifvalue $0xFFFFFFFF  }
0x7b: {  	[tilespmem:s19], [sflag:$0x1] =	stream.indirect.gather [hbm4b:s2+s18], $0x80, s28, s18, $0x40b8;
	[tilespmem:$0x1FA80] =	vst v63  }
0x7c: {  	_ =	swait.ge [sflag:s17], $0x800  }
0x7d: {  	[sflag:s17] =	ssyncset.done $0x0  }
0x7e: {  	[sflag:s17] =	ssyncadd.s32 $0xFFFFF800  }
0x7f: {  	v7 =	vld [tilespmem:s26+$0x0];
	_ =	sdelay $0x4  }
0x80: {  	v7 =	vshll.u32 v7, $0x7  }
0x81: {  	(v2sf) =	vpush v7, $0x0;
	_ =	sdelay $0xe  }
0x82: {  	v8 =	vld [tilespmem:$0x1F280];
	s29 =	spop (v2sf)  }
0x83: {  	v9 =	vld [tilespmem:s29+$0x0]  }
0x84: {  	v10 =	vld [tilespmem:s29+$0x9D00]  }
0x85: {  	v11 =	vld [tilespmem:s29+$0x13A00];
	_ =	sdelay $0x2  }
0x86: {  	v12 =	vmul.f32 v8, v8  }
0x87: {  	v9 =	vadd.f32 v9, v8;
	v8 =	vmax.f32 v10, v8  }
0x88: {  	v44 =	vadd.f32 v11, v12;
	[tilespmem:s29+$0x9D00] =	vst v8  }
0x89: {  	[tilespmem:s29+$0x0] =	vst v9  }
0x8a: {  	v45 =	vld [tilespmem:s29+$0x10];
	[tilespmem:s29+$0x13A00] =	vst v44  }
0x8b: {  	v8 =	vld [tilespmem:$0x1F290]  }
0x8c: {  	v46 =	vld [tilespmem:s29+$0x9D10]  }
0x8d: {  	v47 =	vld [tilespmem:s29+$0x13A10];
	_ =	sdelay $0x2  }
0x8e: {  	v48 =	vmul.f32 v8, v8  }
0x8f: {  	v9 =	vadd.f32 v45, v8;
	v8 =	vmax.f32 v46, v8  }
0x90: {  	[tilespmem:s29+$0x9D10] =	vst v8;
	v49 =	vadd.f32 v47, v48  }
0x91: {  	[tilespmem:s29+$0x10] =	vst v9  }
0x92: {  	v50 =	vld [tilespmem:s29+$0x20];
	[tilespmem:s29+$0x13A10] =	vst v49  }
0x93: {  	v8 =	vld [tilespmem:$0x1F2A0]  }
0x94: {  	v51 =	vld [tilespmem:s29+$0x9D20]  }
0x95: {  	v52 =	vld [tilespmem:s29+$0x13A20];
	_ =	sdelay $0x2  }
0x96: {  	v53 =	vmul.f32 v8, v8  }
0x97: {  	v9 =	vadd.f32 v50, v8;
	v8 =	vmax.f32 v51, v8  }
0x98: {  	[tilespmem:s29+$0x9D20] =	vst v8;
	v54 =	vadd.f32 v52, v53  }
0x99: {  	[tilespmem:s29+$0x20] =	vst v9  }
0x9a: {  	v55 =	vld [tilespmem:s29+$0x30];
	[tilespmem:s29+$0x13A20] =	vst v54  }
0x9b: {  	v8 =	vld [tilespmem:$0x1F2B0]  }
0x9c: {  	v56 =	vld [tilespmem:s29+$0x9D30]  }
0x9d: {  	v57 =	vld [tilespmem:s29+$0x13A30];
	_ =	sdelay $0x2  }
0x9e: {  	v58 =	vmul.f32 v8, v8  }
0x9f: {  	v9 =	vadd.f32 v55, v8;
	v8 =	vmax.f32 v56, v8  }
0xa0: {  	[tilespmem:s29+$0x9D30] =	vst v8;
	v59 =	vadd.f32 v57, v58  }
0xa1: {  	[tilespmem:s29+$0x30] =	vst v9  }
0xa2: {  	v60 =	vld [tilespmem:s29+$0x40];
	[tilespmem:s29+$0x13A30] =	vst v59  }
0xa3: {  	v8 =	vld [tilespmem:$0x1F2C0]  }
0xa4: {  	v61 =	vld [tilespmem:s29+$0x9D40]  }
0xa5: {  	v62 =	vld [tilespmem:s29+$0x13A40];
	_ =	sdelay $0x2  }
0xa6: {  	v63 =	vmul.f32 v8, v8  }
0xa7: {  	v9 =	vadd.f32 v60, v8;
	v8 =	vmax.f32 v61, v8  }
0xa8: {  	[tilespmem:s29+$0x9D40] =	vst v8;
	v15 =	vadd.f32 v62, v63  }
0xa9: {  	[tilespmem:s29+$0x40] =	vst v9  }
0xaa: {  	v16 =	vld [tilespmem:s29+$0x50];
	[tilespmem:s29+$0x13A40] =	vst v15  }
0xab: {  	v8 =	vld [tilespmem:$0x1F2D0]  }
0xac: {  	v17 =	vld [tilespmem:s29+$0x9D50]  }
0xad: {  	v18 =	vld [tilespmem:s29+$0x13A50];
	_ =	sdelay $0x2  }
0xae: {  	v19 =	vmul.f32 v8, v8  }
0xaf: {  	v9 =	vadd.f32 v16, v8;
	v8 =	vmax.f32 v17, v8  }
0xb0: {  	[tilespmem:s29+$0x9D50] =	vst v8;
	v20 =	vadd.f32 v18, v19  }
0xb1: {  	[tilespmem:s29+$0x50] =	vst v9  }
0xb2: {  	v21 =	vld [tilespmem:s29+$0x60];
	[tilespmem:s29+$0x13A50] =	vst v20  }
0xb3: {  	v8 =	vld [tilespmem:$0x1F2E0]  }
0xb4: {  	v22 =	vld [tilespmem:s29+$0x9D60]  }
0xb5: {  	v23 =	vld [tilespmem:s29+$0x13A60];
	_ =	sdelay $0x2  }
0xb6: {  	(v2sf) =	vpush v7, $0x1;
	v24 =	vmul.f32 v8, v8  }
0xb7: {  	v9 =	vadd.f32 v21, v8;
	v8 =	vmax.f32 v22, v8  }
0xb8: {  	[tilespmem:s29+$0x9D60] =	vst v8;
	v25 =	vadd.f32 v23, v24  }
0xb9: {  	[tilespmem:s29+$0x60] =	vst v9  }
0xba: {  	v26 =	vld [tilespmem:s29+$0x70];
	[tilespmem:s29+$0x13A60] =	vst v25  }
0xbb: {  	v8 =	vld [tilespmem:$0x1F2F0]  }
0xbc: {  	v27 =	vld [tilespmem:s29+$0x9D70]  }
0xbd: {  	v28 =	vld [tilespmem:s29+$0x13A70];
	_ =	sdelay $0x2  }
0xbe: {  	v29 =	vmul.f32 v8, v8  }
0xbf: {  	v9 =	vadd.f32 v26, v8;
	v8 =	vmax.f32 v27, v8  }
0xc0: {  	[tilespmem:s29+$0x9D70] =	vst v8;
	v30 =	vadd.f32 v28, v29  }
0xc1: {  	[tilespmem:s29+$0x70] =	vst v9  }
0xc2: {  	[tilespmem:s29+$0x13A70] =	vst v30  }
0xc3: {  	s31 =	spop (v2sf);
	v8 =	vld [tilespmem:$0x1F300]  }
0xc4: {  	v9 =	vld [tilespmem:s31+$0x0]  }
0xc5: {  	v31 =	vld [tilespmem:s31+$0x9D00]  }
0xc6: {  	v32 =	vld [tilespmem:s31+$0x13A00];
	_ =	sdelay $0x2  }
0xc7: {  	v33 =	vmul.f32 v8, v8  }
0xc8: {  	v9 =	vadd.f32 v9, v8;
	v8 =	vmax.f32 v31, v8  }
0xc9: {  	[tilespmem:s31+$0x9D00] =	vst v8;
	v34 =	vadd.f32 v32, v33  }
0xca: {  	[tilespmem:s31+$0x0] =	vst v9  }
0xcb: {  	v35 =	vld [tilespmem:s31+$0x10];
	[tilespmem:s31+$0x13A00] =	vst v34  }
0xcc: {  	v8 =	vld [tilespmem:$0x1F310]  }
0xcd: {  	v36 =	vld [tilespmem:s31+$0x9D10]  }
0xce: {  	v37 =	vld [tilespmem:s31+$0x13A10];
	_ =	sdelay $0x2  }
0xcf: {  	v38 =	vmul.f32 v8, v8  }
0xd0: {  	v9 =	vadd.f32 v35, v8;
	v8 =	vmax.f32 v36, v8  }
0xd1: {  	[tilespmem:s31+$0x9D10] =	vst v8;
	v39 =	vadd.f32 v37, v38  }
0xd2: {  	[tilespmem:s31+$0x10] =	vst v9  }
0xd3: {  	v40 =	vld [tilespmem:s31+$0x20];
	[tilespmem:s31+$0x13A10] =	vst v39  }
0xd4: {  	v8 =	vld [tilespmem:$0x1F320]  }
0xd5: {  	v41 =	vld [tilespmem:s31+$0x9D20]  }
0xd6: {  	v42 =	vld [tilespmem:s31+$0x13A20];
	_ =	sdelay $0x2  }
0xd7: {  	v43 =	vmul.f32 v8, v8  }
0xd8: {  	v9 =	vadd.f32 v40, v8;
	v8 =	vmax.f32 v41, v8  }
0xd9: {  	[tilespmem:s31+$0x9D20] =	vst v8;
	v44 =	vadd.f32 v42, v43  }
0xda: {  	[tilespmem:s31+$0x20] =	vst v9  }
0xdb: {  	v45 =	vld [tilespmem:s31+$0x30];
	[tilespmem:s31+$0x13A20] =	vst v44  }
0xdc: {  	v8 =	vld [tilespmem:$0x1F330]  }
0xdd: {  	v46 =	vld [tilespmem:s31+$0x9D30]  }
0xde: {  	v47 =	vld [tilespmem:s31+$0x13A30];
	_ =	sdelay $0x2  }
0xdf: {  	v48 =	vmul.f32 v8, v8  }
0xe0: {  	v9 =	vadd.f32 v45, v8;
	v8 =	vmax.f32 v46, v8  }
0xe1: {  	[tilespmem:s31+$0x9D30] =	vst v8;
	v49 =	vadd.f32 v47, v48  }
0xe2: {  	[tilespmem:s31+$0x30] =	vst v9  }
0xe3: {  	v50 =	vld [tilespmem:s31+$0x40];
	[tilespmem:s31+$0x13A30] =	vst v49  }
0xe4: {  	v8 =	vld [tilespmem:$0x1F340]  }
0xe5: {  	v51 =	vld [tilespmem:s31+$0x9D40]  }
0xe6: {  	v52 =	vld [tilespmem:s31+$0x13A40];
	_ =	sdelay $0x2  }
0xe7: {  	v53 =	vmul.f32 v8, v8  }
0xe8: {  	v9 =	vadd.f32 v50, v8;
	v8 =	vmax.f32 v51, v8  }
0xe9: {  	[tilespmem:s31+$0x9D40] =	vst v8;
	v54 =	vadd.f32 v52, v53  }
0xea: {  	[tilespmem:s31+$0x40] =	vst v9  }
0xeb: {  	v55 =	vld [tilespmem:s31+$0x50];
	[tilespmem:s31+$0x13A40] =	vst v54  }
0xec: {  	v8 =	vld [tilespmem:$0x1F350]  }
0xed: {  	v56 =	vld [tilespmem:s31+$0x9D50]  }
0xee: {  	v57 =	vld [tilespmem:s31+$0x13A50];
	_ =	sdelay $0x2  }
0xef: {  	v58 =	vmul.f32 v8, v8  }
0xf0: {  	v9 =	vadd.f32 v55, v8;
	v8 =	vmax.f32 v56, v8  }
0xf1: {  	[tilespmem:s31+$0x9D50] =	vst v8;
	v59 =	vadd.f32 v57, v58  }
0xf2: {  	[tilespmem:s31+$0x50] =	vst v9  }
0xf3: {  	v60 =	vld [tilespmem:s31+$0x60];
	[tilespmem:s31+$0x13A50] =	vst v59  }
0xf4: {  	v8 =	vld [tilespmem:$0x1F360]  }
0xf5: {  	v61 =	vld [tilespmem:s31+$0x9D60]  }
0xf6: {  	v62 =	vld [tilespmem:s31+$0x13A60];
	_ =	sdelay $0x2  }
0xf7: {  	(v2sf) =	vpush v7, $0x2;
	v63 =	vmul.f32 v8, v8  }
0xf8: {  	v9 =	vadd.f32 v60, v8;
	v8 =	vmax.f32 v61, v8  }
0xf9: {  	[tilespmem:s31+$0x9D60] =	vst v8;
	v16 =	vadd.f32 v62, v63  }
0xfa: {  	[tilespmem:s31+$0x60] =	vst v9  }
0xfb: {  	v17 =	vld [tilespmem:s31+$0x70];
	[tilespmem:s31+$0x13A60] =	vst v16  }
0xfc: {  	v8 =	vld [tilespmem:$0x1F370]  }
0xfd: {  	v18 =	vld [tilespmem:s31+$0x9D70]  }
0xfe: {  	v19 =	vld [tilespmem:s31+$0x13A70];
	_ =	sdelay $0x2  }
0xff: {  	v20 =	vmul.f32 v8, v8  }
0x100: {  	v9 =	vadd.f32 v17, v8;
	v8 =	vmax.f32 v18, v8  }
0x101: {  	[tilespmem:s31+$0x9D70] =	vst v8;
	v21 =	vadd.f32 v19, v20  }
0x102: {  	[tilespmem:s31+$0x70] =	vst v9  }
0x103: {  	[tilespmem:s31+$0x13A70] =	vst v21  }
0x104: {  	s30 =	spop (v2sf);
	v8 =	vld [tilespmem:$0x1F380]  }
0x105: {  	v9 =	vld [tilespmem:s30+$0x0]  }
0x106: {  	v22 =	vld [tilespmem:s30+$0x9D00]  }
0x107: {  	v23 =	vld [tilespmem:s30+$0x13A00];
	_ =	sdelay $0x2  }
0x108: {  	v24 =	vmul.f32 v8, v8  }
0x109: {  	v9 =	vadd.f32 v9, v8;
	v8 =	vmax.f32 v22, v8  }
0x10a: {  	[tilespmem:s30+$0x9D00] =	vst v8;
	v25 =	vadd.f32 v23, v24  }
0x10b: {  	[tilespmem:s30+$0x0] =	vst v9  }
0x10c: {  	v26 =	vld [tilespmem:s30+$0x10];
	[tilespmem:s30+$0x13A00] =	vst v25  }
0x10d: {  	v8 =	vld [tilespmem:$0x1F390]  }
0x10e: {  	v27 =	vld [tilespmem:s30+$0x9D10]  }
0x10f: {  	v28 =	vld [tilespmem:s30+$0x13A10];
	_ =	sdelay $0x2  }
0x110: {  	v29 =	vmul.f32 v8, v8  }
0x111: {  	v9 =	vadd.f32 v26, v8;
	v8 =	vmax.f32 v27, v8  }
0x112: {  	[tilespmem:s30+$0x9D10] =	vst v8;
	v30 =	vadd.f32 v28, v29  }
0x113: {  	[tilespmem:s30+$0x10] =	vst v9  }
0x114: {  	v31 =	vld [tilespmem:s30+$0x20];
	[tilespmem:s30+$0x13A10] =	vst v30  }
0x115: {  	v8 =	vld [tilespmem:$0x1F3A0]  }
0x116: {  	v32 =	vld [tilespmem:s30+$0x9D20]  }
0x117: {  	v33 =	vld [tilespmem:s30+$0x13A20];
	_ =	sdelay $0x2  }
0x118: {  	v34 =	vmul.f32 v8, v8  }
0x119: {  	v9 =	vadd.f32 v31, v8;
	v8 =	vmax.f32 v32, v8  }
0x11a: {  	[tilespmem:s30+$0x9D20] =	vst v8;
	v35 =	vadd.f32 v33, v34  }
0x11b: {  	[tilespmem:s30+$0x20] =	vst v9  }
0x11c: {  	v36 =	vld [tilespmem:s30+$0x30];
	[tilespmem:s30+$0x13A20] =	vst v35  }
0x11d: {  	v8 =	vld [tilespmem:$0x1F3B0]  }
0x11e: {  	v37 =	vld [tilespmem:s30+$0x9D30]  }
0x11f: {  	v38 =	vld [tilespmem:s30+$0x13A30];
	_ =	sdelay $0x2  }
0x120: {  	v39 =	vmul.f32 v8, v8  }
0x121: {  	v9 =	vadd.f32 v36, v8;
	v8 =	vmax.f32 v37, v8  }
0x122: {  	[tilespmem:s30+$0x9D30] =	vst v8;
	v40 =	vadd.f32 v38, v39  }
0x123: {  	[tilespmem:s30+$0x30] =	vst v9  }
0x124: {  	v41 =	vld [tilespmem:s30+$0x40];
	[tilespmem:s30+$0x13A30] =	vst v40  }
0x125: {  	v8 =	vld [tilespmem:$0x1F3C0]  }
0x126: {  	v42 =	vld [tilespmem:s30+$0x9D40]  }
0x127: {  	v43 =	vld [tilespmem:s30+$0x13A40];
	_ =	sdelay $0x2  }
0x128: {  	v44 =	vmul.f32 v8, v8  }
0x129: {  	v9 =	vadd.f32 v41, v8;
	v8 =	vmax.f32 v42, v8  }
0x12a: {  	[tilespmem:s30+$0x9D40] =	vst v8;
	v45 =	vadd.f32 v43, v44  }
0x12b: {  	[tilespmem:s30+$0x40] =	vst v9  }
0x12c: {  	v46 =	vld [tilespmem:s30+$0x50];
	[tilespmem:s30+$0x13A40] =	vst v45  }
0x12d: {  	v8 =	vld [tilespmem:$0x1F3D0]  }
0x12e: {  	v47 =	vld [tilespmem:s30+$0x9D50]  }
0x12f: {  	v48 =	vld [tilespmem:s30+$0x13A50];
	_ =	sdelay $0x2  }
0x130: {  	v49 =	vmul.f32 v8, v8  }
0x131: {  	v9 =	vadd.f32 v46, v8;
	v8 =	vmax.f32 v47, v8  }
0x132: {  	[tilespmem:s30+$0x9D50] =	vst v8;
	v50 =	vadd.f32 v48, v49  }
0x133: {  	[tilespmem:s30+$0x50] =	vst v9  }
0x134: {  	v51 =	vld [tilespmem:s30+$0x60];
	[tilespmem:s30+$0x13A50] =	vst v50  }
0x135: {  	v8 =	vld [tilespmem:$0x1F3E0]  }
0x136: {  	v52 =	vld [tilespmem:s30+$0x9D60]  }
0x137: {  	v53 =	vld [tilespmem:s30+$0x13A60];
	_ =	sdelay $0x2  }
0x138: {  	(v2sf) =	vpush v7, $0x3;
	v54 =	vmul.f32 v8, v8  }
0x139: {  	v9 =	vadd.f32 v51, v8;
	v8 =	vmax.f32 v52, v8  }
0x13a: {  	[tilespmem:s30+$0x9D60] =	vst v8;
	v55 =	vadd.f32 v53, v54  }
0x13b: {  	[tilespmem:s30+$0x60] =	vst v9  }
0x13c: {  	v56 =	vld [tilespmem:s30+$0x70];
	[tilespmem:s30+$0x13A60] =	vst v55  }
0x13d: {  	v8 =	vld [tilespmem:$0x1F3F0]  }
0x13e: {  	v57 =	vld [tilespmem:s30+$0x9D70]  }
0x13f: {  	v58 =	vld [tilespmem:s30+$0x13A70];
	_ =	sdelay $0x2  }
0x140: {  	v59 =	vmul.f32 v8, v8  }
0x141: {  	v9 =	vadd.f32 v56, v8;
	v8 =	vmax.f32 v57, v8  }
0x142: {  	[tilespmem:s30+$0x9D70] =	vst v8;
	v60 =	vadd.f32 v58, v59  }
0x143: {  	[tilespmem:s30+$0x70] =	vst v9  }
0x144: {  	[tilespmem:s30+$0x13A70] =	vst v60  }
0x145: {  	s31 =	spop (v2sf);
	v8 =	vld [tilespmem:$0x1F400]  }
0x146: {  	v9 =	vld [tilespmem:s31+$0x0]  }
0x147: {  	v61 =	vld [tilespmem:s31+$0x9D00]  }
0x148: {  	v62 =	vld [tilespmem:s31+$0x13A00];
	_ =	sdelay $0x2  }
0x149: {  	v63 =	vmul.f32 v8, v8  }
0x14a: {  	v9 =	vadd.f32 v9, v8;
	v8 =	vmax.f32 v61, v8  }
0x14b: {  	[tilespmem:s31+$0x9D00] =	vst v8;
	v15 =	vadd.f32 v62, v63  }
0x14c: {  	[tilespmem:s31+$0x0] =	vst v9  }
0x14d: {  	v16 =	vld [tilespmem:s31+$0x10];
	[tilespmem:s31+$0x13A00] =	vst v15  }
0x14e: {  	v8 =	vld [tilespmem:$0x1F410]  }
0x14f: {  	v17 =	vld [tilespmem:s31+$0x9D10]  }
0x150: {  	v18 =	vld [tilespmem:s31+$0x13A10];
	_ =	sdelay $0x2  }
0x151: {  	v19 =	vmul.f32 v8, v8  }
0x152: {  	v9 =	vadd.f32 v16, v8;
	v8 =	vmax.f32 v17, v8  }
0x153: {  	[tilespmem:s31+$0x9D10] =	vst v8;
	v20 =	vadd.f32 v18, v19  }
0x154: {  	[tilespmem:s31+$0x10] =	vst v9  }
0x155: {  	v21 =	vld [tilespmem:s31+$0x20];
	[tilespmem:s31+$0x13A10] =	vst v20  }
0x156: {  	v8 =	vld [tilespmem:$0x1F420]  }
0x157: {  	v22 =	vld [tilespmem:s31+$0x9D20]  }
0x158: {  	v23 =	vld [tilespmem:s31+$0x13A20];
	_ =	sdelay $0x2  }
0x159: {  	v24 =	vmul.f32 v8, v8  }
0x15a: {  	v9 =	vadd.f32 v21, v8;
	v8 =	vmax.f32 v22, v8  }
0x15b: {  	[tilespmem:s31+$0x9D20] =	vst v8;
	v25 =	vadd.f32 v23, v24  }
0x15c: {  	[tilespmem:s31+$0x20] =	vst v9  }
0x15d: {  	v26 =	vld [tilespmem:s31+$0x30];
	[tilespmem:s31+$0x13A20] =	vst v25  }
0x15e: {  	v8 =	vld [tilespmem:$0x1F430]  }
0x15f: {  	v27 =	vld [tilespmem:s31+$0x9D30]  }
0x160: {  	v28 =	vld [tilespmem:s31+$0x13A30];
	_ =	sdelay $0x2  }
0x161: {  	v29 =	vmul.f32 v8, v8  }
0x162: {  	v9 =	vadd.f32 v26, v8;
	v8 =	vmax.f32 v27, v8  }
0x163: {  	[tilespmem:s31+$0x9D30] =	vst v8;
	v30 =	vadd.f32 v28, v29  }
0x164: {  	[tilespmem:s31+$0x30] =	vst v9  }
0x165: {  	v31 =	vld [tilespmem:s31+$0x40];
	[tilespmem:s31+$0x13A30] =	vst v30  }
0x166: {  	v8 =	vld [tilespmem:$0x1F440]  }
0x167: {  	v32 =	vld [tilespmem:s31+$0x9D40]  }
0x168: {  	v33 =	vld [tilespmem:s31+$0x13A40];
	_ =	sdelay $0x2  }
0x169: {  	v34 =	vmul.f32 v8, v8  }
0x16a: {  	v9 =	vadd.f32 v31, v8;
	v8 =	vmax.f32 v32, v8  }
0x16b: {  	[tilespmem:s31+$0x9D40] =	vst v8;
	v35 =	vadd.f32 v33, v34  }
0x16c: {  	[tilespmem:s31+$0x40] =	vst v9  }
0x16d: {  	v36 =	vld [tilespmem:s31+$0x50];
	[tilespmem:s31+$0x13A40] =	vst v35  }
0x16e: {  	v8 =	vld [tilespmem:$0x1F450]  }
0x16f: {  	v37 =	vld [tilespmem:s31+$0x9D50]  }
0x170: {  	v38 =	vld [tilespmem:s31+$0x13A50];
	_ =	sdelay $0x2  }
0x171: {  	v39 =	vmul.f32 v8, v8  }
0x172: {  	v9 =	vadd.f32 v36, v8;
	v8 =	vmax.f32 v37, v8  }
0x173: {  	[tilespmem:s31+$0x9D50] =	vst v8;
	v40 =	vadd.f32 v38, v39  }
0x174: {  	[tilespmem:s31+$0x50] =	vst v9  }
0x175: {  	v41 =	vld [tilespmem:s31+$0x60];
	[tilespmem:s31+$0x13A50] =	vst v40  }
0x176: {  	v8 =	vld [tilespmem:$0x1F460]  }
0x177: {  	v42 =	vld [tilespmem:s31+$0x9D60]  }
0x178: {  	v43 =	vld [tilespmem:s31+$0x13A60];
	_ =	sdelay $0x2  }
0x179: {  	(v2sf) =	vpush v7, $0x4;
	v44 =	vmul.f32 v8, v8  }
0x17a: {  	v9 =	vadd.f32 v41, v8;
	v8 =	vmax.f32 v42, v8  }
0x17b: {  	[tilespmem:s31+$0x9D60] =	vst v8;
	v45 =	vadd.f32 v43, v44  }
0x17c: {  	[tilespmem:s31+$0x60] =	vst v9  }
0x17d: {  	v46 =	vld [tilespmem:s31+$0x70];
	[tilespmem:s31+$0x13A60] =	vst v45  }
0x17e: {  	v8 =	vld [tilespmem:$0x1F470]  }
0x17f: {  	v47 =	vld [tilespmem:s31+$0x9D70]  }
0x180: {  	v48 =	vld [tilespmem:s31+$0x13A70];
	_ =	sdelay $0x2  }
0x181: {  	v49 =	vmul.f32 v8, v8  }
0x182: {  	v9 =	vadd.f32 v46, v8;
	v8 =	vmax.f32 v47, v8  }
0x183: {  	[tilespmem:s31+$0x9D70] =	vst v8;
	v50 =	vadd.f32 v48, v49  }
0x184: {  	[tilespmem:s31+$0x70] =	vst v9  }
0x185: {  	[tilespmem:s31+$0x13A70] =	vst v50  }
0x186: {  	s30 =	spop (v2sf);
	v8 =	vld [tilespmem:$0x1F480]  }
0x187: {  	v9 =	vld [tilespmem:s30+$0x0]  }
0x188: {  	v51 =	vld [tilespmem:s30+$0x9D00]  }
0x189: {  	v52 =	vld [tilespmem:s30+$0x13A00];
	_ =	sdelay $0x2  }
0x18a: {  	v53 =	vmul.f32 v8, v8  }
0x18b: {  	v9 =	vadd.f32 v9, v8;
	v8 =	vmax.f32 v51, v8  }
0x18c: {  	[tilespmem:s30+$0x9D00] =	vst v8;
	v54 =	vadd.f32 v52, v53  }
0x18d: {  	[tilespmem:s30+$0x0] =	vst v9  }
0x18e: {  	v55 =	vld [tilespmem:s30+$0x10];
	[tilespmem:s30+$0x13A00] =	vst v54  }
0x18f: {  	v8 =	vld [tilespmem:$0x1F490]  }
0x190: {  	v56 =	vld [tilespmem:s30+$0x9D10]  }
0x191: {  	v57 =	vld [tilespmem:s30+$0x13A10];
	_ =	sdelay $0x2  }
0x192: {  	v58 =	vmul.f32 v8, v8  }
0x193: {  	v9 =	vadd.f32 v55, v8;
	v8 =	vmax.f32 v56, v8  }
0x194: {  	[tilespmem:s30+$0x9D10] =	vst v8;
	v59 =	vadd.f32 v57, v58  }
0x195: {  	[tilespmem:s30+$0x10] =	vst v9  }
0x196: {  	v60 =	vld [tilespmem:s30+$0x20];
	[tilespmem:s30+$0x13A10] =	vst v59  }
0x197: {  	v8 =	vld [tilespmem:$0x1F4A0]  }
0x198: {  	v61 =	vld [tilespmem:s30+$0x9D20]  }
0x199: {  	v62 =	vld [tilespmem:s30+$0x13A20];
	_ =	sdelay $0x2  }
0x19a: {  	v63 =	vmul.f32 v8, v8  }
0x19b: {  	v9 =	vadd.f32 v60, v8;
	v8 =	vmax.f32 v61, v8  }
0x19c: {  	[tilespmem:s30+$0x9D20] =	vst v8;
	v15 =	vadd.f32 v62, v63  }
0x19d: {  	[tilespmem:s30+$0x20] =	vst v9  }
0x19e: {  	v16 =	vld [tilespmem:s30+$0x30];
	[tilespmem:s30+$0x13A20] =	vst v15  }
0x19f: {  	v8 =	vld [tilespmem:$0x1F4B0]  }
0x1a0: {  	v17 =	vld [tilespmem:s30+$0x9D30]  }
0x1a1: {  	v18 =	vld [tilespmem:s30+$0x13A30];
	_ =	sdelay $0x2  }
0x1a2: {  	v19 =	vmul.f32 v8, v8  }
0x1a3: {  	v9 =	vadd.f32 v16, v8;
	v8 =	vmax.f32 v17, v8  }
0x1a4: {  	[tilespmem:s30+$0x9D30] =	vst v8;
	v20 =	vadd.f32 v18, v19  }
0x1a5: {  	[tilespmem:s30+$0x30] =	vst v9  }
0x1a6: {  	v21 =	vld [tilespmem:s30+$0x40];
	[tilespmem:s30+$0x13A30] =	vst v20  }
0x1a7: {  	v8 =	vld [tilespmem:$0x1F4C0]  }
0x1a8: {  	v22 =	vld [tilespmem:s30+$0x9D40]  }
0x1a9: {  	v23 =	vld [tilespmem:s30+$0x13A40];
	_ =	sdelay $0x2  }
0x1aa: {  	v24 =	vmul.f32 v8, v8  }
0x1ab: {  	v9 =	vadd.f32 v21, v8;
	v8 =	vmax.f32 v22, v8  }
0x1ac: {  	[tilespmem:s30+$0x9D40] =	vst v8;
	v25 =	vadd.f32 v23, v24  }
0x1ad: {  	[tilespmem:s30+$0x40] =	vst v9  }
0x1ae: {  	v26 =	vld [tilespmem:s30+$0x50];
	[tilespmem:s30+$0x13A40] =	vst v25  }
0x1af: {  	v8 =	vld [tilespmem:$0x1F4D0]  }
0x1b0: {  	v27 =	vld [tilespmem:s30+$0x9D50]  }
0x1b1: {  	v28 =	vld [tilespmem:s30+$0x13A50];
	_ =	sdelay $0x2  }
0x1b2: {  	v29 =	vmul.f32 v8, v8  }
0x1b3: {  	v9 =	vadd.f32 v26, v8;
	v8 =	vmax.f32 v27, v8  }
0x1b4: {  	[tilespmem:s30+$0x9D50] =	vst v8;
	v30 =	vadd.f32 v28, v29  }
0x1b5: {  	[tilespmem:s30+$0x50] =	vst v9  }
0x1b6: {  	v31 =	vld [tilespmem:s30+$0x60];
	[tilespmem:s30+$0x13A50] =	vst v30  }
0x1b7: {  	v8 =	vld [tilespmem:$0x1F4E0]  }
0x1b8: {  	v32 =	vld [tilespmem:s30+$0x9D60]  }
0x1b9: {  	v33 =	vld [tilespmem:s30+$0x13A60];
	_ =	sdelay $0x2  }
0x1ba: {  	(v2sf) =	vpush v7, $0x5;
	v34 =	vmul.f32 v8, v8  }
0x1bb: {  	v9 =	vadd.f32 v31, v8;
	v8 =	vmax.f32 v32, v8  }
0x1bc: {  	[tilespmem:s30+$0x9D60] =	vst v8;
	v35 =	vadd.f32 v33, v34  }
0x1bd: {  	[tilespmem:s30+$0x60] =	vst v9  }
0x1be: {  	v36 =	vld [tilespmem:s30+$0x70];
	[tilespmem:s30+$0x13A60] =	vst v35  }
0x1bf: {  	v8 =	vld [tilespmem:$0x1F4F0]  }
0x1c0: {  	v37 =	vld [tilespmem:s30+$0x9D70]  }
0x1c1: {  	v38 =	vld [tilespmem:s30+$0x13A70];
	_ =	sdelay $0x2  }
0x1c2: {  	v39 =	vmul.f32 v8, v8  }
0x1c3: {  	v9 =	vadd.f32 v36, v8;
	v8 =	vmax.f32 v37, v8  }
0x1c4: {  	[tilespmem:s30+$0x9D70] =	vst v8;
	v40 =	vadd.f32 v38, v39  }
0x1c5: {  	[tilespmem:s30+$0x70] =	vst v9  }
0x1c6: {  	[tilespmem:s30+$0x13A70] =	vst v40  }
0x1c7: {  	s31 =	spop (v2sf);
	v8 =	vld [tilespmem:$0x1F500]  }
0x1c8: {  	v9 =	vld [tilespmem:s31+$0x0]  }
0x1c9: {  	v41 =	vld [tilespmem:s31+$0x9D00]  }
0x1ca: {  	v42 =	vld [tilespmem:s31+$0x13A00];
	_ =	sdelay $0x2  }
0x1cb: {  	v43 =	vmul.f32 v8, v8  }
0x1cc: {  	v9 =	vadd.f32 v9, v8;
	v8 =	vmax.f32 v41, v8  }
0x1cd: {  	[tilespmem:s31+$0x9D00] =	vst v8;
	v44 =	vadd.f32 v42, v43  }
0x1ce: {  	[tilespmem:s31+$0x0] =	vst v9  }
0x1cf: {  	v45 =	vld [tilespmem:s31+$0x10];
	[tilespmem:s31+$0x13A00] =	vst v44  }
0x1d0: {  	v8 =	vld [tilespmem:$0x1F510]  }
0x1d1: {  	v46 =	vld [tilespmem:s31+$0x9D10]  }
0x1d2: {  	v47 =	vld [tilespmem:s31+$0x13A10];
	_ =	sdelay $0x2  }
0x1d3: {  	v48 =	vmul.f32 v8, v8  }
0x1d4: {  	v9 =	vadd.f32 v45, v8;
	v8 =	vmax.f32 v46, v8  }
0x1d5: {  	[tilespmem:s31+$0x9D10] =	vst v8;
	v49 =	vadd.f32 v47, v48  }
0x1d6: {  	[tilespmem:s31+$0x10] =	vst v9  }
0x1d7: {  	v50 =	vld [tilespmem:s31+$0x20];
	[tilespmem:s31+$0x13A10] =	vst v49  }
0x1d8: {  	v8 =	vld [tilespmem:$0x1F520]  }
0x1d9: {  	v51 =	vld [tilespmem:s31+$0x9D20]  }
0x1da: {  	v52 =	vld [tilespmem:s31+$0x13A20];
	_ =	sdelay $0x2  }
0x1db: {  	v53 =	vmul.f32 v8, v8  }
0x1dc: {  	v9 =	vadd.f32 v50, v8;
	v8 =	vmax.f32 v51, v8  }
0x1dd: {  	[tilespmem:s31+$0x9D20] =	vst v8;
	v54 =	vadd.f32 v52, v53  }
0x1de: {  	[tilespmem:s31+$0x20] =	vst v9  }
0x1df: {  	v55 =	vld [tilespmem:s31+$0x30];
	[tilespmem:s31+$0x13A20] =	vst v54  }
0x1e0: {  	v8 =	vld [tilespmem:$0x1F530]  }
0x1e1: {  	v56 =	vld [tilespmem:s31+$0x9D30]  }
0x1e2: {  	v57 =	vld [tilespmem:s31+$0x13A30];
	_ =	sdelay $0x2  }
0x1e3: {  	v58 =	vmul.f32 v8, v8  }
0x1e4: {  	v9 =	vadd.f32 v55, v8;
	v8 =	vmax.f32 v56, v8  }
0x1e5: {  	[tilespmem:s31+$0x9D30] =	vst v8;
	v59 =	vadd.f32 v57, v58  }
0x1e6: {  	[tilespmem:s31+$0x30] =	vst v9  }
0x1e7: {  	v60 =	vld [tilespmem:s31+$0x40];
	[tilespmem:s31+$0x13A30] =	vst v59  }
0x1e8: {  	v8 =	vld [tilespmem:$0x1F540]  }
0x1e9: {  	v61 =	vld [tilespmem:s31+$0x9D40]  }
0x1ea: {  	v62 =	vld [tilespmem:s31+$0x13A40];
	_ =	sdelay $0x2  }
0x1eb: {  	v63 =	vmul.f32 v8, v8  }
0x1ec: {  	v9 =	vadd.f32 v60, v8;
	v8 =	vmax.f32 v61, v8  }
0x1ed: {  	[tilespmem:s31+$0x9D40] =	vst v8;
	v16 =	vadd.f32 v62, v63  }
0x1ee: {  	[tilespmem:s31+$0x40] =	vst v9  }
0x1ef: {  	v17 =	vld [tilespmem:s31+$0x50];
	[tilespmem:s31+$0x13A40] =	vst v16  }
0x1f0: {  	v8 =	vld [tilespmem:$0x1F550]  }
0x1f1: {  	v18 =	vld [tilespmem:s31+$0x9D50]  }
0x1f2: {  	v19 =	vld [tilespmem:s31+$0x13A50];
	_ =	sdelay $0x2  }
0x1f3: {  	v20 =	vmul.f32 v8, v8  }
0x1f4: {  	v9 =	vadd.f32 v17, v8;
	v8 =	vmax.f32 v18, v8  }
0x1f5: {  	[tilespmem:s31+$0x9D50] =	vst v8;
	v21 =	vadd.f32 v19, v20  }
0x1f6: {  	[tilespmem:s31+$0x50] =	vst v9  }
0x1f7: {  	v22 =	vld [tilespmem:s31+$0x60];
	[tilespmem:s31+$0x13A50] =	vst v21  }
0x1f8: {  	v8 =	vld [tilespmem:$0x1F560]  }
0x1f9: {  	v23 =	vld [tilespmem:s31+$0x9D60]  }
0x1fa: {  	v24 =	vld [tilespmem:s31+$0x13A60];
	_ =	sdelay $0x2  }
0x1fb: {  	(v2sf) =	vpush v7, $0x6;
	v25 =	vmul.f32 v8, v8  }
0x1fc: {  	v9 =	vadd.f32 v22, v8;
	v8 =	vmax.f32 v23, v8  }
0x1fd: {  	[tilespmem:s31+$0x9D60] =	vst v8;
	v26 =	vadd.f32 v24, v25  }
0x1fe: {  	[tilespmem:s31+$0x60] =	vst v9  }
0x1ff: {  	v27 =	vld [tilespmem:s31+$0x70];
	[tilespmem:s31+$0x13A60] =	vst v26  }
0x200: {  	v8 =	vld [tilespmem:$0x1F570]  }
0x201: {  	v28 =	vld [tilespmem:s31+$0x9D70]  }
0x202: {  	v29 =	vld [tilespmem:s31+$0x13A70];
	_ =	sdelay $0x2  }
0x203: {  	v30 =	vmul.f32 v8, v8  }
0x204: {  	v9 =	vadd.f32 v27, v8;
	v8 =	vmax.f32 v28, v8  }
0x205: {  	[tilespmem:s31+$0x9D70] =	vst v8;
	v31 =	vadd.f32 v29, v30  }
0x206: {  	[tilespmem:s31+$0x70] =	vst v9  }
0x207: {  	[tilespmem:s31+$0x13A70] =	vst v31  }
0x208: {  	s30 =	spop (v2sf);
	v8 =	vld [tilespmem:$0x1F580]  }
0x209: {  	v9 =	vld [tilespmem:s30+$0x0]  }
0x20a: {  	v32 =	vld [tilespmem:s30+$0x9D00]  }
0x20b: {  	v33 =	vld [tilespmem:s30+$0x13A00];
	_ =	sdelay $0x2  }
0x20c: {  	v34 =	vmul.f32 v8, v8  }
0x20d: {  	v9 =	vadd.f32 v9, v8;
	v8 =	vmax.f32 v32, v8  }
0x20e: {  	[tilespmem:s30+$0x9D00] =	vst v8;
	v35 =	vadd.f32 v33, v34  }
0x20f: {  	[tilespmem:s30+$0x0] =	vst v9  }
0x210: {  	v36 =	vld [tilespmem:s30+$0x10];
	[tilespmem:s30+$0x13A00] =	vst v35  }
0x211: {  	v8 =	vld [tilespmem:$0x1F590]  }
0x212: {  	v37 =	vld [tilespmem:s30+$0x9D10]  }
0x213: {  	v38 =	vld [tilespmem:s30+$0x13A10];
	_ =	sdelay $0x2  }
0x214: {  	v39 =	vmul.f32 v8, v8  }
0x215: {  	v9 =	vadd.f32 v36, v8;
	v8 =	vmax.f32 v37, v8  }
0x216: {  	[tilespmem:s30+$0x9D10] =	vst v8;
	v40 =	vadd.f32 v38, v39  }
0x217: {  	[tilespmem:s30+$0x10] =	vst v9  }
0x218: {  	v41 =	vld [tilespmem:s30+$0x20];
	[tilespmem:s30+$0x13A10] =	vst v40  }
0x219: {  	v8 =	vld [tilespmem:$0x1F5A0]  }
0x21a: {  	v42 =	vld [tilespmem:s30+$0x9D20]  }
0x21b: {  	v43 =	vld [tilespmem:s30+$0x13A20];
	_ =	sdelay $0x2  }
0x21c: {  	v44 =	vmul.f32 v8, v8  }
0x21d: {  	v9 =	vadd.f32 v41, v8;
	v8 =	vmax.f32 v42, v8  }
0x21e: {  	[tilespmem:s30+$0x9D20] =	vst v8;
	v45 =	vadd.f32 v43, v44  }
0x21f: {  	[tilespmem:s30+$0x20] =	vst v9  }
0x220: {  	v46 =	vld [tilespmem:s30+$0x30];
	[tilespmem:s30+$0x13A20] =	vst v45  }
0x221: {  	v8 =	vld [tilespmem:$0x1F5B0]  }
0x222: {  	v47 =	vld [tilespmem:s30+$0x9D30]  }
0x223: {  	v48 =	vld [tilespmem:s30+$0x13A30];
	_ =	sdelay $0x2  }
0x224: {  	v49 =	vmul.f32 v8, v8  }
0x225: {  	v9 =	vadd.f32 v46, v8;
	v8 =	vmax.f32 v47, v8  }
0x226: {  	[tilespmem:s30+$0x9D30] =	vst v8;
	v50 =	vadd.f32 v48, v49  }
0x227: {  	[tilespmem:s30+$0x30] =	vst v9  }
0x228: {  	v51 =	vld [tilespmem:s30+$0x40];
	[tilespmem:s30+$0x13A30] =	vst v50  }
0x229: {  	v8 =	vld [tilespmem:$0x1F5C0]  }
0x22a: {  	v52 =	vld [tilespmem:s30+$0x9D40]  }
0x22b: {  	v53 =	vld [tilespmem:s30+$0x13A40];
	_ =	sdelay $0x2  }
0x22c: {  	v54 =	vmul.f32 v8, v8  }
0x22d: {  	v9 =	vadd.f32 v51, v8;
	v8 =	vmax.f32 v52, v8  }
0x22e: {  	[tilespmem:s30+$0x9D40] =	vst v8;
	v55 =	vadd.f32 v53, v54  }
0x22f: {  	[tilespmem:s30+$0x40] =	vst v9  }
0x230: {  	v56 =	vld [tilespmem:s30+$0x50];
	[tilespmem:s30+$0x13A40] =	vst v55  }
0x231: {  	v8 =	vld [tilespmem:$0x1F5D0]  }
0x232: {  	v57 =	vld [tilespmem:s30+$0x9D50]  }
0x233: {  	v58 =	vld [tilespmem:s30+$0x13A50];
	_ =	sdelay $0x2  }
0x234: {  	v59 =	vmul.f32 v8, v8  }
0x235: {  	v9 =	vadd.f32 v56, v8;
	v8 =	vmax.f32 v57, v8  }
0x236: {  	[tilespmem:s30+$0x9D50] =	vst v8;
	v60 =	vadd.f32 v58, v59  }
0x237: {  	[tilespmem:s30+$0x50] =	vst v9  }
0x238: {  	v61 =	vld [tilespmem:s30+$0x60];
	[tilespmem:s30+$0x13A50] =	vst v60  }
0x239: {  	v8 =	vld [tilespmem:$0x1F5E0]  }
0x23a: {  	v62 =	vld [tilespmem:s30+$0x9D60]  }
0x23b: {  	v63 =	vld [tilespmem:s30+$0x13A60];
	_ =	sdelay $0x2  }
0x23c: {  	(v2sf) =	vpush v7, $0x7;
	v16 =	vmul.f32 v8, v8  }
0x23d: {  	v9 =	vadd.f32 v61, v8;
	v8 =	vmax.f32 v62, v8  }
0x23e: {  	[tilespmem:s30+$0x9D60] =	vst v8;
	v17 =	vadd.f32 v63, v16  }
0x23f: {  	[tilespmem:s30+$0x60] =	vst v9  }
0x240: {  	v18 =	vld [tilespmem:s30+$0x70];
	[tilespmem:s30+$0x13A60] =	vst v17  }
0x241: {  	v8 =	vld [tilespmem:$0x1F5F0]  }
0x242: {  	v19 =	vld [tilespmem:s30+$0x9D70]  }
0x243: {  	v20 =	vld [tilespmem:s30+$0x13A70];
	_ =	sdelay $0x2  }
0x244: {  	v21 =	vmul.f32 v8, v8  }
0x245: {  	v9 =	vadd.f32 v18, v8;
	v8 =	vmax.f32 v19, v8  }
0x246: {  	[tilespmem:s30+$0x9D70] =	vst v8;
	v22 =	vadd.f32 v20, v21  }
0x247: {  	[tilespmem:s30+$0x70] =	vst v9  }
0x248: {  	[tilespmem:s30+$0x13A70] =	vst v22  }
0x249: {  	s31 =	spop (v2sf);
	v8 =	vld [tilespmem:$0x1F600]  }
0x24a: {  	v9 =	vld [tilespmem:s31+$0x0]  }
0x24b: {  	v23 =	vld [tilespmem:s31+$0x9D00]  }
0x24c: {  	v24 =	vld [tilespmem:s31+$0x13A00];
	_ =	sdelay $0x2  }
0x24d: {  	v25 =	vmul.f32 v8, v8  }
0x24e: {  	v9 =	vadd.f32 v9, v8;
	v8 =	vmax.f32 v23, v8  }
0x24f: {  	[tilespmem:s31+$0x9D00] =	vst v8;
	v26 =	vadd.f32 v24, v25  }
0x250: {  	[tilespmem:s31+$0x0] =	vst v9  }
0x251: {  	v27 =	vld [tilespmem:s31+$0x10];
	[tilespmem:s31+$0x13A00] =	vst v26  }
0x252: {  	v8 =	vld [tilespmem:$0x1F610]  }
0x253: {  	v28 =	vld [tilespmem:s31+$0x9D10]  }
0x254: {  	v29 =	vld [tilespmem:s31+$0x13A10];
	_ =	sdelay $0x2  }
0x255: {  	v30 =	vmul.f32 v8, v8  }
0x256: {  	v9 =	vadd.f32 v27, v8;
	v8 =	vmax.f32 v28, v8  }
0x257: {  	[tilespmem:s31+$0x9D10] =	vst v8;
	v31 =	vadd.f32 v29, v30  }
0x258: {  	[tilespmem:s31+$0x10] =	vst v9  }
0x259: {  	v32 =	vld [tilespmem:s31+$0x20];
	[tilespmem:s31+$0x13A10] =	vst v31  }
0x25a: {  	v8 =	vld [tilespmem:$0x1F620]  }
0x25b: {  	v33 =	vld [tilespmem:s31+$0x9D20]  }
0x25c: {  	v34 =	vld [tilespmem:s31+$0x13A20];
	_ =	sdelay $0x2  }
0x25d: {  	v35 =	vmul.f32 v8, v8  }
0x25e: {  	v9 =	vadd.f32 v32, v8;
	v8 =	vmax.f32 v33, v8  }
0x25f: {  	[tilespmem:s31+$0x9D20] =	vst v8;
	v36 =	vadd.f32 v34, v35  }
0x260: {  	[tilespmem:s31+$0x20] =	vst v9  }
0x261: {  	[tilespmem:s31+$0x13A20] =	vst v36  }
0x262: {  	v8 =	vld [tilespmem:$0x1F630]  }
0x263: {  	v9 =	vld [tilespmem:s31+$0x30]  }
0x264: {  	v37 =	vld [tilespmem:s31+$0x9D30]  }
0x265: {  	v38 =	vld [tilespmem:s31+$0x13A30];
	_ =	sdelay $0x2  }
0x266: {  	v39 =	vmul.f32 v8, v8  }
0x267: {  	v9 =	vadd.f32 v9, v8;
	v8 =	vmax.f32 v37, v8  }
0x268: {  	[tilespmem:s31+$0x9D30] =	vst v8;
	v40 =	vadd.f32 v38, v39  }
0x269: {  	[tilespmem:s31+$0x30] =	vst v9  }
0x26a: {  	v41 =	vld [tilespmem:s31+$0x40];
	[tilespmem:s31+$0x13A30] =	vst v40  }
0x26b: {  	v8 =	vld [tilespmem:$0x1F640]  }
0x26c: {  	v42 =	vld [tilespmem:s31+$0x9D40]  }
0x26d: {  	v43 =	vld [tilespmem:s31+$0x13A40];
	_ =	sdelay $0x2  }
0x26e: {  	v44 =	vmul.f32 v8, v8  }
0x26f: {  	v9 =	vadd.f32 v41, v8;
	v8 =	vmax.f32 v42, v8  }
0x270: {  	[tilespmem:s31+$0x9D40] =	vst v8;
	v45 =	vadd.f32 v43, v44  }
0x271: {  	[tilespmem:s31+$0x40] =	vst v9  }
0x272: {  	v46 =	vld [tilespmem:s31+$0x50];
	[tilespmem:s31+$0x13A40] =	vst v45  }
0x273: {  	v8 =	vld [tilespmem:$0x1F650]  }
0x274: {  	v47 =	vld [tilespmem:s31+$0x9D50]  }
0x275: {  	v48 =	vld [tilespmem:s31+$0x13A50];
	_ =	sdelay $0x2  }
0x276: {  	v49 =	vmul.f32 v8, v8  }
0x277: {  	v9 =	vadd.f32 v46, v8;
	v8 =	vmax.f32 v47, v8  }
0x278: {  	[tilespmem:s31+$0x9D50] =	vst v8;
	v50 =	vadd.f32 v48, v49  }
0x279: {  	[tilespmem:s31+$0x50] =	vst v9  }
0x27a: {  	v51 =	vld [tilespmem:s31+$0x60];
	[tilespmem:s31+$0x13A50] =	vst v50  }
0x27b: {  	v8 =	vld [tilespmem:$0x1F660]  }
0x27c: {  	v52 =	vld [tilespmem:s31+$0x9D60]  }
0x27d: {  	v53 =	vld [tilespmem:s31+$0x13A60];
	_ =	sdelay $0x2  }
0x27e: {  	(v2sf) =	vpush v7, $0x8;
	v54 =	vmul.f32 v8, v8  }
0x27f: {  	v9 =	vadd.f32 v51, v8;
	v8 =	vmax.f32 v52, v8  }
0x280: {  	[tilespmem:s31+$0x9D60] =	vst v8;
	v55 =	vadd.f32 v53, v54  }
0x281: {  	[tilespmem:s31+$0x60] =	vst v9  }
0x282: {  	v56 =	vld [tilespmem:s31+$0x70];
	[tilespmem:s31+$0x13A60] =	vst v55  }
0x283: {  	v8 =	vld [tilespmem:$0x1F670]  }
0x284: {  	v57 =	vld [tilespmem:s31+$0x9D70]  }
0x285: {  	v58 =	vld [tilespmem:s31+$0x13A70];
	_ =	sdelay $0x2  }
0x286: {  	v59 =	vmul.f32 v8, v8  }
0x287: {  	v9 =	vadd.f32 v56, v8;
	v8 =	vmax.f32 v57, v8  }
0x288: {  	[tilespmem:s31+$0x9D70] =	vst v8;
	v60 =	vadd.f32 v58, v59  }
0x289: {  	[tilespmem:s31+$0x70] =	vst v9  }
0x28a: {  	[tilespmem:s31+$0x13A70] =	vst v60  }
0x28b: {  	s30 =	spop (v2sf);
	v8 =	vld [tilespmem:$0x1F680]  }
0x28c: {  	v9 =	vld [tilespmem:s30+$0x0]  }
0x28d: {  	v61 =	vld [tilespmem:s30+$0x9D00]  }
0x28e: {  	v62 =	vld [tilespmem:s30+$0x13A00];
	_ =	sdelay $0x2  }
0x28f: {  	v63 =	vmul.f32 v8, v8  }
0x290: {  	v9 =	vadd.f32 v9, v8;
	v8 =	vmax.f32 v61, v8  }
0x291: {  	[tilespmem:s30+$0x9D00] =	vst v8;
	v15 =	vadd.f32 v62, v63  }
0x292: {  	[tilespmem:s30+$0x0] =	vst v9  }
0x293: {  	v16 =	vld [tilespmem:s30+$0x10];
	[tilespmem:s30+$0x13A00] =	vst v15  }
0x294: {  	v8 =	vld [tilespmem:$0x1F690]  }
0x295: {  	v17 =	vld [tilespmem:s30+$0x9D10]  }
0x296: {  	v18 =	vld [tilespmem:s30+$0x13A10];
	_ =	sdelay $0x2  }
0x297: {  	v19 =	vmul.f32 v8, v8  }
0x298: {  	v9 =	vadd.f32 v16, v8;
	v8 =	vmax.f32 v17, v8  }
0x299: {  	[tilespmem:s30+$0x9D10] =	vst v8;
	v20 =	vadd.f32 v18, v19  }
0x29a: {  	[tilespmem:s30+$0x10] =	vst v9  }
0x29b: {  	v21 =	vld [tilespmem:s30+$0x20];
	[tilespmem:s30+$0x13A10] =	vst v20  }
0x29c: {  	v8 =	vld [tilespmem:$0x1F6A0]  }
0x29d: {  	v22 =	vld [tilespmem:s30+$0x9D20]  }
0x29e: {  	v23 =	vld [tilespmem:s30+$0x13A20];
	_ =	sdelay $0x2  }
0x29f: {  	v24 =	vmul.f32 v8, v8  }
0x2a0: {  	v9 =	vadd.f32 v21, v8;
	v8 =	vmax.f32 v22, v8  }
0x2a1: {  	[tilespmem:s30+$0x9D20] =	vst v8;
	v25 =	vadd.f32 v23, v24  }
0x2a2: {  	[tilespmem:s30+$0x20] =	vst v9  }
0x2a3: {  	v26 =	vld [tilespmem:s30+$0x30];
	[tilespmem:s30+$0x13A20] =	vst v25  }
0x2a4: {  	v8 =	vld [tilespmem:$0x1F6B0]  }
0x2a5: {  	v27 =	vld [tilespmem:s30+$0x9D30]  }
0x2a6: {  	v28 =	vld [tilespmem:s30+$0x13A30];
	_ =	sdelay $0x2  }
0x2a7: {  	v29 =	vmul.f32 v8, v8  }
0x2a8: {  	v9 =	vadd.f32 v26, v8;
	v8 =	vmax.f32 v27, v8  }
0x2a9: {  	[tilespmem:s30+$0x9D30] =	vst v8;
	v30 =	vadd.f32 v28, v29  }
0x2aa: {  	[tilespmem:s30+$0x30] =	vst v9  }
0x2ab: {  	v31 =	vld [tilespmem:s30+$0x40];
	[tilespmem:s30+$0x13A30] =	vst v30  }
0x2ac: {  	v8 =	vld [tilespmem:$0x1F6C0]  }
0x2ad: {  	v32 =	vld [tilespmem:s30+$0x9D40]  }
0x2ae: {  	v33 =	vld [tilespmem:s30+$0x13A40];
	_ =	sdelay $0x2  }
0x2af: {  	v34 =	vmul.f32 v8, v8  }
0x2b0: {  	v9 =	vadd.f32 v31, v8;
	v8 =	vmax.f32 v32, v8  }
0x2b1: {  	[tilespmem:s30+$0x9D40] =	vst v8;
	v35 =	vadd.f32 v33, v34  }
0x2b2: {  	[tilespmem:s30+$0x40] =	vst v9  }
0x2b3: {  	v36 =	vld [tilespmem:s30+$0x50];
	[tilespmem:s30+$0x13A40] =	vst v35  }
0x2b4: {  	v8 =	vld [tilespmem:$0x1F6D0]  }
0x2b5: {  	v37 =	vld [tilespmem:s30+$0x9D50]  }
0x2b6: {  	v38 =	vld [tilespmem:s30+$0x13A50];
	_ =	sdelay $0x2  }
0x2b7: {  	v39 =	vmul.f32 v8, v8  }
0x2b8: {  	v9 =	vadd.f32 v36, v8;
	v8 =	vmax.f32 v37, v8  }
0x2b9: {  	[tilespmem:s30+$0x9D50] =	vst v8;
	v40 =	vadd.f32 v38, v39  }
0x2ba: {  	[tilespmem:s30+$0x50] =	vst v9  }
0x2bb: {  	v41 =	vld [tilespmem:s30+$0x60];
	[tilespmem:s30+$0x13A50] =	vst v40  }
0x2bc: {  	v8 =	vld [tilespmem:$0x1F6E0]  }
0x2bd: {  	v42 =	vld [tilespmem:s30+$0x9D60]  }
0x2be: {  	v43 =	vld [tilespmem:s30+$0x13A60];
	_ =	sdelay $0x2  }
0x2bf: {  	(v2sf) =	vpush v7, $0x9;
	v44 =	vmul.f32 v8, v8  }
0x2c0: {  	v9 =	vadd.f32 v41, v8;
	v8 =	vmax.f32 v42, v8  }
0x2c1: {  	[tilespmem:s30+$0x9D60] =	vst v8;
	v45 =	vadd.f32 v43, v44  }
0x2c2: {  	[tilespmem:s30+$0x60] =	vst v9  }
0x2c3: {  	v46 =	vld [tilespmem:s30+$0x70];
	[tilespmem:s30+$0x13A60] =	vst v45  }
0x2c4: {  	v8 =	vld [tilespmem:$0x1F6F0]  }
0x2c5: {  	v47 =	vld [tilespmem:s30+$0x9D70]  }
0x2c6: {  	v48 =	vld [tilespmem:s30+$0x13A70];
	_ =	sdelay $0x2  }
0x2c7: {  	v49 =	vmul.f32 v8, v8  }
0x2c8: {  	v9 =	vadd.f32 v46, v8;
	v8 =	vmax.f32 v47, v8  }
0x2c9: {  	[tilespmem:s30+$0x9D70] =	vst v8;
	v50 =	vadd.f32 v48, v49  }
0x2ca: {  	[tilespmem:s30+$0x70] =	vst v9  }
0x2cb: {  	[tilespmem:s30+$0x13A70] =	vst v50  }
0x2cc: {  	s31 =	spop (v2sf);
	v8 =	vld [tilespmem:$0x1F700]  }
0x2cd: {  	v9 =	vld [tilespmem:s31+$0x0]  }
0x2ce: {  	v51 =	vld [tilespmem:s31+$0x9D00]  }
0x2cf: {  	v52 =	vld [tilespmem:s31+$0x13A00];
	_ =	sdelay $0x2  }
0x2d0: {  	v53 =	vmul.f32 v8, v8  }
0x2d1: {  	v9 =	vadd.f32 v9, v8;
	v8 =	vmax.f32 v51, v8  }
0x2d2: {  	[tilespmem:s31+$0x9D00] =	vst v8;
	v54 =	vadd.f32 v52, v53  }
0x2d3: {  	[tilespmem:s31+$0x0] =	vst v9  }
0x2d4: {  	v55 =	vld [tilespmem:s31+$0x10];
	[tilespmem:s31+$0x13A00] =	vst v54  }
0x2d5: {  	v8 =	vld [tilespmem:$0x1F710]  }
0x2d6: {  	v56 =	vld [tilespmem:s31+$0x9D10]  }
0x2d7: {  	v57 =	vld [tilespmem:s31+$0x13A10];
	_ =	sdelay $0x2  }
0x2d8: {  	v58 =	vmul.f32 v8, v8  }
0x2d9: {  	v9 =	vadd.f32 v55, v8;
	v8 =	vmax.f32 v56, v8  }
0x2da: {  	[tilespmem:s31+$0x9D10] =	vst v8;
	v59 =	vadd.f32 v57, v58  }
0x2db: {  	[tilespmem:s31+$0x10] =	vst v9  }
0x2dc: {  	v60 =	vld [tilespmem:s31+$0x20];
	[tilespmem:s31+$0x13A10] =	vst v59  }
0x2dd: {  	v8 =	vld [tilespmem:$0x1F720]  }
0x2de: {  	v61 =	vld [tilespmem:s31+$0x9D20]  }
0x2df: {  	v62 =	vld [tilespmem:s31+$0x13A20];
	_ =	sdelay $0x2  }
0x2e0: {  	v63 =	vmul.f32 v8, v8  }
0x2e1: {  	v9 =	vadd.f32 v60, v8;
	v8 =	vmax.f32 v61, v8  }
0x2e2: {  	[tilespmem:s31+$0x9D20] =	vst v8;
	v15 =	vadd.f32 v62, v63  }
0x2e3: {  	[tilespmem:s31+$0x20] =	vst v9  }
0x2e4: {  	v16 =	vld [tilespmem:s31+$0x30];
	[tilespmem:s31+$0x13A20] =	vst v15  }
0x2e5: {  	v8 =	vld [tilespmem:$0x1F730]  }
0x2e6: {  	v17 =	vld [tilespmem:s31+$0x9D30]  }
0x2e7: {  	v18 =	vld [tilespmem:s31+$0x13A30];
	_ =	sdelay $0x2  }
0x2e8: {  	v19 =	vmul.f32 v8, v8  }
0x2e9: {  	v9 =	vadd.f32 v16, v8;
	v8 =	vmax.f32 v17, v8  }
0x2ea: {  	[tilespmem:s31+$0x9D30] =	vst v8;
	v20 =	vadd.f32 v18, v19  }
0x2eb: {  	[tilespmem:s31+$0x30] =	vst v9  }
0x2ec: {  	v21 =	vld [tilespmem:s31+$0x40];
	[tilespmem:s31+$0x13A30] =	vst v20  }
0x2ed: {  	v8 =	vld [tilespmem:$0x1F740]  }
0x2ee: {  	v22 =	vld [tilespmem:s31+$0x9D40]  }
0x2ef: {  	v23 =	vld [tilespmem:s31+$0x13A40];
	_ =	sdelay $0x2  }
0x2f0: {  	v24 =	vmul.f32 v8, v8  }
0x2f1: {  	v9 =	vadd.f32 v21, v8;
	v8 =	vmax.f32 v22, v8  }
0x2f2: {  	[tilespmem:s31+$0x9D40] =	vst v8;
	v25 =	vadd.f32 v23, v24  }
0x2f3: {  	[tilespmem:s31+$0x40] =	vst v9  }
0x2f4: {  	v26 =	vld [tilespmem:s31+$0x50];
	[tilespmem:s31+$0x13A40] =	vst v25  }
0x2f5: {  	v8 =	vld [tilespmem:$0x1F750]  }
0x2f6: {  	v27 =	vld [tilespmem:s31+$0x9D50]  }
0x2f7: {  	v28 =	vld [tilespmem:s31+$0x13A50];
	_ =	sdelay $0x2  }
0x2f8: {  	v29 =	vmul.f32 v8, v8  }
0x2f9: {  	v9 =	vadd.f32 v26, v8;
	v8 =	vmax.f32 v27, v8  }
0x2fa: {  	[tilespmem:s31+$0x9D50] =	vst v8;
	v30 =	vadd.f32 v28, v29  }
0x2fb: {  	[tilespmem:s31+$0x50] =	vst v9  }
0x2fc: {  	v31 =	vld [tilespmem:s31+$0x60];
	[tilespmem:s31+$0x13A50] =	vst v30  }
0x2fd: {  	v8 =	vld [tilespmem:$0x1F760]  }
0x2fe: {  	v32 =	vld [tilespmem:s31+$0x9D60]  }
0x2ff: {  	v33 =	vld [tilespmem:s31+$0x13A60];
	_ =	sdelay $0x2  }
0x300: {  	(v2sf) =	vpush v7, $0xA;
	v34 =	vmul.f32 v8, v8  }
0x301: {  	v9 =	vadd.f32 v31, v8;
	v8 =	vmax.f32 v32, v8  }
0x302: {  	[tilespmem:s31+$0x9D60] =	vst v8;
	v35 =	vadd.f32 v33, v34  }
0x303: {  	[tilespmem:s31+$0x60] =	vst v9  }
0x304: {  	v36 =	vld [tilespmem:s31+$0x70];
	[tilespmem:s31+$0x13A60] =	vst v35  }
0x305: {  	v8 =	vld [tilespmem:$0x1F770]  }
0x306: {  	v37 =	vld [tilespmem:s31+$0x9D70]  }
0x307: {  	v38 =	vld [tilespmem:s31+$0x13A70];
	_ =	sdelay $0x2  }
0x308: {  	v39 =	vmul.f32 v8, v8  }
0x309: {  	v9 =	vadd.f32 v36, v8;
	v8 =	vmax.f32 v37, v8  }
0x30a: {  	[tilespmem:s31+$0x9D70] =	vst v8;
	v40 =	vadd.f32 v38, v39  }
0x30b: {  	[tilespmem:s31+$0x70] =	vst v9  }
0x30c: {  	[tilespmem:s31+$0x13A70] =	vst v40  }
0x30d: {  	s30 =	spop (v2sf);
	v8 =	vld [tilespmem:$0x1F780]  }
0x30e: {  	v9 =	vld [tilespmem:s30+$0x0]  }
0x30f: {  	v41 =	vld [tilespmem:s30+$0x9D00]  }
0x310: {  	v42 =	vld [tilespmem:s30+$0x13A00];
	_ =	sdelay $0x2  }
0x311: {  	v43 =	vmul.f32 v8, v8  }
0x312: {  	v9 =	vadd.f32 v9, v8;
	v8 =	vmax.f32 v41, v8  }
0x313: {  	[tilespmem:s30+$0x9D00] =	vst v8;
	v44 =	vadd.f32 v42, v43  }
0x314: {  	[tilespmem:s30+$0x0] =	vst v9  }
0x315: {  	v45 =	vld [tilespmem:s30+$0x10];
	[tilespmem:s30+$0x13A00] =	vst v44  }
0x316: {  	v8 =	vld [tilespmem:$0x1F790]  }
0x317: {  	v46 =	vld [tilespmem:s30+$0x9D10]  }
0x318: {  	v47 =	vld [tilespmem:s30+$0x13A10];
	_ =	sdelay $0x2  }
0x319: {  	v48 =	vmul.f32 v8, v8  }
0x31a: {  	v9 =	vadd.f32 v45, v8;
	v8 =	vmax.f32 v46, v8  }
0x31b: {  	[tilespmem:s30+$0x9D10] =	vst v8;
	v49 =	vadd.f32 v47, v48  }
0x31c: {  	[tilespmem:s30+$0x10] =	vst v9  }
0x31d: {  	v50 =	vld [tilespmem:s30+$0x20];
	[tilespmem:s30+$0x13A10] =	vst v49  }
0x31e: {  	v8 =	vld [tilespmem:$0x1F7A0]  }
0x31f: {  	v51 =	vld [tilespmem:s30+$0x9D20]  }
0x320: {  	v52 =	vld [tilespmem:s30+$0x13A20];
	_ =	sdelay $0x2  }
0x321: {  	v53 =	vmul.f32 v8, v8  }
0x322: {  	v9 =	vadd.f32 v50, v8;
	v8 =	vmax.f32 v51, v8  }
0x323: {  	[tilespmem:s30+$0x9D20] =	vst v8;
	v54 =	vadd.f32 v52, v53  }
0x324: {  	[tilespmem:s30+$0x20] =	vst v9  }
0x325: {  	v55 =	vld [tilespmem:s30+$0x30];
	[tilespmem:s30+$0x13A20] =	vst v54  }
0x326: {  	v8 =	vld [tilespmem:$0x1F7B0]  }
0x327: {  	v56 =	vld [tilespmem:s30+$0x9D30]  }
0x328: {  	v57 =	vld [tilespmem:s30+$0x13A30];
	_ =	sdelay $0x2  }
0x329: {  	v58 =	vmul.f32 v8, v8  }
0x32a: {  	v9 =	vadd.f32 v55, v8;
	v8 =	vmax.f32 v56, v8  }
0x32b: {  	[tilespmem:s30+$0x9D30] =	vst v8;
	v59 =	vadd.f32 v57, v58  }
0x32c: {  	[tilespmem:s30+$0x30] =	vst v9  }
0x32d: {  	v60 =	vld [tilespmem:s30+$0x40];
	[tilespmem:s30+$0x13A30] =	vst v59  }
0x32e: {  	v8 =	vld [tilespmem:$0x1F7C0]  }
0x32f: {  	v61 =	vld [tilespmem:s30+$0x9D40]  }
0x330: {  	v62 =	vld [tilespmem:s30+$0x13A40];
	_ =	sdelay $0x2  }
0x331: {  	v63 =	vmul.f32 v8, v8  }
0x332: {  	v9 =	vadd.f32 v60, v8;
	v8 =	vmax.f32 v61, v8  }
0x333: {  	[tilespmem:s30+$0x9D40] =	vst v8;
	v15 =	vadd.f32 v62, v63  }
0x334: {  	[tilespmem:s30+$0x40] =	vst v9  }
0x335: {  	v16 =	vld [tilespmem:s30+$0x50];
	[tilespmem:s30+$0x13A40] =	vst v15  }
0x336: {  	v8 =	vld [tilespmem:$0x1F7D0]  }
0x337: {  	v17 =	vld [tilespmem:s30+$0x9D50]  }
0x338: {  	v18 =	vld [tilespmem:s30+$0x13A50];
	_ =	sdelay $0x2  }
0x339: {  	v19 =	vmul.f32 v8, v8  }
0x33a: {  	v9 =	vadd.f32 v16, v8;
	v8 =	vmax.f32 v17, v8  }
0x33b: {  	[tilespmem:s30+$0x9D50] =	vst v8;
	v20 =	vadd.f32 v18, v19  }
0x33c: {  	[tilespmem:s30+$0x50] =	vst v9  }
0x33d: {  	v21 =	vld [tilespmem:s30+$0x60];
	[tilespmem:s30+$0x13A50] =	vst v20  }
0x33e: {  	v8 =	vld [tilespmem:$0x1F7E0]  }
0x33f: {  	v22 =	vld [tilespmem:s30+$0x9D60]  }
0x340: {  	v23 =	vld [tilespmem:s30+$0x13A60];
	_ =	sdelay $0x2  }
0x341: {  	(v2sf) =	vpush v7, $0xB;
	v24 =	vmul.f32 v8, v8  }
0x342: {  	v9 =	vadd.f32 v21, v8;
	v8 =	vmax.f32 v22, v8  }
0x343: {  	[tilespmem:s30+$0x9D60] =	vst v8;
	v25 =	vadd.f32 v23, v24  }
0x344: {  	[tilespmem:s30+$0x60] =	vst v9  }
0x345: {  	v26 =	vld [tilespmem:s30+$0x70];
	[tilespmem:s30+$0x13A60] =	vst v25  }
0x346: {  	v8 =	vld [tilespmem:$0x1F7F0]  }
0x347: {  	v27 =	vld [tilespmem:s30+$0x9D70]  }
0x348: {  	v28 =	vld [tilespmem:s30+$0x13A70];
	_ =	sdelay $0x2  }
0x349: {  	v29 =	vmul.f32 v8, v8  }
0x34a: {  	v9 =	vadd.f32 v26, v8;
	v8 =	vmax.f32 v27, v8  }
0x34b: {  	[tilespmem:s30+$0x9D70] =	vst v8;
	v30 =	vadd.f32 v28, v29  }
0x34c: {  	[tilespmem:s30+$0x70] =	vst v9  }
0x34d: {  	[tilespmem:s30+$0x13A70] =	vst v30  }
0x34e: {  	s31 =	spop (v2sf);
	v8 =	vld [tilespmem:$0x1F800]  }
0x34f: {  	v9 =	vld [tilespmem:s31+$0x0]  }
0x350: {  	v31 =	vld [tilespmem:s31+$0x9D00]  }
0x351: {  	v32 =	vld [tilespmem:s31+$0x13A00];
	_ =	sdelay $0x2  }
0x352: {  	v33 =	vmul.f32 v8, v8  }
0x353: {  	v9 =	vadd.f32 v9, v8;
	v8 =	vmax.f32 v31, v8  }
0x354: {  	[tilespmem:s31+$0x9D00] =	vst v8;
	v34 =	vadd.f32 v32, v33  }
0x355: {  	[tilespmem:s31+$0x0] =	vst v9  }
0x356: {  	v35 =	vld [tilespmem:s31+$0x10];
	[tilespmem:s31+$0x13A00] =	vst v34  }
0x357: {  	v8 =	vld [tilespmem:$0x1F810]  }
0x358: {  	v36 =	vld [tilespmem:s31+$0x9D10]  }
0x359: {  	v37 =	vld [tilespmem:s31+$0x13A10];
	_ =	sdelay $0x2  }
0x35a: {  	v38 =	vmul.f32 v8, v8  }
0x35b: {  	v9 =	vadd.f32 v35, v8;
	v8 =	vmax.f32 v36, v8  }
0x35c: {  	[tilespmem:s31+$0x9D10] =	vst v8;
	v39 =	vadd.f32 v37, v38  }
0x35d: {  	[tilespmem:s31+$0x10] =	vst v9  }
0x35e: {  	v40 =	vld [tilespmem:s31+$0x20];
	[tilespmem:s31+$0x13A10] =	vst v39  }
0x35f: {  	v8 =	vld [tilespmem:$0x1F820]  }
0x360: {  	v41 =	vld [tilespmem:s31+$0x9D20]  }
0x361: {  	v42 =	vld [tilespmem:s31+$0x13A20];
	_ =	sdelay $0x2  }
0x362: {  	v43 =	vmul.f32 v8, v8  }
0x363: {  	v9 =	vadd.f32 v40, v8;
	v8 =	vmax.f32 v41, v8  }
0x364: {  	[tilespmem:s31+$0x9D20] =	vst v8;
	v44 =	vadd.f32 v42, v43  }
0x365: {  	[tilespmem:s31+$0x20] =	vst v9  }
0x366: {  	v45 =	vld [tilespmem:s31+$0x30];
	[tilespmem:s31+$0x13A20] =	vst v44  }
0x367: {  	v8 =	vld [tilespmem:$0x1F830]  }
0x368: {  	v46 =	vld [tilespmem:s31+$0x9D30]  }
0x369: {  	v47 =	vld [tilespmem:s31+$0x13A30];
	_ =	sdelay $0x2  }
0x36a: {  	v48 =	vmul.f32 v8, v8  }
0x36b: {  	v9 =	vadd.f32 v45, v8;
	v8 =	vmax.f32 v46, v8  }
0x36c: {  	[tilespmem:s31+$0x9D30] =	vst v8;
	v49 =	vadd.f32 v47, v48  }
0x36d: {  	[tilespmem:s31+$0x30] =	vst v9  }
0x36e: {  	v50 =	vld [tilespmem:s31+$0x40];
	[tilespmem:s31+$0x13A30] =	vst v49  }
0x36f: {  	v8 =	vld [tilespmem:$0x1F840]  }
0x370: {  	v51 =	vld [tilespmem:s31+$0x9D40]  }
0x371: {  	v52 =	vld [tilespmem:s31+$0x13A40];
	_ =	sdelay $0x2  }
0x372: {  	v53 =	vmul.f32 v8, v8  }
0x373: {  	v9 =	vadd.f32 v50, v8;
	v8 =	vmax.f32 v51, v8  }
0x374: {  	[tilespmem:s31+$0x9D40] =	vst v8;
	v54 =	vadd.f32 v52, v53  }
0x375: {  	[tilespmem:s31+$0x40] =	vst v9  }
0x376: {  	v55 =	vld [tilespmem:s31+$0x50];
	[tilespmem:s31+$0x13A40] =	vst v54  }
0x377: {  	v8 =	vld [tilespmem:$0x1F850]  }
0x378: {  	v56 =	vld [tilespmem:s31+$0x9D50]  }
0x379: {  	v57 =	vld [tilespmem:s31+$0x13A50];
	_ =	sdelay $0x2  }
0x37a: {  	v58 =	vmul.f32 v8, v8  }
0x37b: {  	v9 =	vadd.f32 v55, v8;
	v8 =	vmax.f32 v56, v8  }
0x37c: {  	[tilespmem:s31+$0x9D50] =	vst v8;
	v59 =	vadd.f32 v57, v58  }
0x37d: {  	[tilespmem:s31+$0x50] =	vst v9  }
0x37e: {  	v60 =	vld [tilespmem:s31+$0x60];
	[tilespmem:s31+$0x13A50] =	vst v59  }
0x37f: {  	v8 =	vld [tilespmem:$0x1F860]  }
0x380: {  	v61 =	vld [tilespmem:s31+$0x9D60]  }
0x381: {  	v62 =	vld [tilespmem:s31+$0x13A60];
	_ =	sdelay $0x2  }
0x382: {  	(v2sf) =	vpush v7, $0xC;
	v63 =	vmul.f32 v8, v8  }
0x383: {  	v9 =	vadd.f32 v60, v8;
	v8 =	vmax.f32 v61, v8  }
0x384: {  	[tilespmem:s31+$0x9D60] =	vst v8;
	v16 =	vadd.f32 v62, v63  }
0x385: {  	[tilespmem:s31+$0x60] =	vst v9  }
0x386: {  	v17 =	vld [tilespmem:s31+$0x70];
	[tilespmem:s31+$0x13A60] =	vst v16  }
0x387: {  	v8 =	vld [tilespmem:$0x1F870]  }
0x388: {  	v18 =	vld [tilespmem:s31+$0x9D70]  }
0x389: {  	v19 =	vld [tilespmem:s31+$0x13A70];
	_ =	sdelay $0x2  }
0x38a: {  	v20 =	vmul.f32 v8, v8  }
0x38b: {  	v9 =	vadd.f32 v17, v8;
	v8 =	vmax.f32 v18, v8  }
0x38c: {  	[tilespmem:s31+$0x9D70] =	vst v8;
	v21 =	vadd.f32 v19, v20  }
0x38d: {  	[tilespmem:s31+$0x70] =	vst v9  }
0x38e: {  	[tilespmem:s31+$0x13A70] =	vst v21  }
0x38f: {  	s30 =	spop (v2sf);
	v8 =	vld [tilespmem:$0x1F880]  }
0x390: {  	v9 =	vld [tilespmem:s30+$0x0]  }
0x391: {  	v22 =	vld [tilespmem:s30+$0x9D00]  }
0x392: {  	v23 =	vld [tilespmem:s30+$0x13A00];
	_ =	sdelay $0x2  }
0x393: {  	v24 =	vmul.f32 v8, v8  }
0x394: {  	v9 =	vadd.f32 v9, v8;
	v8 =	vmax.f32 v22, v8  }
0x395: {  	[tilespmem:s30+$0x9D00] =	vst v8;
	v25 =	vadd.f32 v23, v24  }
0x396: {  	[tilespmem:s30+$0x0] =	vst v9  }
0x397: {  	v26 =	vld [tilespmem:s30+$0x10];
	[tilespmem:s30+$0x13A00] =	vst v25  }
0x398: {  	v8 =	vld [tilespmem:$0x1F890]  }
0x399: {  	v27 =	vld [tilespmem:s30+$0x9D10]  }
0x39a: {  	v28 =	vld [tilespmem:s30+$0x13A10];
	_ =	sdelay $0x2  }
0x39b: {  	v29 =	vmul.f32 v8, v8  }
0x39c: {  	v9 =	vadd.f32 v26, v8;
	v8 =	vmax.f32 v27, v8  }
0x39d: {  	[tilespmem:s30+$0x9D10] =	vst v8;
	v30 =	vadd.f32 v28, v29  }
0x39e: {  	[tilespmem:s30+$0x10] =	vst v9  }
0x39f: {  	v31 =	vld [tilespmem:s30+$0x20];
	[tilespmem:s30+$0x13A10] =	vst v30  }
0x3a0: {  	v8 =	vld [tilespmem:$0x1F8A0]  }
0x3a1: {  	v32 =	vld [tilespmem:s30+$0x9D20]  }
0x3a2: {  	v33 =	vld [tilespmem:s30+$0x13A20];
	_ =	sdelay $0x2  }
0x3a3: {  	v34 =	vmul.f32 v8, v8  }
0x3a4: {  	v9 =	vadd.f32 v31, v8;
	v8 =	vmax.f32 v32, v8  }
0x3a5: {  	[tilespmem:s30+$0x9D20] =	vst v8;
	v35 =	vadd.f32 v33, v34  }
0x3a6: {  	[tilespmem:s30+$0x20] =	vst v9  }
0x3a7: {  	v36 =	vld [tilespmem:s30+$0x30];
	[tilespmem:s30+$0x13A20] =	vst v35  }
0x3a8: {  	v8 =	vld [tilespmem:$0x1F8B0]  }
0x3a9: {  	v37 =	vld [tilespmem:s30+$0x9D30]  }
0x3aa: {  	v38 =	vld [tilespmem:s30+$0x13A30];
	_ =	sdelay $0x2  }
0x3ab: {  	v39 =	vmul.f32 v8, v8  }
0x3ac: {  	v9 =	vadd.f32 v36, v8;
	v8 =	vmax.f32 v37, v8  }
0x3ad: {  	[tilespmem:s30+$0x9D30] =	vst v8;
	v40 =	vadd.f32 v38, v39  }
0x3ae: {  	[tilespmem:s30+$0x30] =	vst v9  }
0x3af: {  	v41 =	vld [tilespmem:s30+$0x40];
	[tilespmem:s30+$0x13A30] =	vst v40  }
0x3b0: {  	v8 =	vld [tilespmem:$0x1F8C0]  }
0x3b1: {  	v42 =	vld [tilespmem:s30+$0x9D40]  }
0x3b2: {  	v43 =	vld [tilespmem:s30+$0x13A40];
	_ =	sdelay $0x2  }
0x3b3: {  	v44 =	vmul.f32 v8, v8  }
0x3b4: {  	v9 =	vadd.f32 v41, v8;
	v8 =	vmax.f32 v42, v8  }
0x3b5: {  	[tilespmem:s30+$0x9D40] =	vst v8;
	v45 =	vadd.f32 v43, v44  }
0x3b6: {  	[tilespmem:s30+$0x40] =	vst v9  }
0x3b7: {  	v46 =	vld [tilespmem:s30+$0x50];
	[tilespmem:s30+$0x13A40] =	vst v45  }
0x3b8: {  	v8 =	vld [tilespmem:$0x1F8D0]  }
0x3b9: {  	v47 =	vld [tilespmem:s30+$0x9D50]  }
0x3ba: {  	v48 =	vld [tilespmem:s30+$0x13A50];
	_ =	sdelay $0x2  }
0x3bb: {  	v49 =	vmul.f32 v8, v8  }
0x3bc: {  	v9 =	vadd.f32 v46, v8;
	v8 =	vmax.f32 v47, v8  }
0x3bd: {  	[tilespmem:s30+$0x9D50] =	vst v8;
	v50 =	vadd.f32 v48, v49  }
0x3be: {  	[tilespmem:s30+$0x50] =	vst v9  }
0x3bf: {  	v51 =	vld [tilespmem:s30+$0x60];
	[tilespmem:s30+$0x13A50] =	vst v50  }
0x3c0: {  	v8 =	vld [tilespmem:$0x1F8E0]  }
0x3c1: {  	v52 =	vld [tilespmem:s30+$0x9D60]  }
0x3c2: {  	v53 =	vld [tilespmem:s30+$0x13A60];
	_ =	sdelay $0x2  }
0x3c3: {  	(v2sf) =	vpush v7, $0xD;
	v54 =	vmul.f32 v8, v8  }
0x3c4: {  	v9 =	vadd.f32 v51, v8;
	v8 =	vmax.f32 v52, v8  }
0x3c5: {  	[tilespmem:s30+$0x9D60] =	vst v8;
	v55 =	vadd.f32 v53, v54  }
0x3c6: {  	[tilespmem:s30+$0x60] =	vst v9  }
0x3c7: {  	v56 =	vld [tilespmem:s30+$0x70];
	[tilespmem:s30+$0x13A60] =	vst v55  }
0x3c8: {  	v8 =	vld [tilespmem:$0x1F8F0]  }
0x3c9: {  	v57 =	vld [tilespmem:s30+$0x9D70]  }
0x3ca: {  	v58 =	vld [tilespmem:s30+$0x13A70];
	_ =	sdelay $0x2  }
0x3cb: {  	v59 =	vmul.f32 v8, v8  }
0x3cc: {  	v9 =	vadd.f32 v56, v8;
	v8 =	vmax.f32 v57, v8  }
0x3cd: {  	[tilespmem:s30+$0x9D70] =	vst v8;
	v60 =	vadd.f32 v58, v59  }
0x3ce: {  	[tilespmem:s30+$0x70] =	vst v9  }
0x3cf: {  	[tilespmem:s30+$0x13A70] =	vst v60  }
0x3d0: {  	s31 =	spop (v2sf);
	v8 =	vld [tilespmem:$0x1F900]  }
0x3d1: {  	v9 =	vld [tilespmem:s31+$0x0]  }
0x3d2: {  	v61 =	vld [tilespmem:s31+$0x9D00]  }
0x3d3: {  	v62 =	vld [tilespmem:s31+$0x13A00];
	_ =	sdelay $0x2  }
0x3d4: {  	v63 =	vmul.f32 v8, v8  }
0x3d5: {  	v9 =	vadd.f32 v9, v8;
	v8 =	vmax.f32 v61, v8  }
0x3d6: {  	[tilespmem:s31+$0x9D00] =	vst v8;
	v16 =	vadd.f32 v62, v63  }
0x3d7: {  	[tilespmem:s31+$0x0] =	vst v9  }
0x3d8: {  	v17 =	vld [tilespmem:s31+$0x10];
	[tilespmem:s31+$0x13A00] =	vst v16  }
0x3d9: {  	v8 =	vld [tilespmem:$0x1F910]  }
0x3da: {  	v18 =	vld [tilespmem:s31+$0x9D10]  }
0x3db: {  	v19 =	vld [tilespmem:s31+$0x13A10];
	_ =	sdelay $0x2  }
0x3dc: {  	v20 =	vmul.f32 v8, v8  }
0x3dd: {  	v9 =	vadd.f32 v17, v8;
	v8 =	vmax.f32 v18, v8  }
0x3de: {  	[tilespmem:s31+$0x9D10] =	vst v8;
	v21 =	vadd.f32 v19, v20  }
0x3df: {  	[tilespmem:s31+$0x10] =	vst v9  }
0x3e0: {  	v22 =	vld [tilespmem:s31+$0x20];
	[tilespmem:s31+$0x13A10] =	vst v21  }
0x3e1: {  	v8 =	vld [tilespmem:$0x1F920]  }
0x3e2: {  	v23 =	vld [tilespmem:s31+$0x9D20]  }
0x3e3: {  	v24 =	vld [tilespmem:s31+$0x13A20];
	_ =	sdelay $0x2  }
0x3e4: {  	v25 =	vmul.f32 v8, v8  }
0x3e5: {  	v9 =	vadd.f32 v22, v8;
	v8 =	vmax.f32 v23, v8  }
0x3e6: {  	[tilespmem:s31+$0x9D20] =	vst v8;
	v26 =	vadd.f32 v24, v25  }
0x3e7: {  	[tilespmem:s31+$0x20] =	vst v9  }
0x3e8: {  	v27 =	vld [tilespmem:s31+$0x30];
	[tilespmem:s31+$0x13A20] =	vst v26  }
0x3e9: {  	v8 =	vld [tilespmem:$0x1F930]  }
0x3ea: {  	v28 =	vld [tilespmem:s31+$0x9D30]  }
0x3eb: {  	v29 =	vld [tilespmem:s31+$0x13A30];
	_ =	sdelay $0x2  }
0x3ec: {  	v30 =	vmul.f32 v8, v8  }
0x3ed: {  	v9 =	vadd.f32 v27, v8;
	v8 =	vmax.f32 v28, v8  }
0x3ee: {  	[tilespmem:s31+$0x9D30] =	vst v8;
	v31 =	vadd.f32 v29, v30  }
0x3ef: {  	[tilespmem:s31+$0x30] =	vst v9  }
0x3f0: {  	v32 =	vld [tilespmem:s31+$0x40];
	[tilespmem:s31+$0x13A30] =	vst v31  }
0x3f1: {  	v8 =	vld [tilespmem:$0x1F940]  }
0x3f2: {  	v33 =	vld [tilespmem:s31+$0x9D40]  }
0x3f3: {  	v34 =	vld [tilespmem:s31+$0x13A40];
	_ =	sdelay $0x2  }
0x3f4: {  	v35 =	vmul.f32 v8, v8  }
0x3f5: {  	v9 =	vadd.f32 v32, v8;
	v8 =	vmax.f32 v33, v8  }
0x3f6: {  	[tilespmem:s31+$0x9D40] =	vst v8;
	v36 =	vadd.f32 v34, v35  }
0x3f7: {  	[tilespmem:s31+$0x40] =	vst v9  }
0x3f8: {  	v37 =	vld [tilespmem:s31+$0x50];
	[tilespmem:s31+$0x13A40] =	vst v36  }
0x3f9: {  	v8 =	vld [tilespmem:$0x1F950]  }
0x3fa: {  	v38 =	vld [tilespmem:s31+$0x9D50]  }
0x3fb: {  	v39 =	vld [tilespmem:s31+$0x13A50];
	_ =	sdelay $0x2  }
0x3fc: {  	v40 =	vmul.f32 v8, v8  }
0x3fd: {  	v9 =	vadd.f32 v37, v8;
	v8 =	vmax.f32 v38, v8  }
0x3fe: {  	[tilespmem:s31+$0x9D50] =	vst v8;
	v41 =	vadd.f32 v39, v40  }
0x3ff: {  	[tilespmem:s31+$0x50] =	vst v9  }
0x400: {  	v42 =	vld [tilespmem:s31+$0x60];
	[tilespmem:s31+$0x13A50] =	vst v41  }
0x401: {  	v8 =	vld [tilespmem:$0x1F960]  }
0x402: {  	v43 =	vld [tilespmem:s31+$0x9D60]  }
0x403: {  	v44 =	vld [tilespmem:s31+$0x13A60];
	_ =	sdelay $0x2  }
0x404: {  	(v2sf) =	vpush v7, $0xE;
	v45 =	vmul.f32 v8, v8  }
0x405: {  	v9 =	vadd.f32 v42, v8;
	v8 =	vmax.f32 v43, v8  }
0x406: {  	[tilespmem:s31+$0x9D60] =	vst v8;
	v46 =	vadd.f32 v44, v45  }
0x407: {  	[tilespmem:s31+$0x60] =	vst v9  }
0x408: {  	v47 =	vld [tilespmem:s31+$0x70];
	[tilespmem:s31+$0x13A60] =	vst v46  }
0x409: {  	v8 =	vld [tilespmem:$0x1F970]  }
0x40a: {  	v48 =	vld [tilespmem:s31+$0x9D70]  }
0x40b: {  	v49 =	vld [tilespmem:s31+$0x13A70];
	_ =	sdelay $0x2  }
0x40c: {  	v50 =	vmul.f32 v8, v8  }
0x40d: {  	v9 =	vadd.f32 v47, v8;
	v8 =	vmax.f32 v48, v8  }
0x40e: {  	[tilespmem:s31+$0x9D70] =	vst v8;
	v51 =	vadd.f32 v49, v50  }
0x40f: {  	[tilespmem:s31+$0x70] =	vst v9  }
0x410: {  	[tilespmem:s31+$0x13A70] =	vst v51  }
0x411: {  	s30 =	spop (v2sf);
	v8 =	vld [tilespmem:$0x1F980]  }
0x412: {  	v9 =	vld [tilespmem:s30+$0x0]  }
0x413: {  	v52 =	vld [tilespmem:s30+$0x9D00]  }
0x414: {  	v53 =	vld [tilespmem:s30+$0x13A00];
	_ =	sdelay $0x2  }
0x415: {  	v54 =	vmul.f32 v8, v8  }
0x416: {  	v9 =	vadd.f32 v9, v8;
	v8 =	vmax.f32 v52, v8  }
0x417: {  	[tilespmem:s30+$0x9D00] =	vst v8;
	v55 =	vadd.f32 v53, v54  }
0x418: {  	[tilespmem:s30+$0x0] =	vst v9  }
0x419: {  	v56 =	vld [tilespmem:s30+$0x10];
	[tilespmem:s30+$0x13A00] =	vst v55  }
0x41a: {  	v8 =	vld [tilespmem:$0x1F990]  }
0x41b: {  	v57 =	vld [tilespmem:s30+$0x9D10]  }
0x41c: {  	v58 =	vld [tilespmem:s30+$0x13A10];
	_ =	sdelay $0x2  }
0x41d: {  	v59 =	vmul.f32 v8, v8  }
0x41e: {  	v9 =	vadd.f32 v56, v8;
	v8 =	vmax.f32 v57, v8  }
0x41f: {  	[tilespmem:s30+$0x9D10] =	vst v8;
	v60 =	vadd.f32 v58, v59  }
0x420: {  	[tilespmem:s30+$0x10] =	vst v9  }
0x421: {  	v61 =	vld [tilespmem:s30+$0x20];
	[tilespmem:s30+$0x13A10] =	vst v60  }
0x422: {  	v8 =	vld [tilespmem:$0x1F9A0]  }
0x423: {  	v62 =	vld [tilespmem:s30+$0x9D20]  }
0x424: {  	v63 =	vld [tilespmem:s30+$0x13A20];
	_ =	sdelay $0x2  }
0x425: {  	v16 =	vmul.f32 v8, v8  }
0x426: {  	v9 =	vadd.f32 v61, v8;
	v8 =	vmax.f32 v62, v8  }
0x427: {  	[tilespmem:s30+$0x9D20] =	vst v8;
	v17 =	vadd.f32 v63, v16  }
0x428: {  	[tilespmem:s30+$0x20] =	vst v9  }
0x429: {  	v18 =	vld [tilespmem:s30+$0x30];
	[tilespmem:s30+$0x13A20] =	vst v17  }
0x42a: {  	v8 =	vld [tilespmem:$0x1F9B0]  }
0x42b: {  	v19 =	vld [tilespmem:s30+$0x9D30]  }
0x42c: {  	v20 =	vld [tilespmem:s30+$0x13A30];
	_ =	sdelay $0x2  }
0x42d: {  	v21 =	vmul.f32 v8, v8  }
0x42e: {  	v9 =	vadd.f32 v18, v8;
	v8 =	vmax.f32 v19, v8  }
0x42f: {  	[tilespmem:s30+$0x9D30] =	vst v8;
	v22 =	vadd.f32 v20, v21  }
0x430: {  	[tilespmem:s30+$0x30] =	vst v9  }
0x431: {  	v23 =	vld [tilespmem:s30+$0x40];
	[tilespmem:s30+$0x13A30] =	vst v22  }
0x432: {  	v8 =	vld [tilespmem:$0x1F9C0]  }
0x433: {  	v24 =	vld [tilespmem:s30+$0x9D40]  }
0x434: {  	v25 =	vld [tilespmem:s30+$0x13A40];
	_ =	sdelay $0x2  }
0x435: {  	v26 =	vmul.f32 v8, v8  }
0x436: {  	v9 =	vadd.f32 v23, v8;
	v8 =	vmax.f32 v24, v8  }
0x437: {  	[tilespmem:s30+$0x9D40] =	vst v8;
	v27 =	vadd.f32 v25, v26  }
0x438: {  	[tilespmem:s30+$0x40] =	vst v9  }
0x439: {  	v28 =	vld [tilespmem:s30+$0x50];
	[tilespmem:s30+$0x13A40] =	vst v27  }
0x43a: {  	v8 =	vld [tilespmem:$0x1F9D0]  }
0x43b: {  	v29 =	vld [tilespmem:s30+$0x9D50]  }
0x43c: {  	v30 =	vld [tilespmem:s30+$0x13A50];
	_ =	sdelay $0x2  }
0x43d: {  	v31 =	vmul.f32 v8, v8  }
0x43e: {  	v9 =	vadd.f32 v28, v8;
	v8 =	vmax.f32 v29, v8  }
0x43f: {  	[tilespmem:s30+$0x9D50] =	vst v8;
	v32 =	vadd.f32 v30, v31  }
0x440: {  	[tilespmem:s30+$0x50] =	vst v9  }
0x441: {  	v33 =	vld [tilespmem:s30+$0x60];
	[tilespmem:s30+$0x13A50] =	vst v32  }
0x442: {  	v8 =	vld [tilespmem:$0x1F9E0]  }
0x443: {  	v34 =	vld [tilespmem:s30+$0x9D60]  }
0x444: {  	v35 =	vld [tilespmem:s30+$0x13A60];
	_ =	sdelay $0x2  }
0x445: {  	(v2sf) =	vpush v7, $0xF;
	v36 =	vmul.f32 v8, v8  }
0x446: {  	v9 =	vadd.f32 v33, v8;
	v7 =	vmax.f32 v34, v8  }
0x447: {  	[tilespmem:s30+$0x9D60] =	vst v7;
	v8 =	vadd.f32 v35, v36  }
0x448: {  	[tilespmem:s30+$0x60] =	vst v9  }
0x449: {  	[tilespmem:s30+$0x13A60] =	vst v8;
	v8 =	vld [tilespmem:s30+$0x70]  }
0x44a: {  	v7 =	vld [tilespmem:$0x1F9F0]  }
0x44b: {  	v37 =	vld [tilespmem:s30+$0x9D70]  }
0x44c: {  	v38 =	vld [tilespmem:s30+$0x13A70];
	_ =	sdelay $0x2  }
0x44d: {  	v8 =	vadd.f32 v8, v7;
	v39 =	vmul.f32 v7, v7;
	_ =	sdelay $0x1  }
0x44e: {  	v7 =	vmax.f32 v37, v7;
	[tilespmem:s30+$0x70] =	vst v8;
	v8 =	vadd.f32 v38, v39  }
0x44f: {  	[tilespmem:s30+$0x9D70] =	vst v7  }
0x450: {  	[tilespmem:s30+$0x13A70] =	vst v8  }
0x451: {  	s31 =	spop (v2sf);
	v7 =	vld [tilespmem:$0x1FA00]  }
0x452: {  	v8 =	vld [tilespmem:s31+$0x0]  }
0x453: {  	v40 =	vld [tilespmem:s31+$0x9D00]  }
0x454: {  	v41 =	vld [tilespmem:s31+$0x13A00];
	_ =	sdelay $0x2  }
0x455: {  	v8 =	vadd.f32 v8, v7;
	v42 =	vmul.f32 v7, v7;
	_ =	sdelay $0x1  }
0x456: {  	v7 =	vmax.f32 v40, v7;
	[tilespmem:s31+$0x0] =	vst v8;
	v8 =	vadd.f32 v41, v42  }
0x457: {  	[tilespmem:s31+$0x9D00] =	vst v7  }
0x458: {  	[tilespmem:s31+$0x13A00] =	vst v8;
	v8 =	vld [tilespmem:s31+$0x10]  }
0x459: {  	v7 =	vld [tilespmem:$0x1FA10]  }
0x45a: {  	v43 =	vld [tilespmem:s31+$0x9D10]  }
0x45b: {  	v44 =	vld [tilespmem:s31+$0x13A10];
	_ =	sdelay $0x2  }
0x45c: {  	v8 =	vadd.f32 v8, v7;
	v45 =	vmul.f32 v7, v7;
	_ =	sdelay $0x1  }
0x45d: {  	v7 =	vmax.f32 v43, v7;
	[tilespmem:s31+$0x10] =	vst v8;
	v8 =	vadd.f32 v44, v45  }
0x45e: {  	[tilespmem:s31+$0x9D10] =	vst v7  }
0x45f: {  	[tilespmem:s31+$0x13A10] =	vst v8;
	v8 =	vld [tilespmem:s31+$0x20]  }
0x460: {  	v7 =	vld [tilespmem:$0x1FA20]  }
0x461: {  	v46 =	vld [tilespmem:s31+$0x9D20]  }
0x462: {  	v47 =	vld [tilespmem:s31+$0x13A20];
	_ =	sdelay $0x2  }
0x463: {  	v8 =	vadd.f32 v8, v7;
	v48 =	vmul.f32 v7, v7;
	_ =	sdelay $0x1  }
0x464: {  	v7 =	vmax.f32 v46, v7;
	[tilespmem:s31+$0x20] =	vst v8;
	v8 =	vadd.f32 v47, v48  }
0x465: {  	[tilespmem:s31+$0x9D20] =	vst v7  }
0x466: {  	[tilespmem:s31+$0x13A20] =	vst v8;
	v8 =	vld [tilespmem:s31+$0x30]  }
0x467: {  	v7 =	vld [tilespmem:$0x1FA30]  }
0x468: {  	v50 =	vld [tilespmem:s31+$0x13A30]  }
0x469: {  	v49 =	vld [tilespmem:s31+$0x9D30];
	_ =	sdelay $0x2  }
0x46a: {  	v8 =	vadd.f32 v8, v7;
	v51 =	vmul.f32 v7, v7;
	_ =	sdelay $0x1  }
0x46b: {  	v7 =	vmax.f32 v49, v7;
	[tilespmem:s31+$0x30] =	vst v8;
	v8 =	vadd.f32 v50, v51  }
0x46c: {  	[tilespmem:s31+$0x9D30] =	vst v7  }
0x46d: {  	[tilespmem:s31+$0x13A30] =	vst v8;
	v8 =	vld [tilespmem:s31+$0x40]  }
0x46e: {  	v7 =	vld [tilespmem:$0x1FA40]  }
0x46f: {  	v52 =	vld [tilespmem:s31+$0x9D40]  }
0x470: {  	v53 =	vld [tilespmem:s31+$0x13A40];
	_ =	sdelay $0x2  }
0x471: {  	v8 =	vadd.f32 v8, v7;
	v54 =	vmul.f32 v7, v7;
	_ =	sdelay $0x1  }
0x472: {  	v7 =	vmax.f32 v52, v7;
	[tilespmem:s31+$0x40] =	vst v8;
	v8 =	vadd.f32 v53, v54  }
0x473: {  	[tilespmem:s31+$0x9D40] =	vst v7  }
0x474: {  	[tilespmem:s31+$0x13A40] =	vst v8;
	v8 =	vld [tilespmem:s31+$0x50]  }
0x475: {  	v7 =	vld [tilespmem:$0x1FA50]  }
0x476: {  	v55 =	vld [tilespmem:s31+$0x9D50]  }
0x477: {  	v56 =	vld [tilespmem:s31+$0x13A50];
	_ =	sdelay $0x2  }
0x478: {  	v8 =	vadd.f32 v8, v7;
	v57 =	vmul.f32 v7, v7;
	_ =	sdelay $0x1  }
0x479: {  	v7 =	vmax.f32 v55, v7;
	[tilespmem:s31+$0x50] =	vst v8;
	v8 =	vadd.f32 v56, v57  }
0x47a: {  	[tilespmem:s31+$0x9D50] =	vst v7  }
0x47b: {  	[tilespmem:s31+$0x13A50] =	vst v8;
	v8 =	vld [tilespmem:s31+$0x60]  }
0x47c: {  	v7 =	vld [tilespmem:$0x1FA60]  }
0x47d: {  	v58 =	vld [tilespmem:s31+$0x9D60]  }
0x47e: {  	v59 =	vld [tilespmem:s31+$0x13A60];
	_ =	sdelay $0x2  }
0x47f: {  	v8 =	vadd.f32 v8, v7;
	v60 =	vmul.f32 v7, v7;
	_ =	sdelay $0x1  }
0x480: {  	v7 =	vmax.f32 v58, v7;
	[tilespmem:s31+$0x60] =	vst v8;
	v8 =	vadd.f32 v59, v60  }
0x481: {  	[tilespmem:s31+$0x9D60] =	vst v7  }
0x482: {  	[tilespmem:s31+$0x13A60] =	vst v8;
	v8 =	vld [tilespmem:s31+$0x70]  }
0x483: {  	v7 =	vld [tilespmem:$0x1FA70]  }
0x484: {  	v61 =	vld [tilespmem:s31+$0x9D70]  }
0x485: {  	v62 =	vld [tilespmem:s31+$0x13A70];
	_ =	sdelay $0x1  }
0x486: {  	p0 =	sne.s32 s25, $0x1  }
.Ltmp7:
0x487: {  	v8 =	vadd.f32 v8, v7;
	v63 =	vmul.f32 v7, v7;
	(pc) =	sbr.rel @p0 .LBB2_8-.Ltmp7, $4  }
0x488: {  	_ = 	snop  }
0x489: {  	v7 =	vmax.f32 v61, v7;
	[tilespmem:s31+$0x70] =	vst v8;
	v8 =	vadd.f32 v62, v63  }
0x48a: {  	[tilespmem:s31+$0x9D70] =	vst v7  }
0x48b: {  	s25 =	sadd.s32 $0xFFFFFFFF, s25;
	s28 =	sadd.s32 $0x10, s28;
	s26 =	sadd.s32 $0x10, s26;
	[tilespmem:s31+$0x13A70] =	vst v8  }
.Ltmp8:
0x48c: {  	_ = 	snop;
	(pc) =	sbr.rel .LBB2_9-.Ltmp8, $1  }
0x48d: {  	_ =	sdelay $0x3  }
.LBB2_11:
0x48e: {  	_ =	sfence.sel $0x180000  }
0x48f: {  	[bflag:$0x0] =	sbarrier.arrive $0xFFFF  }
0x490: {  	p0 =	sne.s32 s1, $0x0;
	_ =	strace $0x90000047  }
0x491: {  	s0 =	sadd.s32 @!p0 $0x100000, s0;
	[bflag:$0x2] =	sbarrier.arrive $0xFFFF  }
0x492: {  	[sflag:s0] =	ssyncadd.tile.s32 @!p0 $0x1;
	_ =	shalt  }
.Lfunc_end2:
_tile_overlayer_lowered:
.L_overlay_start_2:
0x493: {  	(tag) =	ssettag $0x2  }
0x494: {  	s0 =	rddreg [dreg:$0x0];
	s2 =	stileid.u32  }
0x495: {  	s1 =	rddreg [dreg:$0x1];
	p0 =	sne.s32 s2, $0x0  }
0x496: {  	s3 =	rddreg [dreg:$0x2];
	[bflag:$0x3] =	sbarrier.arrive $0xFFFF;
	s2 =	simm.s32 @!p0 $0x1C02  }
0x497: {  	[timem:s3], [sflag:s2] =	dma.local @!p0 [hbm:s0], s1  }
0x498: {  	s0 =	simm.s32 @!p0 $0x2  }
0x499: {  	_ =	swait.ge @!p0 [sflag:s0], s1  }
0x49a: {  	s1 =	ssub.s32 @!p0 $0x0, s1;
	[sflag:s0] =	ssyncset.done @!p0 $0x0  }
0x49b: {  	[sflag:s0] =	ssyncadd.s32 @!p0 s1  }
0x49c: {  	[bflag:$0x3] =	sbarrier.arrive $0xFFFF  }
0x49d: {  	_ =	shalt  }

</sc_bundles>
